<compile_context>
chip_gen: v7x
topology: tpu7x:2x2x1
jax: 0.10.2.dev20260603
libtpu: 0.0.44.dev20260713+nightly
codegen_flags: <defaults>
</compile_context>

<pallas_src>
import functools
import math

import jax
import jax.numpy as jnp
from jax import lax
from jax.experimental import pallas as pl
from jax.experimental.pallas import tpu as pltpu
from jax.experimental.pallas import tpu_sc as plsc

D_LOC = 128
D_HALF = 64
D_OUT = 192
D_CB = 128
T_W = 256
C = 50
CP = 56


def _build_tables(time_emb):
    P = time_emb.shape[1]

    def body(te_ref, comb_ref, te0_ref):
        k = lax.broadcasted_iota(jnp.int32, (P, D_HALF), 1).astype(jnp.float32)
        p = lax.broadcasted_iota(jnp.int32, (P, D_HALF), 0).astype(jnp.float32)
        inv_freq = jnp.exp(k * (-math.log(10000.0) / 64.0))
        f = p * inv_freq
        cu = lax.bitcast_convert_type(
            jnp.cos(f).astype(jnp.bfloat16), jnp.uint16).astype(jnp.uint32)
        su = lax.bitcast_convert_type(
            jnp.sin(f).astype(jnp.bfloat16), jnp.uint16).astype(jnp.uint32)
        packed = lax.bitcast_convert_type(cu | (su << 16), jnp.float32)
        z = jnp.zeros((P, D_HALF), jnp.float32)
        comb_ref[:, :] = jnp.concatenate([te_ref[1], packed], axis=1)
        te0_ref[:, :] = jnp.concatenate([te_ref[0], z], axis=1)

    return pl.pallas_call(
        body,
        out_shape=[jax.ShapeDtypeStruct((P, D_CB), jnp.float32),
                   jax.ShapeDtypeStruct((P, 2 * D_HALF), jnp.float32)],
    )(time_emb)


def _sc_lookup(idxall, loc_flat, te0p, comb, B, S):
    info = plsc.get_sparse_core_info()
    NC, NS = info.num_cores, info.num_subcores
    NW = NC * NS
    CH = B // NW
    assert CH % 2 == 0 and CH >= 4
    mesh = plsc.VectorSubcoreMesh(core_axis_name="c", subcore_axis_name="s")

    @functools.partial(
        pl.kernel,
        mesh=mesh,
        out_type=[jax.ShapeDtypeStruct((B, S, D_OUT), jnp.float32),
                  jax.ShapeDtypeStruct((B * 2, T_W), jnp.float32)],
        compiler_params=pltpu.CompilerParams(use_tc_tiling_on_sc=True),
        scratch_types=[
            pltpu.VMEM((2, 5, CP), jnp.int32),
            pltpu.VMEM((2, CP, D_LOC), jnp.float32),
            pltpu.VMEM((2, CP, D_LOC), jnp.float32),
            pltpu.VMEM((2, CP, D_LOC), jnp.float32),
            pltpu.VMEM((2, CP, 2 * D_HALF), jnp.float32),
            pltpu.VMEM((2, CP, D_CB), jnp.float32),
            pltpu.VMEM((2, C, D_OUT), jnp.float32),
            pltpu.VMEM((32, T_W), jnp.float32),
            pltpu.SemaphoreType.DMA,
            pltpu.SemaphoreType.DMA,
            pltpu.SemaphoreType.DMA,
            pltpu.SemaphoreType.DMA,
            pltpu.SemaphoreType.DMA,
            pltpu.SemaphoreType.DMA,
        ],
    )
    def k(idx_hbm, loc_hbm, te0_hbm, comb_hbm, out_hbm, out2_hbm,
          ibuf, l0b, l1b, l2b, t0b, cbb, ob, tailb,
          isem0, isem1, gsem0, gsem1, osem0, osem1):
        isem = (isem0, isem1)
        gsem = (gsem0, gsem1)
        osem = (osem0, osem1)
        wid = lax.axis_index("s") * NC + lax.axis_index("c")
        base = wid * CH

        def issue_idx(c, q):
            pltpu.async_copy(idx_hbm.at[base + c], ibuf.at[q], isem[q])

        def wait_idx(q):
            pltpu.make_async_copy(idx_hbm.at[0], ibuf.at[q], isem[q]).wait()

        def gather_descs(q):
            ib = ibuf.at[q]
            return (
                pltpu.make_async_copy(loc_hbm.at[ib.at[0]], l0b.at[q], gsem[q]),
                pltpu.make_async_copy(loc_hbm.at[ib.at[1]], l1b.at[q], gsem[q]),
                pltpu.make_async_copy(loc_hbm.at[ib.at[2]], l2b.at[q], gsem[q]),
                pltpu.make_async_copy(te0_hbm.at[ib.at[3]], t0b.at[q], gsem[q]),
                pltpu.make_async_copy(comb_hbm.at[ib.at[4]], cbb.at[q], gsem[q]),
            )

        def issue_gathers(q):
            for d in gather_descs(q):
                d.start()

        def wait_gathers(q):
            for d in gather_descs(q):
                d.wait()

        def issue_out(c, q):
            pltpu.async_copy(ob.at[q], out_hbm.at[base + c], osem[q])

        def wait_out(q):
            pltpu.make_async_copy(ob.at[q], out_hbm.at[0], osem[q]).wait()

        def stash_tail(c, q):
            m = lax.rem(c, 16)
            o = ob.at[q]
            for r in range(2):
                for j in range(D_OUT // 16):
                    tailb[2 * m + r, pl.ds(j * 16, 16)] = (
                        o[48 + r, pl.ds(j * 16, 16)])

            @pl.when(m == 15)
            def _():
                blk = lax.div(c, 16)
                pltpu.sync_copy(
                    tailb, out2_hbm.at[pl.ds(wid * (CH * 2) + blk * 32, 32)])

        def compute(q):
            l0, l1, l2 = l0b.at[q], l1b.at[q], l2b.at[q]
            t0, cb, o = t0b.at[q], cbb.at[q], ob.at[q]

            @plsc.parallel_loop(0, C, 1, unroll=10)
            def tok(i):
                for j in range(4):
                    s = j * 16
                    lo = (l0[i, pl.ds(s, 16)] + l1[i, pl.ds(s, 16)]
                          + l2[i, pl.ds(s, 16)])
                    hi = (l0[i, pl.ds(64 + s, 16)] + l1[i, pl.ds(64 + s, 16)]
                          + l2[i, pl.ds(64 + s, 16)])
                    wu = lax.bitcast_convert_type(
                        cb[i, pl.ds(64 + s, 16)], jnp.int32)
                    ct = lax.bitcast_convert_type(
                        lax.shift_left(wu, jnp.int32(16)), jnp.float32)
                    st = lax.bitcast_convert_type(
                        wu & jnp.int32(-65536), jnp.float32)
                    o[i, pl.ds(s, 16)] = lo * ct - hi * st
                    o[i, pl.ds(64 + s, 16)] = hi * ct + lo * st
                    o[i, pl.ds(128 + s, 16)] = (cb[i, pl.ds(s, 16)]
                                                + t0[i, pl.ds(s, 16)])

        issue_idx(0, 0)
        issue_idx(1, 1)
        wait_idx(0)
        issue_gathers(0)

        def two(c2, _):
            c0 = c2 * 2
            for p in (0, 1):
                c = c0 + p
                wait_gathers(p)
                issue_idx(jnp.minimum(c + 2, CH - 1), p)
                wait_idx(1 - p)
                issue_gathers(1 - p)

                @pl.when(c >= 2)
                def _():
                    wait_out(p)

                compute(p)
                issue_out(c, p)
                stash_tail(c, p)
            return 0

        lax.fori_loop(0, CH // 2, two, 0)
        wait_gathers(0)
        wait_idx(1)
        wait_out(0)
        wait_out(1)

    return k(idxall, loc_flat, te0p, comb)


def kernel(x, t, loc_emb, time_emb):
    B, S, _ = x.shape
    V = loc_emb.shape[1]
    xT = (x.astype(jnp.int32).transpose(0, 2, 1)
          + (jnp.arange(3, dtype=jnp.int32) * V)[None, :, None])
    tT = t.astype(jnp.int32).transpose(0, 2, 1)
    idxall = jnp.concatenate([xT, tT], axis=1)
    idxall = jnp.pad(idxall, ((0, 0), (0, 0), (0, CP - S)), mode="edge")
    loc_flat = loc_emb.reshape(3 * V, D_LOC)
    comb, te0p = _build_tables(time_emb)
    out1, out2 = _sc_lookup(idxall, loc_flat, te0p, comb, B, S)
    return lax.dynamic_update_slice(
        out1, out2.reshape(B, 2, T_W)[:, :, :D_OUT], (0, S - 2, 0))

# --- scband reference (transcript-rebuilt; emitter-appended) ---
"""Pipeline reference for scband-rotary-embedding-19997367730235 (READ-ONLY COPY).

The authoritative reference and input builder live on the scoring server;
editing this copy changes nothing except your own understanding.
"""

import jax, jax.numpy as jnp
import numpy as np


def rotate_half(x):
    half = x.shape[-1] // 2
    return jnp.concatenate([-x[..., half:], x[..., :half]], axis=-1)


def setup_inputs(seed: int = 0) -> dict:
    key = jax.random.key(seed)
    k1, k2, k3, k4 = jax.random.split(key, 4)
    x = jax.random.randint(k1, (4096, 50, 3), 0, 100000)
    t = jax.random.randint(k2, (4096, 50, 2), 0, 1000)
    loc_emb = jax.random.normal(k3, (3, 100000, 128), dtype=jnp.float32) * 0.02
    time_emb = jax.random.normal(k4, (2, 1000, 64), dtype=jnp.float32) * 0.02
    return {"x": x, "t": t, "loc_emb": loc_emb, "time_emb": time_emb}


def reference(x, t, loc_emb, time_emb):
    # loc embeddings: sum over levels of table[l][x[..., l]]
    n_loc = loc_emb.shape[0]
    xe = jnp.stack([jnp.take(loc_emb[l], x[..., l], axis=0) for l in range(n_loc)]).sum(0)
    # rotary from last time column
    dim = loc_emb.shape[-1]
    inv_freq = 1.0 / (10000.0 ** (jnp.arange(0, dim, 2, dtype=jnp.float32) / dim))
    pos = t[..., -1].astype(jnp.float32)
    freqs = jnp.einsum('ij,k->ijk', pos, inv_freq)
    emb = jnp.concatenate([freqs, freqs], axis=-1)
    cos = jnp.cos(emb)
    sin = jnp.sin(emb)
    xr = xe * cos + rotate_half(xe) * sin
    # time embeddings
    n_time = time_emb.shape[0]
    te = jnp.stack([jnp.take(time_emb[l], t[..., l], axis=0) for l in range(n_time)]).sum(0)
    return jnp.concatenate([xr, te], axis=-1)

if __name__ == "__main__":
    import jax
    _d = setup_inputs()
    print(jax.jit(kernel)(*tuple(_d.values())))

</pallas_src>

<mosaic_0001>
#map = affine_map<(d0, d1) -> (0, 0, 0)>
#map1 = affine_map<(d0, d1) -> (0, 0)>
module attributes {stable_mosaic.version = 14 : i64} {
  func.func @k(%arg0: i32, %arg1: i32, %arg2: memref<4096x5x56xi32, #tpu.memory_space<hbm>>, %arg3: memref<300000x128xf32, #tpu.memory_space<hbm>>, %arg4: memref<1000x128xf32, #tpu.memory_space<hbm>>, %arg5: memref<1000x128xf32, #tpu.memory_space<hbm>>, %arg6: memref<4096x50x192xf32, #tpu.memory_space<hbm>>, %arg7: memref<8192x256xf32, #tpu.memory_space<hbm>>, %arg8: memref<2x5x56xi32, #tpu.memory_space<vmem>>, %arg9: memref<2x56x128xf32, #tpu.memory_space<vmem>>, %arg10: memref<2x56x128xf32, #tpu.memory_space<vmem>>, %arg11: memref<2x56x128xf32, #tpu.memory_space<vmem>>, %arg12: memref<2x56x128xf32, #tpu.memory_space<vmem>>, %arg13: memref<2x56x128xf32, #tpu.memory_space<vmem>>, %arg14: memref<2x50x192xf32, #tpu.memory_space<vmem>>, %arg15: memref<32x256xf32, #tpu.memory_space<vmem>>, %arg16: memref<!tpu.dma_semaphore, #tpu.memory_space<semaphore_mem>>, %arg17: memref<!tpu.dma_semaphore, #tpu.memory_space<semaphore_mem>>, %arg18: memref<!tpu.dma_semaphore, #tpu.memory_space<semaphore_mem>>, %arg19: memref<!tpu.dma_semaphore, #tpu.memory_space<semaphore_mem>>, %arg20: memref<!tpu.dma_semaphore, #tpu.memory_space<semaphore_mem>>, %arg21: memref<!tpu.dma_semaphore, #tpu.memory_space<semaphore_mem>>) attributes {dimension_semantics = [#tpu.dimension_semantics<core_parallel>, #tpu.dimension_semantics<subcore_parallel>], iteration_bounds = array<i64: 2, 16>, scalar_prefetch = 0 : i64, scratch_operands = 14 : i64, tpu.core_type = #tpu.core_type<sc_vector_subcore>, window_params = [{transform_indices = #map}, {transform_indices = #map1}, {transform_indices = #map1}, {transform_indices = #map1}, {transform_indices = #map}, {transform_indices = #map1}]} {
    %mul3A = arith.constant 2 : i32
    %mul3A_0 = arith.muli %arg1, %mul3A : i32
    %add3A = arith.addi %mul3A_0, %arg0 : i32
    %mul3A_1 = arith.constant 128 : i32
    %mul3A_2 = arith.muli %add3A, %mul3A_1 : i32
    %add3A_3 = arith.constant 0 : i32
    %add3A_4 = arith.addi %mul3A_2, %add3A_3 : i32
    %dma_start3A = arith.constant 0 : i32
    %dma_start3A_5 = arith.constant 0 : i32
    %dma_start3A_6 = arith.constant 0 : i32
    %dma_start3A_7 = tpu.memref_slice %arg8[%dma_start3A, %dma_start3A_5, %dma_start3A_6] : memref<2x5x56xi32, #tpu.memory_space<vmem>> -> memref<1x5x56xi32, #tpu.memory_space<vmem>>
    %dma_start3A_8 = tpu.memref_squeeze %dma_start3A_7 : memref<1x5x56xi32, #tpu.memory_space<vmem>> -> memref<5x56xi32, #tpu.memory_space<vmem>>
    %dma_start3A_9 = arith.constant 0 : i32
    %dma_start3A_10 = arith.constant 0 : i32
    %dma_start3A_11 = tpu.memref_slice %arg2[%add3A_4, %dma_start3A_9, %dma_start3A_10] : memref<4096x5x56xi32, #tpu.memory_space<hbm>> -> memref<1x5x56xi32, #tpu.memory_space<hbm>>
    %dma_start3A_12 = tpu.memref_squeeze %dma_start3A_11 : memref<1x5x56xi32, #tpu.memory_space<hbm>> -> memref<5x56xi32, #tpu.memory_space<hbm>>
    %dma_start3A_13 = arith.constant 0 : i32
    %dma_start3A_14 = arith.constant 0 : i32
    %dma_start3A_15 = tpu.memref_slice %arg8[%dma_start3A, %dma_start3A_13, %dma_start3A_14] : memref<2x5x56xi32, #tpu.memory_space<vmem>> -> memref<1x5x56xi32, #tpu.memory_space<vmem>>
    %dma_start3A_16 = tpu.memref_squeeze %dma_start3A_15 : memref<1x5x56xi32, #tpu.memory_space<vmem>> -> memref<5x56xi32, #tpu.memory_space<vmem>>
    %dma_start3A_17 = arith.constant 0 : i32
    %dma_start3A_18 = arith.constant 0 : i32
    %dma_start3A_19 = tpu.memref_slice %arg2[%add3A_4, %dma_start3A_17, %dma_start3A_18] : memref<4096x5x56xi32, #tpu.memory_space<hbm>> -> memref<1x5x56xi32, #tpu.memory_space<hbm>>
    %dma_start3A_20 = tpu.memref_squeeze %dma_start3A_19 : memref<1x5x56xi32, #tpu.memory_space<hbm>> -> memref<5x56xi32, #tpu.memory_space<hbm>>
    tpu.enqueue_dma source(%dma_start3A_20 : memref<5x56xi32, #tpu.memory_space<hbm>>) target(%dma_start3A_16 : memref<5x56xi32, #tpu.memory_space<vmem>>) target_semaphore(%arg16 : memref<!tpu.dma_semaphore, #tpu.memory_space<semaphore_mem>>)
    %add3A_21 = arith.constant 1 : i32
    %add3A_22 = arith.addi %mul3A_2, %add3A_21 : i32
    %dma_start3A_23 = arith.constant 1 : i32
    %dma_start3A_24 = arith.constant 0 : i32
    %dma_start3A_25 = arith.constant 0 : i32
    %dma_start3A_26 = tpu.memref_slice %arg8[%dma_start3A_23, %dma_start3A_24, %dma_start3A_25] : memref<2x5x56xi32, #tpu.memory_space<vmem>> -> memref<1x5x56xi32, #tpu.memory_space<vmem>>
    %dma_start3A_27 = tpu.memref_squeeze %dma_start3A_26 : memref<1x5x56xi32, #tpu.memory_space<vmem>> -> memref<5x56xi32, #tpu.memory_space<vmem>>
    %dma_start3A_28 = arith.constant 0 : i32
    %dma_start3A_29 = arith.constant 0 : i32
    %dma_start3A_30 = tpu.memref_slice %arg2[%add3A_22, %dma_start3A_28, %dma_start3A_29] : memref<4096x5x56xi32, #tpu.memory_space<hbm>> -> memref<1x5x56xi32, #tpu.memory_space<hbm>>
    %dma_start3A_31 = tpu.memref_squeeze %dma_start3A_30 : memref<1x5x56xi32, #tpu.memory_space<hbm>> -> memref<5x56xi32, #tpu.memory_space<hbm>>
    %dma_start3A_32 = arith.constant 0 : i32
    %dma_start3A_33 = arith.constant 0 : i32
    %dma_start3A_34 = tpu.memref_slice %arg8[%dma_start3A_23, %dma_start3A_32, %dma_start3A_33] : memref<2x5x56xi32, #tpu.memory_space<vmem>> -> memref<1x5x56xi32, #tpu.memory_space<vmem>>
    %dma_start3A_35 = tpu.memref_squeeze %dma_start3A_34 : memref<1x5x56xi32, #tpu.memory_space<vmem>> -> memref<5x56xi32, #tpu.memory_space<vmem>>
    %dma_start3A_36 = arith.constant 0 : i32
    %dma_start3A_37 = arith.constant 0 : i32
    %dma_start3A_38 = tpu.memref_slice %arg2[%add3A_22, %dma_start3A_36, %dma_start3A_37] : memref<4096x5x56xi32, #tpu.memory_space<hbm>> -> memref<1x5x56xi32, #tpu.memory_space<hbm>>
    %dma_start3A_39 = tpu.memref_squeeze %dma_start3A_38 : memref<1x5x56xi32, #tpu.memory_space<hbm>> -> memref<5x56xi32, #tpu.memory_space<hbm>>
    tpu.enqueue_dma source(%dma_start3A_39 : memref<5x56xi32, #tpu.memory_space<hbm>>) target(%dma_start3A_35 : memref<5x56xi32, #tpu.memory_space<vmem>>) target_semaphore(%arg17 : memref<!tpu.dma_semaphore, #tpu.memory_space<semaphore_mem>>)
    %dma_wait3A = arith.constant 0 : i32
    %dma_wait3A_40 = arith.constant 0 : i32
    %dma_wait3A_41 = arith.constant 0 : i32
    %dma_wait3A_42 = arith.constant 0 : i32
    %dma_wait3A_43 = tpu.memref_slice %arg8[%dma_wait3A_40, %dma_wait3A_41, %dma_wait3A_42] : memref<2x5x56xi32, #tpu.memory_space<vmem>> -> memref<1x5x56xi32, #tpu.memory_space<vmem>>
    %dma_wait3A_44 = tpu.memref_squeeze %dma_wait3A_43 : memref<1x5x56xi32, #tpu.memory_space<vmem>> -> memref<5x56xi32, #tpu.memory_space<vmem>>
    %dma_wait3A_45 = arith.constant 0 : i32
    %dma_wait3A_46 = arith.constant 0 : i32
    %dma_wait3A_47 = tpu.memref_slice %arg2[%dma_wait3A, %dma_wait3A_45, %dma_wait3A_46] : memref<4096x5x56xi32, #tpu.memory_space<hbm>> -> memref<1x5x56xi32, #tpu.memory_space<hbm>>
    %dma_wait3A_48 = tpu.memref_squeeze %dma_wait3A_47 : memref<1x5x56xi32, #tpu.memory_space<hbm>> -> memref<5x56xi32, #tpu.memory_space<hbm>>
    %dma_wait3A_49 = arith.constant 0 : i32
    %dma_wait3A_50 = arith.constant 0 : i32
    %dma_wait3A_51 = tpu.memref_slice %arg8[%dma_wait3A_40, %dma_wait3A_49, %dma_wait3A_50] : memref<2x5x56xi32, #tpu.memory_space<vmem>> -> memref<1x5x56xi32, #tpu.memory_space<vmem>>
    %dma_wait3A_52 = tpu.memref_squeeze %dma_wait3A_51 : memref<1x5x56xi32, #tpu.memory_space<vmem>> -> memref<5x56xi32, #tpu.memory_space<vmem>>
    %dma_wait3A_53 = arith.constant 0 : i32
    %dma_wait3A_54 = arith.constant 0 : i32
    %dma_wait3A_55 = tpu.memref_slice %arg2[%dma_wait3A, %dma_wait3A_53, %dma_wait3A_54] : memref<4096x5x56xi32, #tpu.memory_space<hbm>> -> memref<1x5x56xi32, #tpu.memory_space<hbm>>
    %dma_wait3A_56 = tpu.memref_squeeze %dma_wait3A_55 : memref<1x5x56xi32, #tpu.memory_space<hbm>> -> memref<5x56xi32, #tpu.memory_space<hbm>>
    tpu.wait_dma2 semaphore(%arg16 : memref<!tpu.dma_semaphore, #tpu.memory_space<semaphore_mem>>) src(%dma_wait3A_56 : memref<5x56xi32, #tpu.memory_space<hbm>>) dst(%dma_wait3A_52 : memref<5x56xi32, #tpu.memory_space<vmem>>)
    %dma_start3A_57 = arith.constant 0 : i32
    %dma_start3A_58 = arith.constant 0 : i32
    %dma_start3A_59 = arith.constant 0 : i32
    %dma_start3A_60 = arith.constant 0 : i32
    %dma_start3A_61 = arith.constant 0 : i32
    %dma_start3A_62 = tpu.memref_slice %arg9[%dma_start3A_59, %dma_start3A_60, %dma_start3A_61] : memref<2x56x128xf32, #tpu.memory_space<vmem>> -> memref<1x56x128xf32, #tpu.memory_space<vmem>>
    %dma_start3A_63 = tpu.memref_squeeze %dma_start3A_62 : memref<1x56x128xf32, #tpu.memory_space<vmem>> -> memref<56x128xf32, #tpu.memory_space<vmem>>
    %dma_start3A_64 = arith.constant 0 : i32
    %dma_start3A_65 = arith.constant 0 : i32
    %dma_start3A_66 = tpu.memref_slice %arg8[%dma_start3A_57, %dma_start3A_64, %dma_start3A_65] : memref<2x5x56xi32, #tpu.memory_space<vmem>> -> memref<1x5x56xi32, #tpu.memory_space<vmem>>
    %dma_start3A_67 = tpu.memref_squeeze %dma_start3A_66 : memref<1x5x56xi32, #tpu.memory_space<vmem>> -> memref<5x56xi32, #tpu.memory_space<vmem>>
    %dma_start3A_68 = arith.constant 0 : i32
    %dma_start3A_69 = tpu.memref_slice %dma_start3A_67[%dma_start3A_58, %dma_start3A_68] : memref<5x56xi32, #tpu.memory_space<vmem>> -> memref<1x56xi32, #tpu.memory_space<vmem>>
    %dma_start3A_70 = tpu.memref_squeeze %dma_start3A_69 : memref<1x56xi32, #tpu.memory_space<vmem>> -> memref<56xi32, #tpu.memory_space<vmem>>
    %dma_start3A_71 = arith.constant 0 : i32
    %dma_start3A_72 = arith.constant 0 : i32
    %dma_start3A_73 = tpu.memref_slice %arg3[%dma_start3A_71, %dma_start3A_72] : memref<300000x128xf32, #tpu.memory_space<hbm>> -> memref<300000x128xf32, #tpu.memory_space<hbm>>
    tpu.enqueue_indirect_dma source(%dma_start3A_73 : memref<300000x128xf32, #tpu.memory_space<hbm>>) target(%dma_start3A_63 : memref<56x128xf32, #tpu.memory_space<vmem>>) offsets(%dma_start3A_70 : memref<56xi32, #tpu.memory_space<vmem>>) semaphore(%arg18 : memref<!tpu.dma_semaphore, #tpu.memory_space<semaphore_mem>>)
    %dma_start3A_74 = arith.constant 0 : i32
    %dma_start3A_75 = arith.constant 1 : i32
    %dma_start3A_76 = arith.constant 0 : i32
    %dma_start3A_77 = arith.constant 0 : i32
    %dma_start3A_78 = arith.constant 0 : i32
    %dma_start3A_79 = tpu.memref_slice %arg10[%dma_start3A_76, %dma_start3A_77, %dma_start3A_78] : memref<2x56x128xf32, #tpu.memory_space<vmem>> -> memref<1x56x128xf32, #tpu.memory_space<vmem>>
    %dma_start3A_80 = tpu.memref_squeeze %dma_start3A_79 : memref<1x56x128xf32, #tpu.memory_space<vmem>> -> memref<56x128xf32, #tpu.memory_space<vmem>>
    %dma_start3A_81 = arith.constant 0 : i32
    %dma_start3A_82 = arith.constant 0 : i32
    %dma_start3A_83 = tpu.memref_slice %arg8[%dma_start3A_74, %dma_start3A_81, %dma_start3A_82] : memref<2x5x56xi32, #tpu.memory_space<vmem>> -> memref<1x5x56xi32, #tpu.memory_space<vmem>>
    %dma_start3A_84 = tpu.memref_squeeze %dma_start3A_83 : memref<1x5x56xi32, #tpu.memory_space<vmem>> -> memref<5x56xi32, #tpu.memory_space<vmem>>
    %dma_start3A_85 = arith.constant 0 : i32
    %dma_start3A_86 = tpu.memref_slice %dma_start3A_84[%dma_start3A_75, %dma_start3A_85] : memref<5x56xi32, #tpu.memory_space<vmem>> -> memref<1x56xi32, #tpu.memory_space<vmem>>
    %dma_start3A_87 = tpu.memref_squeeze %dma_start3A_86 : memref<1x56xi32, #tpu.memory_space<vmem>> -> memref<56xi32, #tpu.memory_space<vmem>>
    %dma_start3A_88 = arith.constant 0 : i32
    %dma_start3A_89 = arith.constant 0 : i32
    %dma_start3A_90 = tpu.memref_slice %arg3[%dma_start3A_88, %dma_start3A_89] : memref<300000x128xf32, #tpu.memory_space<hbm>> -> memref<300000x128xf32, #tpu.memory_space<hbm>>
    tpu.enqueue_indirect_dma source(%dma_start3A_90 : memref<300000x128xf32, #tpu.memory_space<hbm>>) target(%dma_start3A_80 : memref<56x128xf32, #tpu.memory_space<vmem>>) offsets(%dma_start3A_87 : memref<56xi32, #tpu.memory_space<vmem>>) semaphore(%arg18 : memref<!tpu.dma_semaphore, #tpu.memory_space<semaphore_mem>>)
    %dma_start3A_91 = arith.constant 0 : i32
    %dma_start3A_92 = arith.constant 2 : i32
    %dma_start3A_93 = arith.constant 0 : i32
    %dma_start3A_94 = arith.constant 0 : i32
    %dma_start3A_95 = arith.constant 0 : i32
    %dma_start3A_96 = tpu.memref_slice %arg11[%dma_start3A_93, %dma_start3A_94, %dma_start3A_95] : memref<2x56x128xf32, #tpu.memory_space<vmem>> -> memref<1x56x128xf32, #tpu.memory_space<vmem>>
    %dma_start3A_97 = tpu.memref_squeeze %dma_start3A_96 : memref<1x56x128xf32, #tpu.memory_space<vmem>> -> memref<56x128xf32, #tpu.memory_space<vmem>>
    %dma_start3A_98 = arith.constant 0 : i32
    %dma_start3A_99 = arith.constant 0 : i32
    %dma_start3A_100 = tpu.memref_slice %arg8[%dma_start3A_91, %dma_start3A_98, %dma_start3A_99] : memref<2x5x56xi32, #tpu.memory_space<vmem>> -> memref<1x5x56xi32, #tpu.memory_space<vmem>>
    %dma_start3A_101 = tpu.memref_squeeze %dma_start3A_100 : memref<1x5x56xi32, #tpu.memory_space<vmem>> -> memref<5x56xi32, #tpu.memory_space<vmem>>
    %dma_start3A_102 = arith.constant 0 : i32
    %dma_start3A_103 = tpu.memref_slice %dma_start3A_101[%dma_start3A_92, %dma_start3A_102] : memref<5x56xi32, #tpu.memory_space<vmem>> -> memref<1x56xi32, #tpu.memory_space<vmem>>
    %dma_start3A_104 = tpu.memref_squeeze %dma_start3A_103 : memref<1x56xi32, #tpu.memory_space<vmem>> -> memref<56xi32, #tpu.memory_space<vmem>>
    %dma_start3A_105 = arith.constant 0 : i32
    %dma_start3A_106 = arith.constant 0 : i32
    %dma_start3A_107 = tpu.memref_slice %arg3[%dma_start3A_105, %dma_start3A_106] : memref<300000x128xf32, #tpu.memory_space<hbm>> -> memref<300000x128xf32, #tpu.memory_space<hbm>>
    tpu.enqueue_indirect_dma source(%dma_start3A_107 : memref<300000x128xf32, #tpu.memory_space<hbm>>) target(%dma_start3A_97 : memref<56x128xf32, #tpu.memory_space<vmem>>) offsets(%dma_start3A_104 : memref<56xi32, #tpu.memory_space<vmem>>) semaphore(%arg18 : memref<!tpu.dma_semaphore, #tpu.memory_space<semaphore_mem>>)
    %dma_start3A_108 = arith.constant 0 : i32
    %dma_start3A_109 = arith.constant 3 : i32
    %dma_start3A_110 = arith.constant 0 : i32
    %dma_start3A_111 = arith.constant 0 : i32
    %dma_start3A_112 = arith.constant 0 : i32
    %dma_start3A_113 = tpu.memref_slice %arg12[%dma_start3A_110, %dma_start3A_111, %dma_start3A_112] : memref<2x56x128xf32, #tpu.memory_space<vmem>> -> memref<1x56x128xf32, #tpu.memory_space<vmem>>
    %dma_start3A_114 = tpu.memref_squeeze %dma_start3A_113 : memref<1x56x128xf32, #tpu.memory_space<vmem>> -> memref<56x128xf32, #tpu.memory_space<vmem>>
    %dma_start3A_115 = arith.constant 0 : i32
    %dma_start3A_116 = arith.constant 0 : i32
    %dma_start3A_117 = tpu.memref_slice %arg8[%dma_start3A_108, %dma_start3A_115, %dma_start3A_116] : memref<2x5x56xi32, #tpu.memory_space<vmem>> -> memref<1x5x56xi32, #tpu.memory_space<vmem>>
    %dma_start3A_118 = tpu.memref_squeeze %dma_start3A_117 : memref<1x5x56xi32, #tpu.memory_space<vmem>> -> memref<5x56xi32, #tpu.memory_space<vmem>>
    %dma_start3A_119 = arith.constant 0 : i32
    %dma_start3A_120 = tpu.memref_slice %dma_start3A_118[%dma_start3A_109, %dma_start3A_119] : memref<5x56xi32, #tpu.memory_space<vmem>> -> memref<1x56xi32, #tpu.memory_space<vmem>>
    %dma_start3A_121 = tpu.memref_squeeze %dma_start3A_120 : memref<1x56xi32, #tpu.memory_space<vmem>> -> memref<56xi32, #tpu.memory_space<vmem>>
    %dma_start3A_122 = arith.constant 0 : i32
    %dma_start3A_123 = arith.constant 0 : i32
    %dma_start3A_124 = tpu.memref_slice %arg4[%dma_start3A_122, %dma_start3A_123] : memref<1000x128xf32, #tpu.memory_space<hbm>> -> memref<1000x128xf32, #tpu.memory_space<hbm>>
    tpu.enqueue_indirect_dma source(%dma_start3A_124 : memref<1000x128xf32, #tpu.memory_space<hbm>>) target(%dma_start3A_114 : memref<56x128xf32, #tpu.memory_space<vmem>>) offsets(%dma_start3A_121 : memref<56xi32, #tpu.memory_space<vmem>>) semaphore(%arg18 : memref<!tpu.dma_semaphore, #tpu.memory_space<semaphore_mem>>)
    %dma_start3A_125 = arith.constant 0 : i32
    %dma_start3A_126 = arith.constant 4 : i32
    %dma_start3A_127 = arith.constant 0 : i32
    %dma_start3A_128 = arith.constant 0 : i32
    %dma_start3A_129 = arith.constant 0 : i32
    %dma_start3A_130 = tpu.memref_slice %arg13[%dma_start3A_127, %dma_start3A_128, %dma_start3A_129] : memref<2x56x128xf32, #tpu.memory_space<vmem>> -> memref<1x56x128xf32, #tpu.memory_space<vmem>>
    %dma_start3A_131 = tpu.memref_squeeze %dma_start3A_130 : memref<1x56x128xf32, #tpu.memory_space<vmem>> -> memref<56x128xf32, #tpu.memory_space<vmem>>
    %dma_start3A_132 = arith.constant 0 : i32
    %dma_start3A_133 = arith.constant 0 : i32
    %dma_start3A_134 = tpu.memref_slice %arg8[%dma_start3A_125, %dma_start3A_132, %dma_start3A_133] : memref<2x5x56xi32, #tpu.memory_space<vmem>> -> memref<1x5x56xi32, #tpu.memory_space<vmem>>
    %dma_start3A_135 = tpu.memref_squeeze %dma_start3A_134 : memref<1x5x56xi32, #tpu.memory_space<vmem>> -> memref<5x56xi32, #tpu.memory_space<vmem>>
    %dma_start3A_136 = arith.constant 0 : i32
    %dma_start3A_137 = tpu.memref_slice %dma_start3A_135[%dma_start3A_126, %dma_start3A_136] : memref<5x56xi32, #tpu.memory_space<vmem>> -> memref<1x56xi32, #tpu.memory_space<vmem>>
    %dma_start3A_138 = tpu.memref_squeeze %dma_start3A_137 : memref<1x56xi32, #tpu.memory_space<vmem>> -> memref<56xi32, #tpu.memory_space<vmem>>
    %dma_start3A_139 = arith.constant 0 : i32
    %dma_start3A_140 = arith.constant 0 : i32
    %dma_start3A_141 = tpu.memref_slice %arg5[%dma_start3A_139, %dma_start3A_140] : memref<1000x128xf32, #tpu.memory_space<hbm>> -> memref<1000x128xf32, #tpu.memory_space<hbm>>
    tpu.enqueue_indirect_dma source(%dma_start3A_141 : memref<1000x128xf32, #tpu.memory_space<hbm>>) target(%dma_start3A_131 : memref<56x128xf32, #tpu.memory_space<vmem>>) offsets(%dma_start3A_138 : memref<56xi32, #tpu.memory_space<vmem>>) semaphore(%arg18 : memref<!tpu.dma_semaphore, #tpu.memory_space<semaphore_mem>>)
    %scan3A = arith.constant 0 : i32
    %scan3A_142 = arith.constant 0 : i32
    %scan3A_143 = arith.constant 64 : i32
    %scan3A_144 = arith.addi %scan3A_142, %scan3A_143 : i32
    %scan3A_145 = arith.constant 1 : i32
    %scan3A_146 = scf.for %scan3A_287 = %scan3A_142 to %scan3A_144 step %scan3A_145 iter_args(%scan3A_288 = %scan3A) -> (i32)  : i32 {
      %mul3A_289 = arith.constant 2 : i32
      %mul3A_290 = arith.muli %scan3A_287, %mul3A_289 : i32
      %add3A_291 = arith.constant 0 : i32
      %add3A_292 = arith.addi %mul3A_290, %add3A_291 : i32
      %dma_wait3A_293 = arith.constant 0 : i32
      %dma_wait3A_294 = arith.constant 0 : i32
      %dma_wait3A_295 = arith.constant 0 : i32
      %dma_wait3A_296 = arith.constant 0 : i32
      %dma_wait3A_297 = arith.constant 0 : i32
      %dma_wait3A_298 = tpu.memref_slice %arg9[%dma_wait3A_295, %dma_wait3A_296, %dma_wait3A_297] : memref<2x56x128xf32, #tpu.memory_space<vmem>> -> memref<1x56x128xf32, #tpu.memory_space<vmem>>
      %dma_wait3A_299 = tpu.memref_squeeze %dma_wait3A_298 : memref<1x56x128xf32, #tpu.memory_space<vmem>> -> memref<56x128xf32, #tpu.memory_space<vmem>>
      %dma_wait3A_300 = arith.constant 0 : i32
      %dma_wait3A_301 = arith.constant 0 : i32
      %dma_wait3A_302 = tpu.memref_slice %arg8[%dma_wait3A_293, %dma_wait3A_300, %dma_wait3A_301] : memref<2x5x56xi32, #tpu.memory_space<vmem>> -> memref<1x5x56xi32, #tpu.memory_space<vmem>>
      %dma_wait3A_303 = tpu.memref_squeeze %dma_wait3A_302 : memref<1x5x56xi32, #tpu.memory_space<vmem>> -> memref<5x56xi32, #tpu.memory_space<vmem>>
      %dma_wait3A_304 = arith.constant 0 : i32
      %dma_wait3A_305 = tpu.memref_slice %dma_wait3A_303[%dma_wait3A_294, %dma_wait3A_304] : memref<5x56xi32, #tpu.memory_space<vmem>> -> memref<1x56xi32, #tpu.memory_space<vmem>>
      %dma_wait3A_306 = tpu.memref_squeeze %dma_wait3A_305 : memref<1x56xi32, #tpu.memory_space<vmem>> -> memref<56xi32, #tpu.memory_space<vmem>>
      %dma_wait3A_307 = arith.constant 0 : i32
      %dma_wait3A_308 = arith.constant 0 : i32
      %dma_wait3A_309 = tpu.memref_slice %arg3[%dma_wait3A_307, %dma_wait3A_308] : memref<300000x128xf32, #tpu.memory_space<hbm>> -> memref<300000x128xf32, #tpu.memory_space<hbm>>
      tpu.wait_indirect_dma semaphore(%arg18 : memref<!tpu.dma_semaphore, #tpu.memory_space<semaphore_mem>>) src(%dma_wait3A_309 : memref<300000x128xf32, #tpu.memory_space<hbm>>) dst(%dma_wait3A_299 : memref<56x128xf32, #tpu.memory_space<vmem>>)
      %dma_wait3A_310 = arith.constant 0 : i32
      %dma_wait3A_311 = arith.constant 1 : i32
      %dma_wait3A_312 = arith.constant 0 : i32
      %dma_wait3A_313 = arith.constant 0 : i32
      %dma_wait3A_314 = arith.constant 0 : i32
      %dma_wait3A_315 = tpu.memref_slice %arg10[%dma_wait3A_312, %dma_wait3A_313, %dma_wait3A_314] : memref<2x56x128xf32, #tpu.memory_space<vmem>> -> memref<1x56x128xf32, #tpu.memory_space<vmem>>
      %dma_wait3A_316 = tpu.memref_squeeze %dma_wait3A_315 : memref<1x56x128xf32, #tpu.memory_space<vmem>> -> memref<56x128xf32, #tpu.memory_space<vmem>>
      %dma_wait3A_317 = arith.constant 0 : i32
      %dma_wait3A_318 = arith.constant 0 : i32
      %dma_wait3A_319 = tpu.memref_slice %arg8[%dma_wait3A_310, %dma_wait3A_317, %dma_wait3A_318] : memref<2x5x56xi32, #tpu.memory_space<vmem>> -> memref<1x5x56xi32, #tpu.memory_space<vmem>>
      %dma_wait3A_320 = tpu.memref_squeeze %dma_wait3A_319 : memref<1x5x56xi32, #tpu.memory_space<vmem>> -> memref<5x56xi32, #tpu.memory_space<vmem>>
      %dma_wait3A_321 = arith.constant 0 : i32
      %dma_wait3A_322 = tpu.memref_slice %dma_wait3A_320[%dma_wait3A_311, %dma_wait3A_321] : memref<5x56xi32, #tpu.memory_space<vmem>> -> memref<1x56xi32, #tpu.memory_space<vmem>>
      %dma_wait3A_323 = tpu.memref_squeeze %dma_wait3A_322 : memref<1x56xi32, #tpu.memory_space<vmem>> -> memref<56xi32, #tpu.memory_space<vmem>>
      %dma_wait3A_324 = arith.constant 0 : i32
      %dma_wait3A_325 = arith.constant 0 : i32
      %dma_wait3A_326 = tpu.memref_slice %arg3[%dma_wait3A_324, %dma_wait3A_325] : memref<300000x128xf32, #tpu.memory_space<hbm>> -> memref<300000x128xf32, #tpu.memory_space<hbm>>
      tpu.wait_indirect_dma semaphore(%arg18 : memref<!tpu.dma_semaphore, #tpu.memory_space<semaphore_mem>>) src(%dma_wait3A_326 : memref<300000x128xf32, #tpu.memory_space<hbm>>) dst(%dma_wait3A_316 : memref<56x128xf32, #tpu.memory_space<vmem>>)
      %dma_wait3A_327 = arith.constant 0 : i32
      %dma_wait3A_328 = arith.constant 2 : i32
      %dma_wait3A_329 = arith.constant 0 : i32
      %dma_wait3A_330 = arith.constant 0 : i32
      %dma_wait3A_331 = arith.constant 0 : i32
      %dma_wait3A_332 = tpu.memref_slice %arg11[%dma_wait3A_329, %dma_wait3A_330, %dma_wait3A_331] : memref<2x56x128xf32, #tpu.memory_space<vmem>> -> memref<1x56x128xf32, #tpu.memory_space<vmem>>
      %dma_wait3A_333 = tpu.memref_squeeze %dma_wait3A_332 : memref<1x56x128xf32, #tpu.memory_space<vmem>> -> memref<56x128xf32, #tpu.memory_space<vmem>>
      %dma_wait3A_334 = arith.constant 0 : i32
      %dma_wait3A_335 = arith.constant 0 : i32
      %dma_wait3A_336 = tpu.memref_slice %arg8[%dma_wait3A_327, %dma_wait3A_334, %dma_wait3A_335] : memref<2x5x56xi32, #tpu.memory_space<vmem>> -> memref<1x5x56xi32, #tpu.memory_space<vmem>>
      %dma_wait3A_337 = tpu.memref_squeeze %dma_wait3A_336 : memref<1x5x56xi32, #tpu.memory_space<vmem>> -> memref<5x56xi32, #tpu.memory_space<vmem>>
      %dma_wait3A_338 = arith.constant 0 : i32
      %dma_wait3A_339 = tpu.memref_slice %dma_wait3A_337[%dma_wait3A_328, %dma_wait3A_338] : memref<5x56xi32, #tpu.memory_space<vmem>> -> memref<1x56xi32, #tpu.memory_space<vmem>>
      %dma_wait3A_340 = tpu.memref_squeeze %dma_wait3A_339 : memref<1x56xi32, #tpu.memory_space<vmem>> -> memref<56xi32, #tpu.memory_space<vmem>>
      %dma_wait3A_341 = arith.constant 0 : i32
      %dma_wait3A_342 = arith.constant 0 : i32
      %dma_wait3A_343 = tpu.memref_slice %arg3[%dma_wait3A_341, %dma_wait3A_342] : memref<300000x128xf32, #tpu.memory_space<hbm>> -> memref<300000x128xf32, #tpu.memory_space<hbm>>
      tpu.wait_indirect_dma semaphore(%arg18 : memref<!tpu.dma_semaphore, #tpu.memory_space<semaphore_mem>>) src(%dma_wait3A_343 : memref<300000x128xf32, #tpu.memory_space<hbm>>) dst(%dma_wait3A_333 : memref<56x128xf32, #tpu.memory_space<vmem>>)
      %dma_wait3A_344 = arith.constant 0 : i32
      %dma_wait3A_345 = arith.constant 3 : i32
      %dma_wait3A_346 = arith.constant 0 : i32
      %dma_wait3A_347 = arith.constant 0 : i32
      %dma_wait3A_348 = arith.constant 0 : i32
      %dma_wait3A_349 = tpu.memref_slice %arg12[%dma_wait3A_346, %dma_wait3A_347, %dma_wait3A_348] : memref<2x56x128xf32, #tpu.memory_space<vmem>> -> memref<1x56x128xf32, #tpu.memory_space<vmem>>
      %dma_wait3A_350 = tpu.memref_squeeze %dma_wait3A_349 : memref<1x56x128xf32, #tpu.memory_space<vmem>> -> memref<56x128xf32, #tpu.memory_space<vmem>>
      %dma_wait3A_351 = arith.constant 0 : i32
      %dma_wait3A_352 = arith.constant 0 : i32
      %dma_wait3A_353 = tpu.memref_slice %arg8[%dma_wait3A_344, %dma_wait3A_351, %dma_wait3A_352] : memref<2x5x56xi32, #tpu.memory_space<vmem>> -> memref<1x5x56xi32, #tpu.memory_space<vmem>>
      %dma_wait3A_354 = tpu.memref_squeeze %dma_wait3A_353 : memref<1x5x56xi32, #tpu.memory_space<vmem>> -> memref<5x56xi32, #tpu.memory_space<vmem>>
      %dma_wait3A_355 = arith.constant 0 : i32
      %dma_wait3A_356 = tpu.memref_slice %dma_wait3A_354[%dma_wait3A_345, %dma_wait3A_355] : memref<5x56xi32, #tpu.memory_space<vmem>> -> memref<1x56xi32, #tpu.memory_space<vmem>>
      %dma_wait3A_357 = tpu.memref_squeeze %dma_wait3A_356 : memref<1x56xi32, #tpu.memory_space<vmem>> -> memref<56xi32, #tpu.memory_space<vmem>>
      %dma_wait3A_358 = arith.constant 0 : i32
      %dma_wait3A_359 = arith.constant 0 : i32
      %dma_wait3A_360 = tpu.memref_slice %arg4[%dma_wait3A_358, %dma_wait3A_359] : memref<1000x128xf32, #tpu.memory_space<hbm>> -> memref<1000x128xf32, #tpu.memory_space<hbm>>
      tpu.wait_indirect_dma semaphore(%arg18 : memref<!tpu.dma_semaphore, #tpu.memory_space<semaphore_mem>>) src(%dma_wait3A_360 : memref<1000x128xf32, #tpu.memory_space<hbm>>) dst(%dma_wait3A_350 : memref<56x128xf32, #tpu.memory_space<vmem>>)
      %dma_wait3A_361 = arith.constant 0 : i32
      %dma_wait3A_362 = arith.constant 4 : i32
      %dma_wait3A_363 = arith.constant 0 : i32
      %dma_wait3A_364 = arith.constant 0 : i32
      %dma_wait3A_365 = arith.constant 0 : i32
      %dma_wait3A_366 = tpu.memref_slice %arg13[%dma_wait3A_363, %dma_wait3A_364, %dma_wait3A_365] : memref<2x56x128xf32, #tpu.memory_space<vmem>> -> memref<1x56x128xf32, #tpu.memory_space<vmem>>
      %dma_wait3A_367 = tpu.memref_squeeze %dma_wait3A_366 : memref<1x56x128xf32, #tpu.memory_space<vmem>> -> memref<56x128xf32, #tpu.memory_space<vmem>>
      %dma_wait3A_368 = arith.constant 0 : i32
      %dma_wait3A_369 = arith.constant 0 : i32
      %dma_wait3A_370 = tpu.memref_slice %arg8[%dma_wait3A_361, %dma_wait3A_368, %dma_wait3A_369] : memref<2x5x56xi32, #tpu.memory_space<vmem>> -> memref<1x5x56xi32, #tpu.memory_space<vmem>>
      %dma_wait3A_371 = tpu.memref_squeeze %dma_wait3A_370 : memref<1x5x56xi32, #tpu.memory_space<vmem>> -> memref<5x56xi32, #tpu.memory_space<vmem>>
      %dma_wait3A_372 = arith.constant 0 : i32
      %dma_wait3A_373 = tpu.memref_slice %dma_wait3A_371[%dma_wait3A_362, %dma_wait3A_372] : memref<5x56xi32, #tpu.memory_space<vmem>> -> memref<1x56xi32, #tpu.memory_space<vmem>>
      %dma_wait3A_374 = tpu.memref_squeeze %dma_wait3A_373 : memref<1x56xi32, #tpu.memory_space<vmem>> -> memref<56xi32, #tpu.memory_space<vmem>>
      %dma_wait3A_375 = arith.constant 0 : i32
      %dma_wait3A_376 = arith.constant 0 : i32
      %dma_wait3A_377 = tpu.memref_slice %arg5[%dma_wait3A_375, %dma_wait3A_376] : memref<1000x128xf32, #tpu.memory_space<hbm>> -> memref<1000x128xf32, #tpu.memory_space<hbm>>
      tpu.wait_indirect_dma semaphore(%arg18 : memref<!tpu.dma_semaphore, #tpu.memory_space<semaphore_mem>>) src(%dma_wait3A_377 : memref<1000x128xf32, #tpu.memory_space<hbm>>) dst(%dma_wait3A_367 : memref<56x128xf32, #tpu.memory_space<vmem>>)
      %add3A_378 = arith.constant 2 : i32
      %add3A_379 = arith.addi %add3A_292, %add3A_378 : i32
      %min3A = arith.constant 127 : i32
      %min3A_380 = arith.minsi %add3A_379, %min3A : i32
      %add3A_381 = arith.addi %mul3A_2, %min3A_380 : i32
      %dma_start3A_382 = arith.constant 0 : i32
      %dma_start3A_383 = arith.constant 0 : i32
      %dma_start3A_384 = arith.constant 0 : i32
      %dma_start3A_385 = tpu.memref_slice %arg8[%dma_start3A_382, %dma_start3A_383, %dma_start3A_384] : memref<2x5x56xi32, #tpu.memory_space<vmem>> -> memref<1x5x56xi32, #tpu.memory_space<vmem>>
      %dma_start3A_386 = tpu.memref_squeeze %dma_start3A_385 : memref<1x5x56xi32, #tpu.memory_space<vmem>> -> memref<5x56xi32, #tpu.memory_space<vmem>>
      %dma_start3A_387 = arith.constant 0 : i32
      %dma_start3A_388 = arith.constant 0 : i32
      %dma_start3A_389 = tpu.memref_slice %arg2[%add3A_381, %dma_start3A_387, %dma_start3A_388] : memref<4096x5x56xi32, #tpu.memory_space<hbm>> -> memref<1x5x56xi32, #tpu.memory_space<hbm>>
      %dma_start3A_390 = tpu.memref_squeeze %dma_start3A_389 : memref<1x5x56xi32, #tpu.memory_space<hbm>> -> memref<5x56xi32, #tpu.memory_space<hbm>>
      %dma_start3A_391 = arith.constant 0 : i32
      %dma_start3A_392 = arith.constant 0 : i32
      %dma_start3A_393 = tpu.memref_slice %arg8[%dma_start3A_382, %dma_start3A_391, %dma_start3A_392] : memref<2x5x56xi32, #tpu.memory_space<vmem>> -> memref<1x5x56xi32, #tpu.memory_space<vmem>>
      %dma_start3A_394 = tpu.memref_squeeze %dma_start3A_393 : memref<1x5x56xi32, #tpu.memory_space<vmem>> -> memref<5x56xi32, #tpu.memory_space<vmem>>
      %dma_start3A_395 = arith.constant 0 : i32
      %dma_start3A_396 = arith.constant 0 : i32
      %dma_start3A_397 = tpu.memref_slice %arg2[%add3A_381, %dma_start3A_395, %dma_start3A_396] : memref<4096x5x56xi32, #tpu.memory_space<hbm>> -> memref<1x5x56xi32, #tpu.memory_space<hbm>>
      %dma_start3A_398 = tpu.memref_squeeze %dma_start3A_397 : memref<1x5x56xi32, #tpu.memory_space<hbm>> -> memref<5x56xi32, #tpu.memory_space<hbm>>
      tpu.enqueue_dma source(%dma_start3A_398 : memref<5x56xi32, #tpu.memory_space<hbm>>) target(%dma_start3A_394 : memref<5x56xi32, #tpu.memory_space<vmem>>) target_semaphore(%arg16 : memref<!tpu.dma_semaphore, #tpu.memory_space<semaphore_mem>>)
      %dma_wait3A_399 = arith.constant 0 : i32
      %dma_wait3A_400 = arith.constant 1 : i32
      %dma_wait3A_401 = arith.constant 0 : i32
      %dma_wait3A_402 = arith.constant 0 : i32
      %dma_wait3A_403 = tpu.memref_slice %arg8[%dma_wait3A_400, %dma_wait3A_401, %dma_wait3A_402] : memref<2x5x56xi32, #tpu.memory_space<vmem>> -> memref<1x5x56xi32, #tpu.memory_space<vmem>>
      %dma_wait3A_404 = tpu.memref_squeeze %dma_wait3A_403 : memref<1x5x56xi32, #tpu.memory_space<vmem>> -> memref<5x56xi32, #tpu.memory_space<vmem>>
      %dma_wait3A_405 = arith.constant 0 : i32
      %dma_wait3A_406 = arith.constant 0 : i32
      %dma_wait3A_407 = tpu.memref_slice %arg2[%dma_wait3A_399, %dma_wait3A_405, %dma_wait3A_406] : memref<4096x5x56xi32, #tpu.memory_space<hbm>> -> memref<1x5x56xi32, #tpu.memory_space<hbm>>
      %dma_wait3A_408 = tpu.memref_squeeze %dma_wait3A_407 : memref<1x5x56xi32, #tpu.memory_space<hbm>> -> memref<5x56xi32, #tpu.memory_space<hbm>>
      %dma_wait3A_409 = arith.constant 0 : i32
      %dma_wait3A_410 = arith.constant 0 : i32
      %dma_wait3A_411 = tpu.memref_slice %arg8[%dma_wait3A_400, %dma_wait3A_409, %dma_wait3A_410] : memref<2x5x56xi32, #tpu.memory_space<vmem>> -> memref<1x5x56xi32, #tpu.memory_space<vmem>>
      %dma_wait3A_412 = tpu.memref_squeeze %dma_wait3A_411 : memref<1x5x56xi32, #tpu.memory_space<vmem>> -> memref<5x56xi32, #tpu.memory_space<vmem>>
      %dma_wait3A_413 = arith.constant 0 : i32
      %dma_wait3A_414 = arith.constant 0 : i32
      %dma_wait3A_415 = tpu.memref_slice %arg2[%dma_wait3A_399, %dma_wait3A_413, %dma_wait3A_414] : memref<4096x5x56xi32, #tpu.memory_space<hbm>> -> memref<1x5x56xi32, #tpu.memory_space<hbm>>
      %dma_wait3A_416 = tpu.memref_squeeze %dma_wait3A_415 : memref<1x5x56xi32, #tpu.memory_space<hbm>> -> memref<5x56xi32, #tpu.memory_space<hbm>>
      tpu.wait_dma2 semaphore(%arg17 : memref<!tpu.dma_semaphore, #tpu.memory_space<semaphore_mem>>) src(%dma_wait3A_416 : memref<5x56xi32, #tpu.memory_space<hbm>>) dst(%dma_wait3A_412 : memref<5x56xi32, #tpu.memory_space<vmem>>)
      %dma_start3A_417 = arith.constant 1 : i32
      %dma_start3A_418 = arith.constant 0 : i32
      %dma_start3A_419 = arith.constant 1 : i32
      %dma_start3A_420 = arith.constant 0 : i32
      %dma_start3A_421 = arith.constant 0 : i32
      %dma_start3A_422 = tpu.memref_slice %arg9[%dma_start3A_419, %dma_start3A_420, %dma_start3A_421] : memref<2x56x128xf32, #tpu.memory_space<vmem>> -> memref<1x56x128xf32, #tpu.memory_space<vmem>>
      %dma_start3A_423 = tpu.memref_squeeze %dma_start3A_422 : memref<1x56x128xf32, #tpu.memory_space<vmem>> -> memref<56x128xf32, #tpu.memory_space<vmem>>
      %dma_start3A_424 = arith.constant 0 : i32
      %dma_start3A_425 = arith.constant 0 : i32
      %dma_start3A_426 = tpu.memref_slice %arg8[%dma_start3A_417, %dma_start3A_424, %dma_start3A_425] : memref<2x5x56xi32, #tpu.memory_space<vmem>> -> memref<1x5x56xi32, #tpu.memory_space<vmem>>
      %dma_start3A_427 = tpu.memref_squeeze %dma_start3A_426 : memref<1x5x56xi32, #tpu.memory_space<vmem>> -> memref<5x56xi32, #tpu.memory_space<vmem>>
      %dma_start3A_428 = arith.constant 0 : i32
      %dma_start3A_429 = tpu.memref_slice %dma_start3A_427[%dma_start3A_418, %dma_start3A_428] : memref<5x56xi32, #tpu.memory_space<vmem>> -> memref<1x56xi32, #tpu.memory_space<vmem>>
      %dma_start3A_430 = tpu.memref_squeeze %dma_start3A_429 : memref<1x56xi32, #tpu.memory_space<vmem>> -> memref<56xi32, #tpu.memory_space<vmem>>
      %dma_start3A_431 = arith.constant 0 : i32
      %dma_start3A_432 = arith.constant 0 : i32
      %dma_start3A_433 = tpu.memref_slice %arg3[%dma_start3A_431, %dma_start3A_432] : memref<300000x128xf32, #tpu.memory_space<hbm>> -> memref<300000x128xf32, #tpu.memory_space<hbm>>
      tpu.enqueue_indirect_dma source(%dma_start3A_433 : memref<300000x128xf32, #tpu.memory_space<hbm>>) target(%dma_start3A_423 : memref<56x128xf32, #tpu.memory_space<vmem>>) offsets(%dma_start3A_430 : memref<56xi32, #tpu.memory_space<vmem>>) semaphore(%arg19 : memref<!tpu.dma_semaphore, #tpu.memory_space<semaphore_mem>>)
      %dma_start3A_434 = arith.constant 1 : i32
      %dma_start3A_435 = arith.constant 1 : i32
      %dma_start3A_436 = arith.constant 1 : i32
      %dma_start3A_437 = arith.constant 0 : i32
      %dma_start3A_438 = arith.constant 0 : i32
      %dma_start3A_439 = tpu.memref_slice %arg10[%dma_start3A_436, %dma_start3A_437, %dma_start3A_438] : memref<2x56x128xf32, #tpu.memory_space<vmem>> -> memref<1x56x128xf32, #tpu.memory_space<vmem>>
      %dma_start3A_440 = tpu.memref_squeeze %dma_start3A_439 : memref<1x56x128xf32, #tpu.memory_space<vmem>> -> memref<56x128xf32, #tpu.memory_space<vmem>>
      %dma_start3A_441 = arith.constant 0 : i32
      %dma_start3A_442 = arith.constant 0 : i32
      %dma_start3A_443 = tpu.memref_slice %arg8[%dma_start3A_434, %dma_start3A_441, %dma_start3A_442] : memref<2x5x56xi32, #tpu.memory_space<vmem>> -> memref<1x5x56xi32, #tpu.memory_space<vmem>>
      %dma_start3A_444 = tpu.memref_squeeze %dma_start3A_443 : memref<1x5x56xi32, #tpu.memory_space<vmem>> -> memref<5x56xi32, #tpu.memory_space<vmem>>
      %dma_start3A_445 = arith.constant 0 : i32
      %dma_start3A_446 = tpu.memref_slice %dma_start3A_444[%dma_start3A_435, %dma_start3A_445] : memref<5x56xi32, #tpu.memory_space<vmem>> -> memref<1x56xi32, #tpu.memory_space<vmem>>
      %dma_start3A_447 = tpu.memref_squeeze %dma_start3A_446 : memref<1x56xi32, #tpu.memory_space<vmem>> -> memref<56xi32, #tpu.memory_space<vmem>>
      %dma_start3A_448 = arith.constant 0 : i32
      %dma_start3A_449 = arith.constant 0 : i32
      %dma_start3A_450 = tpu.memref_slice %arg3[%dma_start3A_448, %dma_start3A_449] : memref<300000x128xf32, #tpu.memory_space<hbm>> -> memref<300000x128xf32, #tpu.memory_space<hbm>>
      tpu.enqueue_indirect_dma source(%dma_start3A_450 : memref<300000x128xf32, #tpu.memory_space<hbm>>) target(%dma_start3A_440 : memref<56x128xf32, #tpu.memory_space<vmem>>) offsets(%dma_start3A_447 : memref<56xi32, #tpu.memory_space<vmem>>) semaphore(%arg19 : memref<!tpu.dma_semaphore, #tpu.memory_space<semaphore_mem>>)
      %dma_start3A_451 = arith.constant 1 : i32
      %dma_start3A_452 = arith.constant 2 : i32
      %dma_start3A_453 = arith.constant 1 : i32
      %dma_start3A_454 = arith.constant 0 : i32
      %dma_start3A_455 = arith.constant 0 : i32
      %dma_start3A_456 = tpu.memref_slice %arg11[%dma_start3A_453, %dma_start3A_454, %dma_start3A_455] : memref<2x56x128xf32, #tpu.memory_space<vmem>> -> memref<1x56x128xf32, #tpu.memory_space<vmem>>
      %dma_start3A_457 = tpu.memref_squeeze %dma_start3A_456 : memref<1x56x128xf32, #tpu.memory_space<vmem>> -> memref<56x128xf32, #tpu.memory_space<vmem>>
      %dma_start3A_458 = arith.constant 0 : i32
      %dma_start3A_459 = arith.constant 0 : i32
      %dma_start3A_460 = tpu.memref_slice %arg8[%dma_start3A_451, %dma_start3A_458, %dma_start3A_459] : memref<2x5x56xi32, #tpu.memory_space<vmem>> -> memref<1x5x56xi32, #tpu.memory_space<vmem>>
      %dma_start3A_461 = tpu.memref_squeeze %dma_start3A_460 : memref<1x5x56xi32, #tpu.memory_space<vmem>> -> memref<5x56xi32, #tpu.memory_space<vmem>>
      %dma_start3A_462 = arith.constant 0 : i32
      %dma_start3A_463 = tpu.memref_slice %dma_start3A_461[%dma_start3A_452, %dma_start3A_462] : memref<5x56xi32, #tpu.memory_space<vmem>> -> memref<1x56xi32, #tpu.memory_space<vmem>>
      %dma_start3A_464 = tpu.memref_squeeze %dma_start3A_463 : memref<1x56xi32, #tpu.memory_space<vmem>> -> memref<56xi32, #tpu.memory_space<vmem>>
      %dma_start3A_465 = arith.constant 0 : i32
      %dma_start3A_466 = arith.constant 0 : i32
      %dma_start3A_467 = tpu.memref_slice %arg3[%dma_start3A_465, %dma_start3A_466] : memref<300000x128xf32, #tpu.memory_space<hbm>> -> memref<300000x128xf32, #tpu.memory_space<hbm>>
      tpu.enqueue_indirect_dma source(%dma_start3A_467 : memref<300000x128xf32, #tpu.memory_space<hbm>>) target(%dma_start3A_457 : memref<56x128xf32, #tpu.memory_space<vmem>>) offsets(%dma_start3A_464 : memref<56xi32, #tpu.memory_space<vmem>>) semaphore(%arg19 : memref<!tpu.dma_semaphore, #tpu.memory_space<semaphore_mem>>)
      %dma_start3A_468 = arith.constant 1 : i32
      %dma_start3A_469 = arith.constant 3 : i32
      %dma_start3A_470 = arith.constant 1 : i32
      %dma_start3A_471 = arith.constant 0 : i32
      %dma_start3A_472 = arith.constant 0 : i32
      %dma_start3A_473 = tpu.memref_slice %arg12[%dma_start3A_470, %dma_start3A_471, %dma_start3A_472] : memref<2x56x128xf32, #tpu.memory_space<vmem>> -> memref<1x56x128xf32, #tpu.memory_space<vmem>>
      %dma_start3A_474 = tpu.memref_squeeze %dma_start3A_473 : memref<1x56x128xf32, #tpu.memory_space<vmem>> -> memref<56x128xf32, #tpu.memory_space<vmem>>
      %dma_start3A_475 = arith.constant 0 : i32
      %dma_start3A_476 = arith.constant 0 : i32
      %dma_start3A_477 = tpu.memref_slice %arg8[%dma_start3A_468, %dma_start3A_475, %dma_start3A_476] : memref<2x5x56xi32, #tpu.memory_space<vmem>> -> memref<1x5x56xi32, #tpu.memory_space<vmem>>
      %dma_start3A_478 = tpu.memref_squeeze %dma_start3A_477 : memref<1x5x56xi32, #tpu.memory_space<vmem>> -> memref<5x56xi32, #tpu.memory_space<vmem>>
      %dma_start3A_479 = arith.constant 0 : i32
      %dma_start3A_480 = tpu.memref_slice %dma_start3A_478[%dma_start3A_469, %dma_start3A_479] : memref<5x56xi32, #tpu.memory_space<vmem>> -> memref<1x56xi32, #tpu.memory_space<vmem>>
      %dma_start3A_481 = tpu.memref_squeeze %dma_start3A_480 : memref<1x56xi32, #tpu.memory_space<vmem>> -> memref<56xi32, #tpu.memory_space<vmem>>
      %dma_start3A_482 = arith.constant 0 : i32
      %dma_start3A_483 = arith.constant 0 : i32
      %dma_start3A_484 = tpu.memref_slice %arg4[%dma_start3A_482, %dma_start3A_483] : memref<1000x128xf32, #tpu.memory_space<hbm>> -> memref<1000x128xf32, #tpu.memory_space<hbm>>
      tpu.enqueue_indirect_dma source(%dma_start3A_484 : memref<1000x128xf32, #tpu.memory_space<hbm>>) target(%dma_start3A_474 : memref<56x128xf32, #tpu.memory_space<vmem>>) offsets(%dma_start3A_481 : memref<56xi32, #tpu.memory_space<vmem>>) semaphore(%arg19 : memref<!tpu.dma_semaphore, #tpu.memory_space<semaphore_mem>>)
      %dma_start3A_485 = arith.constant 1 : i32
      %dma_start3A_486 = arith.constant 4 : i32
      %dma_start3A_487 = arith.constant 1 : i32
      %dma_start3A_488 = arith.constant 0 : i32
      %dma_start3A_489 = arith.constant 0 : i32
      %dma_start3A_490 = tpu.memref_slice %arg13[%dma_start3A_487, %dma_start3A_488, %dma_start3A_489] : memref<2x56x128xf32, #tpu.memory_space<vmem>> -> memref<1x56x128xf32, #tpu.memory_space<vmem>>
      %dma_start3A_491 = tpu.memref_squeeze %dma_start3A_490 : memref<1x56x128xf32, #tpu.memory_space<vmem>> -> memref<56x128xf32, #tpu.memory_space<vmem>>
      %dma_start3A_492 = arith.constant 0 : i32
      %dma_start3A_493 = arith.constant 0 : i32
      %dma_start3A_494 = tpu.memref_slice %arg8[%dma_start3A_485, %dma_start3A_492, %dma_start3A_493] : memref<2x5x56xi32, #tpu.memory_space<vmem>> -> memref<1x5x56xi32, #tpu.memory_space<vmem>>
      %dma_start3A_495 = tpu.memref_squeeze %dma_start3A_494 : memref<1x5x56xi32, #tpu.memory_space<vmem>> -> memref<5x56xi32, #tpu.memory_space<vmem>>
      %dma_start3A_496 = arith.constant 0 : i32
      %dma_start3A_497 = tpu.memref_slice %dma_start3A_495[%dma_start3A_486, %dma_start3A_496] : memref<5x56xi32, #tpu.memory_space<vmem>> -> memref<1x56xi32, #tpu.memory_space<vmem>>
      %dma_start3A_498 = tpu.memref_squeeze %dma_start3A_497 : memref<1x56xi32, #tpu.memory_space<vmem>> -> memref<56xi32, #tpu.memory_space<vmem>>
      %dma_start3A_499 = arith.constant 0 : i32
      %dma_start3A_500 = arith.constant 0 : i32
      %dma_start3A_501 = tpu.memref_slice %arg5[%dma_start3A_499, %dma_start3A_500] : memref<1000x128xf32, #tpu.memory_space<hbm>> -> memref<1000x128xf32, #tpu.memory_space<hbm>>
      tpu.enqueue_indirect_dma source(%dma_start3A_501 : memref<1000x128xf32, #tpu.memory_space<hbm>>) target(%dma_start3A_491 : memref<56x128xf32, #tpu.memory_space<vmem>>) offsets(%dma_start3A_498 : memref<56xi32, #tpu.memory_space<vmem>>) semaphore(%arg19 : memref<!tpu.dma_semaphore, #tpu.memory_space<semaphore_mem>>)
      %ge3A = arith.constant 2 : i32
      %ge3A_502 = arith.cmpi sge, %add3A_292, %ge3A : i32
      %convert_element_type3A = arith.extui %ge3A_502 : i1 to i32
      %cond3A = arith.constant 0 : i32
      %cond3A_503 = arith.cmpi ne, %convert_element_type3A, %cond3A : i32
      scf.if %cond3A_503 {
        %dma_wait3A_1697 = arith.constant 0 : i32
        %dma_wait3A_1698 = arith.constant 0 : i32
        %dma_wait3A_1699 = arith.constant 0 : i32
        %dma_wait3A_1700 = arith.constant 0 : i32
        %dma_wait3A_1701 = tpu.memref_slice %arg14[%dma_wait3A_1697, %dma_wait3A_1699, %dma_wait3A_1700] : memref<2x50x192xf32, #tpu.memory_space<vmem>> -> memref<1x50x192xf32, #tpu.memory_space<vmem>>
        %dma_wait3A_1702 = tpu.memref_squeeze %dma_wait3A_1701 : memref<1x50x192xf32, #tpu.memory_space<vmem>> -> memref<50x192xf32, #tpu.memory_space<vmem>>
        %dma_wait3A_1703 = arith.constant 0 : i32
        %dma_wait3A_1704 = arith.constant 0 : i32
        %dma_wait3A_1705 = tpu.memref_slice %arg6[%dma_wait3A_1698, %dma_wait3A_1703, %dma_wait3A_1704] : memref<4096x50x192xf32, #tpu.memory_space<hbm>> -> memref<1x50x192xf32, #tpu.memory_space<hbm>>
        %dma_wait3A_1706 = tpu.memref_squeeze %dma_wait3A_1705 : memref<1x50x192xf32, #tpu.memory_space<hbm>> -> memref<50x192xf32, #tpu.memory_space<hbm>>
        %dma_wait3A_1707 = arith.constant 0 : i32
        %dma_wait3A_1708 = arith.constant 0 : i32
        %dma_wait3A_1709 = tpu.memref_slice %arg6[%dma_wait3A_1698, %dma_wait3A_1707, %dma_wait3A_1708] : memref<4096x50x192xf32, #tpu.memory_space<hbm>> -> memref<1x50x192xf32, #tpu.memory_space<hbm>>
        %dma_wait3A_1710 = tpu.memref_squeeze %dma_wait3A_1709 : memref<1x50x192xf32, #tpu.memory_space<hbm>> -> memref<50x192xf32, #tpu.memory_space<hbm>>
        %dma_wait3A_1711 = arith.constant 0 : i32
        %dma_wait3A_1712 = arith.constant 0 : i32
        %dma_wait3A_1713 = tpu.memref_slice %arg14[%dma_wait3A_1697, %dma_wait3A_1711, %dma_wait3A_1712] : memref<2x50x192xf32, #tpu.memory_space<vmem>> -> memref<1x50x192xf32, #tpu.memory_space<vmem>>
        %dma_wait3A_1714 = tpu.memref_squeeze %dma_wait3A_1713 : memref<1x50x192xf32, #tpu.memory_space<vmem>> -> memref<50x192xf32, #tpu.memory_space<vmem>>
        tpu.wait_dma2 semaphore(%arg20 : memref<!tpu.dma_semaphore, #tpu.memory_space<semaphore_mem>>) src(%dma_wait3A_1714 : memref<50x192xf32, #tpu.memory_space<vmem>>) dst(%dma_wait3A_1710 : memref<50x192xf32, #tpu.memory_space<hbm>>)
      } else {
      }
      %parallel_loop3A = arith.constant 0 : i32
      %parallel_loop3A_504 = arith.constant 50 : i32
      %parallel_loop3A_505 = arith.constant 1 : i32
      %parallel_loop3A_506 = arith.constant 0 : i32
      %parallel_loop3A_507 = arith.constant 0 : i32
      %parallel_loop3A_508 = arith.constant 0 : i32
      %parallel_loop3A_509 = arith.constant 0 : i32
      %parallel_loop3A_510 = arith.constant 0 : i32
      %parallel_loop3A_511 = arith.constant 0 : i32
      scf.for %parallel_loop3A_1697 = %parallel_loop3A to %parallel_loop3A_504 step %parallel_loop3A_505  : i32 {
        %parallel_loop3A_1698 = arith.constant 0 : i32
        %parallel_loop3A_1699 = arith.constant 0 : i32
        %parallel_loop3A_1700 = tpu.memref_slice %arg9[%parallel_loop3A_506, %parallel_loop3A_1698, %parallel_loop3A_1699] : memref<2x56x128xf32, #tpu.memory_space<vmem>> -> memref<1x56x128xf32, #tpu.memory_space<vmem>>
        %parallel_loop3A_1701 = tpu.memref_squeeze %parallel_loop3A_1700 : memref<1x56x128xf32, #tpu.memory_space<vmem>> -> memref<56x128xf32, #tpu.memory_space<vmem>>
        %parallel_loop3A_1702 = arith.index_cast %parallel_loop3A_1697 : i32 to index
        %parallel_loop3A_1703 = arith.constant 0 : index
        %parallel_loop3A_1704 = tpu.vector_load %parallel_loop3A_1701[%parallel_loop3A_1702, %parallel_loop3A_1703] {strides = array<i32>} : memref<56x128xf32, #tpu.memory_space<vmem>>, vector<1x16xf32>,
        %parallel_loop3A_1705 = vector.shape_cast %parallel_loop3A_1704 : vector<1x16xf32> to vector<16xf32>
        %parallel_loop3A_1706 = arith.constant 0 : i32
        %parallel_loop3A_1707 = arith.constant 0 : i32
        %parallel_loop3A_1708 = tpu.memref_slice %arg10[%parallel_loop3A_507, %parallel_loop3A_1706, %parallel_loop3A_1707] : memref<2x56x128xf32, #tpu.memory_space<vmem>> -> memref<1x56x128xf32, #tpu.memory_space<vmem>>
        %parallel_loop3A_1709 = tpu.memref_squeeze %parallel_loop3A_1708 : memref<1x56x128xf32, #tpu.memory_space<vmem>> -> memref<56x128xf32, #tpu.memory_space<vmem>>
        %parallel_loop3A_1710 = arith.index_cast %parallel_loop3A_1697 : i32 to index
        %parallel_loop3A_1711 = arith.constant 0 : index
        %parallel_loop3A_1712 = tpu.vector_load %parallel_loop3A_1709[%parallel_loop3A_1710, %parallel_loop3A_1711] {strides = array<i32>} : memref<56x128xf32, #tpu.memory_space<vmem>>, vector<1x16xf32>,
        %parallel_loop3A_1713 = vector.shape_cast %parallel_loop3A_1712 : vector<1x16xf32> to vector<16xf32>
        %parallel_loop3A_1714 = arith.addf %parallel_loop3A_1705, %parallel_loop3A_1713 : vector<16xf32>
        %parallel_loop3A_1715 = arith.constant 0 : i32
        %parallel_loop3A_1716 = arith.constant 0 : i32
        %parallel_loop3A_1717 = tpu.memref_slice %arg11[%parallel_loop3A_508, %parallel_loop3A_1715, %parallel_loop3A_1716] : memref<2x56x128xf32, #tpu.memory_space<vmem>> -> memref<1x56x128xf32, #tpu.memory_space<vmem>>
        %parallel_loop3A_1718 = tpu.memref_squeeze %parallel_loop3A_1717 : memref<1x56x128xf32, #tpu.memory_space<vmem>> -> memref<56x128xf32, #tpu.memory_space<vmem>>
        %parallel_loop3A_1719 = arith.index_cast %parallel_loop3A_1697 : i32 to index
        %parallel_loop3A_1720 = arith.constant 0 : index
        %parallel_loop3A_1721 = tpu.vector_load %parallel_loop3A_1718[%parallel_loop3A_1719, %parallel_loop3A_1720] {strides = array<i32>} : memref<56x128xf32, #tpu.memory_space<vmem>>, vector<1x16xf32>,
        %parallel_loop3A_1722 = vector.shape_cast %parallel_loop3A_1721 : vector<1x16xf32> to vector<16xf32>
        %parallel_loop3A_1723 = arith.addf %parallel_loop3A_1714, %parallel_loop3A_1722 : vector<16xf32>
        %parallel_loop3A_1724 = arith.constant 0 : i32
        %parallel_loop3A_1725 = arith.constant 0 : i32
        %parallel_loop3A_1726 = tpu.memref_slice %arg9[%parallel_loop3A_506, %parallel_loop3A_1724, %parallel_loop3A_1725] : memref<2x56x128xf32, #tpu.memory_space<vmem>> -> memref<1x56x128xf32, #tpu.memory_space<vmem>>
        %parallel_loop3A_1727 = tpu.memref_squeeze %parallel_loop3A_1726 : memref<1x56x128xf32, #tpu.memory_space<vmem>> -> memref<56x128xf32, #tpu.memory_space<vmem>>
        %parallel_loop3A_1728 = arith.index_cast %parallel_loop3A_1697 : i32 to index
        %parallel_loop3A_1729 = arith.constant 64 : index
        %parallel_loop3A_1730 = tpu.vector_load %parallel_loop3A_1727[%parallel_loop3A_1728, %parallel_loop3A_1729] {strides = array<i32>} : memref<56x128xf32, #tpu.memory_space<vmem>>, vector<1x16xf32>,
        %parallel_loop3A_1731 = vector.shape_cast %parallel_loop3A_1730 : vector<1x16xf32> to vector<16xf32>
        %parallel_loop3A_1732 = arith.constant 0 : i32
        %parallel_loop3A_1733 = arith.constant 0 : i32
        %parallel_loop3A_1734 = tpu.memref_slice %arg10[%parallel_loop3A_507, %parallel_loop3A_1732, %parallel_loop3A_1733] : memref<2x56x128xf32, #tpu.memory_space<vmem>> -> memref<1x56x128xf32, #tpu.memory_space<vmem>>
        %parallel_loop3A_1735 = tpu.memref_squeeze %parallel_loop3A_1734 : memref<1x56x128xf32, #tpu.memory_space<vmem>> -> memref<56x128xf32, #tpu.memory_space<vmem>>
        %parallel_loop3A_1736 = arith.index_cast %parallel_loop3A_1697 : i32 to index
        %parallel_loop3A_1737 = arith.constant 64 : index
        %parallel_loop3A_1738 = tpu.vector_load %parallel_loop3A_1735[%parallel_loop3A_1736, %parallel_loop3A_1737] {strides = array<i32>} : memref<56x128xf32, #tpu.memory_space<vmem>>, vector<1x16xf32>,
        %parallel_loop3A_1739 = vector.shape_cast %parallel_loop3A_1738 : vector<1x16xf32> to vector<16xf32>
        %parallel_loop3A_1740 = arith.addf %parallel_loop3A_1731, %parallel_loop3A_1739 : vector<16xf32>
        %parallel_loop3A_1741 = arith.constant 0 : i32
        %parallel_loop3A_1742 = arith.constant 0 : i32
        %parallel_loop3A_1743 = tpu.memref_slice %arg11[%parallel_loop3A_508, %parallel_loop3A_1741, %parallel_loop3A_1742] : memref<2x56x128xf32, #tpu.memory_space<vmem>> -> memref<1x56x128xf32, #tpu.memory_space<vmem>>
        %parallel_loop3A_1744 = tpu.memref_squeeze %parallel_loop3A_1743 : memref<1x56x128xf32, #tpu.memory_space<vmem>> -> memref<56x128xf32, #tpu.memory_space<vmem>>
        %parallel_loop3A_1745 = arith.index_cast %parallel_loop3A_1697 : i32 to index
        %parallel_loop3A_1746 = arith.constant 64 : index
        %parallel_loop3A_1747 = tpu.vector_load %parallel_loop3A_1744[%parallel_loop3A_1745, %parallel_loop3A_1746] {strides = array<i32>} : memref<56x128xf32, #tpu.memory_space<vmem>>, vector<1x16xf32>,
        %parallel_loop3A_1748 = vector.shape_cast %parallel_loop3A_1747 : vector<1x16xf32> to vector<16xf32>
        %parallel_loop3A_1749 = arith.addf %parallel_loop3A_1740, %parallel_loop3A_1748 : vector<16xf32>
        %parallel_loop3A_1750 = arith.constant 0 : i32
        %parallel_loop3A_1751 = arith.constant 0 : i32
        %parallel_loop3A_1752 = tpu.memref_slice %arg13[%parallel_loop3A_509, %parallel_loop3A_1750, %parallel_loop3A_1751] : memref<2x56x128xf32, #tpu.memory_space<vmem>> -> memref<1x56x128xf32, #tpu.memory_space<vmem>>
        %parallel_loop3A_1753 = tpu.memref_squeeze %parallel_loop3A_1752 : memref<1x56x128xf32, #tpu.memory_space<vmem>> -> memref<56x128xf32, #tpu.memory_space<vmem>>
        %parallel_loop3A_1754 = arith.index_cast %parallel_loop3A_1697 : i32 to index
        %parallel_loop3A_1755 = arith.constant 64 : index
        %parallel_loop3A_1756 = tpu.vector_load %parallel_loop3A_1753[%parallel_loop3A_1754, %parallel_loop3A_1755] {strides = array<i32>} : memref<56x128xf32, #tpu.memory_space<vmem>>, vector<1x16xf32>,
        %parallel_loop3A_1757 = vector.shape_cast %parallel_loop3A_1756 : vector<1x16xf32> to vector<16xf32>
        %parallel_loop3A_1758 = tpu.bitcast %parallel_loop3A_1757 : vector<16xf32> -> vector<16xi32>
        %parallel_loop3A_1759 = arith.constant 16 : i32
        %parallel_loop3A_1760 = vector.broadcast %parallel_loop3A_1759 : i32 to vector<16xi32>
        %parallel_loop3A_1761 = arith.shli %parallel_loop3A_1758, %parallel_loop3A_1760 : vector<16xi32>
        %parallel_loop3A_1762 = tpu.bitcast %parallel_loop3A_1761 : vector<16xi32> -> vector<16xf32>
        %parallel_loop3A_1763 = arith.constant -65536 : i32
        %parallel_loop3A_1764 = vector.broadcast %parallel_loop3A_1763 : i32 to vector<16xi32>
        %parallel_loop3A_1765 = arith.andi %parallel_loop3A_1758, %parallel_loop3A_1764 : vector<16xi32>
        %parallel_loop3A_1766 = tpu.bitcast %parallel_loop3A_1765 : vector<16xi32> -> vector<16xf32>
        %parallel_loop3A_1767 = arith.mulf %parallel_loop3A_1723, %parallel_loop3A_1762 : vector<16xf32>
        %parallel_loop3A_1768 = arith.mulf %parallel_loop3A_1749, %parallel_loop3A_1766 : vector<16xf32>
        %parallel_loop3A_1769 = arith.subf %parallel_loop3A_1767, %parallel_loop3A_1768 : vector<16xf32>
        %parallel_loop3A_1770 = arith.constant 0 : i32
        %parallel_loop3A_1771 = arith.constant 0 : i32
        %parallel_loop3A_1772 = tpu.memref_slice %arg14[%parallel_loop3A_510, %parallel_loop3A_1770, %parallel_loop3A_1771] : memref<2x50x192xf32, #tpu.memory_space<vmem>> -> memref<1x50x192xf32, #tpu.memory_space<vmem>>
        %parallel_loop3A_1773 = tpu.memref_squeeze %parallel_loop3A_1772 : memref<1x50x192xf32, #tpu.memory_space<vmem>> -> memref<50x192xf32, #tpu.memory_space<vmem>>
        %parallel_loop3A_1774 = arith.index_cast %parallel_loop3A_1697 : i32 to index
        %parallel_loop3A_1775 = arith.constant 0 : index
        %parallel_loop3A_1776 = tpu.vector_load %parallel_loop3A_1773[%parallel_loop3A_1774, %parallel_loop3A_1775] {strides = array<i32>} : memref<50x192xf32, #tpu.memory_space<vmem>>, vector<1x16xf32>,
        %parallel_loop3A_1777 = vector.shape_cast %parallel_loop3A_1776 : vector<1x16xf32> to vector<16xf32>
        %parallel_loop3A_1778 = vector.shape_cast %parallel_loop3A_1769 : vector<16xf32> to vector<1x16xf32>
        tpu.vector_store %parallel_loop3A_1773[%parallel_loop3A_1774, %parallel_loop3A_1775], %parallel_loop3A_1778 {strides = array<i32>} : memref<50x192xf32, #tpu.memory_space<vmem>>, vector<1x16xf32>,
        %parallel_loop3A_1779 = arith.mulf %parallel_loop3A_1749, %parallel_loop3A_1762 : vector<16xf32>
        %parallel_loop3A_1780 = arith.mulf %parallel_loop3A_1723, %parallel_loop3A_1766 : vector<16xf32>
        %parallel_loop3A_1781 = arith.addf %parallel_loop3A_1779, %parallel_loop3A_1780 : vector<16xf32>
        %parallel_loop3A_1782 = arith.constant 0 : i32
        %parallel_loop3A_1783 = arith.constant 0 : i32
        %parallel_loop3A_1784 = tpu.memref_slice %arg14[%parallel_loop3A_510, %parallel_loop3A_1782, %parallel_loop3A_1783] : memref<2x50x192xf32, #tpu.memory_space<vmem>> -> memref<1x50x192xf32, #tpu.memory_space<vmem>>
        %parallel_loop3A_1785 = tpu.memref_squeeze %parallel_loop3A_1784 : memref<1x50x192xf32, #tpu.memory_space<vmem>> -> memref<50x192xf32, #tpu.memory_space<vmem>>
        %parallel_loop3A_1786 = arith.index_cast %parallel_loop3A_1697 : i32 to index
        %parallel_loop3A_1787 = arith.constant 64 : index
        %parallel_loop3A_1788 = tpu.vector_load %parallel_loop3A_1785[%parallel_loop3A_1786, %parallel_loop3A_1787] {strides = array<i32>} : memref<50x192xf32, #tpu.memory_space<vmem>>, vector<1x16xf32>,
        %parallel_loop3A_1789 = vector.shape_cast %parallel_loop3A_1788 : vector<1x16xf32> to vector<16xf32>
        %parallel_loop3A_1790 = vector.shape_cast %parallel_loop3A_1781 : vector<16xf32> to vector<1x16xf32>
        tpu.vector_store %parallel_loop3A_1785[%parallel_loop3A_1786, %parallel_loop3A_1787], %parallel_loop3A_1790 {strides = array<i32>} : memref<50x192xf32, #tpu.memory_space<vmem>>, vector<1x16xf32>,
        %parallel_loop3A_1791 = arith.constant 0 : i32
        %parallel_loop3A_1792 = arith.constant 0 : i32
        %parallel_loop3A_1793 = tpu.memref_slice %arg13[%parallel_loop3A_509, %parallel_loop3A_1791, %parallel_loop3A_1792] : memref<2x56x128xf32, #tpu.memory_space<vmem>> -> memref<1x56x128xf32, #tpu.memory_space<vmem>>
        %parallel_loop3A_1794 = tpu.memref_squeeze %parallel_loop3A_1793 : memref<1x56x128xf32, #tpu.memory_space<vmem>> -> memref<56x128xf32, #tpu.memory_space<vmem>>
        %parallel_loop3A_1795 = arith.index_cast %parallel_loop3A_1697 : i32 to index
        %parallel_loop3A_1796 = arith.constant 0 : index
        %parallel_loop3A_1797 = tpu.vector_load %parallel_loop3A_1794[%parallel_loop3A_1795, %parallel_loop3A_1796] {strides = array<i32>} : memref<56x128xf32, #tpu.memory_space<vmem>>, vector<1x16xf32>,
        %parallel_loop3A_1798 = vector.shape_cast %parallel_loop3A_1797 : vector<1x16xf32> to vector<16xf32>
        %parallel_loop3A_1799 = arith.constant 0 : i32
        %parallel_loop3A_1800 = arith.constant 0 : i32
        %parallel_loop3A_1801 = tpu.memref_slice %arg12[%parallel_loop3A_511, %parallel_loop3A_1799, %parallel_loop3A_1800] : memref<2x56x128xf32, #tpu.memory_space<vmem>> -> memref<1x56x128xf32, #tpu.memory_space<vmem>>
        %parallel_loop3A_1802 = tpu.memref_squeeze %parallel_loop3A_1801 : memref<1x56x128xf32, #tpu.memory_space<vmem>> -> memref<56x128xf32, #tpu.memory_space<vmem>>
        %parallel_loop3A_1803 = arith.index_cast %parallel_loop3A_1697 : i32 to index
        %parallel_loop3A_1804 = arith.constant 0 : index
        %parallel_loop3A_1805 = tpu.vector_load %parallel_loop3A_1802[%parallel_loop3A_1803, %parallel_loop3A_1804] {strides = array<i32>} : memref<56x128xf32, #tpu.memory_space<vmem>>, vector<1x16xf32>,
        %parallel_loop3A_1806 = vector.shape_cast %parallel_loop3A_1805 : vector<1x16xf32> to vector<16xf32>
        %parallel_loop3A_1807 = arith.addf %parallel_loop3A_1798, %parallel_loop3A_1806 : vector<16xf32>
        %parallel_loop3A_1808 = arith.constant 0 : i32
        %parallel_loop3A_1809 = arith.constant 0 : i32
        %parallel_loop3A_1810 = tpu.memref_slice %arg14[%parallel_loop3A_510, %parallel_loop3A_1808, %parallel_loop3A_1809] : memref<2x50x192xf32, #tpu.memory_space<vmem>> -> memref<1x50x192xf32, #tpu.memory_space<vmem>>
        %parallel_loop3A_1811 = tpu.memref_squeeze %parallel_loop3A_1810 : memref<1x50x192xf32, #tpu.memory_space<vmem>> -> memref<50x192xf32, #tpu.memory_space<vmem>>
        %parallel_loop3A_1812 = arith.index_cast %parallel_loop3A_1697 : i32 to index
        %parallel_loop3A_1813 = arith.constant 128 : index
        %parallel_loop3A_1814 = tpu.vector_load %parallel_loop3A_1811[%parallel_loop3A_1812, %parallel_loop3A_1813] {strides = array<i32>} : memref<50x192xf32, #tpu.memory_space<vmem>>, vector<1x16xf32>,
        %parallel_loop3A_1815 = vector.shape_cast %parallel_loop3A_1814 : vector<1x16xf32> to vector<16xf32>
        %parallel_loop3A_1816 = vector.shape_cast %parallel_loop3A_1807 : vector<16xf32> to vector<1x16xf32>
        tpu.vector_store %parallel_loop3A_1811[%parallel_loop3A_1812, %parallel_loop3A_1813], %parallel_loop3A_1816 {strides = array<i32>} : memref<50x192xf32, #tpu.memory_space<vmem>>, vector<1x16xf32>,
        %parallel_loop3A_1817 = arith.constant 0 : i32
        %parallel_loop3A_1818 = arith.constant 0 : i32
        %parallel_loop3A_1819 = tpu.memref_slice %arg9[%parallel_loop3A_506, %parallel_loop3A_1817, %parallel_loop3A_1818] : memref<2x56x128xf32, #tpu.memory_space<vmem>> -> memref<1x56x128xf32, #tpu.memory_space<vmem>>
        %parallel_loop3A_1820 = tpu.memref_squeeze %parallel_loop3A_1819 : memref<1x56x128xf32, #tpu.memory_space<vmem>> -> memref<56x128xf32, #tpu.memory_space<vmem>>
        %parallel_loop3A_1821 = arith.index_cast %parallel_loop3A_1697 : i32 to index
        %parallel_loop3A_1822 = arith.constant 16 : index
        %parallel_loop3A_1823 = tpu.vector_load %parallel_loop3A_1820[%parallel_loop3A_1821, %parallel_loop3A_1822] {strides = array<i32>} : memref<56x128xf32, #tpu.memory_space<vmem>>, vector<1x16xf32>,
        %parallel_loop3A_1824 = vector.shape_cast %parallel_loop3A_1823 : vector<1x16xf32> to vector<16xf32>
        %parallel_loop3A_1825 = arith.constant 0 : i32
        %parallel_loop3A_1826 = arith.constant 0 : i32
        %parallel_loop3A_1827 = tpu.memref_slice %arg10[%parallel_loop3A_507, %parallel_loop3A_1825, %parallel_loop3A_1826] : memref<2x56x128xf32, #tpu.memory_space<vmem>> -> memref<1x56x128xf32, #tpu.memory_space<vmem>>
        %parallel_loop3A_1828 = tpu.memref_squeeze %parallel_loop3A_1827 : memref<1x56x128xf32, #tpu.memory_space<vmem>> -> memref<56x128xf32, #tpu.memory_space<vmem>>
        %parallel_loop3A_1829 = arith.index_cast %parallel_loop3A_1697 : i32 to index
        %parallel_loop3A_1830 = arith.constant 16 : index
        %parallel_loop3A_1831 = tpu.vector_load %parallel_loop3A_1828[%parallel_loop3A_1829, %parallel_loop3A_1830] {strides = array<i32>} : memref<56x128xf32, #tpu.memory_space<vmem>>, vector<1x16xf32>,
        %parallel_loop3A_1832 = vector.shape_cast %parallel_loop3A_1831 : vector<1x16xf32> to vector<16xf32>
        %parallel_loop3A_1833 = arith.addf %parallel_loop3A_1824, %parallel_loop3A_1832 : vector<16xf32>
        %parallel_loop3A_1834 = arith.constant 0 : i32
        %parallel_loop3A_1835 = arith.constant 0 : i32
        %parallel_loop3A_1836 = tpu.memref_slice %arg11[%parallel_loop3A_508, %parallel_loop3A_1834, %parallel_loop3A_1835] : memref<2x56x128xf32, #tpu.memory_space<vmem>> -> memref<1x56x128xf32, #tpu.memory_space<vmem>>
        %parallel_loop3A_1837 = tpu.memref_squeeze %parallel_loop3A_1836 : memref<1x56x128xf32, #tpu.memory_space<vmem>> -> memref<56x128xf32, #tpu.memory_space<vmem>>
        %parallel_loop3A_1838 = arith.index_cast %parallel_loop3A_1697 : i32 to index
        %parallel_loop3A_1839 = arith.constant 16 : index
        %parallel_loop3A_1840 = tpu.vector_load %parallel_loop3A_1837[%parallel_loop3A_1838, %parallel_loop3A_1839] {strides = array<i32>} : memref<56x128xf32, #tpu.memory_space<vmem>>, vector<1x16xf32>,
        %parallel_loop3A_1841 = vector.shape_cast %parallel_loop3A_1840 : vector<1x16xf32> to vector<16xf32>
        %parallel_loop3A_1842 = arith.addf %parallel_loop3A_1833, %parallel_loop3A_1841 : vector<16xf32>
        %parallel_loop3A_1843 = arith.constant 0 : i32
        %parallel_loop3A_1844 = arith.constant 0 : i32
        %parallel_loop3A_1845 = tpu.memref_slice %arg9[%parallel_loop3A_506, %parallel_loop3A_1843, %parallel_loop3A_1844] : memref<2x56x128xf32, #tpu.memory_space<vmem>> -> memref<1x56x128xf32, #tpu.memory_space<vmem>>
        %parallel_loop3A_1846 = tpu.memref_squeeze %parallel_loop3A_1845 : memref<1x56x128xf32, #tpu.memory_space<vmem>> -> memref<56x128xf32, #tpu.memory_space<vmem>>
        %parallel_loop3A_1847 = arith.index_cast %parallel_loop3A_1697 : i32 to index
        %parallel_loop3A_1848 = arith.constant 80 : index
        %parallel_loop3A_1849 = tpu.vector_load %parallel_loop3A_1846[%parallel_loop3A_1847, %parallel_loop3A_1848] {strides = array<i32>} : memref<56x128xf32, #tpu.memory_space<vmem>>, vector<1x16xf32>,
        %parallel_loop3A_1850 = vector.shape_cast %parallel_loop3A_1849 : vector<1x16xf32> to vector<16xf32>
        %parallel_loop3A_1851 = arith.constant 0 : i32
        %parallel_loop3A_1852 = arith.constant 0 : i32
        %parallel_loop3A_1853 = tpu.memref_slice %arg10[%parallel_loop3A_507, %parallel_loop3A_1851, %parallel_loop3A_1852] : memref<2x56x128xf32, #tpu.memory_space<vmem>> -> memref<1x56x128xf32, #tpu.memory_space<vmem>>
        %parallel_loop3A_1854 = tpu.memref_squeeze %parallel_loop3A_1853 : memref<1x56x128xf32, #tpu.memory_space<vmem>> -> memref<56x128xf32, #tpu.memory_space<vmem>>
        %parallel_loop3A_1855 = arith.index_cast %parallel_loop3A_1697 : i32 to index
        %parallel_loop3A_1856 = arith.constant 80 : index
        %parallel_loop3A_1857 = tpu.vector_load %parallel_loop3A_1854[%parallel_loop3A_1855, %parallel_loop3A_1856] {strides = array<i32>} : memref<56x128xf32, #tpu.memory_space<vmem>>, vector<1x16xf32>,
        %parallel_loop3A_1858 = vector.shape_cast %parallel_loop3A_1857 : vector<1x16xf32> to vector<16xf32>
        %parallel_loop3A_1859 = arith.addf %parallel_loop3A_1850, %parallel_loop3A_1858 : vector<16xf32>
        %parallel_loop3A_1860 = arith.constant 0 : i32
        %parallel_loop3A_1861 = arith.constant 0 : i32
        %parallel_loop3A_1862 = tpu.memref_slice %arg11[%parallel_loop3A_508, %parallel_loop3A_1860, %parallel_loop3A_1861] : memref<2x56x128xf32, #tpu.memory_space<vmem>> -> memref<1x56x128xf32, #tpu.memory_space<vmem>>
        %parallel_loop3A_1863 = tpu.memref_squeeze %parallel_loop3A_1862 : memref<1x56x128xf32, #tpu.memory_space<vmem>> -> memref<56x128xf32, #tpu.memory_space<vmem>>
        %parallel_loop3A_1864 = arith.index_cast %parallel_loop3A_1697 : i32 to index
        %parallel_loop3A_1865 = arith.constant 80 : index
        %parallel_loop3A_1866 = tpu.vector_load %parallel_loop3A_1863[%parallel_loop3A_1864, %parallel_loop3A_1865] {strides = array<i32>} : memref<56x128xf32, #tpu.memory_space<vmem>>, vector<1x16xf32>,
        %parallel_loop3A_1867 = vector.shape_cast %parallel_loop3A_1866 : vector<1x16xf32> to vector<16xf32>
        %parallel_loop3A_1868 = arith.addf %parallel_loop3A_1859, %parallel_loop3A_1867 : vector<16xf32>
        %parallel_loop3A_1869 = arith.constant 0 : i32
        %parallel_loop3A_1870 = arith.constant 0 : i32
        %parallel_loop3A_1871 = tpu.memref_slice %arg13[%parallel_loop3A_509, %parallel_loop3A_1869, %parallel_loop3A_1870] : memref<2x56x128xf32, #tpu.memory_space<vmem>> -> memref<1x56x128xf32, #tpu.memory_space<vmem>>
        %parallel_loop3A_1872 = tpu.memref_squeeze %parallel_loop3A_1871 : memref<1x56x128xf32, #tpu.memory_space<vmem>> -> memref<56x128xf32, #tpu.memory_space<vmem>>
        %parallel_loop3A_1873 = arith.index_cast %parallel_loop3A_1697 : i32 to index
        %parallel_loop3A_1874 = arith.constant 80 : index
        %parallel_loop3A_1875 = tpu.vector_load %parallel_loop3A_1872[%parallel_loop3A_1873, %parallel_loop3A_1874] {strides = array<i32>} : memref<56x128xf32, #tpu.memory_space<vmem>>, vector<1x16xf32>,
        %parallel_loop3A_1876 = vector.shape_cast %parallel_loop3A_1875 : vector<1x16xf32> to vector<16xf32>
        %parallel_loop3A_1877 = tpu.bitcast %parallel_loop3A_1876 : vector<16xf32> -> vector<16xi32>
        %parallel_loop3A_1878 = arith.constant 16 : i32
        %parallel_loop3A_1879 = vector.broadcast %parallel_loop3A_1878 : i32 to vector<16xi32>
        %parallel_loop3A_1880 = arith.shli %parallel_loop3A_1877, %parallel_loop3A_1879 : vector<16xi32>
        %parallel_loop3A_1881 = tpu.bitcast %parallel_loop3A_1880 : vector<16xi32> -> vector<16xf32>
        %parallel_loop3A_1882 = arith.constant -65536 : i32
        %parallel_loop3A_1883 = vector.broadcast %parallel_loop3A_1882 : i32 to vector<16xi32>
        %parallel_loop3A_1884 = arith.andi %parallel_loop3A_1877, %parallel_loop3A_1883 : vector<16xi32>
        %parallel_loop3A_1885 = tpu.bitcast %parallel_loop3A_1884 : vector<16xi32> -> vector<16xf32>
        %parallel_loop3A_1886 = arith.mulf %parallel_loop3A_1842, %parallel_loop3A_1881 : vector<16xf32>
        %parallel_loop3A_1887 = arith.mulf %parallel_loop3A_1868, %parallel_loop3A_1885 : vector<16xf32>
        %parallel_loop3A_1888 = arith.subf %parallel_loop3A_1886, %parallel_loop3A_1887 : vector<16xf32>
        %parallel_loop3A_1889 = arith.constant 0 : i32
        %parallel_loop3A_1890 = arith.constant 0 : i32
        %parallel_loop3A_1891 = tpu.memref_slice %arg14[%parallel_loop3A_510, %parallel_loop3A_1889, %parallel_loop3A_1890] : memref<2x50x192xf32, #tpu.memory_space<vmem>> -> memref<1x50x192xf32, #tpu.memory_space<vmem>>
        %parallel_loop3A_1892 = tpu.memref_squeeze %parallel_loop3A_1891 : memref<1x50x192xf32, #tpu.memory_space<vmem>> -> memref<50x192xf32, #tpu.memory_space<vmem>>
        %parallel_loop3A_1893 = arith.index_cast %parallel_loop3A_1697 : i32 to index
        %parallel_loop3A_1894 = arith.constant 16 : index
        %parallel_loop3A_1895 = tpu.vector_load %parallel_loop3A_1892[%parallel_loop3A_1893, %parallel_loop3A_1894] {strides = array<i32>} : memref<50x192xf32, #tpu.memory_space<vmem>>, vector<1x16xf32>,
        %parallel_loop3A_1896 = vector.shape_cast %parallel_loop3A_1895 : vector<1x16xf32> to vector<16xf32>
        %parallel_loop3A_1897 = vector.shape_cast %parallel_loop3A_1888 : vector<16xf32> to vector<1x16xf32>
        tpu.vector_store %parallel_loop3A_1892[%parallel_loop3A_1893, %parallel_loop3A_1894], %parallel_loop3A_1897 {strides = array<i32>} : memref<50x192xf32, #tpu.memory_space<vmem>>, vector<1x16xf32>,
        %parallel_loop3A_1898 = arith.mulf %parallel_loop3A_1868, %parallel_loop3A_1881 : vector<16xf32>
        %parallel_loop3A_1899 = arith.mulf %parallel_loop3A_1842, %parallel_loop3A_1885 : vector<16xf32>
        %parallel_loop3A_1900 = arith.addf %parallel_loop3A_1898, %parallel_loop3A_1899 : vector<16xf32>
        %parallel_loop3A_1901 = arith.constant 0 : i32
        %parallel_loop3A_1902 = arith.constant 0 : i32
        %parallel_loop3A_1903 = tpu.memref_slice %arg14[%parallel_loop3A_510, %parallel_loop3A_1901, %parallel_loop3A_1902] : memref<2x50x192xf32, #tpu.memory_space<vmem>> -> memref<1x50x192xf32, #tpu.memory_space<vmem>>
        %parallel_loop3A_1904 = tpu.memref_squeeze %parallel_loop3A_1903 : memref<1x50x192xf32, #tpu.memory_space<vmem>> -> memref<50x192xf32, #tpu.memory_space<vmem>>
        %parallel_loop3A_1905 = arith.index_cast %parallel_loop3A_1697 : i32 to index
        %parallel_loop3A_1906 = arith.constant 80 : index
        %parallel_loop3A_1907 = tpu.vector_load %parallel_loop3A_1904[%parallel_loop3A_1905, %parallel_loop3A_1906] {strides = array<i32>} : memref<50x192xf32, #tpu.memory_space<vmem>>, vector<1x16xf32>,
        %parallel_loop3A_1908 = vector.shape_cast %parallel_loop3A_1907 : vector<1x16xf32> to vector<16xf32>
        %parallel_loop3A_1909 = vector.shape_cast %parallel_loop3A_1900 : vector<16xf32> to vector<1x16xf32>
        tpu.vector_store %parallel_loop3A_1904[%parallel_loop3A_1905, %parallel_loop3A_1906], %parallel_loop3A_1909 {strides = array<i32>} : memref<50x192xf32, #tpu.memory_space<vmem>>, vector<1x16xf32>,
        %parallel_loop3A_1910 = arith.constant 0 : i32
        %parallel_loop3A_1911 = arith.constant 0 : i32
        %parallel_loop3A_1912 = tpu.memref_slice %arg13[%parallel_loop3A_509, %parallel_loop3A_1910, %parallel_loop3A_1911] : memref<2x56x128xf32, #tpu.memory_space<vmem>> -> memref<1x56x128xf32, #tpu.memory_space<vmem>>
        %parallel_loop3A_1913 = tpu.memref_squeeze %parallel_loop3A_1912 : memref<1x56x128xf32, #tpu.memory_space<vmem>> -> memref<56x128xf32, #tpu.memory_space<vmem>>
        %parallel_loop3A_1914 = arith.index_cast %parallel_loop3A_1697 : i32 to index
        %parallel_loop3A_1915 = arith.constant 16 : index
        %parallel_loop3A_1916 = tpu.vector_load %parallel_loop3A_1913[%parallel_loop3A_1914, %parallel_loop3A_1915] {strides = array<i32>} : memref<56x128xf32, #tpu.memory_space<vmem>>, vector<1x16xf32>,
        %parallel_loop3A_1917 = vector.shape_cast %parallel_loop3A_1916 : vector<1x16xf32> to vector<16xf32>
        %parallel_loop3A_1918 = arith.constant 0 : i32
        %parallel_loop3A_1919 = arith.constant 0 : i32
        %parallel_loop3A_1920 = tpu.memref_slice %arg12[%parallel_loop3A_511, %parallel_loop3A_1918, %parallel_loop3A_1919] : memref<2x56x128xf32, #tpu.memory_space<vmem>> -> memref<1x56x128xf32, #tpu.memory_space<vmem>>
        %parallel_loop3A_1921 = tpu.memref_squeeze %parallel_loop3A_1920 : memref<1x56x128xf32, #tpu.memory_space<vmem>> -> memref<56x128xf32, #tpu.memory_space<vmem>>
        %parallel_loop3A_1922 = arith.index_cast %parallel_loop3A_1697 : i32 to index
        %parallel_loop3A_1923 = arith.constant 16 : index
        %parallel_loop3A_1924 = tpu.vector_load %parallel_loop3A_1921[%parallel_loop3A_1922, %parallel_loop3A_1923] {strides = array<i32>} : memref<56x128xf32, #tpu.memory_space<vmem>>, vector<1x16xf32>,
        %parallel_loop3A_1925 = vector.shape_cast %parallel_loop3A_1924 : vector<1x16xf32> to vector<16xf32>
        %parallel_loop3A_1926 = arith.addf %parallel_loop3A_1917, %parallel_loop3A_1925 : vector<16xf32>
        %parallel_loop3A_1927 = arith.constant 0 : i32
        %parallel_loop3A_1928 = arith.constant 0 : i32
        %parallel_loop3A_1929 = tpu.memref_slice %arg14[%parallel_loop3A_510, %parallel_loop3A_1927, %parallel_loop3A_1928] : memref<2x50x192xf32, #tpu.memory_space<vmem>> -> memref<1x50x192xf32, #tpu.memory_space<vmem>>
        %parallel_loop3A_1930 = tpu.memref_squeeze %parallel_loop3A_1929 : memref<1x50x192xf32, #tpu.memory_space<vmem>> -> memref<50x192xf32, #tpu.memory_space<vmem>>
        %parallel_loop3A_1931 = arith.index_cast %parallel_loop3A_1697 : i32 to index
        %parallel_loop3A_1932 = arith.constant 144 : index
        %parallel_loop3A_1933 = tpu.vector_load %parallel_loop3A_1930[%parallel_loop3A_1931, %parallel_loop3A_1932] {strides = array<i32>} : memref<50x192xf32, #tpu.memory_space<vmem>>, vector<1x16xf32>,
        %parallel_loop3A_1934 = vector.shape_cast %parallel_loop3A_1933 : vector<1x16xf32> to vector<16xf32>
        %parallel_loop3A_1935 = vector.shape_cast %parallel_loop3A_1926 : vector<16xf32> to vector<1x16xf32>
        tpu.vector_store %parallel_loop3A_1930[%parallel_loop3A_1931, %parallel_loop3A_1932], %parallel_loop3A_1935 {strides = array<i32>} : memref<50x192xf32, #tpu.memory_space<vmem>>, vector<1x16xf32>,
        %parallel_loop3A_1936 = arith.constant 0 : i32
        %parallel_loop3A_1937 = arith.constant 0 : i32
        %parallel_loop3A_1938 = tpu.memref_slice %arg9[%parallel_loop3A_506, %parallel_loop3A_1936, %parallel_loop3A_1937] : memref<2x56x128xf32, #tpu.memory_space<vmem>> -> memref<1x56x128xf32, #tpu.memory_space<vmem>>
        %parallel_loop3A_1939 = tpu.memref_squeeze %parallel_loop3A_1938 : memref<1x56x128xf32, #tpu.memory_space<vmem>> -> memref<56x128xf32, #tpu.memory_space<vmem>>
        %parallel_loop3A_1940 = arith.index_cast %parallel_loop3A_1697 : i32 to index
        %parallel_loop3A_1941 = arith.constant 32 : index
        %parallel_loop3A_1942 = tpu.vector_load %parallel_loop3A_1939[%parallel_loop3A_1940, %parallel_loop3A_1941] {strides = array<i32>} : memref<56x128xf32, #tpu.memory_space<vmem>>, vector<1x16xf32>,
        %parallel_loop3A_1943 = vector.shape_cast %parallel_loop3A_1942 : vector<1x16xf32> to vector<16xf32>
        %parallel_loop3A_1944 = arith.constant 0 : i32
        %parallel_loop3A_1945 = arith.constant 0 : i32
        %parallel_loop3A_1946 = tpu.memref_slice %arg10[%parallel_loop3A_507, %parallel_loop3A_1944, %parallel_loop3A_1945] : memref<2x56x128xf32, #tpu.memory_space<vmem>> -> memref<1x56x128xf32, #tpu.memory_space<vmem>>
        %parallel_loop3A_1947 = tpu.memref_squeeze %parallel_loop3A_1946 : memref<1x56x128xf32, #tpu.memory_space<vmem>> -> memref<56x128xf32, #tpu.memory_space<vmem>>
        %parallel_loop3A_1948 = arith.index_cast %parallel_loop3A_1697 : i32 to index
        %parallel_loop3A_1949 = arith.constant 32 : index
        %parallel_loop3A_1950 = tpu.vector_load %parallel_loop3A_1947[%parallel_loop3A_1948, %parallel_loop3A_1949] {strides = array<i32>} : memref<56x128xf32, #tpu.memory_space<vmem>>, vector<1x16xf32>,
        %parallel_loop3A_1951 = vector.shape_cast %parallel_loop3A_1950 : vector<1x16xf32> to vector<16xf32>
        %parallel_loop3A_1952 = arith.addf %parallel_loop3A_1943, %parallel_loop3A_1951 : vector<16xf32>
        %parallel_loop3A_1953 = arith.constant 0 : i32
        %parallel_loop3A_1954 = arith.constant 0 : i32
        %parallel_loop3A_1955 = tpu.memref_slice %arg11[%parallel_loop3A_508, %parallel_loop3A_1953, %parallel_loop3A_1954] : memref<2x56x128xf32, #tpu.memory_space<vmem>> -> memref<1x56x128xf32, #tpu.memory_space<vmem>>
        %parallel_loop3A_1956 = tpu.memref_squeeze %parallel_loop3A_1955 : memref<1x56x128xf32, #tpu.memory_space<vmem>> -> memref<56x128xf32, #tpu.memory_space<vmem>>
        %parallel_loop3A_1957 = arith.index_cast %parallel_loop3A_1697 : i32 to index
        %parallel_loop3A_1958 = arith.constant 32 : index
        %parallel_loop3A_1959 = tpu.vector_load %parallel_loop3A_1956[%parallel_loop3A_1957, %parallel_loop3A_1958] {strides = array<i32>} : memref<56x128xf32, #tpu.memory_space<vmem>>, vector<1x16xf32>,
        %parallel_loop3A_1960 = vector.shape_cast %parallel_loop3A_1959 : vector<1x16xf32> to vector<16xf32>
        %parallel_loop3A_1961 = arith.addf %parallel_loop3A_1952, %parallel_loop3A_1960 : vector<16xf32>
        %parallel_loop3A_1962 = arith.constant 0 : i32
        %parallel_loop3A_1963 = arith.constant 0 : i32
        %parallel_loop3A_1964 = tpu.memref_slice %arg9[%parallel_loop3A_506, %parallel_loop3A_1962, %parallel_loop3A_1963] : memref<2x56x128xf32, #tpu.memory_space<vmem>> -> memref<1x56x128xf32, #tpu.memory_space<vmem>>
        %parallel_loop3A_1965 = tpu.memref_squeeze %parallel_loop3A_1964 : memref<1x56x128xf32, #tpu.memory_space<vmem>> -> memref<56x128xf32, #tpu.memory_space<vmem>>
        %parallel_loop3A_1966 = arith.index_cast %parallel_loop3A_1697 : i32 to index
        %parallel_loop3A_1967 = arith.constant 96 : index
        %parallel_loop3A_1968 = tpu.vector_load %parallel_loop3A_1965[%parallel_loop3A_1966, %parallel_loop3A_1967] {strides = array<i32>} : memref<56x128xf32, #tpu.memory_space<vmem>>, vector<1x16xf32>,
        %parallel_loop3A_1969 = vector.shape_cast %parallel_loop3A_1968 : vector<1x16xf32> to vector<16xf32>
        %parallel_loop3A_1970 = arith.constant 0 : i32
        %parallel_loop3A_1971 = arith.constant 0 : i32
        %parallel_loop3A_1972 = tpu.memref_slice %arg10[%parallel_loop3A_507, %parallel_loop3A_1970, %parallel_loop3A_1971] : memref<2x56x128xf32, #tpu.memory_space<vmem>> -> memref<1x56x128xf32, #tpu.memory_space<vmem>>
        %parallel_loop3A_1973 = tpu.memref_squeeze %parallel_loop3A_1972 : memref<1x56x128xf32, #tpu.memory_space<vmem>> -> memref<56x128xf32, #tpu.memory_space<vmem>>
        %parallel_loop3A_1974 = arith.index_cast %parallel_loop3A_1697 : i32 to index
        %parallel_loop3A_1975 = arith.constant 96 : index
        %parallel_loop3A_1976 = tpu.vector_load %parallel_loop3A_1973[%parallel_loop3A_1974, %parallel_loop3A_1975] {strides = array<i32>} : memref<56x128xf32, #tpu.memory_space<vmem>>, vector<1x16xf32>,
        %parallel_loop3A_1977 = vector.shape_cast %parallel_loop3A_1976 : vector<1x16xf32> to vector<16xf32>
        %parallel_loop3A_1978 = arith.addf %parallel_loop3A_1969, %parallel_loop3A_1977 : vector<16xf32>
        %parallel_loop3A_1979 = arith.constant 0 : i32
        %parallel_loop3A_1980 = arith.constant 0 : i32
        %parallel_loop3A_1981 = tpu.memref_slice %arg11[%parallel_loop3A_508, %parallel_loop3A_1979, %parallel_loop3A_1980] : memref<2x56x128xf32, #tpu.memory_space<vmem>> -> memref<1x56x128xf32, #tpu.memory_space<vmem>>
        %parallel_loop3A_1982 = tpu.memref_squeeze %parallel_loop3A_1981 : memref<1x56x128xf32, #tpu.memory_space<vmem>> -> memref<56x128xf32, #tpu.memory_space<vmem>>
        %parallel_loop3A_1983 = arith.index_cast %parallel_loop3A_1697 : i32 to index
        %parallel_loop3A_1984 = arith.constant 96 : index
        %parallel_loop3A_1985 = tpu.vector_load %parallel_loop3A_1982[%parallel_loop3A_1983, %parallel_loop3A_1984] {strides = array<i32>} : memref<56x128xf32, #tpu.memory_space<vmem>>, vector<1x16xf32>,
        %parallel_loop3A_1986 = vector.shape_cast %parallel_loop3A_1985 : vector<1x16xf32> to vector<16xf32>
        %parallel_loop3A_1987 = arith.addf %parallel_loop3A_1978, %parallel_loop3A_1986 : vector<16xf32>
        %parallel_loop3A_1988 = arith.constant 0 : i32
        %parallel_loop3A_1989 = arith.constant 0 : i32
        %parallel_loop3A_1990 = tpu.memref_slice %arg13[%parallel_loop3A_509, %parallel_loop3A_1988, %parallel_loop3A_1989] : memref<2x56x128xf32, #tpu.memory_space<vmem>> -> memref<1x56x128xf32, #tpu.memory_space<vmem>>
        %parallel_loop3A_1991 = tpu.memref_squeeze %parallel_loop3A_1990 : memref<1x56x128xf32, #tpu.memory_space<vmem>> -> memref<56x128xf32, #tpu.memory_space<vmem>>
        %parallel_loop3A_1992 = arith.index_cast %parallel_loop3A_1697 : i32 to index
        %parallel_loop3A_1993 = arith.constant 96 : index
        %parallel_loop3A_1994 = tpu.vector_load %parallel_loop3A_1991[%parallel_loop3A_1992, %parallel_loop3A_1993] {strides = array<i32>} : memref<56x128xf32, #tpu.memory_space<vmem>>, vector<1x16xf32>,
        %parallel_loop3A_1995 = vector.shape_cast %parallel_loop3A_1994 : vector<1x16xf32> to vector<16xf32>
        %parallel_loop3A_1996 = tpu.bitcast %parallel_loop3A_1995 : vector<16xf32> -> vector<16xi32>
        %parallel_loop3A_1997 = arith.constant 16 : i32
        %parallel_loop3A_1998 = vector.broadcast %parallel_loop3A_1997 : i32 to vector<16xi32>
        %parallel_loop3A_1999 = arith.shli %parallel_loop3A_1996, %parallel_loop3A_1998 : vector<16xi32>
        %parallel_loop3A_2000 = tpu.bitcast %parallel_loop3A_1999 : vector<16xi32> -> vector<16xf32>
        %parallel_loop3A_2001 = arith.constant -65536 : i32
        %parallel_loop3A_2002 = vector.broadcast %parallel_loop3A_2001 : i32 to vector<16xi32>
        %parallel_loop3A_2003 = arith.andi %parallel_loop3A_1996, %parallel_loop3A_2002 : vector<16xi32>
        %parallel_loop3A_2004 = tpu.bitcast %parallel_loop3A_2003 : vector<16xi32> -> vector<16xf32>
        %parallel_loop3A_2005 = arith.mulf %parallel_loop3A_1961, %parallel_loop3A_2000 : vector<16xf32>
        %parallel_loop3A_2006 = arith.mulf %parallel_loop3A_1987, %parallel_loop3A_2004 : vector<16xf32>
        %parallel_loop3A_2007 = arith.subf %parallel_loop3A_2005, %parallel_loop3A_2006 : vector<16xf32>
        %parallel_loop3A_2008 = arith.constant 0 : i32
        %parallel_loop3A_2009 = arith.constant 0 : i32
        %parallel_loop3A_2010 = tpu.memref_slice %arg14[%parallel_loop3A_510, %parallel_loop3A_2008, %parallel_loop3A_2009] : memref<2x50x192xf32, #tpu.memory_space<vmem>> -> memref<1x50x192xf32, #tpu.memory_space<vmem>>
        %parallel_loop3A_2011 = tpu.memref_squeeze %parallel_loop3A_2010 : memref<1x50x192xf32, #tpu.memory_space<vmem>> -> memref<50x192xf32, #tpu.memory_space<vmem>>
        %parallel_loop3A_2012 = arith.index_cast %parallel_loop3A_1697 : i32 to index
        %parallel_loop3A_2013 = arith.constant 32 : index
        %parallel_loop3A_2014 = tpu.vector_load %parallel_loop3A_2011[%parallel_loop3A_2012, %parallel_loop3A_2013] {strides = array<i32>} : memref<50x192xf32, #tpu.memory_space<vmem>>, vector<1x16xf32>,
        %parallel_loop3A_2015 = vector.shape_cast %parallel_loop3A_2014 : vector<1x16xf32> to vector<16xf32>
        %parallel_loop3A_2016 = vector.shape_cast %parallel_loop3A_2007 : vector<16xf32> to vector<1x16xf32>
        tpu.vector_store %parallel_loop3A_2011[%parallel_loop3A_2012, %parallel_loop3A_2013], %parallel_loop3A_2016 {strides = array<i32>} : memref<50x192xf32, #tpu.memory_space<vmem>>, vector<1x16xf32>,
        %parallel_loop3A_2017 = arith.mulf %parallel_loop3A_1987, %parallel_loop3A_2000 : vector<16xf32>
        %parallel_loop3A_2018 = arith.mulf %parallel_loop3A_1961, %parallel_loop3A_2004 : vector<16xf32>
        %parallel_loop3A_2019 = arith.addf %parallel_loop3A_2017, %parallel_loop3A_2018 : vector<16xf32>
        %parallel_loop3A_2020 = arith.constant 0 : i32
        %parallel_loop3A_2021 = arith.constant 0 : i32
        %parallel_loop3A_2022 = tpu.memref_slice %arg14[%parallel_loop3A_510, %parallel_loop3A_2020, %parallel_loop3A_2021] : memref<2x50x192xf32, #tpu.memory_space<vmem>> -> memref<1x50x192xf32, #tpu.memory_space<vmem>>
        %parallel_loop3A_2023 = tpu.memref_squeeze %parallel_loop3A_2022 : memref<1x50x192xf32, #tpu.memory_space<vmem>> -> memref<50x192xf32, #tpu.memory_space<vmem>>
        %parallel_loop3A_2024 = arith.index_cast %parallel_loop3A_1697 : i32 to index
        %parallel_loop3A_2025 = arith.constant 96 : index
        %parallel_loop3A_2026 = tpu.vector_load %parallel_loop3A_2023[%parallel_loop3A_2024, %parallel_loop3A_2025] {strides = array<i32>} : memref<50x192xf32, #tpu.memory_space<vmem>>, vector<1x16xf32>,
        %parallel_loop3A_2027 = vector.shape_cast %parallel_loop3A_2026 : vector<1x16xf32> to vector<16xf32>
        %parallel_loop3A_2028 = vector.shape_cast %parallel_loop3A_2019 : vector<16xf32> to vector<1x16xf32>
        tpu.vector_store %parallel_loop3A_2023[%parallel_loop3A_2024, %parallel_loop3A_2025], %parallel_loop3A_2028 {strides = array<i32>} : memref<50x192xf32, #tpu.memory_space<vmem>>, vector<1x16xf32>,
        %parallel_loop3A_2029 = arith.constant 0 : i32
        %parallel_loop3A_2030 = arith.constant 0 : i32
        %parallel_loop3A_2031 = tpu.memref_slice %arg13[%parallel_loop3A_509, %parallel_loop3A_2029, %parallel_loop3A_2030] : memref<2x56x128xf32, #tpu.memory_space<vmem>> -> memref<1x56x128xf32, #tpu.memory_space<vmem>>
        %parallel_loop3A_2032 = tpu.memref_squeeze %parallel_loop3A_2031 : memref<1x56x128xf32, #tpu.memory_space<vmem>> -> memref<56x128xf32, #tpu.memory_space<vmem>>
        %parallel_loop3A_2033 = arith.index_cast %parallel_loop3A_1697 : i32 to index
        %parallel_loop3A_2034 = arith.constant 32 : index
        %parallel_loop3A_2035 = tpu.vector_load %parallel_loop3A_2032[%parallel_loop3A_2033, %parallel_loop3A_2034] {strides = array<i32>} : memref<56x128xf32, #tpu.memory_space<vmem>>, vector<1x16xf32>,
        %parallel_loop3A_2036 = vector.shape_cast %parallel_loop3A_2035 : vector<1x16xf32> to vector<16xf32>
        %parallel_loop3A_2037 = arith.constant 0 : i32
        %parallel_loop3A_2038 = arith.constant 0 : i32
        %parallel_loop3A_2039 = tpu.memref_slice %arg12[%parallel_loop3A_511, %parallel_loop3A_2037, %parallel_loop3A_2038] : memref<2x56x128xf32, #tpu.memory_space<vmem>> -> memref<1x56x128xf32, #tpu.memory_space<vmem>>
        %parallel_loop3A_2040 = tpu.memref_squeeze %parallel_loop3A_2039 : memref<1x56x128xf32, #tpu.memory_space<vmem>> -> memref<56x128xf32, #tpu.memory_space<vmem>>
        %parallel_loop3A_2041 = arith.index_cast %parallel_loop3A_1697 : i32 to index
        %parallel_loop3A_2042 = arith.constant 32 : index
        %parallel_loop3A_2043 = tpu.vector_load %parallel_loop3A_2040[%parallel_loop3A_2041, %parallel_loop3A_2042] {strides = array<i32>} : memref<56x128xf32, #tpu.memory_space<vmem>>, vector<1x16xf32>,
        %parallel_loop3A_2044 = vector.shape_cast %parallel_loop3A_2043 : vector<1x16xf32> to vector<16xf32>
        %parallel_loop3A_2045 = arith.addf %parallel_loop3A_2036, %parallel_loop3A_2044 : vector<16xf32>
        %parallel_loop3A_2046 = arith.constant 0 : i32
        %parallel_loop3A_2047 = arith.constant 0 : i32
        %parallel_loop3A_2048 = tpu.memref_slice %arg14[%parallel_loop3A_510, %parallel_loop3A_2046, %parallel_loop3A_2047] : memref<2x50x192xf32, #tpu.memory_space<vmem>> -> memref<1x50x192xf32, #tpu.memory_space<vmem>>
        %parallel_loop3A_2049 = tpu.memref_squeeze %parallel_loop3A_2048 : memref<1x50x192xf32, #tpu.memory_space<vmem>> -> memref<50x192xf32, #tpu.memory_space<vmem>>
        %parallel_loop3A_2050 = arith.index_cast %parallel_loop3A_1697 : i32 to index
        %parallel_loop3A_2051 = arith.constant 160 : index
        %parallel_loop3A_2052 = tpu.vector_load %parallel_loop3A_2049[%parallel_loop3A_2050, %parallel_loop3A_2051] {strides = array<i32>} : memref<50x192xf32, #tpu.memory_space<vmem>>, vector<1x16xf32>,
        %parallel_loop3A_2053 = vector.shape_cast %parallel_loop3A_2052 : vector<1x16xf32> to vector<16xf32>
        %parallel_loop3A_2054 = vector.shape_cast %parallel_loop3A_2045 : vector<16xf32> to vector<1x16xf32>
        tpu.vector_store %parallel_loop3A_2049[%parallel_loop3A_2050, %parallel_loop3A_2051], %parallel_loop3A_2054 {strides = array<i32>} : memref<50x192xf32, #tpu.memory_space<vmem>>, vector<1x16xf32>,
        %parallel_loop3A_2055 = arith.constant 0 : i32
        %parallel_loop3A_2056 = arith.constant 0 : i32
        %parallel_loop3A_2057 = tpu.memref_slice %arg9[%parallel_loop3A_506, %parallel_loop3A_2055, %parallel_loop3A_2056] : memref<2x56x128xf32, #tpu.memory_space<vmem>> -> memref<1x56x128xf32, #tpu.memory_space<vmem>>
        %parallel_loop3A_2058 = tpu.memref_squeeze %parallel_loop3A_2057 : memref<1x56x128xf32, #tpu.memory_space<vmem>> -> memref<56x128xf32, #tpu.memory_space<vmem>>
        %parallel_loop3A_2059 = arith.index_cast %parallel_loop3A_1697 : i32 to index
        %parallel_loop3A_2060 = arith.constant 48 : index
        %parallel_loop3A_2061 = tpu.vector_load %parallel_loop3A_2058[%parallel_loop3A_2059, %parallel_loop3A_2060] {strides = array<i32>} : memref<56x128xf32, #tpu.memory_space<vmem>>, vector<1x16xf32>,
        %parallel_loop3A_2062 = vector.shape_cast %parallel_loop3A_2061 : vector<1x16xf32> to vector<16xf32>
        %parallel_loop3A_2063 = arith.constant 0 : i32
        %parallel_loop3A_2064 = arith.constant 0 : i32
        %parallel_loop3A_2065 = tpu.memref_slice %arg10[%parallel_loop3A_507, %parallel_loop3A_2063, %parallel_loop3A_2064] : memref<2x56x128xf32, #tpu.memory_space<vmem>> -> memref<1x56x128xf32, #tpu.memory_space<vmem>>
        %parallel_loop3A_2066 = tpu.memref_squeeze %parallel_loop3A_2065 : memref<1x56x128xf32, #tpu.memory_space<vmem>> -> memref<56x128xf32, #tpu.memory_space<vmem>>
        %parallel_loop3A_2067 = arith.index_cast %parallel_loop3A_1697 : i32 to index
        %parallel_loop3A_2068 = arith.constant 48 : index
        %parallel_loop3A_2069 = tpu.vector_load %parallel_loop3A_2066[%parallel_loop3A_2067, %parallel_loop3A_2068] {strides = array<i32>} : memref<56x128xf32, #tpu.memory_space<vmem>>, vector<1x16xf32>,
        %parallel_loop3A_2070 = vector.shape_cast %parallel_loop3A_2069 : vector<1x16xf32> to vector<16xf32>
        %parallel_loop3A_2071 = arith.addf %parallel_loop3A_2062, %parallel_loop3A_2070 : vector<16xf32>
        %parallel_loop3A_2072 = arith.constant 0 : i32
        %parallel_loop3A_2073 = arith.constant 0 : i32
        %parallel_loop3A_2074 = tpu.memref_slice %arg11[%parallel_loop3A_508, %parallel_loop3A_2072, %parallel_loop3A_2073] : memref<2x56x128xf32, #tpu.memory_space<vmem>> -> memref<1x56x128xf32, #tpu.memory_space<vmem>>
        %parallel_loop3A_2075 = tpu.memref_squeeze %parallel_loop3A_2074 : memref<1x56x128xf32, #tpu.memory_space<vmem>> -> memref<56x128xf32, #tpu.memory_space<vmem>>
        %parallel_loop3A_2076 = arith.index_cast %parallel_loop3A_1697 : i32 to index
        %parallel_loop3A_2077 = arith.constant 48 : index
        %parallel_loop3A_2078 = tpu.vector_load %parallel_loop3A_2075[%parallel_loop3A_2076, %parallel_loop3A_2077] {strides = array<i32>} : memref<56x128xf32, #tpu.memory_space<vmem>>, vector<1x16xf32>,
        %parallel_loop3A_2079 = vector.shape_cast %parallel_loop3A_2078 : vector<1x16xf32> to vector<16xf32>
        %parallel_loop3A_2080 = arith.addf %parallel_loop3A_2071, %parallel_loop3A_2079 : vector<16xf32>
        %parallel_loop3A_2081 = arith.constant 0 : i32
        %parallel_loop3A_2082 = arith.constant 0 : i32
        %parallel_loop3A_2083 = tpu.memref_slice %arg9[%parallel_loop3A_506, %parallel_loop3A_2081, %parallel_loop3A_2082] : memref<2x56x128xf32, #tpu.memory_space<vmem>> -> memref<1x56x128xf32, #tpu.memory_space<vmem>>
        %parallel_loop3A_2084 = tpu.memref_squeeze %parallel_loop3A_2083 : memref<1x56x128xf32, #tpu.memory_space<vmem>> -> memref<56x128xf32, #tpu.memory_space<vmem>>
        %parallel_loop3A_2085 = arith.index_cast %parallel_loop3A_1697 : i32 to index
        %parallel_loop3A_2086 = arith.constant 112 : index
        %parallel_loop3A_2087 = tpu.vector_load %parallel_loop3A_2084[%parallel_loop3A_2085, %parallel_loop3A_2086] {strides = array<i32>} : memref<56x128xf32, #tpu.memory_space<vmem>>, vector<1x16xf32>,
        %parallel_loop3A_2088 = vector.shape_cast %parallel_loop3A_2087 : vector<1x16xf32> to vector<16xf32>
        %parallel_loop3A_2089 = arith.constant 0 : i32
        %parallel_loop3A_2090 = arith.constant 0 : i32
        %parallel_loop3A_2091 = tpu.memref_slice %arg10[%parallel_loop3A_507, %parallel_loop3A_2089, %parallel_loop3A_2090] : memref<2x56x128xf32, #tpu.memory_space<vmem>> -> memref<1x56x128xf32, #tpu.memory_space<vmem>>
        %parallel_loop3A_2092 = tpu.memref_squeeze %parallel_loop3A_2091 : memref<1x56x128xf32, #tpu.memory_space<vmem>> -> memref<56x128xf32, #tpu.memory_space<vmem>>
        %parallel_loop3A_2093 = arith.index_cast %parallel_loop3A_1697 : i32 to index
        %parallel_loop3A_2094 = arith.constant 112 : index
        %parallel_loop3A_2095 = tpu.vector_load %parallel_loop3A_2092[%parallel_loop3A_2093, %parallel_loop3A_2094] {strides = array<i32>} : memref<56x128xf32, #tpu.memory_space<vmem>>, vector<1x16xf32>,
        %parallel_loop3A_2096 = vector.shape_cast %parallel_loop3A_2095 : vector<1x16xf32> to vector<16xf32>
        %parallel_loop3A_2097 = arith.addf %parallel_loop3A_2088, %parallel_loop3A_2096 : vector<16xf32>
        %parallel_loop3A_2098 = arith.constant 0 : i32
        %parallel_loop3A_2099 = arith.constant 0 : i32
        %parallel_loop3A_2100 = tpu.memref_slice %arg11[%parallel_loop3A_508, %parallel_loop3A_2098, %parallel_loop3A_2099] : memref<2x56x128xf32, #tpu.memory_space<vmem>> -> memref<1x56x128xf32, #tpu.memory_space<vmem>>
        %parallel_loop3A_2101 = tpu.memref_squeeze %parallel_loop3A_2100 : memref<1x56x128xf32, #tpu.memory_space<vmem>> -> memref<56x128xf32, #tpu.memory_space<vmem>>
        %parallel_loop3A_2102 = arith.index_cast %parallel_loop3A_1697 : i32 to index
        %parallel_loop3A_2103 = arith.constant 112 : index
        %parallel_loop3A_2104 = tpu.vector_load %parallel_loop3A_2101[%parallel_loop3A_2102, %parallel_loop3A_2103] {strides = array<i32>} : memref<56x128xf32, #tpu.memory_space<vmem>>, vector<1x16xf32>,
        %parallel_loop3A_2105 = vector.shape_cast %parallel_loop3A_2104 : vector<1x16xf32> to vector<16xf32>
        %parallel_loop3A_2106 = arith.addf %parallel_loop3A_2097, %parallel_loop3A_2105 : vector<16xf32>
        %parallel_loop3A_2107 = arith.constant 0 : i32
        %parallel_loop3A_2108 = arith.constant 0 : i32
        %parallel_loop3A_2109 = tpu.memref_slice %arg13[%parallel_loop3A_509, %parallel_loop3A_2107, %parallel_loop3A_2108] : memref<2x56x128xf32, #tpu.memory_space<vmem>> -> memref<1x56x128xf32, #tpu.memory_space<vmem>>
        %parallel_loop3A_2110 = tpu.memref_squeeze %parallel_loop3A_2109 : memref<1x56x128xf32, #tpu.memory_space<vmem>> -> memref<56x128xf32, #tpu.memory_space<vmem>>
        %parallel_loop3A_2111 = arith.index_cast %parallel_loop3A_1697 : i32 to index
        %parallel_loop3A_2112 = arith.constant 112 : index
        %parallel_loop3A_2113 = tpu.vector_load %parallel_loop3A_2110[%parallel_loop3A_2111, %parallel_loop3A_2112] {strides = array<i32>} : memref<56x128xf32, #tpu.memory_space<vmem>>, vector<1x16xf32>,
        %parallel_loop3A_2114 = vector.shape_cast %parallel_loop3A_2113 : vector<1x16xf32> to vector<16xf32>
        %parallel_loop3A_2115 = tpu.bitcast %parallel_loop3A_2114 : vector<16xf32> -> vector<16xi32>
        %parallel_loop3A_2116 = arith.constant 16 : i32
        %parallel_loop3A_2117 = vector.broadcast %parallel_loop3A_2116 : i32 to vector<16xi32>
        %parallel_loop3A_2118 = arith.shli %parallel_loop3A_2115, %parallel_loop3A_2117 : vector<16xi32>
        %parallel_loop3A_2119 = tpu.bitcast %parallel_loop3A_2118 : vector<16xi32> -> vector<16xf32>
        %parallel_loop3A_2120 = arith.constant -65536 : i32
        %parallel_loop3A_2121 = vector.broadcast %parallel_loop3A_2120 : i32 to vector<16xi32>
        %parallel_loop3A_2122 = arith.andi %parallel_loop3A_2115, %parallel_loop3A_2121 : vector<16xi32>
        %parallel_loop3A_2123 = tpu.bitcast %parallel_loop3A_2122 : vector<16xi32> -> vector<16xf32>
        %parallel_loop3A_2124 = arith.mulf %parallel_loop3A_2080, %parallel_loop3A_2119 : vector<16xf32>
        %parallel_loop3A_2125 = arith.mulf %parallel_loop3A_2106, %parallel_loop3A_2123 : vector<16xf32>
        %parallel_loop3A_2126 = arith.subf %parallel_loop3A_2124, %parallel_loop3A_2125 : vector<16xf32>
        %parallel_loop3A_2127 = arith.constant 0 : i32
        %parallel_loop3A_2128 = arith.constant 0 : i32
        %parallel_loop3A_2129 = tpu.memref_slice %arg14[%parallel_loop3A_510, %parallel_loop3A_2127, %parallel_loop3A_2128] : memref<2x50x192xf32, #tpu.memory_space<vmem>> -> memref<1x50x192xf32, #tpu.memory_space<vmem>>
        %parallel_loop3A_2130 = tpu.memref_squeeze %parallel_loop3A_2129 : memref<1x50x192xf32, #tpu.memory_space<vmem>> -> memref<50x192xf32, #tpu.memory_space<vmem>>
        %parallel_loop3A_2131 = arith.index_cast %parallel_loop3A_1697 : i32 to index
        %parallel_loop3A_2132 = arith.constant 48 : index
        %parallel_loop3A_2133 = tpu.vector_load %parallel_loop3A_2130[%parallel_loop3A_2131, %parallel_loop3A_2132] {strides = array<i32>} : memref<50x192xf32, #tpu.memory_space<vmem>>, vector<1x16xf32>,
        %parallel_loop3A_2134 = vector.shape_cast %parallel_loop3A_2133 : vector<1x16xf32> to vector<16xf32>
        %parallel_loop3A_2135 = vector.shape_cast %parallel_loop3A_2126 : vector<16xf32> to vector<1x16xf32>
        tpu.vector_store %parallel_loop3A_2130[%parallel_loop3A_2131, %parallel_loop3A_2132], %parallel_loop3A_2135 {strides = array<i32>} : memref<50x192xf32, #tpu.memory_space<vmem>>, vector<1x16xf32>,
        %parallel_loop3A_2136 = arith.mulf %parallel_loop3A_2106, %parallel_loop3A_2119 : vector<16xf32>
        %parallel_loop3A_2137 = arith.mulf %parallel_loop3A_2080, %parallel_loop3A_2123 : vector<16xf32>
        %parallel_loop3A_2138 = arith.addf %parallel_loop3A_2136, %parallel_loop3A_2137 : vector<16xf32>
        %parallel_loop3A_2139 = arith.constant 0 : i32
        %parallel_loop3A_2140 = arith.constant 0 : i32
        %parallel_loop3A_2141 = tpu.memref_slice %arg14[%parallel_loop3A_510, %parallel_loop3A_2139, %parallel_loop3A_2140] : memref<2x50x192xf32, #tpu.memory_space<vmem>> -> memref<1x50x192xf32, #tpu.memory_space<vmem>>
        %parallel_loop3A_2142 = tpu.memref_squeeze %parallel_loop3A_2141 : memref<1x50x192xf32, #tpu.memory_space<vmem>> -> memref<50x192xf32, #tpu.memory_space<vmem>>
        %parallel_loop3A_2143 = arith.index_cast %parallel_loop3A_1697 : i32 to index
        %parallel_loop3A_2144 = arith.constant 112 : index
        %parallel_loop3A_2145 = tpu.vector_load %parallel_loop3A_2142[%parallel_loop3A_2143, %parallel_loop3A_2144] {strides = array<i32>} : memref<50x192xf32, #tpu.memory_space<vmem>>, vector<1x16xf32>,
        %parallel_loop3A_2146 = vector.shape_cast %parallel_loop3A_2145 : vector<1x16xf32> to vector<16xf32>
        %parallel_loop3A_2147 = vector.shape_cast %parallel_loop3A_2138 : vector<16xf32> to vector<1x16xf32>
        tpu.vector_store %parallel_loop3A_2142[%parallel_loop3A_2143, %parallel_loop3A_2144], %parallel_loop3A_2147 {strides = array<i32>} : memref<50x192xf32, #tpu.memory_space<vmem>>, vector<1x16xf32>,
        %parallel_loop3A_2148 = arith.constant 0 : i32
        %parallel_loop3A_2149 = arith.constant 0 : i32
        %parallel_loop3A_2150 = tpu.memref_slice %arg13[%parallel_loop3A_509, %parallel_loop3A_2148, %parallel_loop3A_2149] : memref<2x56x128xf32, #tpu.memory_space<vmem>> -> memref<1x56x128xf32, #tpu.memory_space<vmem>>
        %parallel_loop3A_2151 = tpu.memref_squeeze %parallel_loop3A_2150 : memref<1x56x128xf32, #tpu.memory_space<vmem>> -> memref<56x128xf32, #tpu.memory_space<vmem>>
        %parallel_loop3A_2152 = arith.index_cast %parallel_loop3A_1697 : i32 to index
        %parallel_loop3A_2153 = arith.constant 48 : index
        %parallel_loop3A_2154 = tpu.vector_load %parallel_loop3A_2151[%parallel_loop3A_2152, %parallel_loop3A_2153] {strides = array<i32>} : memref<56x128xf32, #tpu.memory_space<vmem>>, vector<1x16xf32>,
        %parallel_loop3A_2155 = vector.shape_cast %parallel_loop3A_2154 : vector<1x16xf32> to vector<16xf32>
        %parallel_loop3A_2156 = arith.constant 0 : i32
        %parallel_loop3A_2157 = arith.constant 0 : i32
        %parallel_loop3A_2158 = tpu.memref_slice %arg12[%parallel_loop3A_511, %parallel_loop3A_2156, %parallel_loop3A_2157] : memref<2x56x128xf32, #tpu.memory_space<vmem>> -> memref<1x56x128xf32, #tpu.memory_space<vmem>>
        %parallel_loop3A_2159 = tpu.memref_squeeze %parallel_loop3A_2158 : memref<1x56x128xf32, #tpu.memory_space<vmem>> -> memref<56x128xf32, #tpu.memory_space<vmem>>
        %parallel_loop3A_2160 = arith.index_cast %parallel_loop3A_1697 : i32 to index
        %parallel_loop3A_2161 = arith.constant 48 : index
        %parallel_loop3A_2162 = tpu.vector_load %parallel_loop3A_2159[%parallel_loop3A_2160, %parallel_loop3A_2161] {strides = array<i32>} : memref<56x128xf32, #tpu.memory_space<vmem>>, vector<1x16xf32>,
        %parallel_loop3A_2163 = vector.shape_cast %parallel_loop3A_2162 : vector<1x16xf32> to vector<16xf32>
        %parallel_loop3A_2164 = arith.addf %parallel_loop3A_2155, %parallel_loop3A_2163 : vector<16xf32>
        %parallel_loop3A_2165 = arith.constant 0 : i32
        %parallel_loop3A_2166 = arith.constant 0 : i32
        %parallel_loop3A_2167 = tpu.memref_slice %arg14[%parallel_loop3A_510, %parallel_loop3A_2165, %parallel_loop3A_2166] : memref<2x50x192xf32, #tpu.memory_space<vmem>> -> memref<1x50x192xf32, #tpu.memory_space<vmem>>
        %parallel_loop3A_2168 = tpu.memref_squeeze %parallel_loop3A_2167 : memref<1x50x192xf32, #tpu.memory_space<vmem>> -> memref<50x192xf32, #tpu.memory_space<vmem>>
        %parallel_loop3A_2169 = arith.index_cast %parallel_loop3A_1697 : i32 to index
        %parallel_loop3A_2170 = arith.constant 176 : index
        %parallel_loop3A_2171 = tpu.vector_load %parallel_loop3A_2168[%parallel_loop3A_2169, %parallel_loop3A_2170] {strides = array<i32>} : memref<50x192xf32, #tpu.memory_space<vmem>>, vector<1x16xf32>,
        %parallel_loop3A_2172 = vector.shape_cast %parallel_loop3A_2171 : vector<1x16xf32> to vector<16xf32>
        %parallel_loop3A_2173 = vector.shape_cast %parallel_loop3A_2164 : vector<16xf32> to vector<1x16xf32>
        tpu.vector_store %parallel_loop3A_2168[%parallel_loop3A_2169, %parallel_loop3A_2170], %parallel_loop3A_2173 {strides = array<i32>} : memref<50x192xf32, #tpu.memory_space<vmem>>, vector<1x16xf32>,
      } {sc.loop_unroll_factor = 10 : i64, sc.parallel_access}
      %add3A_512 = arith.addi %mul3A_2, %add3A_292 : i32
      %dma_start3A_513 = arith.constant 0 : i32
      %dma_start3A_514 = arith.constant 0 : i32
      %dma_start3A_515 = arith.constant 0 : i32
      %dma_start3A_516 = tpu.memref_slice %arg14[%dma_start3A_513, %dma_start3A_514, %dma_start3A_515] : memref<2x50x192xf32, #tpu.memory_space<vmem>> -> memref<1x50x192xf32, #tpu.memory_space<vmem>>
      %dma_start3A_517 = tpu.memref_squeeze %dma_start3A_516 : memref<1x50x192xf32, #tpu.memory_space<vmem>> -> memref<50x192xf32, #tpu.memory_space<vmem>>
      %dma_start3A_518 = arith.constant 0 : i32
      %dma_start3A_519 = arith.constant 0 : i32
      %dma_start3A_520 = tpu.memref_slice %arg6[%add3A_512, %dma_start3A_518, %dma_start3A_519] : memref<4096x50x192xf32, #tpu.memory_space<hbm>> -> memref<1x50x192xf32, #tpu.memory_space<hbm>>
      %dma_start3A_521 = tpu.memref_squeeze %dma_start3A_520 : memref<1x50x192xf32, #tpu.memory_space<hbm>> -> memref<50x192xf32, #tpu.memory_space<hbm>>
      %dma_start3A_522 = arith.constant 0 : i32
      %dma_start3A_523 = arith.constant 0 : i32
      %dma_start3A_524 = tpu.memref_slice %arg6[%add3A_512, %dma_start3A_522, %dma_start3A_523] : memref<4096x50x192xf32, #tpu.memory_space<hbm>> -> memref<1x50x192xf32, #tpu.memory_space<hbm>>
      %dma_start3A_525 = tpu.memref_squeeze %dma_start3A_524 : memref<1x50x192xf32, #tpu.memory_space<hbm>> -> memref<50x192xf32, #tpu.memory_space<hbm>>
      %dma_start3A_526 = arith.constant 0 : i32
      %dma_start3A_527 = arith.constant 0 : i32
      %dma_start3A_528 = tpu.memref_slice %arg14[%dma_start3A_513, %dma_start3A_526, %dma_start3A_527] : memref<2x50x192xf32, #tpu.memory_space<vmem>> -> memref<1x50x192xf32, #tpu.memory_space<vmem>>
      %dma_start3A_529 = tpu.memref_squeeze %dma_start3A_528 : memref<1x50x192xf32, #tpu.memory_space<vmem>> -> memref<50x192xf32, #tpu.memory_space<vmem>>
      tpu.enqueue_dma source(%dma_start3A_529 : memref<50x192xf32, #tpu.memory_space<vmem>>) target(%dma_start3A_525 : memref<50x192xf32, #tpu.memory_space<hbm>>) target_semaphore(%arg20 : memref<!tpu.dma_semaphore, #tpu.memory_space<semaphore_mem>>)
      %rem3A = arith.constant 16 : i32
      %rem3A_530 = arith.remsi %add3A_292, %rem3A : i32
      %get3A = arith.constant 0 : i32
      %get3A_531 = arith.constant 48 : i32
      %get3A_532 = arith.constant 0 : i32
      %get3A_533 = arith.constant 0 : i32
      %get3A_534 = tpu.memref_slice %arg14[%get3A, %get3A_532, %get3A_533] : memref<2x50x192xf32, #tpu.memory_space<vmem>> -> memref<1x50x192xf32, #tpu.memory_space<vmem>>
      %get3A_535 = tpu.memref_squeeze %get3A_534 : memref<1x50x192xf32, #tpu.memory_space<vmem>> -> memref<50x192xf32, #tpu.memory_space<vmem>>
      %get3A_536 = arith.index_cast %get3A_531 : i32 to index
      %get3A_537 = arith.constant 0 : index
      %get3A_538 = tpu.vector_load %get3A_535[%get3A_536, %get3A_537] {strides = array<i32>} : memref<50x192xf32, #tpu.memory_space<vmem>>, vector<1x16xf32>,
      %get3A_539 = vector.shape_cast %get3A_538 : vector<1x16xf32> to vector<16xf32>
      %mul3A_540 = arith.constant 2 : i32
      %mul3A_541 = arith.muli %mul3A_540, %rem3A_530 : i32
      %add3A_542 = arith.constant 0 : i32
      %add3A_543 = arith.addi %mul3A_541, %add3A_542 : i32
      %swap3A = arith.index_cast %add3A_543 : i32 to index
      %swap3A_544 = arith.constant 0 : index
      %swap3A_545 = tpu.vector_load %arg15[%swap3A, %swap3A_544] {strides = array<i32>} : memref<32x256xf32, #tpu.memory_space<vmem>>, vector<1x16xf32>,
      %swap3A_546 = vector.shape_cast %swap3A_545 : vector<1x16xf32> to vector<16xf32>
      %swap3A_547 = vector.shape_cast %get3A_539 : vector<16xf32> to vector<1x16xf32>
      tpu.vector_store %arg15[%swap3A, %swap3A_544], %swap3A_547 {strides = array<i32>} : memref<32x256xf32, #tpu.memory_space<vmem>>, vector<1x16xf32>,
      %get3A_548 = arith.constant 0 : i32
      %get3A_549 = arith.constant 48 : i32
      %get3A_550 = arith.constant 0 : i32
      %get3A_551 = arith.constant 0 : i32
      %get3A_552 = tpu.memref_slice %arg14[%get3A_548, %get3A_550, %get3A_551] : memref<2x50x192xf32, #tpu.memory_space<vmem>> -> memref<1x50x192xf32, #tpu.memory_space<vmem>>
      %get3A_553 = tpu.memref_squeeze %get3A_552 : memref<1x50x192xf32, #tpu.memory_space<vmem>> -> memref<50x192xf32, #tpu.memory_space<vmem>>
      %get3A_554 = arith.index_cast %get3A_549 : i32 to index
      %get3A_555 = arith.constant 16 : index
      %get3A_556 = tpu.vector_load %get3A_553[%get3A_554, %get3A_555] {strides = array<i32>} : memref<50x192xf32, #tpu.memory_space<vmem>>, vector<1x16xf32>,
      %get3A_557 = vector.shape_cast %get3A_556 : vector<1x16xf32> to vector<16xf32>
      %mul3A_558 = arith.constant 2 : i32
      %mul3A_559 = arith.muli %mul3A_558, %rem3A_530 : i32
      %add3A_560 = arith.constant 0 : i32
      %add3A_561 = arith.addi %mul3A_559, %add3A_560 : i32
      %swap3A_562 = arith.index_cast %add3A_561 : i32 to index
      %swap3A_563 = arith.constant 16 : index
      %swap3A_564 = tpu.vector_load %arg15[%swap3A_562, %swap3A_563] {strides = array<i32>} : memref<32x256xf32, #tpu.memory_space<vmem>>, vector<1x16xf32>,
      %swap3A_565 = vector.shape_cast %swap3A_564 : vector<1x16xf32> to vector<16xf32>
      %swap3A_566 = vector.shape_cast %get3A_557 : vector<16xf32> to vector<1x16xf32>
      tpu.vector_store %arg15[%swap3A_562, %swap3A_563], %swap3A_566 {strides = array<i32>} : memref<32x256xf32, #tpu.memory_space<vmem>>, vector<1x16xf32>,
      %get3A_567 = arith.constant 0 : i32
      %get3A_568 = arith.constant 48 : i32
      %get3A_569 = arith.constant 0 : i32
      %get3A_570 = arith.constant 0 : i32
      %get3A_571 = tpu.memref_slice %arg14[%get3A_567, %get3A_569, %get3A_570] : memref<2x50x192xf32, #tpu.memory_space<vmem>> -> memref<1x50x192xf32, #tpu.memory_space<vmem>>
      %get3A_572 = tpu.memref_squeeze %get3A_571 : memref<1x50x192xf32, #tpu.memory_space<vmem>> -> memref<50x192xf32, #tpu.memory_space<vmem>>
      %get3A_573 = arith.index_cast %get3A_568 : i32 to index
      %get3A_574 = arith.constant 32 : index
      %get3A_575 = tpu.vector_load %get3A_572[%get3A_573, %get3A_574] {strides = array<i32>} : memref<50x192xf32, #tpu.memory_space<vmem>>, vector<1x16xf32>,
      %get3A_576 = vector.shape_cast %get3A_575 : vector<1x16xf32> to vector<16xf32>
      %mul3A_577 = arith.constant 2 : i32
      %mul3A_578 = arith.muli %mul3A_577, %rem3A_530 : i32
      %add3A_579 = arith.constant 0 : i32
      %add3A_580 = arith.addi %mul3A_578, %add3A_579 : i32
      %swap3A_581 = arith.index_cast %add3A_580 : i32 to index
      %swap3A_582 = arith.constant 32 : index
      %swap3A_583 = tpu.vector_load %arg15[%swap3A_581, %swap3A_582] {strides = array<i32>} : memref<32x256xf32, #tpu.memory_space<vmem>>, vector<1x16xf32>,
      %swap3A_584 = vector.shape_cast %swap3A_583 : vector<1x16xf32> to vector<16xf32>
      %swap3A_585 = vector.shape_cast %get3A_576 : vector<16xf32> to vector<1x16xf32>
      tpu.vector_store %arg15[%swap3A_581, %swap3A_582], %swap3A_585 {strides = array<i32>} : memref<32x256xf32, #tpu.memory_space<vmem>>, vector<1x16xf32>,
      %get3A_586 = arith.constant 0 : i32
      %get3A_587 = arith.constant 48 : i32
      %get3A_588 = arith.constant 0 : i32
      %get3A_589 = arith.constant 0 : i32
      %get3A_590 = tpu.memref_slice %arg14[%get3A_586, %get3A_588, %get3A_589] : memref<2x50x192xf32, #tpu.memory_space<vmem>> -> memref<1x50x192xf32, #tpu.memory_space<vmem>>
      %get3A_591 = tpu.memref_squeeze %get3A_590 : memref<1x50x192xf32, #tpu.memory_space<vmem>> -> memref<50x192xf32, #tpu.memory_space<vmem>>
      %get3A_592 = arith.index_cast %get3A_587 : i32 to index
      %get3A_593 = arith.constant 48 : index
      %get3A_594 = tpu.vector_load %get3A_591[%get3A_592, %get3A_593] {strides = array<i32>} : memref<50x192xf32, #tpu.memory_space<vmem>>, vector<1x16xf32>,
      %get3A_595 = vector.shape_cast %get3A_594 : vector<1x16xf32> to vector<16xf32>
      %mul3A_596 = arith.constant 2 : i32
      %mul3A_597 = arith.muli %mul3A_596, %rem3A_530 : i32
      %add3A_598 = arith.constant 0 : i32
      %add3A_599 = arith.addi %mul3A_597, %add3A_598 : i32
      %swap3A_600 = arith.index_cast %add3A_599 : i32 to index
      %swap3A_601 = arith.constant 48 : index
      %swap3A_602 = tpu.vector_load %arg15[%swap3A_600, %swap3A_601] {strides = array<i32>} : memref<32x256xf32, #tpu.memory_space<vmem>>, vector<1x16xf32>,
      %swap3A_603 = vector.shape_cast %swap3A_602 : vector<1x16xf32> to vector<16xf32>
      %swap3A_604 = vector.shape_cast %get3A_595 : vector<16xf32> to vector<1x16xf32>
      tpu.vector_store %arg15[%swap3A_600, %swap3A_601], %swap3A_604 {strides = array<i32>} : memref<32x256xf32, #tpu.memory_space<vmem>>, vector<1x16xf32>,
      %get3A_605 = arith.constant 0 : i32
      %get3A_606 = arith.constant 48 : i32
      %get3A_607 = arith.constant 0 : i32
      %get3A_608 = arith.constant 0 : i32
      %get3A_609 = tpu.memref_slice %arg14[%get3A_605, %get3A_607, %get3A_608] : memref<2x50x192xf32, #tpu.memory_space<vmem>> -> memref<1x50x192xf32, #tpu.memory_space<vmem>>
      %get3A_610 = tpu.memref_squeeze %get3A_609 : memref<1x50x192xf32, #tpu.memory_space<vmem>> -> memref<50x192xf32, #tpu.memory_space<vmem>>
      %get3A_611 = arith.index_cast %get3A_606 : i32 to index
      %get3A_612 = arith.constant 64 : index
      %get3A_613 = tpu.vector_load %get3A_610[%get3A_611, %get3A_612] {strides = array<i32>} : memref<50x192xf32, #tpu.memory_space<vmem>>, vector<1x16xf32>,
      %get3A_614 = vector.shape_cast %get3A_613 : vector<1x16xf32> to vector<16xf32>
      %mul3A_615 = arith.constant 2 : i32
      %mul3A_616 = arith.muli %mul3A_615, %rem3A_530 : i32
      %add3A_617 = arith.constant 0 : i32
      %add3A_618 = arith.addi %mul3A_616, %add3A_617 : i32
      %swap3A_619 = arith.index_cast %add3A_618 : i32 to index
      %swap3A_620 = arith.constant 64 : index
      %swap3A_621 = tpu.vector_load %arg15[%swap3A_619, %swap3A_620] {strides = array<i32>} : memref<32x256xf32, #tpu.memory_space<vmem>>, vector<1x16xf32>,
      %swap3A_622 = vector.shape_cast %swap3A_621 : vector<1x16xf32> to vector<16xf32>
      %swap3A_623 = vector.shape_cast %get3A_614 : vector<16xf32> to vector<1x16xf32>
      tpu.vector_store %arg15[%swap3A_619, %swap3A_620], %swap3A_623 {strides = array<i32>} : memref<32x256xf32, #tpu.memory_space<vmem>>, vector<1x16xf32>,
      %get3A_624 = arith.constant 0 : i32
      %get3A_625 = arith.constant 48 : i32
      %get3A_626 = arith.constant 0 : i32
      %get3A_627 = arith.constant 0 : i32
      %get3A_628 = tpu.memref_slice %arg14[%get3A_624, %get3A_626, %get3A_627] : memref<2x50x192xf32, #tpu.memory_space<vmem>> -> memref<1x50x192xf32, #tpu.memory_space<vmem>>
      %get3A_629 = tpu.memref_squeeze %get3A_628 : memref<1x50x192xf32, #tpu.memory_space<vmem>> -> memref<50x192xf32, #tpu.memory_space<vmem>>
      %get3A_630 = arith.index_cast %get3A_625 : i32 to index
      %get3A_631 = arith.constant 80 : index
      %get3A_632 = tpu.vector_load %get3A_629[%get3A_630, %get3A_631] {strides = array<i32>} : memref<50x192xf32, #tpu.memory_space<vmem>>, vector<1x16xf32>,
      %get3A_633 = vector.shape_cast %get3A_632 : vector<1x16xf32> to vector<16xf32>
      %mul3A_634 = arith.constant 2 : i32
      %mul3A_635 = arith.muli %mul3A_634, %rem3A_530 : i32
      %add3A_636 = arith.constant 0 : i32
      %add3A_637 = arith.addi %mul3A_635, %add3A_636 : i32
      %swap3A_638 = arith.index_cast %add3A_637 : i32 to index
      %swap3A_639 = arith.constant 80 : index
      %swap3A_640 = tpu.vector_load %arg15[%swap3A_638, %swap3A_639] {strides = array<i32>} : memref<32x256xf32, #tpu.memory_space<vmem>>, vector<1x16xf32>,
      %swap3A_641 = vector.shape_cast %swap3A_640 : vector<1x16xf32> to vector<16xf32>
      %swap3A_642 = vector.shape_cast %get3A_633 : vector<16xf32> to vector<1x16xf32>
      tpu.vector_store %arg15[%swap3A_638, %swap3A_639], %swap3A_642 {strides = array<i32>} : memref<32x256xf32, #tpu.memory_space<vmem>>, vector<1x16xf32>,
      %get3A_643 = arith.constant 0 : i32
      %get3A_644 = arith.constant 48 : i32
      %get3A_645 = arith.constant 0 : i32
      %get3A_646 = arith.constant 0 : i32
      %get3A_647 = tpu.memref_slice %arg14[%get3A_643, %get3A_645, %get3A_646] : memref<2x50x192xf32, #tpu.memory_space<vmem>> -> memref<1x50x192xf32, #tpu.memory_space<vmem>>
      %get3A_648 = tpu.memref_squeeze %get3A_647 : memref<1x50x192xf32, #tpu.memory_space<vmem>> -> memref<50x192xf32, #tpu.memory_space<vmem>>
      %get3A_649 = arith.index_cast %get3A_644 : i32 to index
      %get3A_650 = arith.constant 96 : index
      %get3A_651 = tpu.vector_load %get3A_648[%get3A_649, %get3A_650] {strides = array<i32>} : memref<50x192xf32, #tpu.memory_space<vmem>>, vector<1x16xf32>,
      %get3A_652 = vector.shape_cast %get3A_651 : vector<1x16xf32> to vector<16xf32>
      %mul3A_653 = arith.constant 2 : i32
      %mul3A_654 = arith.muli %mul3A_653, %rem3A_530 : i32
      %add3A_655 = arith.constant 0 : i32
      %add3A_656 = arith.addi %mul3A_654, %add3A_655 : i32
      %swap3A_657 = arith.index_cast %add3A_656 : i32 to index
      %swap3A_658 = arith.constant 96 : index
      %swap3A_659 = tpu.vector_load %arg15[%swap3A_657, %swap3A_658] {strides = array<i32>} : memref<32x256xf32, #tpu.memory_space<vmem>>, vector<1x16xf32>,
      %swap3A_660 = vector.shape_cast %swap3A_659 : vector<1x16xf32> to vector<16xf32>
      %swap3A_661 = vector.shape_cast %get3A_652 : vector<16xf32> to vector<1x16xf32>
      tpu.vector_store %arg15[%swap3A_657, %swap3A_658], %swap3A_661 {strides = array<i32>} : memref<32x256xf32, #tpu.memory_space<vmem>>, vector<1x16xf32>,
      %get3A_662 = arith.constant 0 : i32
      %get3A_663 = arith.constant 48 : i32
      %get3A_664 = arith.constant 0 : i32
      %get3A_665 = arith.constant 0 : i32
      %get3A_666 = tpu.memref_slice %arg14[%get3A_662, %get3A_664, %get3A_665] : memref<2x50x192xf32, #tpu.memory_space<vmem>> -> memref<1x50x192xf32, #tpu.memory_space<vmem>>
      %get3A_667 = tpu.memref_squeeze %get3A_666 : memref<1x50x192xf32, #tpu.memory_space<vmem>> -> memref<50x192xf32, #tpu.memory_space<vmem>>
      %get3A_668 = arith.index_cast %get3A_663 : i32 to index
      %get3A_669 = arith.constant 112 : index
      %get3A_670 = tpu.vector_load %get3A_667[%get3A_668, %get3A_669] {strides = array<i32>} : memref<50x192xf32, #tpu.memory_space<vmem>>, vector<1x16xf32>,
      %get3A_671 = vector.shape_cast %get3A_670 : vector<1x16xf32> to vector<16xf32>
      %mul3A_672 = arith.constant 2 : i32
      %mul3A_673 = arith.muli %mul3A_672, %rem3A_530 : i32
      %add3A_674 = arith.constant 0 : i32
      %add3A_675 = arith.addi %mul3A_673, %add3A_674 : i32
      %swap3A_676 = arith.index_cast %add3A_675 : i32 to index
      %swap3A_677 = arith.constant 112 : index
      %swap3A_678 = tpu.vector_load %arg15[%swap3A_676, %swap3A_677] {strides = array<i32>} : memref<32x256xf32, #tpu.memory_space<vmem>>, vector<1x16xf32>,
      %swap3A_679 = vector.shape_cast %swap3A_678 : vector<1x16xf32> to vector<16xf32>
      %swap3A_680 = vector.shape_cast %get3A_671 : vector<16xf32> to vector<1x16xf32>
      tpu.vector_store %arg15[%swap3A_676, %swap3A_677], %swap3A_680 {strides = array<i32>} : memref<32x256xf32, #tpu.memory_space<vmem>>, vector<1x16xf32>,
      %get3A_681 = arith.constant 0 : i32
      %get3A_682 = arith.constant 48 : i32
      %get3A_683 = arith.constant 0 : i32
      %get3A_684 = arith.constant 0 : i32
      %get3A_685 = tpu.memref_slice %arg14[%get3A_681, %get3A_683, %get3A_684] : memref<2x50x192xf32, #tpu.memory_space<vmem>> -> memref<1x50x192xf32, #tpu.memory_space<vmem>>
      %get3A_686 = tpu.memref_squeeze %get3A_685 : memref<1x50x192xf32, #tpu.memory_space<vmem>> -> memref<50x192xf32, #tpu.memory_space<vmem>>
      %get3A_687 = arith.index_cast %get3A_682 : i32 to index
      %get3A_688 = arith.constant 128 : index
      %get3A_689 = tpu.vector_load %get3A_686[%get3A_687, %get3A_688] {strides = array<i32>} : memref<50x192xf32, #tpu.memory_space<vmem>>, vector<1x16xf32>,
      %get3A_690 = vector.shape_cast %get3A_689 : vector<1x16xf32> to vector<16xf32>
      %mul3A_691 = arith.constant 2 : i32
      %mul3A_692 = arith.muli %mul3A_691, %rem3A_530 : i32
      %add3A_693 = arith.constant 0 : i32
      %add3A_694 = arith.addi %mul3A_692, %add3A_693 : i32
      %swap3A_695 = arith.index_cast %add3A_694 : i32 to index
      %swap3A_696 = arith.constant 128 : index
      %swap3A_697 = tpu.vector_load %arg15[%swap3A_695, %swap3A_696] {strides = array<i32>} : memref<32x256xf32, #tpu.memory_space<vmem>>, vector<1x16xf32>,
      %swap3A_698 = vector.shape_cast %swap3A_697 : vector<1x16xf32> to vector<16xf32>
      %swap3A_699 = vector.shape_cast %get3A_690 : vector<16xf32> to vector<1x16xf32>
      tpu.vector_store %arg15[%swap3A_695, %swap3A_696], %swap3A_699 {strides = array<i32>} : memref<32x256xf32, #tpu.memory_space<vmem>>, vector<1x16xf32>,
      %get3A_700 = arith.constant 0 : i32
      %get3A_701 = arith.constant 48 : i32
      %get3A_702 = arith.constant 0 : i32
      %get3A_703 = arith.constant 0 : i32
      %get3A_704 = tpu.memref_slice %arg14[%get3A_700, %get3A_702, %get3A_703] : memref<2x50x192xf32, #tpu.memory_space<vmem>> -> memref<1x50x192xf32, #tpu.memory_space<vmem>>
      %get3A_705 = tpu.memref_squeeze %get3A_704 : memref<1x50x192xf32, #tpu.memory_space<vmem>> -> memref<50x192xf32, #tpu.memory_space<vmem>>
      %get3A_706 = arith.index_cast %get3A_701 : i32 to index
      %get3A_707 = arith.constant 144 : index
      %get3A_708 = tpu.vector_load %get3A_705[%get3A_706, %get3A_707] {strides = array<i32>} : memref<50x192xf32, #tpu.memory_space<vmem>>, vector<1x16xf32>,
      %get3A_709 = vector.shape_cast %get3A_708 : vector<1x16xf32> to vector<16xf32>
      %mul3A_710 = arith.constant 2 : i32
      %mul3A_711 = arith.muli %mul3A_710, %rem3A_530 : i32
      %add3A_712 = arith.constant 0 : i32
      %add3A_713 = arith.addi %mul3A_711, %add3A_712 : i32
      %swap3A_714 = arith.index_cast %add3A_713 : i32 to index
      %swap3A_715 = arith.constant 144 : index
      %swap3A_716 = tpu.vector_load %arg15[%swap3A_714, %swap3A_715] {strides = array<i32>} : memref<32x256xf32, #tpu.memory_space<vmem>>, vector<1x16xf32>,
      %swap3A_717 = vector.shape_cast %swap3A_716 : vector<1x16xf32> to vector<16xf32>
      %swap3A_718 = vector.shape_cast %get3A_709 : vector<16xf32> to vector<1x16xf32>
      tpu.vector_store %arg15[%swap3A_714, %swap3A_715], %swap3A_718 {strides = array<i32>} : memref<32x256xf32, #tpu.memory_space<vmem>>, vector<1x16xf32>,
      %get3A_719 = arith.constant 0 : i32
      %get3A_720 = arith.constant 48 : i32
      %get3A_721 = arith.constant 0 : i32
      %get3A_722 = arith.constant 0 : i32
      %get3A_723 = tpu.memref_slice %arg14[%get3A_719, %get3A_721, %get3A_722] : memref<2x50x192xf32, #tpu.memory_space<vmem>> -> memref<1x50x192xf32, #tpu.memory_space<vmem>>
      %get3A_724 = tpu.memref_squeeze %get3A_723 : memref<1x50x192xf32, #tpu.memory_space<vmem>> -> memref<50x192xf32, #tpu.memory_space<vmem>>
      %get3A_725 = arith.index_cast %get3A_720 : i32 to index
      %get3A_726 = arith.constant 160 : index
      %get3A_727 = tpu.vector_load %get3A_724[%get3A_725, %get3A_726] {strides = array<i32>} : memref<50x192xf32, #tpu.memory_space<vmem>>, vector<1x16xf32>,
      %get3A_728 = vector.shape_cast %get3A_727 : vector<1x16xf32> to vector<16xf32>
      %mul3A_729 = arith.constant 2 : i32
      %mul3A_730 = arith.muli %mul3A_729, %rem3A_530 : i32
      %add3A_731 = arith.constant 0 : i32
      %add3A_732 = arith.addi %mul3A_730, %add3A_731 : i32
      %swap3A_733 = arith.index_cast %add3A_732 : i32 to index
      %swap3A_734 = arith.constant 160 : index
      %swap3A_735 = tpu.vector_load %arg15[%swap3A_733, %swap3A_734] {strides = array<i32>} : memref<32x256xf32, #tpu.memory_space<vmem>>, vector<1x16xf32>,
      %swap3A_736 = vector.shape_cast %swap3A_735 : vector<1x16xf32> to vector<16xf32>
      %swap3A_737 = vector.shape_cast %get3A_728 : vector<16xf32> to vector<1x16xf32>
      tpu.vector_store %arg15[%swap3A_733, %swap3A_734], %swap3A_737 {strides = array<i32>} : memref<32x256xf32, #tpu.memory_space<vmem>>, vector<1x16xf32>,
      %get3A_738 = arith.constant 0 : i32
      %get3A_739 = arith.constant 48 : i32
      %get3A_740 = arith.constant 0 : i32
      %get3A_741 = arith.constant 0 : i32
      %get3A_742 = tpu.memref_slice %arg14[%get3A_738, %get3A_740, %get3A_741] : memref<2x50x192xf32, #tpu.memory_space<vmem>> -> memref<1x50x192xf32, #tpu.memory_space<vmem>>
      %get3A_743 = tpu.memref_squeeze %get3A_742 : memref<1x50x192xf32, #tpu.memory_space<vmem>> -> memref<50x192xf32, #tpu.memory_space<vmem>>
      %get3A_744 = arith.index_cast %get3A_739 : i32 to index
      %get3A_745 = arith.constant 176 : index
      %get3A_746 = tpu.vector_load %get3A_743[%get3A_744, %get3A_745] {strides = array<i32>} : memref<50x192xf32, #tpu.memory_space<vmem>>, vector<1x16xf32>,
      %get3A_747 = vector.shape_cast %get3A_746 : vector<1x16xf32> to vector<16xf32>
      %mul3A_748 = arith.constant 2 : i32
      %mul3A_749 = arith.muli %mul3A_748, %rem3A_530 : i32
      %add3A_750 = arith.constant 0 : i32
      %add3A_751 = arith.addi %mul3A_749, %add3A_750 : i32
      %swap3A_752 = arith.index_cast %add3A_751 : i32 to index
      %swap3A_753 = arith.constant 176 : index
      %swap3A_754 = tpu.vector_load %arg15[%swap3A_752, %swap3A_753] {strides = array<i32>} : memref<32x256xf32, #tpu.memory_space<vmem>>, vector<1x16xf32>,
      %swap3A_755 = vector.shape_cast %swap3A_754 : vector<1x16xf32> to vector<16xf32>
      %swap3A_756 = vector.shape_cast %get3A_747 : vector<16xf32> to vector<1x16xf32>
      tpu.vector_store %arg15[%swap3A_752, %swap3A_753], %swap3A_756 {strides = array<i32>} : memref<32x256xf32, #tpu.memory_space<vmem>>, vector<1x16xf32>,
      %get3A_757 = arith.constant 0 : i32
      %get3A_758 = arith.constant 49 : i32
      %get3A_759 = arith.constant 0 : i32
      %get3A_760 = arith.constant 0 : i32
      %get3A_761 = tpu.memref_slice %arg14[%get3A_757, %get3A_759, %get3A_760] : memref<2x50x192xf32, #tpu.memory_space<vmem>> -> memref<1x50x192xf32, #tpu.memory_space<vmem>>
      %get3A_762 = tpu.memref_squeeze %get3A_761 : memref<1x50x192xf32, #tpu.memory_space<vmem>> -> memref<50x192xf32, #tpu.memory_space<vmem>>
      %get3A_763 = arith.index_cast %get3A_758 : i32 to index
      %get3A_764 = arith.constant 0 : index
      %get3A_765 = tpu.vector_load %get3A_762[%get3A_763, %get3A_764] {strides = array<i32>} : memref<50x192xf32, #tpu.memory_space<vmem>>, vector<1x16xf32>,
      %get3A_766 = vector.shape_cast %get3A_765 : vector<1x16xf32> to vector<16xf32>
      %mul3A_767 = arith.constant 2 : i32
      %mul3A_768 = arith.muli %mul3A_767, %rem3A_530 : i32
      %add3A_769 = arith.constant 1 : i32
      %add3A_770 = arith.addi %mul3A_768, %add3A_769 : i32
      %swap3A_771 = arith.index_cast %add3A_770 : i32 to index
      %swap3A_772 = arith.constant 0 : index
      %swap3A_773 = tpu.vector_load %arg15[%swap3A_771, %swap3A_772] {strides = array<i32>} : memref<32x256xf32, #tpu.memory_space<vmem>>, vector<1x16xf32>,
      %swap3A_774 = vector.shape_cast %swap3A_773 : vector<1x16xf32> to vector<16xf32>
      %swap3A_775 = vector.shape_cast %get3A_766 : vector<16xf32> to vector<1x16xf32>
      tpu.vector_store %arg15[%swap3A_771, %swap3A_772], %swap3A_775 {strides = array<i32>} : memref<32x256xf32, #tpu.memory_space<vmem>>, vector<1x16xf32>,
      %get3A_776 = arith.constant 0 : i32
      %get3A_777 = arith.constant 49 : i32
      %get3A_778 = arith.constant 0 : i32
      %get3A_779 = arith.constant 0 : i32
      %get3A_780 = tpu.memref_slice %arg14[%get3A_776, %get3A_778, %get3A_779] : memref<2x50x192xf32, #tpu.memory_space<vmem>> -> memref<1x50x192xf32, #tpu.memory_space<vmem>>
      %get3A_781 = tpu.memref_squeeze %get3A_780 : memref<1x50x192xf32, #tpu.memory_space<vmem>> -> memref<50x192xf32, #tpu.memory_space<vmem>>
      %get3A_782 = arith.index_cast %get3A_777 : i32 to index
      %get3A_783 = arith.constant 16 : index
      %get3A_784 = tpu.vector_load %get3A_781[%get3A_782, %get3A_783] {strides = array<i32>} : memref<50x192xf32, #tpu.memory_space<vmem>>, vector<1x16xf32>,
      %get3A_785 = vector.shape_cast %get3A_784 : vector<1x16xf32> to vector<16xf32>
      %mul3A_786 = arith.constant 2 : i32
      %mul3A_787 = arith.muli %mul3A_786, %rem3A_530 : i32
      %add3A_788 = arith.constant 1 : i32
      %add3A_789 = arith.addi %mul3A_787, %add3A_788 : i32
      %swap3A_790 = arith.index_cast %add3A_789 : i32 to index
      %swap3A_791 = arith.constant 16 : index
      %swap3A_792 = tpu.vector_load %arg15[%swap3A_790, %swap3A_791] {strides = array<i32>} : memref<32x256xf32, #tpu.memory_space<vmem>>, vector<1x16xf32>,
      %swap3A_793 = vector.shape_cast %swap3A_792 : vector<1x16xf32> to vector<16xf32>
      %swap3A_794 = vector.shape_cast %get3A_785 : vector<16xf32> to vector<1x16xf32>
      tpu.vector_store %arg15[%swap3A_790, %swap3A_791], %swap3A_794 {strides = array<i32>} : memref<32x256xf32, #tpu.memory_space<vmem>>, vector<1x16xf32>,
      %get3A_795 = arith.constant 0 : i32
      %get3A_796 = arith.constant 49 : i32
      %get3A_797 = arith.constant 0 : i32
      %get3A_798 = arith.constant 0 : i32
      %get3A_799 = tpu.memref_slice %arg14[%get3A_795, %get3A_797, %get3A_798] : memref<2x50x192xf32, #tpu.memory_space<vmem>> -> memref<1x50x192xf32, #tpu.memory_space<vmem>>
      %get3A_800 = tpu.memref_squeeze %get3A_799 : memref<1x50x192xf32, #tpu.memory_space<vmem>> -> memref<50x192xf32, #tpu.memory_space<vmem>>
      %get3A_801 = arith.index_cast %get3A_796 : i32 to index
      %get3A_802 = arith.constant 32 : index
      %get3A_803 = tpu.vector_load %get3A_800[%get3A_801, %get3A_802] {strides = array<i32>} : memref<50x192xf32, #tpu.memory_space<vmem>>, vector<1x16xf32>,
      %get3A_804 = vector.shape_cast %get3A_803 : vector<1x16xf32> to vector<16xf32>
      %mul3A_805 = arith.constant 2 : i32
      %mul3A_806 = arith.muli %mul3A_805, %rem3A_530 : i32
      %add3A_807 = arith.constant 1 : i32
      %add3A_808 = arith.addi %mul3A_806, %add3A_807 : i32
      %swap3A_809 = arith.index_cast %add3A_808 : i32 to index
      %swap3A_810 = arith.constant 32 : index
      %swap3A_811 = tpu.vector_load %arg15[%swap3A_809, %swap3A_810] {strides = array<i32>} : memref<32x256xf32, #tpu.memory_space<vmem>>, vector<1x16xf32>,
      %swap3A_812 = vector.shape_cast %swap3A_811 : vector<1x16xf32> to vector<16xf32>
      %swap3A_813 = vector.shape_cast %get3A_804 : vector<16xf32> to vector<1x16xf32>
      tpu.vector_store %arg15[%swap3A_809, %swap3A_810], %swap3A_813 {strides = array<i32>} : memref<32x256xf32, #tpu.memory_space<vmem>>, vector<1x16xf32>,
      %get3A_814 = arith.constant 0 : i32
      %get3A_815 = arith.constant 49 : i32
      %get3A_816 = arith.constant 0 : i32
      %get3A_817 = arith.constant 0 : i32
      %get3A_818 = tpu.memref_slice %arg14[%get3A_814, %get3A_816, %get3A_817] : memref<2x50x192xf32, #tpu.memory_space<vmem>> -> memref<1x50x192xf32, #tpu.memory_space<vmem>>
      %get3A_819 = tpu.memref_squeeze %get3A_818 : memref<1x50x192xf32, #tpu.memory_space<vmem>> -> memref<50x192xf32, #tpu.memory_space<vmem>>
      %get3A_820 = arith.index_cast %get3A_815 : i32 to index
      %get3A_821 = arith.constant 48 : index
      %get3A_822 = tpu.vector_load %get3A_819[%get3A_820, %get3A_821] {strides = array<i32>} : memref<50x192xf32, #tpu.memory_space<vmem>>, vector<1x16xf32>,
      %get3A_823 = vector.shape_cast %get3A_822 : vector<1x16xf32> to vector<16xf32>
      %mul3A_824 = arith.constant 2 : i32
      %mul3A_825 = arith.muli %mul3A_824, %rem3A_530 : i32
      %add3A_826 = arith.constant 1 : i32
      %add3A_827 = arith.addi %mul3A_825, %add3A_826 : i32
      %swap3A_828 = arith.index_cast %add3A_827 : i32 to index
      %swap3A_829 = arith.constant 48 : index
      %swap3A_830 = tpu.vector_load %arg15[%swap3A_828, %swap3A_829] {strides = array<i32>} : memref<32x256xf32, #tpu.memory_space<vmem>>, vector<1x16xf32>,
      %swap3A_831 = vector.shape_cast %swap3A_830 : vector<1x16xf32> to vector<16xf32>
      %swap3A_832 = vector.shape_cast %get3A_823 : vector<16xf32> to vector<1x16xf32>
      tpu.vector_store %arg15[%swap3A_828, %swap3A_829], %swap3A_832 {strides = array<i32>} : memref<32x256xf32, #tpu.memory_space<vmem>>, vector<1x16xf32>,
      %get3A_833 = arith.constant 0 : i32
      %get3A_834 = arith.constant 49 : i32
      %get3A_835 = arith.constant 0 : i32
      %get3A_836 = arith.constant 0 : i32
      %get3A_837 = tpu.memref_slice %arg14[%get3A_833, %get3A_835, %get3A_836] : memref<2x50x192xf32, #tpu.memory_space<vmem>> -> memref<1x50x192xf32, #tpu.memory_space<vmem>>
      %get3A_838 = tpu.memref_squeeze %get3A_837 : memref<1x50x192xf32, #tpu.memory_space<vmem>> -> memref<50x192xf32, #tpu.memory_space<vmem>>
      %get3A_839 = arith.index_cast %get3A_834 : i32 to index
      %get3A_840 = arith.constant 64 : index
      %get3A_841 = tpu.vector_load %get3A_838[%get3A_839, %get3A_840] {strides = array<i32>} : memref<50x192xf32, #tpu.memory_space<vmem>>, vector<1x16xf32>,
      %get3A_842 = vector.shape_cast %get3A_841 : vector<1x16xf32> to vector<16xf32>
      %mul3A_843 = arith.constant 2 : i32
      %mul3A_844 = arith.muli %mul3A_843, %rem3A_530 : i32
      %add3A_845 = arith.constant 1 : i32
      %add3A_846 = arith.addi %mul3A_844, %add3A_845 : i32
      %swap3A_847 = arith.index_cast %add3A_846 : i32 to index
      %swap3A_848 = arith.constant 64 : index
      %swap3A_849 = tpu.vector_load %arg15[%swap3A_847, %swap3A_848] {strides = array<i32>} : memref<32x256xf32, #tpu.memory_space<vmem>>, vector<1x16xf32>,
      %swap3A_850 = vector.shape_cast %swap3A_849 : vector<1x16xf32> to vector<16xf32>
      %swap3A_851 = vector.shape_cast %get3A_842 : vector<16xf32> to vector<1x16xf32>
      tpu.vector_store %arg15[%swap3A_847, %swap3A_848], %swap3A_851 {strides = array<i32>} : memref<32x256xf32, #tpu.memory_space<vmem>>, vector<1x16xf32>,
      %get3A_852 = arith.constant 0 : i32
      %get3A_853 = arith.constant 49 : i32
      %get3A_854 = arith.constant 0 : i32
      %get3A_855 = arith.constant 0 : i32
      %get3A_856 = tpu.memref_slice %arg14[%get3A_852, %get3A_854, %get3A_855] : memref<2x50x192xf32, #tpu.memory_space<vmem>> -> memref<1x50x192xf32, #tpu.memory_space<vmem>>
      %get3A_857 = tpu.memref_squeeze %get3A_856 : memref<1x50x192xf32, #tpu.memory_space<vmem>> -> memref<50x192xf32, #tpu.memory_space<vmem>>
      %get3A_858 = arith.index_cast %get3A_853 : i32 to index
      %get3A_859 = arith.constant 80 : index
      %get3A_860 = tpu.vector_load %get3A_857[%get3A_858, %get3A_859] {strides = array<i32>} : memref<50x192xf32, #tpu.memory_space<vmem>>, vector<1x16xf32>,
      %get3A_861 = vector.shape_cast %get3A_860 : vector<1x16xf32> to vector<16xf32>
      %mul3A_862 = arith.constant 2 : i32
      %mul3A_863 = arith.muli %mul3A_862, %rem3A_530 : i32
      %add3A_864 = arith.constant 1 : i32
      %add3A_865 = arith.addi %mul3A_863, %add3A_864 : i32
      %swap3A_866 = arith.index_cast %add3A_865 : i32 to index
      %swap3A_867 = arith.constant 80 : index
      %swap3A_868 = tpu.vector_load %arg15[%swap3A_866, %swap3A_867] {strides = array<i32>} : memref<32x256xf32, #tpu.memory_space<vmem>>, vector<1x16xf32>,
      %swap3A_869 = vector.shape_cast %swap3A_868 : vector<1x16xf32> to vector<16xf32>
      %swap3A_870 = vector.shape_cast %get3A_861 : vector<16xf32> to vector<1x16xf32>
      tpu.vector_store %arg15[%swap3A_866, %swap3A_867], %swap3A_870 {strides = array<i32>} : memref<32x256xf32, #tpu.memory_space<vmem>>, vector<1x16xf32>,
      %get3A_871 = arith.constant 0 : i32
      %get3A_872 = arith.constant 49 : i32
      %get3A_873 = arith.constant 0 : i32
      %get3A_874 = arith.constant 0 : i32
      %get3A_875 = tpu.memref_slice %arg14[%get3A_871, %get3A_873, %get3A_874] : memref<2x50x192xf32, #tpu.memory_space<vmem>> -> memref<1x50x192xf32, #tpu.memory_space<vmem>>
      %get3A_876 = tpu.memref_squeeze %get3A_875 : memref<1x50x192xf32, #tpu.memory_space<vmem>> -> memref<50x192xf32, #tpu.memory_space<vmem>>
      %get3A_877 = arith.index_cast %get3A_872 : i32 to index
      %get3A_878 = arith.constant 96 : index
      %get3A_879 = tpu.vector_load %get3A_876[%get3A_877, %get3A_878] {strides = array<i32>} : memref<50x192xf32, #tpu.memory_space<vmem>>, vector<1x16xf32>,
      %get3A_880 = vector.shape_cast %get3A_879 : vector<1x16xf32> to vector<16xf32>
      %mul3A_881 = arith.constant 2 : i32
      %mul3A_882 = arith.muli %mul3A_881, %rem3A_530 : i32
      %add3A_883 = arith.constant 1 : i32
      %add3A_884 = arith.addi %mul3A_882, %add3A_883 : i32
      %swap3A_885 = arith.index_cast %add3A_884 : i32 to index
      %swap3A_886 = arith.constant 96 : index
      %swap3A_887 = tpu.vector_load %arg15[%swap3A_885, %swap3A_886] {strides = array<i32>} : memref<32x256xf32, #tpu.memory_space<vmem>>, vector<1x16xf32>,
      %swap3A_888 = vector.shape_cast %swap3A_887 : vector<1x16xf32> to vector<16xf32>
      %swap3A_889 = vector.shape_cast %get3A_880 : vector<16xf32> to vector<1x16xf32>
      tpu.vector_store %arg15[%swap3A_885, %swap3A_886], %swap3A_889 {strides = array<i32>} : memref<32x256xf32, #tpu.memory_space<vmem>>, vector<1x16xf32>,
      %get3A_890 = arith.constant 0 : i32
      %get3A_891 = arith.constant 49 : i32
      %get3A_892 = arith.constant 0 : i32
      %get3A_893 = arith.constant 0 : i32
      %get3A_894 = tpu.memref_slice %arg14[%get3A_890, %get3A_892, %get3A_893] : memref<2x50x192xf32, #tpu.memory_space<vmem>> -> memref<1x50x192xf32, #tpu.memory_space<vmem>>
      %get3A_895 = tpu.memref_squeeze %get3A_894 : memref<1x50x192xf32, #tpu.memory_space<vmem>> -> memref<50x192xf32, #tpu.memory_space<vmem>>
      %get3A_896 = arith.index_cast %get3A_891 : i32 to index
      %get3A_897 = arith.constant 112 : index
      %get3A_898 = tpu.vector_load %get3A_895[%get3A_896, %get3A_897] {strides = array<i32>} : memref<50x192xf32, #tpu.memory_space<vmem>>, vector<1x16xf32>,
      %get3A_899 = vector.shape_cast %get3A_898 : vector<1x16xf32> to vector<16xf32>
      %mul3A_900 = arith.constant 2 : i32
      %mul3A_901 = arith.muli %mul3A_900, %rem3A_530 : i32
      %add3A_902 = arith.constant 1 : i32
      %add3A_903 = arith.addi %mul3A_901, %add3A_902 : i32
      %swap3A_904 = arith.index_cast %add3A_903 : i32 to index
      %swap3A_905 = arith.constant 112 : index
      %swap3A_906 = tpu.vector_load %arg15[%swap3A_904, %swap3A_905] {strides = array<i32>} : memref<32x256xf32, #tpu.memory_space<vmem>>, vector<1x16xf32>,
      %swap3A_907 = vector.shape_cast %swap3A_906 : vector<1x16xf32> to vector<16xf32>
      %swap3A_908 = vector.shape_cast %get3A_899 : vector<16xf32> to vector<1x16xf32>
      tpu.vector_store %arg15[%swap3A_904, %swap3A_905], %swap3A_908 {strides = array<i32>} : memref<32x256xf32, #tpu.memory_space<vmem>>, vector<1x16xf32>,
      %get3A_909 = arith.constant 0 : i32
      %get3A_910 = arith.constant 49 : i32
      %get3A_911 = arith.constant 0 : i32
      %get3A_912 = arith.constant 0 : i32
      %get3A_913 = tpu.memref_slice %arg14[%get3A_909, %get3A_911, %get3A_912] : memref<2x50x192xf32, #tpu.memory_space<vmem>> -> memref<1x50x192xf32, #tpu.memory_space<vmem>>
      %get3A_914 = tpu.memref_squeeze %get3A_913 : memref<1x50x192xf32, #tpu.memory_space<vmem>> -> memref<50x192xf32, #tpu.memory_space<vmem>>
      %get3A_915 = arith.index_cast %get3A_910 : i32 to index
      %get3A_916 = arith.constant 128 : index
      %get3A_917 = tpu.vector_load %get3A_914[%get3A_915, %get3A_916] {strides = array<i32>} : memref<50x192xf32, #tpu.memory_space<vmem>>, vector<1x16xf32>,
      %get3A_918 = vector.shape_cast %get3A_917 : vector<1x16xf32> to vector<16xf32>
      %mul3A_919 = arith.constant 2 : i32
      %mul3A_920 = arith.muli %mul3A_919, %rem3A_530 : i32
      %add3A_921 = arith.constant 1 : i32
      %add3A_922 = arith.addi %mul3A_920, %add3A_921 : i32
      %swap3A_923 = arith.index_cast %add3A_922 : i32 to index
      %swap3A_924 = arith.constant 128 : index
      %swap3A_925 = tpu.vector_load %arg15[%swap3A_923, %swap3A_924] {strides = array<i32>} : memref<32x256xf32, #tpu.memory_space<vmem>>, vector<1x16xf32>,
      %swap3A_926 = vector.shape_cast %swap3A_925 : vector<1x16xf32> to vector<16xf32>
      %swap3A_927 = vector.shape_cast %get3A_918 : vector<16xf32> to vector<1x16xf32>
      tpu.vector_store %arg15[%swap3A_923, %swap3A_924], %swap3A_927 {strides = array<i32>} : memref<32x256xf32, #tpu.memory_space<vmem>>, vector<1x16xf32>,
      %get3A_928 = arith.constant 0 : i32
      %get3A_929 = arith.constant 49 : i32
      %get3A_930 = arith.constant 0 : i32
      %get3A_931 = arith.constant 0 : i32
      %get3A_932 = tpu.memref_slice %arg14[%get3A_928, %get3A_930, %get3A_931] : memref<2x50x192xf32, #tpu.memory_space<vmem>> -> memref<1x50x192xf32, #tpu.memory_space<vmem>>
      %get3A_933 = tpu.memref_squeeze %get3A_932 : memref<1x50x192xf32, #tpu.memory_space<vmem>> -> memref<50x192xf32, #tpu.memory_space<vmem>>
      %get3A_934 = arith.index_cast %get3A_929 : i32 to index
      %get3A_935 = arith.constant 144 : index
      %get3A_936 = tpu.vector_load %get3A_933[%get3A_934, %get3A_935] {strides = array<i32>} : memref<50x192xf32, #tpu.memory_space<vmem>>, vector<1x16xf32>,
      %get3A_937 = vector.shape_cast %get3A_936 : vector<1x16xf32> to vector<16xf32>
      %mul3A_938 = arith.constant 2 : i32
      %mul3A_939 = arith.muli %mul3A_938, %rem3A_530 : i32
      %add3A_940 = arith.constant 1 : i32
      %add3A_941 = arith.addi %mul3A_939, %add3A_940 : i32
      %swap3A_942 = arith.index_cast %add3A_941 : i32 to index
      %swap3A_943 = arith.constant 144 : index
      %swap3A_944 = tpu.vector_load %arg15[%swap3A_942, %swap3A_943] {strides = array<i32>} : memref<32x256xf32, #tpu.memory_space<vmem>>, vector<1x16xf32>,
      %swap3A_945 = vector.shape_cast %swap3A_944 : vector<1x16xf32> to vector<16xf32>
      %swap3A_946 = vector.shape_cast %get3A_937 : vector<16xf32> to vector<1x16xf32>
      tpu.vector_store %arg15[%swap3A_942, %swap3A_943], %swap3A_946 {strides = array<i32>} : memref<32x256xf32, #tpu.memory_space<vmem>>, vector<1x16xf32>,
      %get3A_947 = arith.constant 0 : i32
      %get3A_948 = arith.constant 49 : i32
      %get3A_949 = arith.constant 0 : i32
      %get3A_950 = arith.constant 0 : i32
      %get3A_951 = tpu.memref_slice %arg14[%get3A_947, %get3A_949, %get3A_950] : memref<2x50x192xf32, #tpu.memory_space<vmem>> -> memref<1x50x192xf32, #tpu.memory_space<vmem>>
      %get3A_952 = tpu.memref_squeeze %get3A_951 : memref<1x50x192xf32, #tpu.memory_space<vmem>> -> memref<50x192xf32, #tpu.memory_space<vmem>>
      %get3A_953 = arith.index_cast %get3A_948 : i32 to index
      %get3A_954 = arith.constant 160 : index
      %get3A_955 = tpu.vector_load %get3A_952[%get3A_953, %get3A_954] {strides = array<i32>} : memref<50x192xf32, #tpu.memory_space<vmem>>, vector<1x16xf32>,
      %get3A_956 = vector.shape_cast %get3A_955 : vector<1x16xf32> to vector<16xf32>
      %mul3A_957 = arith.constant 2 : i32
      %mul3A_958 = arith.muli %mul3A_957, %rem3A_530 : i32
      %add3A_959 = arith.constant 1 : i32
      %add3A_960 = arith.addi %mul3A_958, %add3A_959 : i32
      %swap3A_961 = arith.index_cast %add3A_960 : i32 to index
      %swap3A_962 = arith.constant 160 : index
      %swap3A_963 = tpu.vector_load %arg15[%swap3A_961, %swap3A_962] {strides = array<i32>} : memref<32x256xf32, #tpu.memory_space<vmem>>, vector<1x16xf32>,
      %swap3A_964 = vector.shape_cast %swap3A_963 : vector<1x16xf32> to vector<16xf32>
      %swap3A_965 = vector.shape_cast %get3A_956 : vector<16xf32> to vector<1x16xf32>
      tpu.vector_store %arg15[%swap3A_961, %swap3A_962], %swap3A_965 {strides = array<i32>} : memref<32x256xf32, #tpu.memory_space<vmem>>, vector<1x16xf32>,
      %get3A_966 = arith.constant 0 : i32
      %get3A_967 = arith.constant 49 : i32
      %get3A_968 = arith.constant 0 : i32
      %get3A_969 = arith.constant 0 : i32
      %get3A_970 = tpu.memref_slice %arg14[%get3A_966, %get3A_968, %get3A_969] : memref<2x50x192xf32, #tpu.memory_space<vmem>> -> memref<1x50x192xf32, #tpu.memory_space<vmem>>
      %get3A_971 = tpu.memref_squeeze %get3A_970 : memref<1x50x192xf32, #tpu.memory_space<vmem>> -> memref<50x192xf32, #tpu.memory_space<vmem>>
      %get3A_972 = arith.index_cast %get3A_967 : i32 to index
      %get3A_973 = arith.constant 176 : index
      %get3A_974 = tpu.vector_load %get3A_971[%get3A_972, %get3A_973] {strides = array<i32>} : memref<50x192xf32, #tpu.memory_space<vmem>>, vector<1x16xf32>,
      %get3A_975 = vector.shape_cast %get3A_974 : vector<1x16xf32> to vector<16xf32>
      %mul3A_976 = arith.constant 2 : i32
      %mul3A_977 = arith.muli %mul3A_976, %rem3A_530 : i32
      %add3A_978 = arith.constant 1 : i32
      %add3A_979 = arith.addi %mul3A_977, %add3A_978 : i32
      %swap3A_980 = arith.index_cast %add3A_979 : i32 to index
      %swap3A_981 = arith.constant 176 : index
      %swap3A_982 = tpu.vector_load %arg15[%swap3A_980, %swap3A_981] {strides = array<i32>} : memref<32x256xf32, #tpu.memory_space<vmem>>, vector<1x16xf32>,
      %swap3A_983 = vector.shape_cast %swap3A_982 : vector<1x16xf32> to vector<16xf32>
      %swap3A_984 = vector.shape_cast %get3A_975 : vector<16xf32> to vector<1x16xf32>
      tpu.vector_store %arg15[%swap3A_980, %swap3A_981], %swap3A_984 {strides = array<i32>} : memref<32x256xf32, #tpu.memory_space<vmem>>, vector<1x16xf32>,
      %eq3A = arith.constant 15 : i32
      %eq3A_985 = arith.cmpi eq, %rem3A_530, %eq3A : i32
      %convert_element_type3A_986 = arith.extui %eq3A_985 : i1 to i32
      %cond3A_987 = arith.constant 0 : i32
      %cond3A_988 = arith.cmpi ne, %convert_element_type3A_986, %cond3A_987 : i32
      scf.if %cond3A_988 {
        %div3A = arith.constant 16 : i32
        %div3A_1697 = arith.divsi %add3A_292, %div3A : i32
        %mul3A_1698 = arith.constant 256 : i32
        %mul3A_1699 = arith.muli %add3A, %mul3A_1698 : i32
        %mul3A_1700 = arith.constant 32 : i32
        %mul3A_1701 = arith.muli %div3A_1697, %mul3A_1700 : i32
        %add3A_1702 = arith.addi %mul3A_1699, %mul3A_1701 : i32
        "tpu.region"() ({
          %run_scoped3A = tpu.sem_alloc : memref<!tpu.dma_semaphore, #tpu.memory_space<semaphore_mem>>
          %dma_start3A_1703 = arith.constant 0 : i32
          %dma_start3A_1704 = tpu.memref_slice %arg7[%add3A_1702, %dma_start3A_1703] : memref<8192x256xf32, #tpu.memory_space<hbm>> -> memref<32x256xf32, #tpu.memory_space<hbm>>
          %dma_start3A_1705 = arith.constant 0 : i32
          %dma_start3A_1706 = tpu.memref_slice %arg7[%add3A_1702, %dma_start3A_1705] : memref<8192x256xf32, #tpu.memory_space<hbm>> -> memref<32x256xf32, #tpu.memory_space<hbm>>
          tpu.enqueue_dma source(%arg15 : memref<32x256xf32, #tpu.memory_space<vmem>>) target(%dma_start3A_1706 : memref<32x256xf32, #tpu.memory_space<hbm>>) target_semaphore(%run_scoped3A : memref<!tpu.dma_semaphore, #tpu.memory_space<semaphore_mem>>)
          %dma_wait3A_1707 = arith.constant 0 : i32
          %dma_wait3A_1708 = tpu.memref_slice %arg7[%add3A_1702, %dma_wait3A_1707] : memref<8192x256xf32, #tpu.memory_space<hbm>> -> memref<32x256xf32, #tpu.memory_space<hbm>>
          %dma_wait3A_1709 = arith.constant 0 : i32
          %dma_wait3A_1710 = tpu.memref_slice %arg7[%add3A_1702, %dma_wait3A_1709] : memref<8192x256xf32, #tpu.memory_space<hbm>> -> memref<32x256xf32, #tpu.memory_space<hbm>>
          tpu.wait_dma2 semaphore(%run_scoped3A : memref<!tpu.dma_semaphore, #tpu.memory_space<semaphore_mem>>) src(%arg15 : memref<32x256xf32, #tpu.memory_space<vmem>>) dst(%dma_wait3A_1710 : memref<32x256xf32, #tpu.memory_space<hbm>>)
          tpu.yield
        }) : () -> ()
      } else {
      }
      %add3A_989 = arith.constant 1 : i32
      %add3A_990 = arith.addi %mul3A_290, %add3A_989 : i32
      %dma_wait3A_991 = arith.constant 1 : i32
      %dma_wait3A_992 = arith.constant 0 : i32
      %dma_wait3A_993 = arith.constant 1 : i32
      %dma_wait3A_994 = arith.constant 0 : i32
      %dma_wait3A_995 = arith.constant 0 : i32
      %dma_wait3A_996 = tpu.memref_slice %arg9[%dma_wait3A_993, %dma_wait3A_994, %dma_wait3A_995] : memref<2x56x128xf32, #tpu.memory_space<vmem>> -> memref<1x56x128xf32, #tpu.memory_space<vmem>>
      %dma_wait3A_997 = tpu.memref_squeeze %dma_wait3A_996 : memref<1x56x128xf32, #tpu.memory_space<vmem>> -> memref<56x128xf32, #tpu.memory_space<vmem>>
      %dma_wait3A_998 = arith.constant 0 : i32
      %dma_wait3A_999 = arith.constant 0 : i32
      %dma_wait3A_1000 = tpu.memref_slice %arg8[%dma_wait3A_991, %dma_wait3A_998, %dma_wait3A_999] : memref<2x5x56xi32, #tpu.memory_space<vmem>> -> memref<1x5x56xi32, #tpu.memory_space<vmem>>
      %dma_wait3A_1001 = tpu.memref_squeeze %dma_wait3A_1000 : memref<1x5x56xi32, #tpu.memory_space<vmem>> -> memref<5x56xi32, #tpu.memory_space<vmem>>
      %dma_wait3A_1002 = arith.constant 0 : i32
      %dma_wait3A_1003 = tpu.memref_slice %dma_wait3A_1001[%dma_wait3A_992, %dma_wait3A_1002] : memref<5x56xi32, #tpu.memory_space<vmem>> -> memref<1x56xi32, #tpu.memory_space<vmem>>
      %dma_wait3A_1004 = tpu.memref_squeeze %dma_wait3A_1003 : memref<1x56xi32, #tpu.memory_space<vmem>> -> memref<56xi32, #tpu.memory_space<vmem>>
      %dma_wait3A_1005 = arith.constant 0 : i32
      %dma_wait3A_1006 = arith.constant 0 : i32
      %dma_wait3A_1007 = tpu.memref_slice %arg3[%dma_wait3A_1005, %dma_wait3A_1006] : memref<300000x128xf32, #tpu.memory_space<hbm>> -> memref<300000x128xf32, #tpu.memory_space<hbm>>
      tpu.wait_indirect_dma semaphore(%arg19 : memref<!tpu.dma_semaphore, #tpu.memory_space<semaphore_mem>>) src(%dma_wait3A_1007 : memref<300000x128xf32, #tpu.memory_space<hbm>>) dst(%dma_wait3A_997 : memref<56x128xf32, #tpu.memory_space<vmem>>)
      %dma_wait3A_1008 = arith.constant 1 : i32
      %dma_wait3A_1009 = arith.constant 1 : i32
      %dma_wait3A_1010 = arith.constant 1 : i32
      %dma_wait3A_1011 = arith.constant 0 : i32
      %dma_wait3A_1012 = arith.constant 0 : i32
      %dma_wait3A_1013 = tpu.memref_slice %arg10[%dma_wait3A_1010, %dma_wait3A_1011, %dma_wait3A_1012] : memref<2x56x128xf32, #tpu.memory_space<vmem>> -> memref<1x56x128xf32, #tpu.memory_space<vmem>>
      %dma_wait3A_1014 = tpu.memref_squeeze %dma_wait3A_1013 : memref<1x56x128xf32, #tpu.memory_space<vmem>> -> memref<56x128xf32, #tpu.memory_space<vmem>>
      %dma_wait3A_1015 = arith.constant 0 : i32
      %dma_wait3A_1016 = arith.constant 0 : i32
      %dma_wait3A_1017 = tpu.memref_slice %arg8[%dma_wait3A_1008, %dma_wait3A_1015, %dma_wait3A_1016] : memref<2x5x56xi32, #tpu.memory_space<vmem>> -> memref<1x5x56xi32, #tpu.memory_space<vmem>>
      %dma_wait3A_1018 = tpu.memref_squeeze %dma_wait3A_1017 : memref<1x5x56xi32, #tpu.memory_space<vmem>> -> memref<5x56xi32, #tpu.memory_space<vmem>>
      %dma_wait3A_1019 = arith.constant 0 : i32
      %dma_wait3A_1020 = tpu.memref_slice %dma_wait3A_1018[%dma_wait3A_1009, %dma_wait3A_1019] : memref<5x56xi32, #tpu.memory_space<vmem>> -> memref<1x56xi32, #tpu.memory_space<vmem>>
      %dma_wait3A_1021 = tpu.memref_squeeze %dma_wait3A_1020 : memref<1x56xi32, #tpu.memory_space<vmem>> -> memref<56xi32, #tpu.memory_space<vmem>>
      %dma_wait3A_1022 = arith.constant 0 : i32
      %dma_wait3A_1023 = arith.constant 0 : i32
      %dma_wait3A_1024 = tpu.memref_slice %arg3[%dma_wait3A_1022, %dma_wait3A_1023] : memref<300000x128xf32, #tpu.memory_space<hbm>> -> memref<300000x128xf32, #tpu.memory_space<hbm>>
      tpu.wait_indirect_dma semaphore(%arg19 : memref<!tpu.dma_semaphore, #tpu.memory_space<semaphore_mem>>) src(%dma_wait3A_1024 : memref<300000x128xf32, #tpu.memory_space<hbm>>) dst(%dma_wait3A_1014 : memref<56x128xf32, #tpu.memory_space<vmem>>)
      %dma_wait3A_1025 = arith.constant 1 : i32
      %dma_wait3A_1026 = arith.constant 2 : i32
      %dma_wait3A_1027 = arith.constant 1 : i32
      %dma_wait3A_1028 = arith.constant 0 : i32
      %dma_wait3A_1029 = arith.constant 0 : i32
      %dma_wait3A_1030 = tpu.memref_slice %arg11[%dma_wait3A_1027, %dma_wait3A_1028, %dma_wait3A_1029] : memref<2x56x128xf32, #tpu.memory_space<vmem>> -> memref<1x56x128xf32, #tpu.memory_space<vmem>>
      %dma_wait3A_1031 = tpu.memref_squeeze %dma_wait3A_1030 : memref<1x56x128xf32, #tpu.memory_space<vmem>> -> memref<56x128xf32, #tpu.memory_space<vmem>>
      %dma_wait3A_1032 = arith.constant 0 : i32
      %dma_wait3A_1033 = arith.constant 0 : i32
      %dma_wait3A_1034 = tpu.memref_slice %arg8[%dma_wait3A_1025, %dma_wait3A_1032, %dma_wait3A_1033] : memref<2x5x56xi32, #tpu.memory_space<vmem>> -> memref<1x5x56xi32, #tpu.memory_space<vmem>>
      %dma_wait3A_1035 = tpu.memref_squeeze %dma_wait3A_1034 : memref<1x5x56xi32, #tpu.memory_space<vmem>> -> memref<5x56xi32, #tpu.memory_space<vmem>>
      %dma_wait3A_1036 = arith.constant 0 : i32
      %dma_wait3A_1037 = tpu.memref_slice %dma_wait3A_1035[%dma_wait3A_1026, %dma_wait3A_1036] : memref<5x56xi32, #tpu.memory_space<vmem>> -> memref<1x56xi32, #tpu.memory_space<vmem>>
      %dma_wait3A_1038 = tpu.memref_squeeze %dma_wait3A_1037 : memref<1x56xi32, #tpu.memory_space<vmem>> -> memref<56xi32, #tpu.memory_space<vmem>>
      %dma_wait3A_1039 = arith.constant 0 : i32
      %dma_wait3A_1040 = arith.constant 0 : i32
      %dma_wait3A_1041 = tpu.memref_slice %arg3[%dma_wait3A_1039, %dma_wait3A_1040] : memref<300000x128xf32, #tpu.memory_space<hbm>> -> memref<300000x128xf32, #tpu.memory_space<hbm>>
      tpu.wait_indirect_dma semaphore(%arg19 : memref<!tpu.dma_semaphore, #tpu.memory_space<semaphore_mem>>) src(%dma_wait3A_1041 : memref<300000x128xf32, #tpu.memory_space<hbm>>) dst(%dma_wait3A_1031 : memref<56x128xf32, #tpu.memory_space<vmem>>)
      %dma_wait3A_1042 = arith.constant 1 : i32
      %dma_wait3A_1043 = arith.constant 3 : i32
      %dma_wait3A_1044 = arith.constant 1 : i32
      %dma_wait3A_1045 = arith.constant 0 : i32
      %dma_wait3A_1046 = arith.constant 0 : i32
      %dma_wait3A_1047 = tpu.memref_slice %arg12[%dma_wait3A_1044, %dma_wait3A_1045, %dma_wait3A_1046] : memref<2x56x128xf32, #tpu.memory_space<vmem>> -> memref<1x56x128xf32, #tpu.memory_space<vmem>>
      %dma_wait3A_1048 = tpu.memref_squeeze %dma_wait3A_1047 : memref<1x56x128xf32, #tpu.memory_space<vmem>> -> memref<56x128xf32, #tpu.memory_space<vmem>>
      %dma_wait3A_1049 = arith.constant 0 : i32
      %dma_wait3A_1050 = arith.constant 0 : i32
      %dma_wait3A_1051 = tpu.memref_slice %arg8[%dma_wait3A_1042, %dma_wait3A_1049, %dma_wait3A_1050] : memref<2x5x56xi32, #tpu.memory_space<vmem>> -> memref<1x5x56xi32, #tpu.memory_space<vmem>>
      %dma_wait3A_1052 = tpu.memref_squeeze %dma_wait3A_1051 : memref<1x5x56xi32, #tpu.memory_space<vmem>> -> memref<5x56xi32, #tpu.memory_space<vmem>>
      %dma_wait3A_1053 = arith.constant 0 : i32
      %dma_wait3A_1054 = tpu.memref_slice %dma_wait3A_1052[%dma_wait3A_1043, %dma_wait3A_1053] : memref<5x56xi32, #tpu.memory_space<vmem>> -> memref<1x56xi32, #tpu.memory_space<vmem>>
      %dma_wait3A_1055 = tpu.memref_squeeze %dma_wait3A_1054 : memref<1x56xi32, #tpu.memory_space<vmem>> -> memref<56xi32, #tpu.memory_space<vmem>>
      %dma_wait3A_1056 = arith.constant 0 : i32
      %dma_wait3A_1057 = arith.constant 0 : i32
      %dma_wait3A_1058 = tpu.memref_slice %arg4[%dma_wait3A_1056, %dma_wait3A_1057] : memref<1000x128xf32, #tpu.memory_space<hbm>> -> memref<1000x128xf32, #tpu.memory_space<hbm>>
      tpu.wait_indirect_dma semaphore(%arg19 : memref<!tpu.dma_semaphore, #tpu.memory_space<semaphore_mem>>) src(%dma_wait3A_1058 : memref<1000x128xf32, #tpu.memory_space<hbm>>) dst(%dma_wait3A_1048 : memref<56x128xf32, #tpu.memory_space<vmem>>)
      %dma_wait3A_1059 = arith.constant 1 : i32
      %dma_wait3A_1060 = arith.constant 4 : i32
      %dma_wait3A_1061 = arith.constant 1 : i32
      %dma_wait3A_1062 = arith.constant 0 : i32
      %dma_wait3A_1063 = arith.constant 0 : i32
      %dma_wait3A_1064 = tpu.memref_slice %arg13[%dma_wait3A_1061, %dma_wait3A_1062, %dma_wait3A_1063] : memref<2x56x128xf32, #tpu.memory_space<vmem>> -> memref<1x56x128xf32, #tpu.memory_space<vmem>>
      %dma_wait3A_1065 = tpu.memref_squeeze %dma_wait3A_1064 : memref<1x56x128xf32, #tpu.memory_space<vmem>> -> memref<56x128xf32, #tpu.memory_space<vmem>>
      %dma_wait3A_1066 = arith.constant 0 : i32
      %dma_wait3A_1067 = arith.constant 0 : i32
      %dma_wait3A_1068 = tpu.memref_slice %arg8[%dma_wait3A_1059, %dma_wait3A_1066, %dma_wait3A_1067] : memref<2x5x56xi32, #tpu.memory_space<vmem>> -> memref<1x5x56xi32, #tpu.memory_space<vmem>>
      %dma_wait3A_1069 = tpu.memref_squeeze %dma_wait3A_1068 : memref<1x5x56xi32, #tpu.memory_space<vmem>> -> memref<5x56xi32, #tpu.memory_space<vmem>>
      %dma_wait3A_1070 = arith.constant 0 : i32
      %dma_wait3A_1071 = tpu.memref_slice %dma_wait3A_1069[%dma_wait3A_1060, %dma_wait3A_1070] : memref<5x56xi32, #tpu.memory_space<vmem>> -> memref<1x56xi32, #tpu.memory_space<vmem>>
      %dma_wait3A_1072 = tpu.memref_squeeze %dma_wait3A_1071 : memref<1x56xi32, #tpu.memory_space<vmem>> -> memref<56xi32, #tpu.memory_space<vmem>>
      %dma_wait3A_1073 = arith.constant 0 : i32
      %dma_wait3A_1074 = arith.constant 0 : i32
      %dma_wait3A_1075 = tpu.memref_slice %arg5[%dma_wait3A_1073, %dma_wait3A_1074] : memref<1000x128xf32, #tpu.memory_space<hbm>> -> memref<1000x128xf32, #tpu.memory_space<hbm>>
      tpu.wait_indirect_dma semaphore(%arg19 : memref<!tpu.dma_semaphore, #tpu.memory_space<semaphore_mem>>) src(%dma_wait3A_1075 : memref<1000x128xf32, #tpu.memory_space<hbm>>) dst(%dma_wait3A_1065 : memref<56x128xf32, #tpu.memory_space<vmem>>)
      %add3A_1076 = arith.constant 2 : i32
      %add3A_1077 = arith.addi %add3A_990, %add3A_1076 : i32
      %min3A_1078 = arith.constant 127 : i32
      %min3A_1079 = arith.minsi %add3A_1077, %min3A_1078 : i32
      %add3A_1080 = arith.addi %mul3A_2, %min3A_1079 : i32
      %dma_start3A_1081 = arith.constant 1 : i32
      %dma_start3A_1082 = arith.constant 0 : i32
      %dma_start3A_1083 = arith.constant 0 : i32
      %dma_start3A_1084 = tpu.memref_slice %arg8[%dma_start3A_1081, %dma_start3A_1082, %dma_start3A_1083] : memref<2x5x56xi32, #tpu.memory_space<vmem>> -> memref<1x5x56xi32, #tpu.memory_space<vmem>>
      %dma_start3A_1085 = tpu.memref_squeeze %dma_start3A_1084 : memref<1x5x56xi32, #tpu.memory_space<vmem>> -> memref<5x56xi32, #tpu.memory_space<vmem>>
      %dma_start3A_1086 = arith.constant 0 : i32
      %dma_start3A_1087 = arith.constant 0 : i32
      %dma_start3A_1088 = tpu.memref_slice %arg2[%add3A_1080, %dma_start3A_1086, %dma_start3A_1087] : memref<4096x5x56xi32, #tpu.memory_space<hbm>> -> memref<1x5x56xi32, #tpu.memory_space<hbm>>
      %dma_start3A_1089 = tpu.memref_squeeze %dma_start3A_1088 : memref<1x5x56xi32, #tpu.memory_space<hbm>> -> memref<5x56xi32, #tpu.memory_space<hbm>>
      %dma_start3A_1090 = arith.constant 0 : i32
      %dma_start3A_1091 = arith.constant 0 : i32
      %dma_start3A_1092 = tpu.memref_slice %arg8[%dma_start3A_1081, %dma_start3A_1090, %dma_start3A_1091] : memref<2x5x56xi32, #tpu.memory_space<vmem>> -> memref<1x5x56xi32, #tpu.memory_space<vmem>>
      %dma_start3A_1093 = tpu.memref_squeeze %dma_start3A_1092 : memref<1x5x56xi32, #tpu.memory_space<vmem>> -> memref<5x56xi32, #tpu.memory_space<vmem>>
      %dma_start3A_1094 = arith.constant 0 : i32
      %dma_start3A_1095 = arith.constant 0 : i32
      %dma_start3A_1096 = tpu.memref_slice %arg2[%add3A_1080, %dma_start3A_1094, %dma_start3A_1095] : memref<4096x5x56xi32, #tpu.memory_space<hbm>> -> memref<1x5x56xi32, #tpu.memory_space<hbm>>
      %dma_start3A_1097 = tpu.memref_squeeze %dma_start3A_1096 : memref<1x5x56xi32, #tpu.memory_space<hbm>> -> memref<5x56xi32, #tpu.memory_space<hbm>>
      tpu.enqueue_dma source(%dma_start3A_1097 : memref<5x56xi32, #tpu.memory_space<hbm>>) target(%dma_start3A_1093 : memref<5x56xi32, #tpu.memory_space<vmem>>) target_semaphore(%arg17 : memref<!tpu.dma_semaphore, #tpu.memory_space<semaphore_mem>>)
      %dma_wait3A_1098 = arith.constant 0 : i32
      %dma_wait3A_1099 = arith.constant 0 : i32
      %dma_wait3A_1100 = arith.constant 0 : i32
      %dma_wait3A_1101 = arith.constant 0 : i32
      %dma_wait3A_1102 = tpu.memref_slice %arg8[%dma_wait3A_1099, %dma_wait3A_1100, %dma_wait3A_1101] : memref<2x5x56xi32, #tpu.memory_space<vmem>> -> memref<1x5x56xi32, #tpu.memory_space<vmem>>
      %dma_wait3A_1103 = tpu.memref_squeeze %dma_wait3A_1102 : memref<1x5x56xi32, #tpu.memory_space<vmem>> -> memref<5x56xi32, #tpu.memory_space<vmem>>
      %dma_wait3A_1104 = arith.constant 0 : i32
      %dma_wait3A_1105 = arith.constant 0 : i32
      %dma_wait3A_1106 = tpu.memref_slice %arg2[%dma_wait3A_1098, %dma_wait3A_1104, %dma_wait3A_1105] : memref<4096x5x56xi32, #tpu.memory_space<hbm>> -> memref<1x5x56xi32, #tpu.memory_space<hbm>>
      %dma_wait3A_1107 = tpu.memref_squeeze %dma_wait3A_1106 : memref<1x5x56xi32, #tpu.memory_space<hbm>> -> memref<5x56xi32, #tpu.memory_space<hbm>>
      %dma_wait3A_1108 = arith.constant 0 : i32
      %dma_wait3A_1109 = arith.constant 0 : i32
      %dma_wait3A_1110 = tpu.memref_slice %arg8[%dma_wait3A_1099, %dma_wait3A_1108, %dma_wait3A_1109] : memref<2x5x56xi32, #tpu.memory_space<vmem>> -> memref<1x5x56xi32, #tpu.memory_space<vmem>>
      %dma_wait3A_1111 = tpu.memref_squeeze %dma_wait3A_1110 : memref<1x5x56xi32, #tpu.memory_space<vmem>> -> memref<5x56xi32, #tpu.memory_space<vmem>>
      %dma_wait3A_1112 = arith.constant 0 : i32
      %dma_wait3A_1113 = arith.constant 0 : i32
      %dma_wait3A_1114 = tpu.memref_slice %arg2[%dma_wait3A_1098, %dma_wait3A_1112, %dma_wait3A_1113] : memref<4096x5x56xi32, #tpu.memory_space<hbm>> -> memref<1x5x56xi32, #tpu.memory_space<hbm>>
      %dma_wait3A_1115 = tpu.memref_squeeze %dma_wait3A_1114 : memref<1x5x56xi32, #tpu.memory_space<hbm>> -> memref<5x56xi32, #tpu.memory_space<hbm>>
      tpu.wait_dma2 semaphore(%arg16 : memref<!tpu.dma_semaphore, #tpu.memory_space<semaphore_mem>>) src(%dma_wait3A_1115 : memref<5x56xi32, #tpu.memory_space<hbm>>) dst(%dma_wait3A_1111 : memref<5x56xi32, #tpu.memory_space<vmem>>)
      %dma_start3A_1116 = arith.constant 0 : i32
      %dma_start3A_1117 = arith.constant 0 : i32
      %dma_start3A_1118 = arith.constant 0 : i32
      %dma_start3A_1119 = arith.constant 0 : i32
      %dma_start3A_1120 = arith.constant 0 : i32
      %dma_start3A_1121 = tpu.memref_slice %arg9[%dma_start3A_1118, %dma_start3A_1119, %dma_start3A_1120] : memref<2x56x128xf32, #tpu.memory_space<vmem>> -> memref<1x56x128xf32, #tpu.memory_space<vmem>>
      %dma_start3A_1122 = tpu.memref_squeeze %dma_start3A_1121 : memref<1x56x128xf32, #tpu.memory_space<vmem>> -> memref<56x128xf32, #tpu.memory_space<vmem>>
      %dma_start3A_1123 = arith.constant 0 : i32
      %dma_start3A_1124 = arith.constant 0 : i32
      %dma_start3A_1125 = tpu.memref_slice %arg8[%dma_start3A_1116, %dma_start3A_1123, %dma_start3A_1124] : memref<2x5x56xi32, #tpu.memory_space<vmem>> -> memref<1x5x56xi32, #tpu.memory_space<vmem>>
      %dma_start3A_1126 = tpu.memref_squeeze %dma_start3A_1125 : memref<1x5x56xi32, #tpu.memory_space<vmem>> -> memref<5x56xi32, #tpu.memory_space<vmem>>
      %dma_start3A_1127 = arith.constant 0 : i32
      %dma_start3A_1128 = tpu.memref_slice %dma_start3A_1126[%dma_start3A_1117, %dma_start3A_1127] : memref<5x56xi32, #tpu.memory_space<vmem>> -> memref<1x56xi32, #tpu.memory_space<vmem>>
      %dma_start3A_1129 = tpu.memref_squeeze %dma_start3A_1128 : memref<1x56xi32, #tpu.memory_space<vmem>> -> memref<56xi32, #tpu.memory_space<vmem>>
      %dma_start3A_1130 = arith.constant 0 : i32
      %dma_start3A_1131 = arith.constant 0 : i32
      %dma_start3A_1132 = tpu.memref_slice %arg3[%dma_start3A_1130, %dma_start3A_1131] : memref<300000x128xf32, #tpu.memory_space<hbm>> -> memref<300000x128xf32, #tpu.memory_space<hbm>>
      tpu.enqueue_indirect_dma source(%dma_start3A_1132 : memref<300000x128xf32, #tpu.memory_space<hbm>>) target(%dma_start3A_1122 : memref<56x128xf32, #tpu.memory_space<vmem>>) offsets(%dma_start3A_1129 : memref<56xi32, #tpu.memory_space<vmem>>) semaphore(%arg18 : memref<!tpu.dma_semaphore, #tpu.memory_space<semaphore_mem>>)
      %dma_start3A_1133 = arith.constant 0 : i32
      %dma_start3A_1134 = arith.constant 1 : i32
      %dma_start3A_1135 = arith.constant 0 : i32
      %dma_start3A_1136 = arith.constant 0 : i32
      %dma_start3A_1137 = arith.constant 0 : i32
      %dma_start3A_1138 = tpu.memref_slice %arg10[%dma_start3A_1135, %dma_start3A_1136, %dma_start3A_1137] : memref<2x56x128xf32, #tpu.memory_space<vmem>> -> memref<1x56x128xf32, #tpu.memory_space<vmem>>
      %dma_start3A_1139 = tpu.memref_squeeze %dma_start3A_1138 : memref<1x56x128xf32, #tpu.memory_space<vmem>> -> memref<56x128xf32, #tpu.memory_space<vmem>>
      %dma_start3A_1140 = arith.constant 0 : i32
      %dma_start3A_1141 = arith.constant 0 : i32
      %dma_start3A_1142 = tpu.memref_slice %arg8[%dma_start3A_1133, %dma_start3A_1140, %dma_start3A_1141] : memref<2x5x56xi32, #tpu.memory_space<vmem>> -> memref<1x5x56xi32, #tpu.memory_space<vmem>>
      %dma_start3A_1143 = tpu.memref_squeeze %dma_start3A_1142 : memref<1x5x56xi32, #tpu.memory_space<vmem>> -> memref<5x56xi32, #tpu.memory_space<vmem>>
      %dma_start3A_1144 = arith.constant 0 : i32
      %dma_start3A_1145 = tpu.memref_slice %dma_start3A_1143[%dma_start3A_1134, %dma_start3A_1144] : memref<5x56xi32, #tpu.memory_space<vmem>> -> memref<1x56xi32, #tpu.memory_space<vmem>>
      %dma_start3A_1146 = tpu.memref_squeeze %dma_start3A_1145 : memref<1x56xi32, #tpu.memory_space<vmem>> -> memref<56xi32, #tpu.memory_space<vmem>>
      %dma_start3A_1147 = arith.constant 0 : i32
      %dma_start3A_1148 = arith.constant 0 : i32
      %dma_start3A_1149 = tpu.memref_slice %arg3[%dma_start3A_1147, %dma_start3A_1148] : memref<300000x128xf32, #tpu.memory_space<hbm>> -> memref<300000x128xf32, #tpu.memory_space<hbm>>
      tpu.enqueue_indirect_dma source(%dma_start3A_1149 : memref<300000x128xf32, #tpu.memory_space<hbm>>) target(%dma_start3A_1139 : memref<56x128xf32, #tpu.memory_space<vmem>>) offsets(%dma_start3A_1146 : memref<56xi32, #tpu.memory_space<vmem>>) semaphore(%arg18 : memref<!tpu.dma_semaphore, #tpu.memory_space<semaphore_mem>>)
      %dma_start3A_1150 = arith.constant 0 : i32
      %dma_start3A_1151 = arith.constant 2 : i32
      %dma_start3A_1152 = arith.constant 0 : i32
      %dma_start3A_1153 = arith.constant 0 : i32
      %dma_start3A_1154 = arith.constant 0 : i32
      %dma_start3A_1155 = tpu.memref_slice %arg11[%dma_start3A_1152, %dma_start3A_1153, %dma_start3A_1154] : memref<2x56x128xf32, #tpu.memory_space<vmem>> -> memref<1x56x128xf32, #tpu.memory_space<vmem>>
      %dma_start3A_1156 = tpu.memref_squeeze %dma_start3A_1155 : memref<1x56x128xf32, #tpu.memory_space<vmem>> -> memref<56x128xf32, #tpu.memory_space<vmem>>
      %dma_start3A_1157 = arith.constant 0 : i32
      %dma_start3A_1158 = arith.constant 0 : i32
      %dma_start3A_1159 = tpu.memref_slice %arg8[%dma_start3A_1150, %dma_start3A_1157, %dma_start3A_1158] : memref<2x5x56xi32, #tpu.memory_space<vmem>> -> memref<1x5x56xi32, #tpu.memory_space<vmem>>
      %dma_start3A_1160 = tpu.memref_squeeze %dma_start3A_1159 : memref<1x5x56xi32, #tpu.memory_space<vmem>> -> memref<5x56xi32, #tpu.memory_space<vmem>>
      %dma_start3A_1161 = arith.constant 0 : i32
      %dma_start3A_1162 = tpu.memref_slice %dma_start3A_1160[%dma_start3A_1151, %dma_start3A_1161] : memref<5x56xi32, #tpu.memory_space<vmem>> -> memref<1x56xi32, #tpu.memory_space<vmem>>
      %dma_start3A_1163 = tpu.memref_squeeze %dma_start3A_1162 : memref<1x56xi32, #tpu.memory_space<vmem>> -> memref<56xi32, #tpu.memory_space<vmem>>
      %dma_start3A_1164 = arith.constant 0 : i32
      %dma_start3A_1165 = arith.constant 0 : i32
      %dma_start3A_1166 = tpu.memref_slice %arg3[%dma_start3A_1164, %dma_start3A_1165] : memref<300000x128xf32, #tpu.memory_space<hbm>> -> memref<300000x128xf32, #tpu.memory_space<hbm>>
      tpu.enqueue_indirect_dma source(%dma_start3A_1166 : memref<300000x128xf32, #tpu.memory_space<hbm>>) target(%dma_start3A_1156 : memref<56x128xf32, #tpu.memory_space<vmem>>) offsets(%dma_start3A_1163 : memref<56xi32, #tpu.memory_space<vmem>>) semaphore(%arg18 : memref<!tpu.dma_semaphore, #tpu.memory_space<semaphore_mem>>)
      %dma_start3A_1167 = arith.constant 0 : i32
      %dma_start3A_1168 = arith.constant 3 : i32
      %dma_start3A_1169 = arith.constant 0 : i32
      %dma_start3A_1170 = arith.constant 0 : i32
      %dma_start3A_1171 = arith.constant 0 : i32
      %dma_start3A_1172 = tpu.memref_slice %arg12[%dma_start3A_1169, %dma_start3A_1170, %dma_start3A_1171] : memref<2x56x128xf32, #tpu.memory_space<vmem>> -> memref<1x56x128xf32, #tpu.memory_space<vmem>>
      %dma_start3A_1173 = tpu.memref_squeeze %dma_start3A_1172 : memref<1x56x128xf32, #tpu.memory_space<vmem>> -> memref<56x128xf32, #tpu.memory_space<vmem>>
      %dma_start3A_1174 = arith.constant 0 : i32
      %dma_start3A_1175 = arith.constant 0 : i32
      %dma_start3A_1176 = tpu.memref_slice %arg8[%dma_start3A_1167, %dma_start3A_1174, %dma_start3A_1175] : memref<2x5x56xi32, #tpu.memory_space<vmem>> -> memref<1x5x56xi32, #tpu.memory_space<vmem>>
      %dma_start3A_1177 = tpu.memref_squeeze %dma_start3A_1176 : memref<1x5x56xi32, #tpu.memory_space<vmem>> -> memref<5x56xi32, #tpu.memory_space<vmem>>
      %dma_start3A_1178 = arith.constant 0 : i32
      %dma_start3A_1179 = tpu.memref_slice %dma_start3A_1177[%dma_start3A_1168, %dma_start3A_1178] : memref<5x56xi32, #tpu.memory_space<vmem>> -> memref<1x56xi32, #tpu.memory_space<vmem>>
      %dma_start3A_1180 = tpu.memref_squeeze %dma_start3A_1179 : memref<1x56xi32, #tpu.memory_space<vmem>> -> memref<56xi32, #tpu.memory_space<vmem>>
      %dma_start3A_1181 = arith.constant 0 : i32
      %dma_start3A_1182 = arith.constant 0 : i32
      %dma_start3A_1183 = tpu.memref_slice %arg4[%dma_start3A_1181, %dma_start3A_1182] : memref<1000x128xf32, #tpu.memory_space<hbm>> -> memref<1000x128xf32, #tpu.memory_space<hbm>>
      tpu.enqueue_indirect_dma source(%dma_start3A_1183 : memref<1000x128xf32, #tpu.memory_space<hbm>>) target(%dma_start3A_1173 : memref<56x128xf32, #tpu.memory_space<vmem>>) offsets(%dma_start3A_1180 : memref<56xi32, #tpu.memory_space<vmem>>) semaphore(%arg18 : memref<!tpu.dma_semaphore, #tpu.memory_space<semaphore_mem>>)
      %dma_start3A_1184 = arith.constant 0 : i32
      %dma_start3A_1185 = arith.constant 4 : i32
      %dma_start3A_1186 = arith.constant 0 : i32
      %dma_start3A_1187 = arith.constant 0 : i32
      %dma_start3A_1188 = arith.constant 0 : i32
      %dma_start3A_1189 = tpu.memref_slice %arg13[%dma_start3A_1186, %dma_start3A_1187, %dma_start3A_1188] : memref<2x56x128xf32, #tpu.memory_space<vmem>> -> memref<1x56x128xf32, #tpu.memory_space<vmem>>
      %dma_start3A_1190 = tpu.memref_squeeze %dma_start3A_1189 : memref<1x56x128xf32, #tpu.memory_space<vmem>> -> memref<56x128xf32, #tpu.memory_space<vmem>>
      %dma_start3A_1191 = arith.constant 0 : i32
      %dma_start3A_1192 = arith.constant 0 : i32
      %dma_start3A_1193 = tpu.memref_slice %arg8[%dma_start3A_1184, %dma_start3A_1191, %dma_start3A_1192] : memref<2x5x56xi32, #tpu.memory_space<vmem>> -> memref<1x5x56xi32, #tpu.memory_space<vmem>>
      %dma_start3A_1194 = tpu.memref_squeeze %dma_start3A_1193 : memref<1x5x56xi32, #tpu.memory_space<vmem>> -> memref<5x56xi32, #tpu.memory_space<vmem>>
      %dma_start3A_1195 = arith.constant 0 : i32
      %dma_start3A_1196 = tpu.memref_slice %dma_start3A_1194[%dma_start3A_1185, %dma_start3A_1195] : memref<5x56xi32, #tpu.memory_space<vmem>> -> memref<1x56xi32, #tpu.memory_space<vmem>>
      %dma_start3A_1197 = tpu.memref_squeeze %dma_start3A_1196 : memref<1x56xi32, #tpu.memory_space<vmem>> -> memref<56xi32, #tpu.memory_space<vmem>>
      %dma_start3A_1198 = arith.constant 0 : i32
      %dma_start3A_1199 = arith.constant 0 : i32
      %dma_start3A_1200 = tpu.memref_slice %arg5[%dma_start3A_1198, %dma_start3A_1199] : memref<1000x128xf32, #tpu.memory_space<hbm>> -> memref<1000x128xf32, #tpu.memory_space<hbm>>
      tpu.enqueue_indirect_dma source(%dma_start3A_1200 : memref<1000x128xf32, #tpu.memory_space<hbm>>) target(%dma_start3A_1190 : memref<56x128xf32, #tpu.memory_space<vmem>>) offsets(%dma_start3A_1197 : memref<56xi32, #tpu.memory_space<vmem>>) semaphore(%arg18 : memref<!tpu.dma_semaphore, #tpu.memory_space<semaphore_mem>>)
      %ge3A_1201 = arith.constant 2 : i32
      %ge3A_1202 = arith.cmpi sge, %add3A_990, %ge3A_1201 : i32
      %convert_element_type3A_1203 = arith.extui %ge3A_1202 : i1 to i32
      %cond3A_1204 = arith.constant 0 : i32
      %cond3A_1205 = arith.cmpi ne, %convert_element_type3A_1203, %cond3A_1204 : i32
      scf.if %cond3A_1205 {
        %dma_wait3A_1697 = arith.constant 1 : i32
        %dma_wait3A_1698 = arith.constant 0 : i32
        %dma_wait3A_1699 = arith.constant 0 : i32
        %dma_wait3A_1700 = arith.constant 0 : i32
        %dma_wait3A_1701 = tpu.memref_slice %arg14[%dma_wait3A_1697, %dma_wait3A_1699, %dma_wait3A_1700] : memref<2x50x192xf32, #tpu.memory_space<vmem>> -> memref<1x50x192xf32, #tpu.memory_space<vmem>>
        %dma_wait3A_1702 = tpu.memref_squeeze %dma_wait3A_1701 : memref<1x50x192xf32, #tpu.memory_space<vmem>> -> memref<50x192xf32, #tpu.memory_space<vmem>>
        %dma_wait3A_1703 = arith.constant 0 : i32
        %dma_wait3A_1704 = arith.constant 0 : i32
        %dma_wait3A_1705 = tpu.memref_slice %arg6[%dma_wait3A_1698, %dma_wait3A_1703, %dma_wait3A_1704] : memref<4096x50x192xf32, #tpu.memory_space<hbm>> -> memref<1x50x192xf32, #tpu.memory_space<hbm>>
        %dma_wait3A_1706 = tpu.memref_squeeze %dma_wait3A_1705 : memref<1x50x192xf32, #tpu.memory_space<hbm>> -> memref<50x192xf32, #tpu.memory_space<hbm>>
        %dma_wait3A_1707 = arith.constant 0 : i32
        %dma_wait3A_1708 = arith.constant 0 : i32
        %dma_wait3A_1709 = tpu.memref_slice %arg6[%dma_wait3A_1698, %dma_wait3A_1707, %dma_wait3A_1708] : memref<4096x50x192xf32, #tpu.memory_space<hbm>> -> memref<1x50x192xf32, #tpu.memory_space<hbm>>
        %dma_wait3A_1710 = tpu.memref_squeeze %dma_wait3A_1709 : memref<1x50x192xf32, #tpu.memory_space<hbm>> -> memref<50x192xf32, #tpu.memory_space<hbm>>
        %dma_wait3A_1711 = arith.constant 0 : i32
        %dma_wait3A_1712 = arith.constant 0 : i32
        %dma_wait3A_1713 = tpu.memref_slice %arg14[%dma_wait3A_1697, %dma_wait3A_1711, %dma_wait3A_1712] : memref<2x50x192xf32, #tpu.memory_space<vmem>> -> memref<1x50x192xf32, #tpu.memory_space<vmem>>
        %dma_wait3A_1714 = tpu.memref_squeeze %dma_wait3A_1713 : memref<1x50x192xf32, #tpu.memory_space<vmem>> -> memref<50x192xf32, #tpu.memory_space<vmem>>
        tpu.wait_dma2 semaphore(%arg21 : memref<!tpu.dma_semaphore, #tpu.memory_space<semaphore_mem>>) src(%dma_wait3A_1714 : memref<50x192xf32, #tpu.memory_space<vmem>>) dst(%dma_wait3A_1710 : memref<50x192xf32, #tpu.memory_space<hbm>>)
      } else {
      }
      %parallel_loop3A_1206 = arith.constant 0 : i32
      %parallel_loop3A_1207 = arith.constant 50 : i32
      %parallel_loop3A_1208 = arith.constant 1 : i32
      %parallel_loop3A_1209 = arith.constant 1 : i32
      %parallel_loop3A_1210 = arith.constant 1 : i32
      %parallel_loop3A_1211 = arith.constant 1 : i32
      %parallel_loop3A_1212 = arith.constant 1 : i32
      %parallel_loop3A_1213 = arith.constant 1 : i32
      %parallel_loop3A_1214 = arith.constant 1 : i32
      scf.for %parallel_loop3A_1697 = %parallel_loop3A_1206 to %parallel_loop3A_1207 step %parallel_loop3A_1208  : i32 {
        %parallel_loop3A_1698 = arith.constant 0 : i32
        %parallel_loop3A_1699 = arith.constant 0 : i32
        %parallel_loop3A_1700 = tpu.memref_slice %arg9[%parallel_loop3A_1209, %parallel_loop3A_1698, %parallel_loop3A_1699] : memref<2x56x128xf32, #tpu.memory_space<vmem>> -> memref<1x56x128xf32, #tpu.memory_space<vmem>>
        %parallel_loop3A_1701 = tpu.memref_squeeze %parallel_loop3A_1700 : memref<1x56x128xf32, #tpu.memory_space<vmem>> -> memref<56x128xf32, #tpu.memory_space<vmem>>
        %parallel_loop3A_1702 = arith.index_cast %parallel_loop3A_1697 : i32 to index
        %parallel_loop3A_1703 = arith.constant 0 : index
        %parallel_loop3A_1704 = tpu.vector_load %parallel_loop3A_1701[%parallel_loop3A_1702, %parallel_loop3A_1703] {strides = array<i32>} : memref<56x128xf32, #tpu.memory_space<vmem>>, vector<1x16xf32>,
        %parallel_loop3A_1705 = vector.shape_cast %parallel_loop3A_1704 : vector<1x16xf32> to vector<16xf32>
        %parallel_loop3A_1706 = arith.constant 0 : i32
        %parallel_loop3A_1707 = arith.constant 0 : i32
        %parallel_loop3A_1708 = tpu.memref_slice %arg10[%parallel_loop3A_1210, %parallel_loop3A_1706, %parallel_loop3A_1707] : memref<2x56x128xf32, #tpu.memory_space<vmem>> -> memref<1x56x128xf32, #tpu.memory_space<vmem>>
        %parallel_loop3A_1709 = tpu.memref_squeeze %parallel_loop3A_1708 : memref<1x56x128xf32, #tpu.memory_space<vmem>> -> memref<56x128xf32, #tpu.memory_space<vmem>>
        %parallel_loop3A_1710 = arith.index_cast %parallel_loop3A_1697 : i32 to index
        %parallel_loop3A_1711 = arith.constant 0 : index
        %parallel_loop3A_1712 = tpu.vector_load %parallel_loop3A_1709[%parallel_loop3A_1710, %parallel_loop3A_1711] {strides = array<i32>} : memref<56x128xf32, #tpu.memory_space<vmem>>, vector<1x16xf32>,
        %parallel_loop3A_1713 = vector.shape_cast %parallel_loop3A_1712 : vector<1x16xf32> to vector<16xf32>
        %parallel_loop3A_1714 = arith.addf %parallel_loop3A_1705, %parallel_loop3A_1713 : vector<16xf32>
        %parallel_loop3A_1715 = arith.constant 0 : i32
        %parallel_loop3A_1716 = arith.constant 0 : i32
        %parallel_loop3A_1717 = tpu.memref_slice %arg11[%parallel_loop3A_1211, %parallel_loop3A_1715, %parallel_loop3A_1716] : memref<2x56x128xf32, #tpu.memory_space<vmem>> -> memref<1x56x128xf32, #tpu.memory_space<vmem>>
        %parallel_loop3A_1718 = tpu.memref_squeeze %parallel_loop3A_1717 : memref<1x56x128xf32, #tpu.memory_space<vmem>> -> memref<56x128xf32, #tpu.memory_space<vmem>>
        %parallel_loop3A_1719 = arith.index_cast %parallel_loop3A_1697 : i32 to index
        %parallel_loop3A_1720 = arith.constant 0 : index
        %parallel_loop3A_1721 = tpu.vector_load %parallel_loop3A_1718[%parallel_loop3A_1719, %parallel_loop3A_1720] {strides = array<i32>} : memref<56x128xf32, #tpu.memory_space<vmem>>, vector<1x16xf32>,
        %parallel_loop3A_1722 = vector.shape_cast %parallel_loop3A_1721 : vector<1x16xf32> to vector<16xf32>
        %parallel_loop3A_1723 = arith.addf %parallel_loop3A_1714, %parallel_loop3A_1722 : vector<16xf32>
        %parallel_loop3A_1724 = arith.constant 0 : i32
        %parallel_loop3A_1725 = arith.constant 0 : i32
        %parallel_loop3A_1726 = tpu.memref_slice %arg9[%parallel_loop3A_1209, %parallel_loop3A_1724, %parallel_loop3A_1725] : memref<2x56x128xf32, #tpu.memory_space<vmem>> -> memref<1x56x128xf32, #tpu.memory_space<vmem>>
        %parallel_loop3A_1727 = tpu.memref_squeeze %parallel_loop3A_1726 : memref<1x56x128xf32, #tpu.memory_space<vmem>> -> memref<56x128xf32, #tpu.memory_space<vmem>>
        %parallel_loop3A_1728 = arith.index_cast %parallel_loop3A_1697 : i32 to index
        %parallel_loop3A_1729 = arith.constant 64 : index
        %parallel_loop3A_1730 = tpu.vector_load %parallel_loop3A_1727[%parallel_loop3A_1728, %parallel_loop3A_1729] {strides = array<i32>} : memref<56x128xf32, #tpu.memory_space<vmem>>, vector<1x16xf32>,
        %parallel_loop3A_1731 = vector.shape_cast %parallel_loop3A_1730 : vector<1x16xf32> to vector<16xf32>
        %parallel_loop3A_1732 = arith.constant 0 : i32
        %parallel_loop3A_1733 = arith.constant 0 : i32
        %parallel_loop3A_1734 = tpu.memref_slice %arg10[%parallel_loop3A_1210, %parallel_loop3A_1732, %parallel_loop3A_1733] : memref<2x56x128xf32, #tpu.memory_space<vmem>> -> memref<1x56x128xf32, #tpu.memory_space<vmem>>
        %parallel_loop3A_1735 = tpu.memref_squeeze %parallel_loop3A_1734 : memref<1x56x128xf32, #tpu.memory_space<vmem>> -> memref<56x128xf32, #tpu.memory_space<vmem>>
        %parallel_loop3A_1736 = arith.index_cast %parallel_loop3A_1697 : i32 to index
        %parallel_loop3A_1737 = arith.constant 64 : index
        %parallel_loop3A_1738 = tpu.vector_load %parallel_loop3A_1735[%parallel_loop3A_1736, %parallel_loop3A_1737] {strides = array<i32>} : memref<56x128xf32, #tpu.memory_space<vmem>>, vector<1x16xf32>,
        %parallel_loop3A_1739 = vector.shape_cast %parallel_loop3A_1738 : vector<1x16xf32> to vector<16xf32>
        %parallel_loop3A_1740 = arith.addf %parallel_loop3A_1731, %parallel_loop3A_1739 : vector<16xf32>
        %parallel_loop3A_1741 = arith.constant 0 : i32
        %parallel_loop3A_1742 = arith.constant 0 : i32
        %parallel_loop3A_1743 = tpu.memref_slice %arg11[%parallel_loop3A_1211, %parallel_loop3A_1741, %parallel_loop3A_1742] : memref<2x56x128xf32, #tpu.memory_space<vmem>> -> memref<1x56x128xf32, #tpu.memory_space<vmem>>
        %parallel_loop3A_1744 = tpu.memref_squeeze %parallel_loop3A_1743 : memref<1x56x128xf32, #tpu.memory_space<vmem>> -> memref<56x128xf32, #tpu.memory_space<vmem>>
        %parallel_loop3A_1745 = arith.index_cast %parallel_loop3A_1697 : i32 to index
        %parallel_loop3A_1746 = arith.constant 64 : index
        %parallel_loop3A_1747 = tpu.vector_load %parallel_loop3A_1744[%parallel_loop3A_1745, %parallel_loop3A_1746] {strides = array<i32>} : memref<56x128xf32, #tpu.memory_space<vmem>>, vector<1x16xf32>,
        %parallel_loop3A_1748 = vector.shape_cast %parallel_loop3A_1747 : vector<1x16xf32> to vector<16xf32>
        %parallel_loop3A_1749 = arith.addf %parallel_loop3A_1740, %parallel_loop3A_1748 : vector<16xf32>
        %parallel_loop3A_1750 = arith.constant 0 : i32
        %parallel_loop3A_1751 = arith.constant 0 : i32
        %parallel_loop3A_1752 = tpu.memref_slice %arg13[%parallel_loop3A_1212, %parallel_loop3A_1750, %parallel_loop3A_1751] : memref<2x56x128xf32, #tpu.memory_space<vmem>> -> memref<1x56x128xf32, #tpu.memory_space<vmem>>
        %parallel_loop3A_1753 = tpu.memref_squeeze %parallel_loop3A_1752 : memref<1x56x128xf32, #tpu.memory_space<vmem>> -> memref<56x128xf32, #tpu.memory_space<vmem>>
        %parallel_loop3A_1754 = arith.index_cast %parallel_loop3A_1697 : i32 to index
        %parallel_loop3A_1755 = arith.constant 64 : index
        %parallel_loop3A_1756 = tpu.vector_load %parallel_loop3A_1753[%parallel_loop3A_1754, %parallel_loop3A_1755] {strides = array<i32>} : memref<56x128xf32, #tpu.memory_space<vmem>>, vector<1x16xf32>,
        %parallel_loop3A_1757 = vector.shape_cast %parallel_loop3A_1756 : vector<1x16xf32> to vector<16xf32>
        %parallel_loop3A_1758 = tpu.bitcast %parallel_loop3A_1757 : vector<16xf32> -> vector<16xi32>
        %parallel_loop3A_1759 = arith.constant 16 : i32
        %parallel_loop3A_1760 = vector.broadcast %parallel_loop3A_1759 : i32 to vector<16xi32>
        %parallel_loop3A_1761 = arith.shli %parallel_loop3A_1758, %parallel_loop3A_1760 : vector<16xi32>
        %parallel_loop3A_1762 = tpu.bitcast %parallel_loop3A_1761 : vector<16xi32> -> vector<16xf32>
        %parallel_loop3A_1763 = arith.constant -65536 : i32
        %parallel_loop3A_1764 = vector.broadcast %parallel_loop3A_1763 : i32 to vector<16xi32>
        %parallel_loop3A_1765 = arith.andi %parallel_loop3A_1758, %parallel_loop3A_1764 : vector<16xi32>
        %parallel_loop3A_1766 = tpu.bitcast %parallel_loop3A_1765 : vector<16xi32> -> vector<16xf32>
        %parallel_loop3A_1767 = arith.mulf %parallel_loop3A_1723, %parallel_loop3A_1762 : vector<16xf32>
        %parallel_loop3A_1768 = arith.mulf %parallel_loop3A_1749, %parallel_loop3A_1766 : vector<16xf32>
        %parallel_loop3A_1769 = arith.subf %parallel_loop3A_1767, %parallel_loop3A_1768 : vector<16xf32>
        %parallel_loop3A_1770 = arith.constant 0 : i32
        %parallel_loop3A_1771 = arith.constant 0 : i32
        %parallel_loop3A_1772 = tpu.memref_slice %arg14[%parallel_loop3A_1213, %parallel_loop3A_1770, %parallel_loop3A_1771] : memref<2x50x192xf32, #tpu.memory_space<vmem>> -> memref<1x50x192xf32, #tpu.memory_space<vmem>>
        %parallel_loop3A_1773 = tpu.memref_squeeze %parallel_loop3A_1772 : memref<1x50x192xf32, #tpu.memory_space<vmem>> -> memref<50x192xf32, #tpu.memory_space<vmem>>
        %parallel_loop3A_1774 = arith.index_cast %parallel_loop3A_1697 : i32 to index
        %parallel_loop3A_1775 = arith.constant 0 : index
        %parallel_loop3A_1776 = tpu.vector_load %parallel_loop3A_1773[%parallel_loop3A_1774, %parallel_loop3A_1775] {strides = array<i32>} : memref<50x192xf32, #tpu.memory_space<vmem>>, vector<1x16xf32>,
        %parallel_loop3A_1777 = vector.shape_cast %parallel_loop3A_1776 : vector<1x16xf32> to vector<16xf32>
        %parallel_loop3A_1778 = vector.shape_cast %parallel_loop3A_1769 : vector<16xf32> to vector<1x16xf32>
        tpu.vector_store %parallel_loop3A_1773[%parallel_loop3A_1774, %parallel_loop3A_1775], %parallel_loop3A_1778 {strides = array<i32>} : memref<50x192xf32, #tpu.memory_space<vmem>>, vector<1x16xf32>,
        %parallel_loop3A_1779 = arith.mulf %parallel_loop3A_1749, %parallel_loop3A_1762 : vector<16xf32>
        %parallel_loop3A_1780 = arith.mulf %parallel_loop3A_1723, %parallel_loop3A_1766 : vector<16xf32>
        %parallel_loop3A_1781 = arith.addf %parallel_loop3A_1779, %parallel_loop3A_1780 : vector<16xf32>
        %parallel_loop3A_1782 = arith.constant 0 : i32
        %parallel_loop3A_1783 = arith.constant 0 : i32
        %parallel_loop3A_1784 = tpu.memref_slice %arg14[%parallel_loop3A_1213, %parallel_loop3A_1782, %parallel_loop3A_1783] : memref<2x50x192xf32, #tpu.memory_space<vmem>> -> memref<1x50x192xf32, #tpu.memory_space<vmem>>
        %parallel_loop3A_1785 = tpu.memref_squeeze %parallel_loop3A_1784 : memref<1x50x192xf32, #tpu.memory_space<vmem>> -> memref<50x192xf32, #tpu.memory_space<vmem>>
        %parallel_loop3A_1786 = arith.index_cast %parallel_loop3A_1697 : i32 to index
        %parallel_loop3A_1787 = arith.constant 64 : index
        %parallel_loop3A_1788 = tpu.vector_load %parallel_loop3A_1785[%parallel_loop3A_1786, %parallel_loop3A_1787] {strides = array<i32>} : memref<50x192xf32, #tpu.memory_space<vmem>>, vector<1x16xf32>,
        %parallel_loop3A_1789 = vector.shape_cast %parallel_loop3A_1788 : vector<1x16xf32> to vector<16xf32>
        %parallel_loop3A_1790 = vector.shape_cast %parallel_loop3A_1781 : vector<16xf32> to vector<1x16xf32>
        tpu.vector_store %parallel_loop3A_1785[%parallel_loop3A_1786, %parallel_loop3A_1787], %parallel_loop3A_1790 {strides = array<i32>} : memref<50x192xf32, #tpu.memory_space<vmem>>, vector<1x16xf32>,
        %parallel_loop3A_1791 = arith.constant 0 : i32
        %parallel_loop3A_1792 = arith.constant 0 : i32
        %parallel_loop3A_1793 = tpu.memref_slice %arg13[%parallel_loop3A_1212, %parallel_loop3A_1791, %parallel_loop3A_1792] : memref<2x56x128xf32, #tpu.memory_space<vmem>> -> memref<1x56x128xf32, #tpu.memory_space<vmem>>
        %parallel_loop3A_1794 = tpu.memref_squeeze %parallel_loop3A_1793 : memref<1x56x128xf32, #tpu.memory_space<vmem>> -> memref<56x128xf32, #tpu.memory_space<vmem>>
        %parallel_loop3A_1795 = arith.index_cast %parallel_loop3A_1697 : i32 to index
        %parallel_loop3A_1796 = arith.constant 0 : index
        %parallel_loop3A_1797 = tpu.vector_load %parallel_loop3A_1794[%parallel_loop3A_1795, %parallel_loop3A_1796] {strides = array<i32>} : memref<56x128xf32, #tpu.memory_space<vmem>>, vector<1x16xf32>,
        %parallel_loop3A_1798 = vector.shape_cast %parallel_loop3A_1797 : vector<1x16xf32> to vector<16xf32>
        %parallel_loop3A_1799 = arith.constant 0 : i32
        %parallel_loop3A_1800 = arith.constant 0 : i32
        %parallel_loop3A_1801 = tpu.memref_slice %arg12[%parallel_loop3A_1214, %parallel_loop3A_1799, %parallel_loop3A_1800] : memref<2x56x128xf32, #tpu.memory_space<vmem>> -> memref<1x56x128xf32, #tpu.memory_space<vmem>>
        %parallel_loop3A_1802 = tpu.memref_squeeze %parallel_loop3A_1801 : memref<1x56x128xf32, #tpu.memory_space<vmem>> -> memref<56x128xf32, #tpu.memory_space<vmem>>
        %parallel_loop3A_1803 = arith.index_cast %parallel_loop3A_1697 : i32 to index
        %parallel_loop3A_1804 = arith.constant 0 : index
        %parallel_loop3A_1805 = tpu.vector_load %parallel_loop3A_1802[%parallel_loop3A_1803, %parallel_loop3A_1804] {strides = array<i32>} : memref<56x128xf32, #tpu.memory_space<vmem>>, vector<1x16xf32>,
        %parallel_loop3A_1806 = vector.shape_cast %parallel_loop3A_1805 : vector<1x16xf32> to vector<16xf32>
        %parallel_loop3A_1807 = arith.addf %parallel_loop3A_1798, %parallel_loop3A_1806 : vector<16xf32>
        %parallel_loop3A_1808 = arith.constant 0 : i32
        %parallel_loop3A_1809 = arith.constant 0 : i32
        %parallel_loop3A_1810 = tpu.memref_slice %arg14[%parallel_loop3A_1213, %parallel_loop3A_1808, %parallel_loop3A_1809] : memref<2x50x192xf32, #tpu.memory_space<vmem>> -> memref<1x50x192xf32, #tpu.memory_space<vmem>>
        %parallel_loop3A_1811 = tpu.memref_squeeze %parallel_loop3A_1810 : memref<1x50x192xf32, #tpu.memory_space<vmem>> -> memref<50x192xf32, #tpu.memory_space<vmem>>
        %parallel_loop3A_1812 = arith.index_cast %parallel_loop3A_1697 : i32 to index
        %parallel_loop3A_1813 = arith.constant 128 : index
        %parallel_loop3A_1814 = tpu.vector_load %parallel_loop3A_1811[%parallel_loop3A_1812, %parallel_loop3A_1813] {strides = array<i32>} : memref<50x192xf32, #tpu.memory_space<vmem>>, vector<1x16xf32>,
        %parallel_loop3A_1815 = vector.shape_cast %parallel_loop3A_1814 : vector<1x16xf32> to vector<16xf32>
        %parallel_loop3A_1816 = vector.shape_cast %parallel_loop3A_1807 : vector<16xf32> to vector<1x16xf32>
        tpu.vector_store %parallel_loop3A_1811[%parallel_loop3A_1812, %parallel_loop3A_1813], %parallel_loop3A_1816 {strides = array<i32>} : memref<50x192xf32, #tpu.memory_space<vmem>>, vector<1x16xf32>,
        %parallel_loop3A_1817 = arith.constant 0 : i32
        %parallel_loop3A_1818 = arith.constant 0 : i32
        %parallel_loop3A_1819 = tpu.memref_slice %arg9[%parallel_loop3A_1209, %parallel_loop3A_1817, %parallel_loop3A_1818] : memref<2x56x128xf32, #tpu.memory_space<vmem>> -> memref<1x56x128xf32, #tpu.memory_space<vmem>>
        %parallel_loop3A_1820 = tpu.memref_squeeze %parallel_loop3A_1819 : memref<1x56x128xf32, #tpu.memory_space<vmem>> -> memref<56x128xf32, #tpu.memory_space<vmem>>
        %parallel_loop3A_1821 = arith.index_cast %parallel_loop3A_1697 : i32 to index
        %parallel_loop3A_1822 = arith.constant 16 : index
        %parallel_loop3A_1823 = tpu.vector_load %parallel_loop3A_1820[%parallel_loop3A_1821, %parallel_loop3A_1822] {strides = array<i32>} : memref<56x128xf32, #tpu.memory_space<vmem>>, vector<1x16xf32>,
        %parallel_loop3A_1824 = vector.shape_cast %parallel_loop3A_1823 : vector<1x16xf32> to vector<16xf32>
        %parallel_loop3A_1825 = arith.constant 0 : i32
        %parallel_loop3A_1826 = arith.constant 0 : i32
        %parallel_loop3A_1827 = tpu.memref_slice %arg10[%parallel_loop3A_1210, %parallel_loop3A_1825, %parallel_loop3A_1826] : memref<2x56x128xf32, #tpu.memory_space<vmem>> -> memref<1x56x128xf32, #tpu.memory_space<vmem>>
        %parallel_loop3A_1828 = tpu.memref_squeeze %parallel_loop3A_1827 : memref<1x56x128xf32, #tpu.memory_space<vmem>> -> memref<56x128xf32, #tpu.memory_space<vmem>>
        %parallel_loop3A_1829 = arith.index_cast %parallel_loop3A_1697 : i32 to index
        %parallel_loop3A_1830 = arith.constant 16 : index
        %parallel_loop3A_1831 = tpu.vector_load %parallel_loop3A_1828[%parallel_loop3A_1829, %parallel_loop3A_1830] {strides = array<i32>} : memref<56x128xf32, #tpu.memory_space<vmem>>, vector<1x16xf32>,
        %parallel_loop3A_1832 = vector.shape_cast %parallel_loop3A_1831 : vector<1x16xf32> to vector<16xf32>
        %parallel_loop3A_1833 = arith.addf %parallel_loop3A_1824, %parallel_loop3A_1832 : vector<16xf32>
        %parallel_loop3A_1834 = arith.constant 0 : i32
        %parallel_loop3A_1835 = arith.constant 0 : i32
        %parallel_loop3A_1836 = tpu.memref_slice %arg11[%parallel_loop3A_1211, %parallel_loop3A_1834, %parallel_loop3A_1835] : memref<2x56x128xf32, #tpu.memory_space<vmem>> -> memref<1x56x128xf32, #tpu.memory_space<vmem>>
        %parallel_loop3A_1837 = tpu.memref_squeeze %parallel_loop3A_1836 : memref<1x56x128xf32, #tpu.memory_space<vmem>> -> memref<56x128xf32, #tpu.memory_space<vmem>>
        %parallel_loop3A_1838 = arith.index_cast %parallel_loop3A_1697 : i32 to index
        %parallel_loop3A_1839 = arith.constant 16 : index
        %parallel_loop3A_1840 = tpu.vector_load %parallel_loop3A_1837[%parallel_loop3A_1838, %parallel_loop3A_1839] {strides = array<i32>} : memref<56x128xf32, #tpu.memory_space<vmem>>, vector<1x16xf32>,
        %parallel_loop3A_1841 = vector.shape_cast %parallel_loop3A_1840 : vector<1x16xf32> to vector<16xf32>
        %parallel_loop3A_1842 = arith.addf %parallel_loop3A_1833, %parallel_loop3A_1841 : vector<16xf32>
        %parallel_loop3A_1843 = arith.constant 0 : i32
        %parallel_loop3A_1844 = arith.constant 0 : i32
        %parallel_loop3A_1845 = tpu.memref_slice %arg9[%parallel_loop3A_1209, %parallel_loop3A_1843, %parallel_loop3A_1844] : memref<2x56x128xf32, #tpu.memory_space<vmem>> -> memref<1x56x128xf32, #tpu.memory_space<vmem>>
        %parallel_loop3A_1846 = tpu.memref_squeeze %parallel_loop3A_1845 : memref<1x56x128xf32, #tpu.memory_space<vmem>> -> memref<56x128xf32, #tpu.memory_space<vmem>>
        %parallel_loop3A_1847 = arith.index_cast %parallel_loop3A_1697 : i32 to index
        %parallel_loop3A_1848 = arith.constant 80 : index
        %parallel_loop3A_1849 = tpu.vector_load %parallel_loop3A_1846[%parallel_loop3A_1847, %parallel_loop3A_1848] {strides = array<i32>} : memref<56x128xf32, #tpu.memory_space<vmem>>, vector<1x16xf32>,
        %parallel_loop3A_1850 = vector.shape_cast %parallel_loop3A_1849 : vector<1x16xf32> to vector<16xf32>
        %parallel_loop3A_1851 = arith.constant 0 : i32
        %parallel_loop3A_1852 = arith.constant 0 : i32
        %parallel_loop3A_1853 = tpu.memref_slice %arg10[%parallel_loop3A_1210, %parallel_loop3A_1851, %parallel_loop3A_1852] : memref<2x56x128xf32, #tpu.memory_space<vmem>> -> memref<1x56x128xf32, #tpu.memory_space<vmem>>
        %parallel_loop3A_1854 = tpu.memref_squeeze %parallel_loop3A_1853 : memref<1x56x128xf32, #tpu.memory_space<vmem>> -> memref<56x128xf32, #tpu.memory_space<vmem>>
        %parallel_loop3A_1855 = arith.index_cast %parallel_loop3A_1697 : i32 to index
        %parallel_loop3A_1856 = arith.constant 80 : index
        %parallel_loop3A_1857 = tpu.vector_load %parallel_loop3A_1854[%parallel_loop3A_1855, %parallel_loop3A_1856] {strides = array<i32>} : memref<56x128xf32, #tpu.memory_space<vmem>>, vector<1x16xf32>,
        %parallel_loop3A_1858 = vector.shape_cast %parallel_loop3A_1857 : vector<1x16xf32> to vector<16xf32>
        %parallel_loop3A_1859 = arith.addf %parallel_loop3A_1850, %parallel_loop3A_1858 : vector<16xf32>
        %parallel_loop3A_1860 = arith.constant 0 : i32
        %parallel_loop3A_1861 = arith.constant 0 : i32
        %parallel_loop3A_1862 = tpu.memref_slice %arg11[%parallel_loop3A_1211, %parallel_loop3A_1860, %parallel_loop3A_1861] : memref<2x56x128xf32, #tpu.memory_space<vmem>> -> memref<1x56x128xf32, #tpu.memory_space<vmem>>
        %parallel_loop3A_1863 = tpu.memref_squeeze %parallel_loop3A_1862 : memref<1x56x128xf32, #tpu.memory_space<vmem>> -> memref<56x128xf32, #tpu.memory_space<vmem>>
        %parallel_loop3A_1864 = arith.index_cast %parallel_loop3A_1697 : i32 to index
        %parallel_loop3A_1865 = arith.constant 80 : index
        %parallel_loop3A_1866 = tpu.vector_load %parallel_loop3A_1863[%parallel_loop3A_1864, %parallel_loop3A_1865] {strides = array<i32>} : memref<56x128xf32, #tpu.memory_space<vmem>>, vector<1x16xf32>,
        %parallel_loop3A_1867 = vector.shape_cast %parallel_loop3A_1866 : vector<1x16xf32> to vector<16xf32>
        %parallel_loop3A_1868 = arith.addf %parallel_loop3A_1859, %parallel_loop3A_1867 : vector<16xf32>
        %parallel_loop3A_1869 = arith.constant 0 : i32
        %parallel_loop3A_1870 = arith.constant 0 : i32
        %parallel_loop3A_1871 = tpu.memref_slice %arg13[%parallel_loop3A_1212, %parallel_loop3A_1869, %parallel_loop3A_1870] : memref<2x56x128xf32, #tpu.memory_space<vmem>> -> memref<1x56x128xf32, #tpu.memory_space<vmem>>
        %parallel_loop3A_1872 = tpu.memref_squeeze %parallel_loop3A_1871 : memref<1x56x128xf32, #tpu.memory_space<vmem>> -> memref<56x128xf32, #tpu.memory_space<vmem>>
        %parallel_loop3A_1873 = arith.index_cast %parallel_loop3A_1697 : i32 to index
        %parallel_loop3A_1874 = arith.constant 80 : index
        %parallel_loop3A_1875 = tpu.vector_load %parallel_loop3A_1872[%parallel_loop3A_1873, %parallel_loop3A_1874] {strides = array<i32>} : memref<56x128xf32, #tpu.memory_space<vmem>>, vector<1x16xf32>,
        %parallel_loop3A_1876 = vector.shape_cast %parallel_loop3A_1875 : vector<1x16xf32> to vector<16xf32>
        %parallel_loop3A_1877 = tpu.bitcast %parallel_loop3A_1876 : vector<16xf32> -> vector<16xi32>
        %parallel_loop3A_1878 = arith.constant 16 : i32
        %parallel_loop3A_1879 = vector.broadcast %parallel_loop3A_1878 : i32 to vector<16xi32>
        %parallel_loop3A_1880 = arith.shli %parallel_loop3A_1877, %parallel_loop3A_1879 : vector<16xi32>
        %parallel_loop3A_1881 = tpu.bitcast %parallel_loop3A_1880 : vector<16xi32> -> vector<16xf32>
        %parallel_loop3A_1882 = arith.constant -65536 : i32
        %parallel_loop3A_1883 = vector.broadcast %parallel_loop3A_1882 : i32 to vector<16xi32>
        %parallel_loop3A_1884 = arith.andi %parallel_loop3A_1877, %parallel_loop3A_1883 : vector<16xi32>
        %parallel_loop3A_1885 = tpu.bitcast %parallel_loop3A_1884 : vector<16xi32> -> vector<16xf32>
        %parallel_loop3A_1886 = arith.mulf %parallel_loop3A_1842, %parallel_loop3A_1881 : vector<16xf32>
        %parallel_loop3A_1887 = arith.mulf %parallel_loop3A_1868, %parallel_loop3A_1885 : vector<16xf32>
        %parallel_loop3A_1888 = arith.subf %parallel_loop3A_1886, %parallel_loop3A_1887 : vector<16xf32>
        %parallel_loop3A_1889 = arith.constant 0 : i32
        %parallel_loop3A_1890 = arith.constant 0 : i32
        %parallel_loop3A_1891 = tpu.memref_slice %arg14[%parallel_loop3A_1213, %parallel_loop3A_1889, %parallel_loop3A_1890] : memref<2x50x192xf32, #tpu.memory_space<vmem>> -> memref<1x50x192xf32, #tpu.memory_space<vmem>>
        %parallel_loop3A_1892 = tpu.memref_squeeze %parallel_loop3A_1891 : memref<1x50x192xf32, #tpu.memory_space<vmem>> -> memref<50x192xf32, #tpu.memory_space<vmem>>
        %parallel_loop3A_1893 = arith.index_cast %parallel_loop3A_1697 : i32 to index
        %parallel_loop3A_1894 = arith.constant 16 : index
        %parallel_loop3A_1895 = tpu.vector_load %parallel_loop3A_1892[%parallel_loop3A_1893, %parallel_loop3A_1894] {strides = array<i32>} : memref<50x192xf32, #tpu.memory_space<vmem>>, vector<1x16xf32>,
        %parallel_loop3A_1896 = vector.shape_cast %parallel_loop3A_1895 : vector<1x16xf32> to vector<16xf32>
        %parallel_loop3A_1897 = vector.shape_cast %parallel_loop3A_1888 : vector<16xf32> to vector<1x16xf32>
        tpu.vector_store %parallel_loop3A_1892[%parallel_loop3A_1893, %parallel_loop3A_1894], %parallel_loop3A_1897 {strides = array<i32>} : memref<50x192xf32, #tpu.memory_space<vmem>>, vector<1x16xf32>,
        %parallel_loop3A_1898 = arith.mulf %parallel_loop3A_1868, %parallel_loop3A_1881 : vector<16xf32>
        %parallel_loop3A_1899 = arith.mulf %parallel_loop3A_1842, %parallel_loop3A_1885 : vector<16xf32>
        %parallel_loop3A_1900 = arith.addf %parallel_loop3A_1898, %parallel_loop3A_1899 : vector<16xf32>
        %parallel_loop3A_1901 = arith.constant 0 : i32
        %parallel_loop3A_1902 = arith.constant 0 : i32
        %parallel_loop3A_1903 = tpu.memref_slice %arg14[%parallel_loop3A_1213, %parallel_loop3A_1901, %parallel_loop3A_1902] : memref<2x50x192xf32, #tpu.memory_space<vmem>> -> memref<1x50x192xf32, #tpu.memory_space<vmem>>
        %parallel_loop3A_1904 = tpu.memref_squeeze %parallel_loop3A_1903 : memref<1x50x192xf32, #tpu.memory_space<vmem>> -> memref<50x192xf32, #tpu.memory_space<vmem>>
        %parallel_loop3A_1905 = arith.index_cast %parallel_loop3A_1697 : i32 to index
        %parallel_loop3A_1906 = arith.constant 80 : index
        %parallel_loop3A_1907 = tpu.vector_load %parallel_loop3A_1904[%parallel_loop3A_1905, %parallel_loop3A_1906] {strides = array<i32>} : memref<50x192xf32, #tpu.memory_space<vmem>>, vector<1x16xf32>,
        %parallel_loop3A_1908 = vector.shape_cast %parallel_loop3A_1907 : vector<1x16xf32> to vector<16xf32>
        %parallel_loop3A_1909 = vector.shape_cast %parallel_loop3A_1900 : vector<16xf32> to vector<1x16xf32>
        tpu.vector_store %parallel_loop3A_1904[%parallel_loop3A_1905, %parallel_loop3A_1906], %parallel_loop3A_1909 {strides = array<i32>} : memref<50x192xf32, #tpu.memory_space<vmem>>, vector<1x16xf32>,
        %parallel_loop3A_1910 = arith.constant 0 : i32
        %parallel_loop3A_1911 = arith.constant 0 : i32
        %parallel_loop3A_1912 = tpu.memref_slice %arg13[%parallel_loop3A_1212, %parallel_loop3A_1910, %parallel_loop3A_1911] : memref<2x56x128xf32, #tpu.memory_space<vmem>> -> memref<1x56x128xf32, #tpu.memory_space<vmem>>
        %parallel_loop3A_1913 = tpu.memref_squeeze %parallel_loop3A_1912 : memref<1x56x128xf32, #tpu.memory_space<vmem>> -> memref<56x128xf32, #tpu.memory_space<vmem>>
        %parallel_loop3A_1914 = arith.index_cast %parallel_loop3A_1697 : i32 to index
        %parallel_loop3A_1915 = arith.constant 16 : index
        %parallel_loop3A_1916 = tpu.vector_load %parallel_loop3A_1913[%parallel_loop3A_1914, %parallel_loop3A_1915] {strides = array<i32>} : memref<56x128xf32, #tpu.memory_space<vmem>>, vector<1x16xf32>,
        %parallel_loop3A_1917 = vector.shape_cast %parallel_loop3A_1916 : vector<1x16xf32> to vector<16xf32>
        %parallel_loop3A_1918 = arith.constant 0 : i32
        %parallel_loop3A_1919 = arith.constant 0 : i32
        %parallel_loop3A_1920 = tpu.memref_slice %arg12[%parallel_loop3A_1214, %parallel_loop3A_1918, %parallel_loop3A_1919] : memref<2x56x128xf32, #tpu.memory_space<vmem>> -> memref<1x56x128xf32, #tpu.memory_space<vmem>>
        %parallel_loop3A_1921 = tpu.memref_squeeze %parallel_loop3A_1920 : memref<1x56x128xf32, #tpu.memory_space<vmem>> -> memref<56x128xf32, #tpu.memory_space<vmem>>
        %parallel_loop3A_1922 = arith.index_cast %parallel_loop3A_1697 : i32 to index
        %parallel_loop3A_1923 = arith.constant 16 : index
        %parallel_loop3A_1924 = tpu.vector_load %parallel_loop3A_1921[%parallel_loop3A_1922, %parallel_loop3A_1923] {strides = array<i32>} : memref<56x128xf32, #tpu.memory_space<vmem>>, vector<1x16xf32>,
        %parallel_loop3A_1925 = vector.shape_cast %parallel_loop3A_1924 : vector<1x16xf32> to vector<16xf32>
        %parallel_loop3A_1926 = arith.addf %parallel_loop3A_1917, %parallel_loop3A_1925 : vector<16xf32>
        %parallel_loop3A_1927 = arith.constant 0 : i32
        %parallel_loop3A_1928 = arith.constant 0 : i32
        %parallel_loop3A_1929 = tpu.memref_slice %arg14[%parallel_loop3A_1213, %parallel_loop3A_1927, %parallel_loop3A_1928] : memref<2x50x192xf32, #tpu.memory_space<vmem>> -> memref<1x50x192xf32, #tpu.memory_space<vmem>>
        %parallel_loop3A_1930 = tpu.memref_squeeze %parallel_loop3A_1929 : memref<1x50x192xf32, #tpu.memory_space<vmem>> -> memref<50x192xf32, #tpu.memory_space<vmem>>
        %parallel_loop3A_1931 = arith.index_cast %parallel_loop3A_1697 : i32 to index
        %parallel_loop3A_1932 = arith.constant 144 : index
        %parallel_loop3A_1933 = tpu.vector_load %parallel_loop3A_1930[%parallel_loop3A_1931, %parallel_loop3A_1932] {strides = array<i32>} : memref<50x192xf32, #tpu.memory_space<vmem>>, vector<1x16xf32>,
        %parallel_loop3A_1934 = vector.shape_cast %parallel_loop3A_1933 : vector<1x16xf32> to vector<16xf32>
        %parallel_loop3A_1935 = vector.shape_cast %parallel_loop3A_1926 : vector<16xf32> to vector<1x16xf32>
        tpu.vector_store %parallel_loop3A_1930[%parallel_loop3A_1931, %parallel_loop3A_1932], %parallel_loop3A_1935 {strides = array<i32>} : memref<50x192xf32, #tpu.memory_space<vmem>>, vector<1x16xf32>,
        %parallel_loop3A_1936 = arith.constant 0 : i32
        %parallel_loop3A_1937 = arith.constant 0 : i32
        %parallel_loop3A_1938 = tpu.memref_slice %arg9[%parallel_loop3A_1209, %parallel_loop3A_1936, %parallel_loop3A_1937] : memref<2x56x128xf32, #tpu.memory_space<vmem>> -> memref<1x56x128xf32, #tpu.memory_space<vmem>>
        %parallel_loop3A_1939 = tpu.memref_squeeze %parallel_loop3A_1938 : memref<1x56x128xf32, #tpu.memory_space<vmem>> -> memref<56x128xf32, #tpu.memory_space<vmem>>
        %parallel_loop3A_1940 = arith.index_cast %parallel_loop3A_1697 : i32 to index
        %parallel_loop3A_1941 = arith.constant 32 : index
        %parallel_loop3A_1942 = tpu.vector_load %parallel_loop3A_1939[%parallel_loop3A_1940, %parallel_loop3A_1941] {strides = array<i32>} : memref<56x128xf32, #tpu.memory_space<vmem>>, vector<1x16xf32>,
        %parallel_loop3A_1943 = vector.shape_cast %parallel_loop3A_1942 : vector<1x16xf32> to vector<16xf32>
        %parallel_loop3A_1944 = arith.constant 0 : i32
        %parallel_loop3A_1945 = arith.constant 0 : i32
        %parallel_loop3A_1946 = tpu.memref_slice %arg10[%parallel_loop3A_1210, %parallel_loop3A_1944, %parallel_loop3A_1945] : memref<2x56x128xf32, #tpu.memory_space<vmem>> -> memref<1x56x128xf32, #tpu.memory_space<vmem>>
        %parallel_loop3A_1947 = tpu.memref_squeeze %parallel_loop3A_1946 : memref<1x56x128xf32, #tpu.memory_space<vmem>> -> memref<56x128xf32, #tpu.memory_space<vmem>>
        %parallel_loop3A_1948 = arith.index_cast %parallel_loop3A_1697 : i32 to index
        %parallel_loop3A_1949 = arith.constant 32 : index
        %parallel_loop3A_1950 = tpu.vector_load %parallel_loop3A_1947[%parallel_loop3A_1948, %parallel_loop3A_1949] {strides = array<i32>} : memref<56x128xf32, #tpu.memory_space<vmem>>, vector<1x16xf32>,
        %parallel_loop3A_1951 = vector.shape_cast %parallel_loop3A_1950 : vector<1x16xf32> to vector<16xf32>
        %parallel_loop3A_1952 = arith.addf %parallel_loop3A_1943, %parallel_loop3A_1951 : vector<16xf32>
        %parallel_loop3A_1953 = arith.constant 0 : i32
        %parallel_loop3A_1954 = arith.constant 0 : i32
        %parallel_loop3A_1955 = tpu.memref_slice %arg11[%parallel_loop3A_1211, %parallel_loop3A_1953, %parallel_loop3A_1954] : memref<2x56x128xf32, #tpu.memory_space<vmem>> -> memref<1x56x128xf32, #tpu.memory_space<vmem>>
        %parallel_loop3A_1956 = tpu.memref_squeeze %parallel_loop3A_1955 : memref<1x56x128xf32, #tpu.memory_space<vmem>> -> memref<56x128xf32, #tpu.memory_space<vmem>>
        %parallel_loop3A_1957 = arith.index_cast %parallel_loop3A_1697 : i32 to index
        %parallel_loop3A_1958 = arith.constant 32 : index
        %parallel_loop3A_1959 = tpu.vector_load %parallel_loop3A_1956[%parallel_loop3A_1957, %parallel_loop3A_1958] {strides = array<i32>} : memref<56x128xf32, #tpu.memory_space<vmem>>, vector<1x16xf32>,
        %parallel_loop3A_1960 = vector.shape_cast %parallel_loop3A_1959 : vector<1x16xf32> to vector<16xf32>
        %parallel_loop3A_1961 = arith.addf %parallel_loop3A_1952, %parallel_loop3A_1960 : vector<16xf32>
        %parallel_loop3A_1962 = arith.constant 0 : i32
        %parallel_loop3A_1963 = arith.constant 0 : i32
        %parallel_loop3A_1964 = tpu.memref_slice %arg9[%parallel_loop3A_1209, %parallel_loop3A_1962, %parallel_loop3A_1963] : memref<2x56x128xf32, #tpu.memory_space<vmem>> -> memref<1x56x128xf32, #tpu.memory_space<vmem>>
        %parallel_loop3A_1965 = tpu.memref_squeeze %parallel_loop3A_1964 : memref<1x56x128xf32, #tpu.memory_space<vmem>> -> memref<56x128xf32, #tpu.memory_space<vmem>>
        %parallel_loop3A_1966 = arith.index_cast %parallel_loop3A_1697 : i32 to index
        %parallel_loop3A_1967 = arith.constant 96 : index
        %parallel_loop3A_1968 = tpu.vector_load %parallel_loop3A_1965[%parallel_loop3A_1966, %parallel_loop3A_1967] {strides = array<i32>} : memref<56x128xf32, #tpu.memory_space<vmem>>, vector<1x16xf32>,
        %parallel_loop3A_1969 = vector.shape_cast %parallel_loop3A_1968 : vector<1x16xf32> to vector<16xf32>
        %parallel_loop3A_1970 = arith.constant 0 : i32
        %parallel_loop3A_1971 = arith.constant 0 : i32
        %parallel_loop3A_1972 = tpu.memref_slice %arg10[%parallel_loop3A_1210, %parallel_loop3A_1970, %parallel_loop3A_1971] : memref<2x56x128xf32, #tpu.memory_space<vmem>> -> memref<1x56x128xf32, #tpu.memory_space<vmem>>
        %parallel_loop3A_1973 = tpu.memref_squeeze %parallel_loop3A_1972 : memref<1x56x128xf32, #tpu.memory_space<vmem>> -> memref<56x128xf32, #tpu.memory_space<vmem>>
        %parallel_loop3A_1974 = arith.index_cast %parallel_loop3A_1697 : i32 to index
        %parallel_loop3A_1975 = arith.constant 96 : index
        %parallel_loop3A_1976 = tpu.vector_load %parallel_loop3A_1973[%parallel_loop3A_1974, %parallel_loop3A_1975] {strides = array<i32>} : memref<56x128xf32, #tpu.memory_space<vmem>>, vector<1x16xf32>,
        %parallel_loop3A_1977 = vector.shape_cast %parallel_loop3A_1976 : vector<1x16xf32> to vector<16xf32>
        %parallel_loop3A_1978 = arith.addf %parallel_loop3A_1969, %parallel_loop3A_1977 : vector<16xf32>
        %parallel_loop3A_1979 = arith.constant 0 : i32
        %parallel_loop3A_1980 = arith.constant 0 : i32
        %parallel_loop3A_1981 = tpu.memref_slice %arg11[%parallel_loop3A_1211, %parallel_loop3A_1979, %parallel_loop3A_1980] : memref<2x56x128xf32, #tpu.memory_space<vmem>> -> memref<1x56x128xf32, #tpu.memory_space<vmem>>
        %parallel_loop3A_1982 = tpu.memref_squeeze %parallel_loop3A_1981 : memref<1x56x128xf32, #tpu.memory_space<vmem>> -> memref<56x128xf32, #tpu.memory_space<vmem>>
        %parallel_loop3A_1983 = arith.index_cast %parallel_loop3A_1697 : i32 to index
        %parallel_loop3A_1984 = arith.constant 96 : index
        %parallel_loop3A_1985 = tpu.vector_load %parallel_loop3A_1982[%parallel_loop3A_1983, %parallel_loop3A_1984] {strides = array<i32>} : memref<56x128xf32, #tpu.memory_space<vmem>>, vector<1x16xf32>,
        %parallel_loop3A_1986 = vector.shape_cast %parallel_loop3A_1985 : vector<1x16xf32> to vector<16xf32>
        %parallel_loop3A_1987 = arith.addf %parallel_loop3A_1978, %parallel_loop3A_1986 : vector<16xf32>
        %parallel_loop3A_1988 = arith.constant 0 : i32
        %parallel_loop3A_1989 = arith.constant 0 : i32
        %parallel_loop3A_1990 = tpu.memref_slice %arg13[%parallel_loop3A_1212, %parallel_loop3A_1988, %parallel_loop3A_1989] : memref<2x56x128xf32, #tpu.memory_space<vmem>> -> memref<1x56x128xf32, #tpu.memory_space<vmem>>
        %parallel_loop3A_1991 = tpu.memref_squeeze %parallel_loop3A_1990 : memref<1x56x128xf32, #tpu.memory_space<vmem>> -> memref<56x128xf32, #tpu.memory_space<vmem>>
        %parallel_loop3A_1992 = arith.index_cast %parallel_loop3A_1697 : i32 to index
        %parallel_loop3A_1993 = arith.constant 96 : index
        %parallel_loop3A_1994 = tpu.vector_load %parallel_loop3A_1991[%parallel_loop3A_1992, %parallel_loop3A_1993] {strides = array<i32>} : memref<56x128xf32, #tpu.memory_space<vmem>>, vector<1x16xf32>,
        %parallel_loop3A_1995 = vector.shape_cast %parallel_loop3A_1994 : vector<1x16xf32> to vector<16xf32>
        %parallel_loop3A_1996 = tpu.bitcast %parallel_loop3A_1995 : vector<16xf32> -> vector<16xi32>
        %parallel_loop3A_1997 = arith.constant 16 : i32
        %parallel_loop3A_1998 = vector.broadcast %parallel_loop3A_1997 : i32 to vector<16xi32>
        %parallel_loop3A_1999 = arith.shli %parallel_loop3A_1996, %parallel_loop3A_1998 : vector<16xi32>
        %parallel_loop3A_2000 = tpu.bitcast %parallel_loop3A_1999 : vector<16xi32> -> vector<16xf32>
        %parallel_loop3A_2001 = arith.constant -65536 : i32
        %parallel_loop3A_2002 = vector.broadcast %parallel_loop3A_2001 : i32 to vector<16xi32>
        %parallel_loop3A_2003 = arith.andi %parallel_loop3A_1996, %parallel_loop3A_2002 : vector<16xi32>
        %parallel_loop3A_2004 = tpu.bitcast %parallel_loop3A_2003 : vector<16xi32> -> vector<16xf32>
        %parallel_loop3A_2005 = arith.mulf %parallel_loop3A_1961, %parallel_loop3A_2000 : vector<16xf32>
        %parallel_loop3A_2006 = arith.mulf %parallel_loop3A_1987, %parallel_loop3A_2004 : vector<16xf32>
        %parallel_loop3A_2007 = arith.subf %parallel_loop3A_2005, %parallel_loop3A_2006 : vector<16xf32>
        %parallel_loop3A_2008 = arith.constant 0 : i32
        %parallel_loop3A_2009 = arith.constant 0 : i32
        %parallel_loop3A_2010 = tpu.memref_slice %arg14[%parallel_loop3A_1213, %parallel_loop3A_2008, %parallel_loop3A_2009] : memref<2x50x192xf32, #tpu.memory_space<vmem>> -> memref<1x50x192xf32, #tpu.memory_space<vmem>>
        %parallel_loop3A_2011 = tpu.memref_squeeze %parallel_loop3A_2010 : memref<1x50x192xf32, #tpu.memory_space<vmem>> -> memref<50x192xf32, #tpu.memory_space<vmem>>
        %parallel_loop3A_2012 = arith.index_cast %parallel_loop3A_1697 : i32 to index
        %parallel_loop3A_2013 = arith.constant 32 : index
        %parallel_loop3A_2014 = tpu.vector_load %parallel_loop3A_2011[%parallel_loop3A_2012, %parallel_loop3A_2013] {strides = array<i32>} : memref<50x192xf32, #tpu.memory_space<vmem>>, vector<1x16xf32>,
        %parallel_loop3A_2015 = vector.shape_cast %parallel_loop3A_2014 : vector<1x16xf32> to vector<16xf32>
        %parallel_loop3A_2016 = vector.shape_cast %parallel_loop3A_2007 : vector<16xf32> to vector<1x16xf32>
        tpu.vector_store %parallel_loop3A_2011[%parallel_loop3A_2012, %parallel_loop3A_2013], %parallel_loop3A_2016 {strides = array<i32>} : memref<50x192xf32, #tpu.memory_space<vmem>>, vector<1x16xf32>,
        %parallel_loop3A_2017 = arith.mulf %parallel_loop3A_1987, %parallel_loop3A_2000 : vector<16xf32>
        %parallel_loop3A_2018 = arith.mulf %parallel_loop3A_1961, %parallel_loop3A_2004 : vector<16xf32>
        %parallel_loop3A_2019 = arith.addf %parallel_loop3A_2017, %parallel_loop3A_2018 : vector<16xf32>
        %parallel_loop3A_2020 = arith.constant 0 : i32
        %parallel_loop3A_2021 = arith.constant 0 : i32
        %parallel_loop3A_2022 = tpu.memref_slice %arg14[%parallel_loop3A_1213, %parallel_loop3A_2020, %parallel_loop3A_2021] : memref<2x50x192xf32, #tpu.memory_space<vmem>> -> memref<1x50x192xf32, #tpu.memory_space<vmem>>
        %parallel_loop3A_2023 = tpu.memref_squeeze %parallel_loop3A_2022 : memref<1x50x192xf32, #tpu.memory_space<vmem>> -> memref<50x192xf32, #tpu.memory_space<vmem>>
        %parallel_loop3A_2024 = arith.index_cast %parallel_loop3A_1697 : i32 to index
        %parallel_loop3A_2025 = arith.constant 96 : index
        %parallel_loop3A_2026 = tpu.vector_load %parallel_loop3A_2023[%parallel_loop3A_2024, %parallel_loop3A_2025] {strides = array<i32>} : memref<50x192xf32, #tpu.memory_space<vmem>>, vector<1x16xf32>,
        %parallel_loop3A_2027 = vector.shape_cast %parallel_loop3A_2026 : vector<1x16xf32> to vector<16xf32>
        %parallel_loop3A_2028 = vector.shape_cast %parallel_loop3A_2019 : vector<16xf32> to vector<1x16xf32>
        tpu.vector_store %parallel_loop3A_2023[%parallel_loop3A_2024, %parallel_loop3A_2025], %parallel_loop3A_2028 {strides = array<i32>} : memref<50x192xf32, #tpu.memory_space<vmem>>, vector<1x16xf32>,
        %parallel_loop3A_2029 = arith.constant 0 : i32
        %parallel_loop3A_2030 = arith.constant 0 : i32
        %parallel_loop3A_2031 = tpu.memref_slice %arg13[%parallel_loop3A_1212, %parallel_loop3A_2029, %parallel_loop3A_2030] : memref<2x56x128xf32, #tpu.memory_space<vmem>> -> memref<1x56x128xf32, #tpu.memory_space<vmem>>
        %parallel_loop3A_2032 = tpu.memref_squeeze %parallel_loop3A_2031 : memref<1x56x128xf32, #tpu.memory_space<vmem>> -> memref<56x128xf32, #tpu.memory_space<vmem>>
        %parallel_loop3A_2033 = arith.index_cast %parallel_loop3A_1697 : i32 to index
        %parallel_loop3A_2034 = arith.constant 32 : index
        %parallel_loop3A_2035 = tpu.vector_load %parallel_loop3A_2032[%parallel_loop3A_2033, %parallel_loop3A_2034] {strides = array<i32>} : memref<56x128xf32, #tpu.memory_space<vmem>>, vector<1x16xf32>,
        %parallel_loop3A_2036 = vector.shape_cast %parallel_loop3A_2035 : vector<1x16xf32> to vector<16xf32>
        %parallel_loop3A_2037 = arith.constant 0 : i32
        %parallel_loop3A_2038 = arith.constant 0 : i32
        %parallel_loop3A_2039 = tpu.memref_slice %arg12[%parallel_loop3A_1214, %parallel_loop3A_2037, %parallel_loop3A_2038] : memref<2x56x128xf32, #tpu.memory_space<vmem>> -> memref<1x56x128xf32, #tpu.memory_space<vmem>>
        %parallel_loop3A_2040 = tpu.memref_squeeze %parallel_loop3A_2039 : memref<1x56x128xf32, #tpu.memory_space<vmem>> -> memref<56x128xf32, #tpu.memory_space<vmem>>
        %parallel_loop3A_2041 = arith.index_cast %parallel_loop3A_1697 : i32 to index
        %parallel_loop3A_2042 = arith.constant 32 : index
        %parallel_loop3A_2043 = tpu.vector_load %parallel_loop3A_2040[%parallel_loop3A_2041, %parallel_loop3A_2042] {strides = array<i32>} : memref<56x128xf32, #tpu.memory_space<vmem>>, vector<1x16xf32>,
        %parallel_loop3A_2044 = vector.shape_cast %parallel_loop3A_2043 : vector<1x16xf32> to vector<16xf32>
        %parallel_loop3A_2045 = arith.addf %parallel_loop3A_2036, %parallel_loop3A_2044 : vector<16xf32>
        %parallel_loop3A_2046 = arith.constant 0 : i32
        %parallel_loop3A_2047 = arith.constant 0 : i32
        %parallel_loop3A_2048 = tpu.memref_slice %arg14[%parallel_loop3A_1213, %parallel_loop3A_2046, %parallel_loop3A_2047] : memref<2x50x192xf32, #tpu.memory_space<vmem>> -> memref<1x50x192xf32, #tpu.memory_space<vmem>>
        %parallel_loop3A_2049 = tpu.memref_squeeze %parallel_loop3A_2048 : memref<1x50x192xf32, #tpu.memory_space<vmem>> -> memref<50x192xf32, #tpu.memory_space<vmem>>
        %parallel_loop3A_2050 = arith.index_cast %parallel_loop3A_1697 : i32 to index
        %parallel_loop3A_2051 = arith.constant 160 : index
        %parallel_loop3A_2052 = tpu.vector_load %parallel_loop3A_2049[%parallel_loop3A_2050, %parallel_loop3A_2051] {strides = array<i32>} : memref<50x192xf32, #tpu.memory_space<vmem>>, vector<1x16xf32>,
        %parallel_loop3A_2053 = vector.shape_cast %parallel_loop3A_2052 : vector<1x16xf32> to vector<16xf32>
        %parallel_loop3A_2054 = vector.shape_cast %parallel_loop3A_2045 : vector<16xf32> to vector<1x16xf32>
        tpu.vector_store %parallel_loop3A_2049[%parallel_loop3A_2050, %parallel_loop3A_2051], %parallel_loop3A_2054 {strides = array<i32>} : memref<50x192xf32, #tpu.memory_space<vmem>>, vector<1x16xf32>,
        %parallel_loop3A_2055 = arith.constant 0 : i32
        %parallel_loop3A_2056 = arith.constant 0 : i32
        %parallel_loop3A_2057 = tpu.memref_slice %arg9[%parallel_loop3A_1209, %parallel_loop3A_2055, %parallel_loop3A_2056] : memref<2x56x128xf32, #tpu.memory_space<vmem>> -> memref<1x56x128xf32, #tpu.memory_space<vmem>>
        %parallel_loop3A_2058 = tpu.memref_squeeze %parallel_loop3A_2057 : memref<1x56x128xf32, #tpu.memory_space<vmem>> -> memref<56x128xf32, #tpu.memory_space<vmem>>
        %parallel_loop3A_2059 = arith.index_cast %parallel_loop3A_1697 : i32 to index
        %parallel_loop3A_2060 = arith.constant 48 : index
        %parallel_loop3A_2061 = tpu.vector_load %parallel_loop3A_2058[%parallel_loop3A_2059, %parallel_loop3A_2060] {strides = array<i32>} : memref<56x128xf32, #tpu.memory_space<vmem>>, vector<1x16xf32>,
        %parallel_loop3A_2062 = vector.shape_cast %parallel_loop3A_2061 : vector<1x16xf32> to vector<16xf32>
        %parallel_loop3A_2063 = arith.constant 0 : i32
        %parallel_loop3A_2064 = arith.constant 0 : i32
        %parallel_loop3A_2065 = tpu.memref_slice %arg10[%parallel_loop3A_1210, %parallel_loop3A_2063, %parallel_loop3A_2064] : memref<2x56x128xf32, #tpu.memory_space<vmem>> -> memref<1x56x128xf32, #tpu.memory_space<vmem>>
        %parallel_loop3A_2066 = tpu.memref_squeeze %parallel_loop3A_2065 : memref<1x56x128xf32, #tpu.memory_space<vmem>> -> memref<56x128xf32, #tpu.memory_space<vmem>>
        %parallel_loop3A_2067 = arith.index_cast %parallel_loop3A_1697 : i32 to index
        %parallel_loop3A_2068 = arith.constant 48 : index
        %parallel_loop3A_2069 = tpu.vector_load %parallel_loop3A_2066[%parallel_loop3A_2067, %parallel_loop3A_2068] {strides = array<i32>} : memref<56x128xf32, #tpu.memory_space<vmem>>, vector<1x16xf32>,
        %parallel_loop3A_2070 = vector.shape_cast %parallel_loop3A_2069 : vector<1x16xf32> to vector<16xf32>
        %parallel_loop3A_2071 = arith.addf %parallel_loop3A_2062, %parallel_loop3A_2070 : vector<16xf32>
        %parallel_loop3A_2072 = arith.constant 0 : i32
        %parallel_loop3A_2073 = arith.constant 0 : i32
        %parallel_loop3A_2074 = tpu.memref_slice %arg11[%parallel_loop3A_1211, %parallel_loop3A_2072, %parallel_loop3A_2073] : memref<2x56x128xf32, #tpu.memory_space<vmem>> -> memref<1x56x128xf32, #tpu.memory_space<vmem>>
        %parallel_loop3A_2075 = tpu.memref_squeeze %parallel_loop3A_2074 : memref<1x56x128xf32, #tpu.memory_space<vmem>> -> memref<56x128xf32, #tpu.memory_space<vmem>>
        %parallel_loop3A_2076 = arith.index_cast %parallel_loop3A_1697 : i32 to index
        %parallel_loop3A_2077 = arith.constant 48 : index
        %parallel_loop3A_2078 = tpu.vector_load %parallel_loop3A_2075[%parallel_loop3A_2076, %parallel_loop3A_2077] {strides = array<i32>} : memref<56x128xf32, #tpu.memory_space<vmem>>, vector<1x16xf32>,
        %parallel_loop3A_2079 = vector.shape_cast %parallel_loop3A_2078 : vector<1x16xf32> to vector<16xf32>
        %parallel_loop3A_2080 = arith.addf %parallel_loop3A_2071, %parallel_loop3A_2079 : vector<16xf32>
        %parallel_loop3A_2081 = arith.constant 0 : i32
        %parallel_loop3A_2082 = arith.constant 0 : i32
        %parallel_loop3A_2083 = tpu.memref_slice %arg9[%parallel_loop3A_1209, %parallel_loop3A_2081, %parallel_loop3A_2082] : memref<2x56x128xf32, #tpu.memory_space<vmem>> -> memref<1x56x128xf32, #tpu.memory_space<vmem>>
        %parallel_loop3A_2084 = tpu.memref_squeeze %parallel_loop3A_2083 : memref<1x56x128xf32, #tpu.memory_space<vmem>> -> memref<56x128xf32, #tpu.memory_space<vmem>>
        %parallel_loop3A_2085 = arith.index_cast %parallel_loop3A_1697 : i32 to index
        %parallel_loop3A_2086 = arith.constant 112 : index
        %parallel_loop3A_2087 = tpu.vector_load %parallel_loop3A_2084[%parallel_loop3A_2085, %parallel_loop3A_2086] {strides = array<i32>} : memref<56x128xf32, #tpu.memory_space<vmem>>, vector<1x16xf32>,
        %parallel_loop3A_2088 = vector.shape_cast %parallel_loop3A_2087 : vector<1x16xf32> to vector<16xf32>
        %parallel_loop3A_2089 = arith.constant 0 : i32
        %parallel_loop3A_2090 = arith.constant 0 : i32
        %parallel_loop3A_2091 = tpu.memref_slice %arg10[%parallel_loop3A_1210, %parallel_loop3A_2089, %parallel_loop3A_2090] : memref<2x56x128xf32, #tpu.memory_space<vmem>> -> memref<1x56x128xf32, #tpu.memory_space<vmem>>
        %parallel_loop3A_2092 = tpu.memref_squeeze %parallel_loop3A_2091 : memref<1x56x128xf32, #tpu.memory_space<vmem>> -> memref<56x128xf32, #tpu.memory_space<vmem>>
        %parallel_loop3A_2093 = arith.index_cast %parallel_loop3A_1697 : i32 to index
        %parallel_loop3A_2094 = arith.constant 112 : index
        %parallel_loop3A_2095 = tpu.vector_load %parallel_loop3A_2092[%parallel_loop3A_2093, %parallel_loop3A_2094] {strides = array<i32>} : memref<56x128xf32, #tpu.memory_space<vmem>>, vector<1x16xf32>,
        %parallel_loop3A_2096 = vector.shape_cast %parallel_loop3A_2095 : vector<1x16xf32> to vector<16xf32>
        %parallel_loop3A_2097 = arith.addf %parallel_loop3A_2088, %parallel_loop3A_2096 : vector<16xf32>
        %parallel_loop3A_2098 = arith.constant 0 : i32
        %parallel_loop3A_2099 = arith.constant 0 : i32
        %parallel_loop3A_2100 = tpu.memref_slice %arg11[%parallel_loop3A_1211, %parallel_loop3A_2098, %parallel_loop3A_2099] : memref<2x56x128xf32, #tpu.memory_space<vmem>> -> memref<1x56x128xf32, #tpu.memory_space<vmem>>
        %parallel_loop3A_2101 = tpu.memref_squeeze %parallel_loop3A_2100 : memref<1x56x128xf32, #tpu.memory_space<vmem>> -> memref<56x128xf32, #tpu.memory_space<vmem>>
        %parallel_loop3A_2102 = arith.index_cast %parallel_loop3A_1697 : i32 to index
        %parallel_loop3A_2103 = arith.constant 112 : index
        %parallel_loop3A_2104 = tpu.vector_load %parallel_loop3A_2101[%parallel_loop3A_2102, %parallel_loop3A_2103] {strides = array<i32>} : memref<56x128xf32, #tpu.memory_space<vmem>>, vector<1x16xf32>,
        %parallel_loop3A_2105 = vector.shape_cast %parallel_loop3A_2104 : vector<1x16xf32> to vector<16xf32>
        %parallel_loop3A_2106 = arith.addf %parallel_loop3A_2097, %parallel_loop3A_2105 : vector<16xf32>
        %parallel_loop3A_2107 = arith.constant 0 : i32
        %parallel_loop3A_2108 = arith.constant 0 : i32
        %parallel_loop3A_2109 = tpu.memref_slice %arg13[%parallel_loop3A_1212, %parallel_loop3A_2107, %parallel_loop3A_2108] : memref<2x56x128xf32, #tpu.memory_space<vmem>> -> memref<1x56x128xf32, #tpu.memory_space<vmem>>
        %parallel_loop3A_2110 = tpu.memref_squeeze %parallel_loop3A_2109 : memref<1x56x128xf32, #tpu.memory_space<vmem>> -> memref<56x128xf32, #tpu.memory_space<vmem>>
        %parallel_loop3A_2111 = arith.index_cast %parallel_loop3A_1697 : i32 to index
        %parallel_loop3A_2112 = arith.constant 112 : index
        %parallel_loop3A_2113 = tpu.vector_load %parallel_loop3A_2110[%parallel_loop3A_2111, %parallel_loop3A_2112] {strides = array<i32>} : memref<56x128xf32, #tpu.memory_space<vmem>>, vector<1x16xf32>,
        %parallel_loop3A_2114 = vector.shape_cast %parallel_loop3A_2113 : vector<1x16xf32> to vector<16xf32>
        %parallel_loop3A_2115 = tpu.bitcast %parallel_loop3A_2114 : vector<16xf32> -> vector<16xi32>
        %parallel_loop3A_2116 = arith.constant 16 : i32
        %parallel_loop3A_2117 = vector.broadcast %parallel_loop3A_2116 : i32 to vector<16xi32>
        %parallel_loop3A_2118 = arith.shli %parallel_loop3A_2115, %parallel_loop3A_2117 : vector<16xi32>
        %parallel_loop3A_2119 = tpu.bitcast %parallel_loop3A_2118 : vector<16xi32> -> vector<16xf32>
        %parallel_loop3A_2120 = arith.constant -65536 : i32
        %parallel_loop3A_2121 = vector.broadcast %parallel_loop3A_2120 : i32 to vector<16xi32>
        %parallel_loop3A_2122 = arith.andi %parallel_loop3A_2115, %parallel_loop3A_2121 : vector<16xi32>
        %parallel_loop3A_2123 = tpu.bitcast %parallel_loop3A_2122 : vector<16xi32> -> vector<16xf32>
        %parallel_loop3A_2124 = arith.mulf %parallel_loop3A_2080, %parallel_loop3A_2119 : vector<16xf32>
        %parallel_loop3A_2125 = arith.mulf %parallel_loop3A_2106, %parallel_loop3A_2123 : vector<16xf32>
        %parallel_loop3A_2126 = arith.subf %parallel_loop3A_2124, %parallel_loop3A_2125 : vector<16xf32>
        %parallel_loop3A_2127 = arith.constant 0 : i32
        %parallel_loop3A_2128 = arith.constant 0 : i32
        %parallel_loop3A_2129 = tpu.memref_slice %arg14[%parallel_loop3A_1213, %parallel_loop3A_2127, %parallel_loop3A_2128] : memref<2x50x192xf32, #tpu.memory_space<vmem>> -> memref<1x50x192xf32, #tpu.memory_space<vmem>>
        %parallel_loop3A_2130 = tpu.memref_squeeze %parallel_loop3A_2129 : memref<1x50x192xf32, #tpu.memory_space<vmem>> -> memref<50x192xf32, #tpu.memory_space<vmem>>
        %parallel_loop3A_2131 = arith.index_cast %parallel_loop3A_1697 : i32 to index
        %parallel_loop3A_2132 = arith.constant 48 : index
        %parallel_loop3A_2133 = tpu.vector_load %parallel_loop3A_2130[%parallel_loop3A_2131, %parallel_loop3A_2132] {strides = array<i32>} : memref<50x192xf32, #tpu.memory_space<vmem>>, vector<1x16xf32>,
        %parallel_loop3A_2134 = vector.shape_cast %parallel_loop3A_2133 : vector<1x16xf32> to vector<16xf32>
        %parallel_loop3A_2135 = vector.shape_cast %parallel_loop3A_2126 : vector<16xf32> to vector<1x16xf32>
        tpu.vector_store %parallel_loop3A_2130[%parallel_loop3A_2131, %parallel_loop3A_2132], %parallel_loop3A_2135 {strides = array<i32>} : memref<50x192xf32, #tpu.memory_space<vmem>>, vector<1x16xf32>,
        %parallel_loop3A_2136 = arith.mulf %parallel_loop3A_2106, %parallel_loop3A_2119 : vector<16xf32>
        %parallel_loop3A_2137 = arith.mulf %parallel_loop3A_2080, %parallel_loop3A_2123 : vector<16xf32>
        %parallel_loop3A_2138 = arith.addf %parallel_loop3A_2136, %parallel_loop3A_2137 : vector<16xf32>
        %parallel_loop3A_2139 = arith.constant 0 : i32
        %parallel_loop3A_2140 = arith.constant 0 : i32
        %parallel_loop3A_2141 = tpu.memref_slice %arg14[%parallel_loop3A_1213, %parallel_loop3A_2139, %parallel_loop3A_2140] : memref<2x50x192xf32, #tpu.memory_space<vmem>> -> memref<1x50x192xf32, #tpu.memory_space<vmem>>
        %parallel_loop3A_2142 = tpu.memref_squeeze %parallel_loop3A_2141 : memref<1x50x192xf32, #tpu.memory_space<vmem>> -> memref<50x192xf32, #tpu.memory_space<vmem>>
        %parallel_loop3A_2143 = arith.index_cast %parallel_loop3A_1697 : i32 to index
        %parallel_loop3A_2144 = arith.constant 112 : index
        %parallel_loop3A_2145 = tpu.vector_load %parallel_loop3A_2142[%parallel_loop3A_2143, %parallel_loop3A_2144] {strides = array<i32>} : memref<50x192xf32, #tpu.memory_space<vmem>>, vector<1x16xf32>,
        %parallel_loop3A_2146 = vector.shape_cast %parallel_loop3A_2145 : vector<1x16xf32> to vector<16xf32>
        %parallel_loop3A_2147 = vector.shape_cast %parallel_loop3A_2138 : vector<16xf32> to vector<1x16xf32>
        tpu.vector_store %parallel_loop3A_2142[%parallel_loop3A_2143, %parallel_loop3A_2144], %parallel_loop3A_2147 {strides = array<i32>} : memref<50x192xf32, #tpu.memory_space<vmem>>, vector<1x16xf32>,
        %parallel_loop3A_2148 = arith.constant 0 : i32
        %parallel_loop3A_2149 = arith.constant 0 : i32
        %parallel_loop3A_2150 = tpu.memref_slice %arg13[%parallel_loop3A_1212, %parallel_loop3A_2148, %parallel_loop3A_2149] : memref<2x56x128xf32, #tpu.memory_space<vmem>> -> memref<1x56x128xf32, #tpu.memory_space<vmem>>
        %parallel_loop3A_2151 = tpu.memref_squeeze %parallel_loop3A_2150 : memref<1x56x128xf32, #tpu.memory_space<vmem>> -> memref<56x128xf32, #tpu.memory_space<vmem>>
        %parallel_loop3A_2152 = arith.index_cast %parallel_loop3A_1697 : i32 to index
        %parallel_loop3A_2153 = arith.constant 48 : index
        %parallel_loop3A_2154 = tpu.vector_load %parallel_loop3A_2151[%parallel_loop3A_2152, %parallel_loop3A_2153] {strides = array<i32>} : memref<56x128xf32, #tpu.memory_space<vmem>>, vector<1x16xf32>,
        %parallel_loop3A_2155 = vector.shape_cast %parallel_loop3A_2154 : vector<1x16xf32> to vector<16xf32>
        %parallel_loop3A_2156 = arith.constant 0 : i32
        %parallel_loop3A_2157 = arith.constant 0 : i32
        %parallel_loop3A_2158 = tpu.memref_slice %arg12[%parallel_loop3A_1214, %parallel_loop3A_2156, %parallel_loop3A_2157] : memref<2x56x128xf32, #tpu.memory_space<vmem>> -> memref<1x56x128xf32, #tpu.memory_space<vmem>>
        %parallel_loop3A_2159 = tpu.memref_squeeze %parallel_loop3A_2158 : memref<1x56x128xf32, #tpu.memory_space<vmem>> -> memref<56x128xf32, #tpu.memory_space<vmem>>
        %parallel_loop3A_2160 = arith.index_cast %parallel_loop3A_1697 : i32 to index
        %parallel_loop3A_2161 = arith.constant 48 : index
        %parallel_loop3A_2162 = tpu.vector_load %parallel_loop3A_2159[%parallel_loop3A_2160, %parallel_loop3A_2161] {strides = array<i32>} : memref<56x128xf32, #tpu.memory_space<vmem>>, vector<1x16xf32>,
        %parallel_loop3A_2163 = vector.shape_cast %parallel_loop3A_2162 : vector<1x16xf32> to vector<16xf32>
        %parallel_loop3A_2164 = arith.addf %parallel_loop3A_2155, %parallel_loop3A_2163 : vector<16xf32>
        %parallel_loop3A_2165 = arith.constant 0 : i32
        %parallel_loop3A_2166 = arith.constant 0 : i32
        %parallel_loop3A_2167 = tpu.memref_slice %arg14[%parallel_loop3A_1213, %parallel_loop3A_2165, %parallel_loop3A_2166] : memref<2x50x192xf32, #tpu.memory_space<vmem>> -> memref<1x50x192xf32, #tpu.memory_space<vmem>>
        %parallel_loop3A_2168 = tpu.memref_squeeze %parallel_loop3A_2167 : memref<1x50x192xf32, #tpu.memory_space<vmem>> -> memref<50x192xf32, #tpu.memory_space<vmem>>
        %parallel_loop3A_2169 = arith.index_cast %parallel_loop3A_1697 : i32 to index
        %parallel_loop3A_2170 = arith.constant 176 : index
        %parallel_loop3A_2171 = tpu.vector_load %parallel_loop3A_2168[%parallel_loop3A_2169, %parallel_loop3A_2170] {strides = array<i32>} : memref<50x192xf32, #tpu.memory_space<vmem>>, vector<1x16xf32>,
        %parallel_loop3A_2172 = vector.shape_cast %parallel_loop3A_2171 : vector<1x16xf32> to vector<16xf32>
        %parallel_loop3A_2173 = vector.shape_cast %parallel_loop3A_2164 : vector<16xf32> to vector<1x16xf32>
        tpu.vector_store %parallel_loop3A_2168[%parallel_loop3A_2169, %parallel_loop3A_2170], %parallel_loop3A_2173 {strides = array<i32>} : memref<50x192xf32, #tpu.memory_space<vmem>>, vector<1x16xf32>,
      } {sc.loop_unroll_factor = 10 : i64, sc.parallel_access}
      %add3A_1215 = arith.addi %mul3A_2, %add3A_990 : i32
      %dma_start3A_1216 = arith.constant 1 : i32
      %dma_start3A_1217 = arith.constant 0 : i32
      %dma_start3A_1218 = arith.constant 0 : i32
      %dma_start3A_1219 = tpu.memref_slice %arg14[%dma_start3A_1216, %dma_start3A_1217, %dma_start3A_1218] : memref<2x50x192xf32, #tpu.memory_space<vmem>> -> memref<1x50x192xf32, #tpu.memory_space<vmem>>
      %dma_start3A_1220 = tpu.memref_squeeze %dma_start3A_1219 : memref<1x50x192xf32, #tpu.memory_space<vmem>> -> memref<50x192xf32, #tpu.memory_space<vmem>>
      %dma_start3A_1221 = arith.constant 0 : i32
      %dma_start3A_1222 = arith.constant 0 : i32
      %dma_start3A_1223 = tpu.memref_slice %arg6[%add3A_1215, %dma_start3A_1221, %dma_start3A_1222] : memref<4096x50x192xf32, #tpu.memory_space<hbm>> -> memref<1x50x192xf32, #tpu.memory_space<hbm>>
      %dma_start3A_1224 = tpu.memref_squeeze %dma_start3A_1223 : memref<1x50x192xf32, #tpu.memory_space<hbm>> -> memref<50x192xf32, #tpu.memory_space<hbm>>
      %dma_start3A_1225 = arith.constant 0 : i32
      %dma_start3A_1226 = arith.constant 0 : i32
      %dma_start3A_1227 = tpu.memref_slice %arg6[%add3A_1215, %dma_start3A_1225, %dma_start3A_1226] : memref<4096x50x192xf32, #tpu.memory_space<hbm>> -> memref<1x50x192xf32, #tpu.memory_space<hbm>>
      %dma_start3A_1228 = tpu.memref_squeeze %dma_start3A_1227 : memref<1x50x192xf32, #tpu.memory_space<hbm>> -> memref<50x192xf32, #tpu.memory_space<hbm>>
      %dma_start3A_1229 = arith.constant 0 : i32
      %dma_start3A_1230 = arith.constant 0 : i32
      %dma_start3A_1231 = tpu.memref_slice %arg14[%dma_start3A_1216, %dma_start3A_1229, %dma_start3A_1230] : memref<2x50x192xf32, #tpu.memory_space<vmem>> -> memref<1x50x192xf32, #tpu.memory_space<vmem>>
      %dma_start3A_1232 = tpu.memref_squeeze %dma_start3A_1231 : memref<1x50x192xf32, #tpu.memory_space<vmem>> -> memref<50x192xf32, #tpu.memory_space<vmem>>
      tpu.enqueue_dma source(%dma_start3A_1232 : memref<50x192xf32, #tpu.memory_space<vmem>>) target(%dma_start3A_1228 : memref<50x192xf32, #tpu.memory_space<hbm>>) target_semaphore(%arg21 : memref<!tpu.dma_semaphore, #tpu.memory_space<semaphore_mem>>)
      %rem3A_1233 = arith.constant 16 : i32
      %rem3A_1234 = arith.remsi %add3A_990, %rem3A_1233 : i32
      %get3A_1235 = arith.constant 1 : i32
      %get3A_1236 = arith.constant 48 : i32
      %get3A_1237 = arith.constant 0 : i32
      %get3A_1238 = arith.constant 0 : i32
      %get3A_1239 = tpu.memref_slice %arg14[%get3A_1235, %get3A_1237, %get3A_1238] : memref<2x50x192xf32, #tpu.memory_space<vmem>> -> memref<1x50x192xf32, #tpu.memory_space<vmem>>
      %get3A_1240 = tpu.memref_squeeze %get3A_1239 : memref<1x50x192xf32, #tpu.memory_space<vmem>> -> memref<50x192xf32, #tpu.memory_space<vmem>>
      %get3A_1241 = arith.index_cast %get3A_1236 : i32 to index
      %get3A_1242 = arith.constant 0 : index
      %get3A_1243 = tpu.vector_load %get3A_1240[%get3A_1241, %get3A_1242] {strides = array<i32>} : memref<50x192xf32, #tpu.memory_space<vmem>>, vector<1x16xf32>,
      %get3A_1244 = vector.shape_cast %get3A_1243 : vector<1x16xf32> to vector<16xf32>
      %mul3A_1245 = arith.constant 2 : i32
      %mul3A_1246 = arith.muli %mul3A_1245, %rem3A_1234 : i32
      %add3A_1247 = arith.constant 0 : i32
      %add3A_1248 = arith.addi %mul3A_1246, %add3A_1247 : i32
      %swap3A_1249 = arith.index_cast %add3A_1248 : i32 to index
      %swap3A_1250 = arith.constant 0 : index
      %swap3A_1251 = tpu.vector_load %arg15[%swap3A_1249, %swap3A_1250] {strides = array<i32>} : memref<32x256xf32, #tpu.memory_space<vmem>>, vector<1x16xf32>,
      %swap3A_1252 = vector.shape_cast %swap3A_1251 : vector<1x16xf32> to vector<16xf32>
      %swap3A_1253 = vector.shape_cast %get3A_1244 : vector<16xf32> to vector<1x16xf32>
      tpu.vector_store %arg15[%swap3A_1249, %swap3A_1250], %swap3A_1253 {strides = array<i32>} : memref<32x256xf32, #tpu.memory_space<vmem>>, vector<1x16xf32>,
      %get3A_1254 = arith.constant 1 : i32
      %get3A_1255 = arith.constant 48 : i32
      %get3A_1256 = arith.constant 0 : i32
      %get3A_1257 = arith.constant 0 : i32
      %get3A_1258 = tpu.memref_slice %arg14[%get3A_1254, %get3A_1256, %get3A_1257] : memref<2x50x192xf32, #tpu.memory_space<vmem>> -> memref<1x50x192xf32, #tpu.memory_space<vmem>>
      %get3A_1259 = tpu.memref_squeeze %get3A_1258 : memref<1x50x192xf32, #tpu.memory_space<vmem>> -> memref<50x192xf32, #tpu.memory_space<vmem>>
      %get3A_1260 = arith.index_cast %get3A_1255 : i32 to index
      %get3A_1261 = arith.constant 16 : index
      %get3A_1262 = tpu.vector_load %get3A_1259[%get3A_1260, %get3A_1261] {strides = array<i32>} : memref<50x192xf32, #tpu.memory_space<vmem>>, vector<1x16xf32>,
      %get3A_1263 = vector.shape_cast %get3A_1262 : vector<1x16xf32> to vector<16xf32>
      %mul3A_1264 = arith.constant 2 : i32
      %mul3A_1265 = arith.muli %mul3A_1264, %rem3A_1234 : i32
      %add3A_1266 = arith.constant 0 : i32
      %add3A_1267 = arith.addi %mul3A_1265, %add3A_1266 : i32
      %swap3A_1268 = arith.index_cast %add3A_1267 : i32 to index
      %swap3A_1269 = arith.constant 16 : index
      %swap3A_1270 = tpu.vector_load %arg15[%swap3A_1268, %swap3A_1269] {strides = array<i32>} : memref<32x256xf32, #tpu.memory_space<vmem>>, vector<1x16xf32>,
      %swap3A_1271 = vector.shape_cast %swap3A_1270 : vector<1x16xf32> to vector<16xf32>
      %swap3A_1272 = vector.shape_cast %get3A_1263 : vector<16xf32> to vector<1x16xf32>
      tpu.vector_store %arg15[%swap3A_1268, %swap3A_1269], %swap3A_1272 {strides = array<i32>} : memref<32x256xf32, #tpu.memory_space<vmem>>, vector<1x16xf32>,
      %get3A_1273 = arith.constant 1 : i32
      %get3A_1274 = arith.constant 48 : i32
      %get3A_1275 = arith.constant 0 : i32
      %get3A_1276 = arith.constant 0 : i32
      %get3A_1277 = tpu.memref_slice %arg14[%get3A_1273, %get3A_1275, %get3A_1276] : memref<2x50x192xf32, #tpu.memory_space<vmem>> -> memref<1x50x192xf32, #tpu.memory_space<vmem>>
      %get3A_1278 = tpu.memref_squeeze %get3A_1277 : memref<1x50x192xf32, #tpu.memory_space<vmem>> -> memref<50x192xf32, #tpu.memory_space<vmem>>
      %get3A_1279 = arith.index_cast %get3A_1274 : i32 to index
      %get3A_1280 = arith.constant 32 : index
      %get3A_1281 = tpu.vector_load %get3A_1278[%get3A_1279, %get3A_1280] {strides = array<i32>} : memref<50x192xf32, #tpu.memory_space<vmem>>, vector<1x16xf32>,
      %get3A_1282 = vector.shape_cast %get3A_1281 : vector<1x16xf32> to vector<16xf32>
      %mul3A_1283 = arith.constant 2 : i32
      %mul3A_1284 = arith.muli %mul3A_1283, %rem3A_1234 : i32
      %add3A_1285 = arith.constant 0 : i32
      %add3A_1286 = arith.addi %mul3A_1284, %add3A_1285 : i32
      %swap3A_1287 = arith.index_cast %add3A_1286 : i32 to index
      %swap3A_1288 = arith.constant 32 : index
      %swap3A_1289 = tpu.vector_load %arg15[%swap3A_1287, %swap3A_1288] {strides = array<i32>} : memref<32x256xf32, #tpu.memory_space<vmem>>, vector<1x16xf32>,
      %swap3A_1290 = vector.shape_cast %swap3A_1289 : vector<1x16xf32> to vector<16xf32>
      %swap3A_1291 = vector.shape_cast %get3A_1282 : vector<16xf32> to vector<1x16xf32>
      tpu.vector_store %arg15[%swap3A_1287, %swap3A_1288], %swap3A_1291 {strides = array<i32>} : memref<32x256xf32, #tpu.memory_space<vmem>>, vector<1x16xf32>,
      %get3A_1292 = arith.constant 1 : i32
      %get3A_1293 = arith.constant 48 : i32
      %get3A_1294 = arith.constant 0 : i32
      %get3A_1295 = arith.constant 0 : i32
      %get3A_1296 = tpu.memref_slice %arg14[%get3A_1292, %get3A_1294, %get3A_1295] : memref<2x50x192xf32, #tpu.memory_space<vmem>> -> memref<1x50x192xf32, #tpu.memory_space<vmem>>
      %get3A_1297 = tpu.memref_squeeze %get3A_1296 : memref<1x50x192xf32, #tpu.memory_space<vmem>> -> memref<50x192xf32, #tpu.memory_space<vmem>>
      %get3A_1298 = arith.index_cast %get3A_1293 : i32 to index
      %get3A_1299 = arith.constant 48 : index
      %get3A_1300 = tpu.vector_load %get3A_1297[%get3A_1298, %get3A_1299] {strides = array<i32>} : memref<50x192xf32, #tpu.memory_space<vmem>>, vector<1x16xf32>,
      %get3A_1301 = vector.shape_cast %get3A_1300 : vector<1x16xf32> to vector<16xf32>
      %mul3A_1302 = arith.constant 2 : i32
      %mul3A_1303 = arith.muli %mul3A_1302, %rem3A_1234 : i32
      %add3A_1304 = arith.constant 0 : i32
      %add3A_1305 = arith.addi %mul3A_1303, %add3A_1304 : i32
      %swap3A_1306 = arith.index_cast %add3A_1305 : i32 to index
      %swap3A_1307 = arith.constant 48 : index
      %swap3A_1308 = tpu.vector_load %arg15[%swap3A_1306, %swap3A_1307] {strides = array<i32>} : memref<32x256xf32, #tpu.memory_space<vmem>>, vector<1x16xf32>,
      %swap3A_1309 = vector.shape_cast %swap3A_1308 : vector<1x16xf32> to vector<16xf32>
      %swap3A_1310 = vector.shape_cast %get3A_1301 : vector<16xf32> to vector<1x16xf32>
      tpu.vector_store %arg15[%swap3A_1306, %swap3A_1307], %swap3A_1310 {strides = array<i32>} : memref<32x256xf32, #tpu.memory_space<vmem>>, vector<1x16xf32>,
      %get3A_1311 = arith.constant 1 : i32
      %get3A_1312 = arith.constant 48 : i32
      %get3A_1313 = arith.constant 0 : i32
      %get3A_1314 = arith.constant 0 : i32
      %get3A_1315 = tpu.memref_slice %arg14[%get3A_1311, %get3A_1313, %get3A_1314] : memref<2x50x192xf32, #tpu.memory_space<vmem>> -> memref<1x50x192xf32, #tpu.memory_space<vmem>>
      %get3A_1316 = tpu.memref_squeeze %get3A_1315 : memref<1x50x192xf32, #tpu.memory_space<vmem>> -> memref<50x192xf32, #tpu.memory_space<vmem>>
      %get3A_1317 = arith.index_cast %get3A_1312 : i32 to index
      %get3A_1318 = arith.constant 64 : index
      %get3A_1319 = tpu.vector_load %get3A_1316[%get3A_1317, %get3A_1318] {strides = array<i32>} : memref<50x192xf32, #tpu.memory_space<vmem>>, vector<1x16xf32>,
      %get3A_1320 = vector.shape_cast %get3A_1319 : vector<1x16xf32> to vector<16xf32>
      %mul3A_1321 = arith.constant 2 : i32
      %mul3A_1322 = arith.muli %mul3A_1321, %rem3A_1234 : i32
      %add3A_1323 = arith.constant 0 : i32
      %add3A_1324 = arith.addi %mul3A_1322, %add3A_1323 : i32
      %swap3A_1325 = arith.index_cast %add3A_1324 : i32 to index
      %swap3A_1326 = arith.constant 64 : index
      %swap3A_1327 = tpu.vector_load %arg15[%swap3A_1325, %swap3A_1326] {strides = array<i32>} : memref<32x256xf32, #tpu.memory_space<vmem>>, vector<1x16xf32>,
      %swap3A_1328 = vector.shape_cast %swap3A_1327 : vector<1x16xf32> to vector<16xf32>
      %swap3A_1329 = vector.shape_cast %get3A_1320 : vector<16xf32> to vector<1x16xf32>
      tpu.vector_store %arg15[%swap3A_1325, %swap3A_1326], %swap3A_1329 {strides = array<i32>} : memref<32x256xf32, #tpu.memory_space<vmem>>, vector<1x16xf32>,
      %get3A_1330 = arith.constant 1 : i32
      %get3A_1331 = arith.constant 48 : i32
      %get3A_1332 = arith.constant 0 : i32
      %get3A_1333 = arith.constant 0 : i32
      %get3A_1334 = tpu.memref_slice %arg14[%get3A_1330, %get3A_1332, %get3A_1333] : memref<2x50x192xf32, #tpu.memory_space<vmem>> -> memref<1x50x192xf32, #tpu.memory_space<vmem>>
      %get3A_1335 = tpu.memref_squeeze %get3A_1334 : memref<1x50x192xf32, #tpu.memory_space<vmem>> -> memref<50x192xf32, #tpu.memory_space<vmem>>
      %get3A_1336 = arith.index_cast %get3A_1331 : i32 to index
      %get3A_1337 = arith.constant 80 : index
      %get3A_1338 = tpu.vector_load %get3A_1335[%get3A_1336, %get3A_1337] {strides = array<i32>} : memref<50x192xf32, #tpu.memory_space<vmem>>, vector<1x16xf32>,
      %get3A_1339 = vector.shape_cast %get3A_1338 : vector<1x16xf32> to vector<16xf32>
      %mul3A_1340 = arith.constant 2 : i32
      %mul3A_1341 = arith.muli %mul3A_1340, %rem3A_1234 : i32
      %add3A_1342 = arith.constant 0 : i32
      %add3A_1343 = arith.addi %mul3A_1341, %add3A_1342 : i32
      %swap3A_1344 = arith.index_cast %add3A_1343 : i32 to index
      %swap3A_1345 = arith.constant 80 : index
      %swap3A_1346 = tpu.vector_load %arg15[%swap3A_1344, %swap3A_1345] {strides = array<i32>} : memref<32x256xf32, #tpu.memory_space<vmem>>, vector<1x16xf32>,
      %swap3A_1347 = vector.shape_cast %swap3A_1346 : vector<1x16xf32> to vector<16xf32>
      %swap3A_1348 = vector.shape_cast %get3A_1339 : vector<16xf32> to vector<1x16xf32>
      tpu.vector_store %arg15[%swap3A_1344, %swap3A_1345], %swap3A_1348 {strides = array<i32>} : memref<32x256xf32, #tpu.memory_space<vmem>>, vector<1x16xf32>,
      %get3A_1349 = arith.constant 1 : i32
      %get3A_1350 = arith.constant 48 : i32
      %get3A_1351 = arith.constant 0 : i32
      %get3A_1352 = arith.constant 0 : i32
      %get3A_1353 = tpu.memref_slice %arg14[%get3A_1349, %get3A_1351, %get3A_1352] : memref<2x50x192xf32, #tpu.memory_space<vmem>> -> memref<1x50x192xf32, #tpu.memory_space<vmem>>
      %get3A_1354 = tpu.memref_squeeze %get3A_1353 : memref<1x50x192xf32, #tpu.memory_space<vmem>> -> memref<50x192xf32, #tpu.memory_space<vmem>>
      %get3A_1355 = arith.index_cast %get3A_1350 : i32 to index
      %get3A_1356 = arith.constant 96 : index
      %get3A_1357 = tpu.vector_load %get3A_1354[%get3A_1355, %get3A_1356] {strides = array<i32>} : memref<50x192xf32, #tpu.memory_space<vmem>>, vector<1x16xf32>,
      %get3A_1358 = vector.shape_cast %get3A_1357 : vector<1x16xf32> to vector<16xf32>
      %mul3A_1359 = arith.constant 2 : i32
      %mul3A_1360 = arith.muli %mul3A_1359, %rem3A_1234 : i32
      %add3A_1361 = arith.constant 0 : i32
      %add3A_1362 = arith.addi %mul3A_1360, %add3A_1361 : i32
      %swap3A_1363 = arith.index_cast %add3A_1362 : i32 to index
      %swap3A_1364 = arith.constant 96 : index
      %swap3A_1365 = tpu.vector_load %arg15[%swap3A_1363, %swap3A_1364] {strides = array<i32>} : memref<32x256xf32, #tpu.memory_space<vmem>>, vector<1x16xf32>,
      %swap3A_1366 = vector.shape_cast %swap3A_1365 : vector<1x16xf32> to vector<16xf32>
      %swap3A_1367 = vector.shape_cast %get3A_1358 : vector<16xf32> to vector<1x16xf32>
      tpu.vector_store %arg15[%swap3A_1363, %swap3A_1364], %swap3A_1367 {strides = array<i32>} : memref<32x256xf32, #tpu.memory_space<vmem>>, vector<1x16xf32>,
      %get3A_1368 = arith.constant 1 : i32
      %get3A_1369 = arith.constant 48 : i32
      %get3A_1370 = arith.constant 0 : i32
      %get3A_1371 = arith.constant 0 : i32
      %get3A_1372 = tpu.memref_slice %arg14[%get3A_1368, %get3A_1370, %get3A_1371] : memref<2x50x192xf32, #tpu.memory_space<vmem>> -> memref<1x50x192xf32, #tpu.memory_space<vmem>>
      %get3A_1373 = tpu.memref_squeeze %get3A_1372 : memref<1x50x192xf32, #tpu.memory_space<vmem>> -> memref<50x192xf32, #tpu.memory_space<vmem>>
      %get3A_1374 = arith.index_cast %get3A_1369 : i32 to index
      %get3A_1375 = arith.constant 112 : index
      %get3A_1376 = tpu.vector_load %get3A_1373[%get3A_1374, %get3A_1375] {strides = array<i32>} : memref<50x192xf32, #tpu.memory_space<vmem>>, vector<1x16xf32>,
      %get3A_1377 = vector.shape_cast %get3A_1376 : vector<1x16xf32> to vector<16xf32>
      %mul3A_1378 = arith.constant 2 : i32
      %mul3A_1379 = arith.muli %mul3A_1378, %rem3A_1234 : i32
      %add3A_1380 = arith.constant 0 : i32
      %add3A_1381 = arith.addi %mul3A_1379, %add3A_1380 : i32
      %swap3A_1382 = arith.index_cast %add3A_1381 : i32 to index
      %swap3A_1383 = arith.constant 112 : index
      %swap3A_1384 = tpu.vector_load %arg15[%swap3A_1382, %swap3A_1383] {strides = array<i32>} : memref<32x256xf32, #tpu.memory_space<vmem>>, vector<1x16xf32>,
      %swap3A_1385 = vector.shape_cast %swap3A_1384 : vector<1x16xf32> to vector<16xf32>
      %swap3A_1386 = vector.shape_cast %get3A_1377 : vector<16xf32> to vector<1x16xf32>
      tpu.vector_store %arg15[%swap3A_1382, %swap3A_1383], %swap3A_1386 {strides = array<i32>} : memref<32x256xf32, #tpu.memory_space<vmem>>, vector<1x16xf32>,
      %get3A_1387 = arith.constant 1 : i32
      %get3A_1388 = arith.constant 48 : i32
      %get3A_1389 = arith.constant 0 : i32
      %get3A_1390 = arith.constant 0 : i32
      %get3A_1391 = tpu.memref_slice %arg14[%get3A_1387, %get3A_1389, %get3A_1390] : memref<2x50x192xf32, #tpu.memory_space<vmem>> -> memref<1x50x192xf32, #tpu.memory_space<vmem>>
      %get3A_1392 = tpu.memref_squeeze %get3A_1391 : memref<1x50x192xf32, #tpu.memory_space<vmem>> -> memref<50x192xf32, #tpu.memory_space<vmem>>
      %get3A_1393 = arith.index_cast %get3A_1388 : i32 to index
      %get3A_1394 = arith.constant 128 : index
      %get3A_1395 = tpu.vector_load %get3A_1392[%get3A_1393, %get3A_1394] {strides = array<i32>} : memref<50x192xf32, #tpu.memory_space<vmem>>, vector<1x16xf32>,
      %get3A_1396 = vector.shape_cast %get3A_1395 : vector<1x16xf32> to vector<16xf32>
      %mul3A_1397 = arith.constant 2 : i32
      %mul3A_1398 = arith.muli %mul3A_1397, %rem3A_1234 : i32
      %add3A_1399 = arith.constant 0 : i32
      %add3A_1400 = arith.addi %mul3A_1398, %add3A_1399 : i32
      %swap3A_1401 = arith.index_cast %add3A_1400 : i32 to index
      %swap3A_1402 = arith.constant 128 : index
      %swap3A_1403 = tpu.vector_load %arg15[%swap3A_1401, %swap3A_1402] {strides = array<i32>} : memref<32x256xf32, #tpu.memory_space<vmem>>, vector<1x16xf32>,
      %swap3A_1404 = vector.shape_cast %swap3A_1403 : vector<1x16xf32> to vector<16xf32>
      %swap3A_1405 = vector.shape_cast %get3A_1396 : vector<16xf32> to vector<1x16xf32>
      tpu.vector_store %arg15[%swap3A_1401, %swap3A_1402], %swap3A_1405 {strides = array<i32>} : memref<32x256xf32, #tpu.memory_space<vmem>>, vector<1x16xf32>,
      %get3A_1406 = arith.constant 1 : i32
      %get3A_1407 = arith.constant 48 : i32
      %get3A_1408 = arith.constant 0 : i32
      %get3A_1409 = arith.constant 0 : i32
      %get3A_1410 = tpu.memref_slice %arg14[%get3A_1406, %get3A_1408, %get3A_1409] : memref<2x50x192xf32, #tpu.memory_space<vmem>> -> memref<1x50x192xf32, #tpu.memory_space<vmem>>
      %get3A_1411 = tpu.memref_squeeze %get3A_1410 : memref<1x50x192xf32, #tpu.memory_space<vmem>> -> memref<50x192xf32, #tpu.memory_space<vmem>>
      %get3A_1412 = arith.index_cast %get3A_1407 : i32 to index
      %get3A_1413 = arith.constant 144 : index
      %get3A_1414 = tpu.vector_load %get3A_1411[%get3A_1412, %get3A_1413] {strides = array<i32>} : memref<50x192xf32, #tpu.memory_space<vmem>>, vector<1x16xf32>,
      %get3A_1415 = vector.shape_cast %get3A_1414 : vector<1x16xf32> to vector<16xf32>
      %mul3A_1416 = arith.constant 2 : i32
      %mul3A_1417 = arith.muli %mul3A_1416, %rem3A_1234 : i32
      %add3A_1418 = arith.constant 0 : i32
      %add3A_1419 = arith.addi %mul3A_1417, %add3A_1418 : i32
      %swap3A_1420 = arith.index_cast %add3A_1419 : i32 to index
      %swap3A_1421 = arith.constant 144 : index
      %swap3A_1422 = tpu.vector_load %arg15[%swap3A_1420, %swap3A_1421] {strides = array<i32>} : memref<32x256xf32, #tpu.memory_space<vmem>>, vector<1x16xf32>,
      %swap3A_1423 = vector.shape_cast %swap3A_1422 : vector<1x16xf32> to vector<16xf32>
      %swap3A_1424 = vector.shape_cast %get3A_1415 : vector<16xf32> to vector<1x16xf32>
      tpu.vector_store %arg15[%swap3A_1420, %swap3A_1421], %swap3A_1424 {strides = array<i32>} : memref<32x256xf32, #tpu.memory_space<vmem>>, vector<1x16xf32>,
      %get3A_1425 = arith.constant 1 : i32
      %get3A_1426 = arith.constant 48 : i32
      %get3A_1427 = arith.constant 0 : i32
      %get3A_1428 = arith.constant 0 : i32
      %get3A_1429 = tpu.memref_slice %arg14[%get3A_1425, %get3A_1427, %get3A_1428] : memref<2x50x192xf32, #tpu.memory_space<vmem>> -> memref<1x50x192xf32, #tpu.memory_space<vmem>>
      %get3A_1430 = tpu.memref_squeeze %get3A_1429 : memref<1x50x192xf32, #tpu.memory_space<vmem>> -> memref<50x192xf32, #tpu.memory_space<vmem>>
      %get3A_1431 = arith.index_cast %get3A_1426 : i32 to index
      %get3A_1432 = arith.constant 160 : index
      %get3A_1433 = tpu.vector_load %get3A_1430[%get3A_1431, %get3A_1432] {strides = array<i32>} : memref<50x192xf32, #tpu.memory_space<vmem>>, vector<1x16xf32>,
      %get3A_1434 = vector.shape_cast %get3A_1433 : vector<1x16xf32> to vector<16xf32>
      %mul3A_1435 = arith.constant 2 : i32
      %mul3A_1436 = arith.muli %mul3A_1435, %rem3A_1234 : i32
      %add3A_1437 = arith.constant 0 : i32
      %add3A_1438 = arith.addi %mul3A_1436, %add3A_1437 : i32
      %swap3A_1439 = arith.index_cast %add3A_1438 : i32 to index
      %swap3A_1440 = arith.constant 160 : index
      %swap3A_1441 = tpu.vector_load %arg15[%swap3A_1439, %swap3A_1440] {strides = array<i32>} : memref<32x256xf32, #tpu.memory_space<vmem>>, vector<1x16xf32>,
      %swap3A_1442 = vector.shape_cast %swap3A_1441 : vector<1x16xf32> to vector<16xf32>
      %swap3A_1443 = vector.shape_cast %get3A_1434 : vector<16xf32> to vector<1x16xf32>
      tpu.vector_store %arg15[%swap3A_1439, %swap3A_1440], %swap3A_1443 {strides = array<i32>} : memref<32x256xf32, #tpu.memory_space<vmem>>, vector<1x16xf32>,
      %get3A_1444 = arith.constant 1 : i32
      %get3A_1445 = arith.constant 48 : i32
      %get3A_1446 = arith.constant 0 : i32
      %get3A_1447 = arith.constant 0 : i32
      %get3A_1448 = tpu.memref_slice %arg14[%get3A_1444, %get3A_1446, %get3A_1447] : memref<2x50x192xf32, #tpu.memory_space<vmem>> -> memref<1x50x192xf32, #tpu.memory_space<vmem>>
      %get3A_1449 = tpu.memref_squeeze %get3A_1448 : memref<1x50x192xf32, #tpu.memory_space<vmem>> -> memref<50x192xf32, #tpu.memory_space<vmem>>
      %get3A_1450 = arith.index_cast %get3A_1445 : i32 to index
      %get3A_1451 = arith.constant 176 : index
      %get3A_1452 = tpu.vector_load %get3A_1449[%get3A_1450, %get3A_1451] {strides = array<i32>} : memref<50x192xf32, #tpu.memory_space<vmem>>, vector<1x16xf32>,
      %get3A_1453 = vector.shape_cast %get3A_1452 : vector<1x16xf32> to vector<16xf32>
      %mul3A_1454 = arith.constant 2 : i32
      %mul3A_1455 = arith.muli %mul3A_1454, %rem3A_1234 : i32
      %add3A_1456 = arith.constant 0 : i32
      %add3A_1457 = arith.addi %mul3A_1455, %add3A_1456 : i32
      %swap3A_1458 = arith.index_cast %add3A_1457 : i32 to index
      %swap3A_1459 = arith.constant 176 : index
      %swap3A_1460 = tpu.vector_load %arg15[%swap3A_1458, %swap3A_1459] {strides = array<i32>} : memref<32x256xf32, #tpu.memory_space<vmem>>, vector<1x16xf32>,
      %swap3A_1461 = vector.shape_cast %swap3A_1460 : vector<1x16xf32> to vector<16xf32>
      %swap3A_1462 = vector.shape_cast %get3A_1453 : vector<16xf32> to vector<1x16xf32>
      tpu.vector_store %arg15[%swap3A_1458, %swap3A_1459], %swap3A_1462 {strides = array<i32>} : memref<32x256xf32, #tpu.memory_space<vmem>>, vector<1x16xf32>,
      %get3A_1463 = arith.constant 1 : i32
      %get3A_1464 = arith.constant 49 : i32
      %get3A_1465 = arith.constant 0 : i32
      %get3A_1466 = arith.constant 0 : i32
      %get3A_1467 = tpu.memref_slice %arg14[%get3A_1463, %get3A_1465, %get3A_1466] : memref<2x50x192xf32, #tpu.memory_space<vmem>> -> memref<1x50x192xf32, #tpu.memory_space<vmem>>
      %get3A_1468 = tpu.memref_squeeze %get3A_1467 : memref<1x50x192xf32, #tpu.memory_space<vmem>> -> memref<50x192xf32, #tpu.memory_space<vmem>>
      %get3A_1469 = arith.index_cast %get3A_1464 : i32 to index
      %get3A_1470 = arith.constant 0 : index
      %get3A_1471 = tpu.vector_load %get3A_1468[%get3A_1469, %get3A_1470] {strides = array<i32>} : memref<50x192xf32, #tpu.memory_space<vmem>>, vector<1x16xf32>,
      %get3A_1472 = vector.shape_cast %get3A_1471 : vector<1x16xf32> to vector<16xf32>
      %mul3A_1473 = arith.constant 2 : i32
      %mul3A_1474 = arith.muli %mul3A_1473, %rem3A_1234 : i32
      %add3A_1475 = arith.constant 1 : i32
      %add3A_1476 = arith.addi %mul3A_1474, %add3A_1475 : i32
      %swap3A_1477 = arith.index_cast %add3A_1476 : i32 to index
      %swap3A_1478 = arith.constant 0 : index
      %swap3A_1479 = tpu.vector_load %arg15[%swap3A_1477, %swap3A_1478] {strides = array<i32>} : memref<32x256xf32, #tpu.memory_space<vmem>>, vector<1x16xf32>,
      %swap3A_1480 = vector.shape_cast %swap3A_1479 : vector<1x16xf32> to vector<16xf32>
      %swap3A_1481 = vector.shape_cast %get3A_1472 : vector<16xf32> to vector<1x16xf32>
      tpu.vector_store %arg15[%swap3A_1477, %swap3A_1478], %swap3A_1481 {strides = array<i32>} : memref<32x256xf32, #tpu.memory_space<vmem>>, vector<1x16xf32>,
      %get3A_1482 = arith.constant 1 : i32
      %get3A_1483 = arith.constant 49 : i32
      %get3A_1484 = arith.constant 0 : i32
      %get3A_1485 = arith.constant 0 : i32
      %get3A_1486 = tpu.memref_slice %arg14[%get3A_1482, %get3A_1484, %get3A_1485] : memref<2x50x192xf32, #tpu.memory_space<vmem>> -> memref<1x50x192xf32, #tpu.memory_space<vmem>>
      %get3A_1487 = tpu.memref_squeeze %get3A_1486 : memref<1x50x192xf32, #tpu.memory_space<vmem>> -> memref<50x192xf32, #tpu.memory_space<vmem>>
      %get3A_1488 = arith.index_cast %get3A_1483 : i32 to index
      %get3A_1489 = arith.constant 16 : index
      %get3A_1490 = tpu.vector_load %get3A_1487[%get3A_1488, %get3A_1489] {strides = array<i32>} : memref<50x192xf32, #tpu.memory_space<vmem>>, vector<1x16xf32>,
      %get3A_1491 = vector.shape_cast %get3A_1490 : vector<1x16xf32> to vector<16xf32>
      %mul3A_1492 = arith.constant 2 : i32
      %mul3A_1493 = arith.muli %mul3A_1492, %rem3A_1234 : i32
      %add3A_1494 = arith.constant 1 : i32
      %add3A_1495 = arith.addi %mul3A_1493, %add3A_1494 : i32
      %swap3A_1496 = arith.index_cast %add3A_1495 : i32 to index
      %swap3A_1497 = arith.constant 16 : index
      %swap3A_1498 = tpu.vector_load %arg15[%swap3A_1496, %swap3A_1497] {strides = array<i32>} : memref<32x256xf32, #tpu.memory_space<vmem>>, vector<1x16xf32>,
      %swap3A_1499 = vector.shape_cast %swap3A_1498 : vector<1x16xf32> to vector<16xf32>
      %swap3A_1500 = vector.shape_cast %get3A_1491 : vector<16xf32> to vector<1x16xf32>
      tpu.vector_store %arg15[%swap3A_1496, %swap3A_1497], %swap3A_1500 {strides = array<i32>} : memref<32x256xf32, #tpu.memory_space<vmem>>, vector<1x16xf32>,
      %get3A_1501 = arith.constant 1 : i32
      %get3A_1502 = arith.constant 49 : i32
      %get3A_1503 = arith.constant 0 : i32
      %get3A_1504 = arith.constant 0 : i32
      %get3A_1505 = tpu.memref_slice %arg14[%get3A_1501, %get3A_1503, %get3A_1504] : memref<2x50x192xf32, #tpu.memory_space<vmem>> -> memref<1x50x192xf32, #tpu.memory_space<vmem>>
      %get3A_1506 = tpu.memref_squeeze %get3A_1505 : memref<1x50x192xf32, #tpu.memory_space<vmem>> -> memref<50x192xf32, #tpu.memory_space<vmem>>
      %get3A_1507 = arith.index_cast %get3A_1502 : i32 to index
      %get3A_1508 = arith.constant 32 : index
      %get3A_1509 = tpu.vector_load %get3A_1506[%get3A_1507, %get3A_1508] {strides = array<i32>} : memref<50x192xf32, #tpu.memory_space<vmem>>, vector<1x16xf32>,
      %get3A_1510 = vector.shape_cast %get3A_1509 : vector<1x16xf32> to vector<16xf32>
      %mul3A_1511 = arith.constant 2 : i32
      %mul3A_1512 = arith.muli %mul3A_1511, %rem3A_1234 : i32
      %add3A_1513 = arith.constant 1 : i32
      %add3A_1514 = arith.addi %mul3A_1512, %add3A_1513 : i32
      %swap3A_1515 = arith.index_cast %add3A_1514 : i32 to index
      %swap3A_1516 = arith.constant 32 : index
      %swap3A_1517 = tpu.vector_load %arg15[%swap3A_1515, %swap3A_1516] {strides = array<i32>} : memref<32x256xf32, #tpu.memory_space<vmem>>, vector<1x16xf32>,
      %swap3A_1518 = vector.shape_cast %swap3A_1517 : vector<1x16xf32> to vector<16xf32>
      %swap3A_1519 = vector.shape_cast %get3A_1510 : vector<16xf32> to vector<1x16xf32>
      tpu.vector_store %arg15[%swap3A_1515, %swap3A_1516], %swap3A_1519 {strides = array<i32>} : memref<32x256xf32, #tpu.memory_space<vmem>>, vector<1x16xf32>,
      %get3A_1520 = arith.constant 1 : i32
      %get3A_1521 = arith.constant 49 : i32
      %get3A_1522 = arith.constant 0 : i32
      %get3A_1523 = arith.constant 0 : i32
      %get3A_1524 = tpu.memref_slice %arg14[%get3A_1520, %get3A_1522, %get3A_1523] : memref<2x50x192xf32, #tpu.memory_space<vmem>> -> memref<1x50x192xf32, #tpu.memory_space<vmem>>
      %get3A_1525 = tpu.memref_squeeze %get3A_1524 : memref<1x50x192xf32, #tpu.memory_space<vmem>> -> memref<50x192xf32, #tpu.memory_space<vmem>>
      %get3A_1526 = arith.index_cast %get3A_1521 : i32 to index
      %get3A_1527 = arith.constant 48 : index
      %get3A_1528 = tpu.vector_load %get3A_1525[%get3A_1526, %get3A_1527] {strides = array<i32>} : memref<50x192xf32, #tpu.memory_space<vmem>>, vector<1x16xf32>,
      %get3A_1529 = vector.shape_cast %get3A_1528 : vector<1x16xf32> to vector<16xf32>
      %mul3A_1530 = arith.constant 2 : i32
      %mul3A_1531 = arith.muli %mul3A_1530, %rem3A_1234 : i32
      %add3A_1532 = arith.constant 1 : i32
      %add3A_1533 = arith.addi %mul3A_1531, %add3A_1532 : i32
      %swap3A_1534 = arith.index_cast %add3A_1533 : i32 to index
      %swap3A_1535 = arith.constant 48 : index
      %swap3A_1536 = tpu.vector_load %arg15[%swap3A_1534, %swap3A_1535] {strides = array<i32>} : memref<32x256xf32, #tpu.memory_space<vmem>>, vector<1x16xf32>,
      %swap3A_1537 = vector.shape_cast %swap3A_1536 : vector<1x16xf32> to vector<16xf32>
      %swap3A_1538 = vector.shape_cast %get3A_1529 : vector<16xf32> to vector<1x16xf32>
      tpu.vector_store %arg15[%swap3A_1534, %swap3A_1535], %swap3A_1538 {strides = array<i32>} : memref<32x256xf32, #tpu.memory_space<vmem>>, vector<1x16xf32>,
      %get3A_1539 = arith.constant 1 : i32
      %get3A_1540 = arith.constant 49 : i32
      %get3A_1541 = arith.constant 0 : i32
      %get3A_1542 = arith.constant 0 : i32
      %get3A_1543 = tpu.memref_slice %arg14[%get3A_1539, %get3A_1541, %get3A_1542] : memref<2x50x192xf32, #tpu.memory_space<vmem>> -> memref<1x50x192xf32, #tpu.memory_space<vmem>>
      %get3A_1544 = tpu.memref_squeeze %get3A_1543 : memref<1x50x192xf32, #tpu.memory_space<vmem>> -> memref<50x192xf32, #tpu.memory_space<vmem>>
      %get3A_1545 = arith.index_cast %get3A_1540 : i32 to index
      %get3A_1546 = arith.constant 64 : index
      %get3A_1547 = tpu.vector_load %get3A_1544[%get3A_1545, %get3A_1546] {strides = array<i32>} : memref<50x192xf32, #tpu.memory_space<vmem>>, vector<1x16xf32>,
      %get3A_1548 = vector.shape_cast %get3A_1547 : vector<1x16xf32> to vector<16xf32>
      %mul3A_1549 = arith.constant 2 : i32
      %mul3A_1550 = arith.muli %mul3A_1549, %rem3A_1234 : i32
      %add3A_1551 = arith.constant 1 : i32
      %add3A_1552 = arith.addi %mul3A_1550, %add3A_1551 : i32
      %swap3A_1553 = arith.index_cast %add3A_1552 : i32 to index
      %swap3A_1554 = arith.constant 64 : index
      %swap3A_1555 = tpu.vector_load %arg15[%swap3A_1553, %swap3A_1554] {strides = array<i32>} : memref<32x256xf32, #tpu.memory_space<vmem>>, vector<1x16xf32>,
      %swap3A_1556 = vector.shape_cast %swap3A_1555 : vector<1x16xf32> to vector<16xf32>
      %swap3A_1557 = vector.shape_cast %get3A_1548 : vector<16xf32> to vector<1x16xf32>
      tpu.vector_store %arg15[%swap3A_1553, %swap3A_1554], %swap3A_1557 {strides = array<i32>} : memref<32x256xf32, #tpu.memory_space<vmem>>, vector<1x16xf32>,
      %get3A_1558 = arith.constant 1 : i32
      %get3A_1559 = arith.constant 49 : i32
      %get3A_1560 = arith.constant 0 : i32
      %get3A_1561 = arith.constant 0 : i32
      %get3A_1562 = tpu.memref_slice %arg14[%get3A_1558, %get3A_1560, %get3A_1561] : memref<2x50x192xf32, #tpu.memory_space<vmem>> -> memref<1x50x192xf32, #tpu.memory_space<vmem>>
      %get3A_1563 = tpu.memref_squeeze %get3A_1562 : memref<1x50x192xf32, #tpu.memory_space<vmem>> -> memref<50x192xf32, #tpu.memory_space<vmem>>
      %get3A_1564 = arith.index_cast %get3A_1559 : i32 to index
      %get3A_1565 = arith.constant 80 : index
      %get3A_1566 = tpu.vector_load %get3A_1563[%get3A_1564, %get3A_1565] {strides = array<i32>} : memref<50x192xf32, #tpu.memory_space<vmem>>, vector<1x16xf32>,
      %get3A_1567 = vector.shape_cast %get3A_1566 : vector<1x16xf32> to vector<16xf32>
      %mul3A_1568 = arith.constant 2 : i32
      %mul3A_1569 = arith.muli %mul3A_1568, %rem3A_1234 : i32
      %add3A_1570 = arith.constant 1 : i32
      %add3A_1571 = arith.addi %mul3A_1569, %add3A_1570 : i32
      %swap3A_1572 = arith.index_cast %add3A_1571 : i32 to index
      %swap3A_1573 = arith.constant 80 : index
      %swap3A_1574 = tpu.vector_load %arg15[%swap3A_1572, %swap3A_1573] {strides = array<i32>} : memref<32x256xf32, #tpu.memory_space<vmem>>, vector<1x16xf32>,
      %swap3A_1575 = vector.shape_cast %swap3A_1574 : vector<1x16xf32> to vector<16xf32>
      %swap3A_1576 = vector.shape_cast %get3A_1567 : vector<16xf32> to vector<1x16xf32>
      tpu.vector_store %arg15[%swap3A_1572, %swap3A_1573], %swap3A_1576 {strides = array<i32>} : memref<32x256xf32, #tpu.memory_space<vmem>>, vector<1x16xf32>,
      %get3A_1577 = arith.constant 1 : i32
      %get3A_1578 = arith.constant 49 : i32
      %get3A_1579 = arith.constant 0 : i32
      %get3A_1580 = arith.constant 0 : i32
      %get3A_1581 = tpu.memref_slice %arg14[%get3A_1577, %get3A_1579, %get3A_1580] : memref<2x50x192xf32, #tpu.memory_space<vmem>> -> memref<1x50x192xf32, #tpu.memory_space<vmem>>
      %get3A_1582 = tpu.memref_squeeze %get3A_1581 : memref<1x50x192xf32, #tpu.memory_space<vmem>> -> memref<50x192xf32, #tpu.memory_space<vmem>>
      %get3A_1583 = arith.index_cast %get3A_1578 : i32 to index
      %get3A_1584 = arith.constant 96 : index
      %get3A_1585 = tpu.vector_load %get3A_1582[%get3A_1583, %get3A_1584] {strides = array<i32>} : memref<50x192xf32, #tpu.memory_space<vmem>>, vector<1x16xf32>,
      %get3A_1586 = vector.shape_cast %get3A_1585 : vector<1x16xf32> to vector<16xf32>
      %mul3A_1587 = arith.constant 2 : i32
      %mul3A_1588 = arith.muli %mul3A_1587, %rem3A_1234 : i32
      %add3A_1589 = arith.constant 1 : i32
      %add3A_1590 = arith.addi %mul3A_1588, %add3A_1589 : i32
      %swap3A_1591 = arith.index_cast %add3A_1590 : i32 to index
      %swap3A_1592 = arith.constant 96 : index
      %swap3A_1593 = tpu.vector_load %arg15[%swap3A_1591, %swap3A_1592] {strides = array<i32>} : memref<32x256xf32, #tpu.memory_space<vmem>>, vector<1x16xf32>,
      %swap3A_1594 = vector.shape_cast %swap3A_1593 : vector<1x16xf32> to vector<16xf32>
      %swap3A_1595 = vector.shape_cast %get3A_1586 : vector<16xf32> to vector<1x16xf32>
      tpu.vector_store %arg15[%swap3A_1591, %swap3A_1592], %swap3A_1595 {strides = array<i32>} : memref<32x256xf32, #tpu.memory_space<vmem>>, vector<1x16xf32>,
      %get3A_1596 = arith.constant 1 : i32
      %get3A_1597 = arith.constant 49 : i32
      %get3A_1598 = arith.constant 0 : i32
      %get3A_1599 = arith.constant 0 : i32
      %get3A_1600 = tpu.memref_slice %arg14[%get3A_1596, %get3A_1598, %get3A_1599] : memref<2x50x192xf32, #tpu.memory_space<vmem>> -> memref<1x50x192xf32, #tpu.memory_space<vmem>>
      %get3A_1601 = tpu.memref_squeeze %get3A_1600 : memref<1x50x192xf32, #tpu.memory_space<vmem>> -> memref<50x192xf32, #tpu.memory_space<vmem>>
      %get3A_1602 = arith.index_cast %get3A_1597 : i32 to index
      %get3A_1603 = arith.constant 112 : index
      %get3A_1604 = tpu.vector_load %get3A_1601[%get3A_1602, %get3A_1603] {strides = array<i32>} : memref<50x192xf32, #tpu.memory_space<vmem>>, vector<1x16xf32>,
      %get3A_1605 = vector.shape_cast %get3A_1604 : vector<1x16xf32> to vector<16xf32>
      %mul3A_1606 = arith.constant 2 : i32
      %mul3A_1607 = arith.muli %mul3A_1606, %rem3A_1234 : i32
      %add3A_1608 = arith.constant 1 : i32
      %add3A_1609 = arith.addi %mul3A_1607, %add3A_1608 : i32
      %swap3A_1610 = arith.index_cast %add3A_1609 : i32 to index
      %swap3A_1611 = arith.constant 112 : index
      %swap3A_1612 = tpu.vector_load %arg15[%swap3A_1610, %swap3A_1611] {strides = array<i32>} : memref<32x256xf32, #tpu.memory_space<vmem>>, vector<1x16xf32>,
      %swap3A_1613 = vector.shape_cast %swap3A_1612 : vector<1x16xf32> to vector<16xf32>
      %swap3A_1614 = vector.shape_cast %get3A_1605 : vector<16xf32> to vector<1x16xf32>
      tpu.vector_store %arg15[%swap3A_1610, %swap3A_1611], %swap3A_1614 {strides = array<i32>} : memref<32x256xf32, #tpu.memory_space<vmem>>, vector<1x16xf32>,
      %get3A_1615 = arith.constant 1 : i32
      %get3A_1616 = arith.constant 49 : i32
      %get3A_1617 = arith.constant 0 : i32
      %get3A_1618 = arith.constant 0 : i32
      %get3A_1619 = tpu.memref_slice %arg14[%get3A_1615, %get3A_1617, %get3A_1618] : memref<2x50x192xf32, #tpu.memory_space<vmem>> -> memref<1x50x192xf32, #tpu.memory_space<vmem>>
      %get3A_1620 = tpu.memref_squeeze %get3A_1619 : memref<1x50x192xf32, #tpu.memory_space<vmem>> -> memref<50x192xf32, #tpu.memory_space<vmem>>
      %get3A_1621 = arith.index_cast %get3A_1616 : i32 to index
      %get3A_1622 = arith.constant 128 : index
      %get3A_1623 = tpu.vector_load %get3A_1620[%get3A_1621, %get3A_1622] {strides = array<i32>} : memref<50x192xf32, #tpu.memory_space<vmem>>, vector<1x16xf32>,
      %get3A_1624 = vector.shape_cast %get3A_1623 : vector<1x16xf32> to vector<16xf32>
      %mul3A_1625 = arith.constant 2 : i32
      %mul3A_1626 = arith.muli %mul3A_1625, %rem3A_1234 : i32
      %add3A_1627 = arith.constant 1 : i32
      %add3A_1628 = arith.addi %mul3A_1626, %add3A_1627 : i32
      %swap3A_1629 = arith.index_cast %add3A_1628 : i32 to index
      %swap3A_1630 = arith.constant 128 : index
      %swap3A_1631 = tpu.vector_load %arg15[%swap3A_1629, %swap3A_1630] {strides = array<i32>} : memref<32x256xf32, #tpu.memory_space<vmem>>, vector<1x16xf32>,
      %swap3A_1632 = vector.shape_cast %swap3A_1631 : vector<1x16xf32> to vector<16xf32>
      %swap3A_1633 = vector.shape_cast %get3A_1624 : vector<16xf32> to vector<1x16xf32>
      tpu.vector_store %arg15[%swap3A_1629, %swap3A_1630], %swap3A_1633 {strides = array<i32>} : memref<32x256xf32, #tpu.memory_space<vmem>>, vector<1x16xf32>,
      %get3A_1634 = arith.constant 1 : i32
      %get3A_1635 = arith.constant 49 : i32
      %get3A_1636 = arith.constant 0 : i32
      %get3A_1637 = arith.constant 0 : i32
      %get3A_1638 = tpu.memref_slice %arg14[%get3A_1634, %get3A_1636, %get3A_1637] : memref<2x50x192xf32, #tpu.memory_space<vmem>> -> memref<1x50x192xf32, #tpu.memory_space<vmem>>
      %get3A_1639 = tpu.memref_squeeze %get3A_1638 : memref<1x50x192xf32, #tpu.memory_space<vmem>> -> memref<50x192xf32, #tpu.memory_space<vmem>>
      %get3A_1640 = arith.index_cast %get3A_1635 : i32 to index
      %get3A_1641 = arith.constant 144 : index
      %get3A_1642 = tpu.vector_load %get3A_1639[%get3A_1640, %get3A_1641] {strides = array<i32>} : memref<50x192xf32, #tpu.memory_space<vmem>>, vector<1x16xf32>,
      %get3A_1643 = vector.shape_cast %get3A_1642 : vector<1x16xf32> to vector<16xf32>
      %mul3A_1644 = arith.constant 2 : i32
      %mul3A_1645 = arith.muli %mul3A_1644, %rem3A_1234 : i32
      %add3A_1646 = arith.constant 1 : i32
      %add3A_1647 = arith.addi %mul3A_1645, %add3A_1646 : i32
      %swap3A_1648 = arith.index_cast %add3A_1647 : i32 to index
      %swap3A_1649 = arith.constant 144 : index
      %swap3A_1650 = tpu.vector_load %arg15[%swap3A_1648, %swap3A_1649] {strides = array<i32>} : memref<32x256xf32, #tpu.memory_space<vmem>>, vector<1x16xf32>,
      %swap3A_1651 = vector.shape_cast %swap3A_1650 : vector<1x16xf32> to vector<16xf32>
      %swap3A_1652 = vector.shape_cast %get3A_1643 : vector<16xf32> to vector<1x16xf32>
      tpu.vector_store %arg15[%swap3A_1648, %swap3A_1649], %swap3A_1652 {strides = array<i32>} : memref<32x256xf32, #tpu.memory_space<vmem>>, vector<1x16xf32>,
      %get3A_1653 = arith.constant 1 : i32
      %get3A_1654 = arith.constant 49 : i32
      %get3A_1655 = arith.constant 0 : i32
      %get3A_1656 = arith.constant 0 : i32
      %get3A_1657 = tpu.memref_slice %arg14[%get3A_1653, %get3A_1655, %get3A_1656] : memref<2x50x192xf32, #tpu.memory_space<vmem>> -> memref<1x50x192xf32, #tpu.memory_space<vmem>>
      %get3A_1658 = tpu.memref_squeeze %get3A_1657 : memref<1x50x192xf32, #tpu.memory_space<vmem>> -> memref<50x192xf32, #tpu.memory_space<vmem>>
      %get3A_1659 = arith.index_cast %get3A_1654 : i32 to index
      %get3A_1660 = arith.constant 160 : index
      %get3A_1661 = tpu.vector_load %get3A_1658[%get3A_1659, %get3A_1660] {strides = array<i32>} : memref<50x192xf32, #tpu.memory_space<vmem>>, vector<1x16xf32>,
      %get3A_1662 = vector.shape_cast %get3A_1661 : vector<1x16xf32> to vector<16xf32>
      %mul3A_1663 = arith.constant 2 : i32
      %mul3A_1664 = arith.muli %mul3A_1663, %rem3A_1234 : i32
      %add3A_1665 = arith.constant 1 : i32
      %add3A_1666 = arith.addi %mul3A_1664, %add3A_1665 : i32
      %swap3A_1667 = arith.index_cast %add3A_1666 : i32 to index
      %swap3A_1668 = arith.constant 160 : index
      %swap3A_1669 = tpu.vector_load %arg15[%swap3A_1667, %swap3A_1668] {strides = array<i32>} : memref<32x256xf32, #tpu.memory_space<vmem>>, vector<1x16xf32>,
      %swap3A_1670 = vector.shape_cast %swap3A_1669 : vector<1x16xf32> to vector<16xf32>
      %swap3A_1671 = vector.shape_cast %get3A_1662 : vector<16xf32> to vector<1x16xf32>
      tpu.vector_store %arg15[%swap3A_1667, %swap3A_1668], %swap3A_1671 {strides = array<i32>} : memref<32x256xf32, #tpu.memory_space<vmem>>, vector<1x16xf32>,
      %get3A_1672 = arith.constant 1 : i32
      %get3A_1673 = arith.constant 49 : i32
      %get3A_1674 = arith.constant 0 : i32
      %get3A_1675 = arith.constant 0 : i32
      %get3A_1676 = tpu.memref_slice %arg14[%get3A_1672, %get3A_1674, %get3A_1675] : memref<2x50x192xf32, #tpu.memory_space<vmem>> -> memref<1x50x192xf32, #tpu.memory_space<vmem>>
      %get3A_1677 = tpu.memref_squeeze %get3A_1676 : memref<1x50x192xf32, #tpu.memory_space<vmem>> -> memref<50x192xf32, #tpu.memory_space<vmem>>
      %get3A_1678 = arith.index_cast %get3A_1673 : i32 to index
      %get3A_1679 = arith.constant 176 : index
      %get3A_1680 = tpu.vector_load %get3A_1677[%get3A_1678, %get3A_1679] {strides = array<i32>} : memref<50x192xf32, #tpu.memory_space<vmem>>, vector<1x16xf32>,
      %get3A_1681 = vector.shape_cast %get3A_1680 : vector<1x16xf32> to vector<16xf32>
      %mul3A_1682 = arith.constant 2 : i32
      %mul3A_1683 = arith.muli %mul3A_1682, %rem3A_1234 : i32
      %add3A_1684 = arith.constant 1 : i32
      %add3A_1685 = arith.addi %mul3A_1683, %add3A_1684 : i32
      %swap3A_1686 = arith.index_cast %add3A_1685 : i32 to index
      %swap3A_1687 = arith.constant 176 : index
      %swap3A_1688 = tpu.vector_load %arg15[%swap3A_1686, %swap3A_1687] {strides = array<i32>} : memref<32x256xf32, #tpu.memory_space<vmem>>, vector<1x16xf32>,
      %swap3A_1689 = vector.shape_cast %swap3A_1688 : vector<1x16xf32> to vector<16xf32>
      %swap3A_1690 = vector.shape_cast %get3A_1681 : vector<16xf32> to vector<1x16xf32>
      tpu.vector_store %arg15[%swap3A_1686, %swap3A_1687], %swap3A_1690 {strides = array<i32>} : memref<32x256xf32, #tpu.memory_space<vmem>>, vector<1x16xf32>,
      %eq3A_1691 = arith.constant 15 : i32
      %eq3A_1692 = arith.cmpi eq, %rem3A_1234, %eq3A_1691 : i32
      %convert_element_type3A_1693 = arith.extui %eq3A_1692 : i1 to i32
      %cond3A_1694 = arith.constant 0 : i32
      %cond3A_1695 = arith.cmpi ne, %convert_element_type3A_1693, %cond3A_1694 : i32
      scf.if %cond3A_1695 {
        %div3A = arith.constant 16 : i32
        %div3A_1697 = arith.divsi %add3A_990, %div3A : i32
        %mul3A_1698 = arith.constant 256 : i32
        %mul3A_1699 = arith.muli %add3A, %mul3A_1698 : i32
        %mul3A_1700 = arith.constant 32 : i32
        %mul3A_1701 = arith.muli %div3A_1697, %mul3A_1700 : i32
        %add3A_1702 = arith.addi %mul3A_1699, %mul3A_1701 : i32
        "tpu.region"() ({
          %run_scoped3A = tpu.sem_alloc : memref<!tpu.dma_semaphore, #tpu.memory_space<semaphore_mem>>
          %dma_start3A_1703 = arith.constant 0 : i32
          %dma_start3A_1704 = tpu.memref_slice %arg7[%add3A_1702, %dma_start3A_1703] : memref<8192x256xf32, #tpu.memory_space<hbm>> -> memref<32x256xf32, #tpu.memory_space<hbm>>
          %dma_start3A_1705 = arith.constant 0 : i32
          %dma_start3A_1706 = tpu.memref_slice %arg7[%add3A_1702, %dma_start3A_1705] : memref<8192x256xf32, #tpu.memory_space<hbm>> -> memref<32x256xf32, #tpu.memory_space<hbm>>
          tpu.enqueue_dma source(%arg15 : memref<32x256xf32, #tpu.memory_space<vmem>>) target(%dma_start3A_1706 : memref<32x256xf32, #tpu.memory_space<hbm>>) target_semaphore(%run_scoped3A : memref<!tpu.dma_semaphore, #tpu.memory_space<semaphore_mem>>)
          %dma_wait3A_1707 = arith.constant 0 : i32
          %dma_wait3A_1708 = tpu.memref_slice %arg7[%add3A_1702, %dma_wait3A_1707] : memref<8192x256xf32, #tpu.memory_space<hbm>> -> memref<32x256xf32, #tpu.memory_space<hbm>>
          %dma_wait3A_1709 = arith.constant 0 : i32
          %dma_wait3A_1710 = tpu.memref_slice %arg7[%add3A_1702, %dma_wait3A_1709] : memref<8192x256xf32, #tpu.memory_space<hbm>> -> memref<32x256xf32, #tpu.memory_space<hbm>>
          tpu.wait_dma2 semaphore(%run_scoped3A : memref<!tpu.dma_semaphore, #tpu.memory_space<semaphore_mem>>) src(%arg15 : memref<32x256xf32, #tpu.memory_space<vmem>>) dst(%dma_wait3A_1710 : memref<32x256xf32, #tpu.memory_space<hbm>>)
          tpu.yield
        }) : () -> ()
      } else {
      }
      %scan3A_1696 = arith.constant 0 : i32
      scf.yield %scan3A_1696 : i32
    }
    %scan3A_147 = arith.constant 64 : i32
    %dma_wait3A_148 = arith.constant 0 : i32
    %dma_wait3A_149 = arith.constant 0 : i32
    %dma_wait3A_150 = arith.constant 0 : i32
    %dma_wait3A_151 = arith.constant 0 : i32
    %dma_wait3A_152 = arith.constant 0 : i32
    %dma_wait3A_153 = tpu.memref_slice %arg9[%dma_wait3A_150, %dma_wait3A_151, %dma_wait3A_152] : memref<2x56x128xf32, #tpu.memory_space<vmem>> -> memref<1x56x128xf32, #tpu.memory_space<vmem>>
    %dma_wait3A_154 = tpu.memref_squeeze %dma_wait3A_153 : memref<1x56x128xf32, #tpu.memory_space<vmem>> -> memref<56x128xf32, #tpu.memory_space<vmem>>
    %dma_wait3A_155 = arith.constant 0 : i32
    %dma_wait3A_156 = arith.constant 0 : i32
    %dma_wait3A_157 = tpu.memref_slice %arg8[%dma_wait3A_148, %dma_wait3A_155, %dma_wait3A_156] : memref<2x5x56xi32, #tpu.memory_space<vmem>> -> memref<1x5x56xi32, #tpu.memory_space<vmem>>
    %dma_wait3A_158 = tpu.memref_squeeze %dma_wait3A_157 : memref<1x5x56xi32, #tpu.memory_space<vmem>> -> memref<5x56xi32, #tpu.memory_space<vmem>>
    %dma_wait3A_159 = arith.constant 0 : i32
    %dma_wait3A_160 = tpu.memref_slice %dma_wait3A_158[%dma_wait3A_149, %dma_wait3A_159] : memref<5x56xi32, #tpu.memory_space<vmem>> -> memref<1x56xi32, #tpu.memory_space<vmem>>
    %dma_wait3A_161 = tpu.memref_squeeze %dma_wait3A_160 : memref<1x56xi32, #tpu.memory_space<vmem>> -> memref<56xi32, #tpu.memory_space<vmem>>
    %dma_wait3A_162 = arith.constant 0 : i32
    %dma_wait3A_163 = arith.constant 0 : i32
    %dma_wait3A_164 = tpu.memref_slice %arg3[%dma_wait3A_162, %dma_wait3A_163] : memref<300000x128xf32, #tpu.memory_space<hbm>> -> memref<300000x128xf32, #tpu.memory_space<hbm>>
    tpu.wait_indirect_dma semaphore(%arg18 : memref<!tpu.dma_semaphore, #tpu.memory_space<semaphore_mem>>) src(%dma_wait3A_164 : memref<300000x128xf32, #tpu.memory_space<hbm>>) dst(%dma_wait3A_154 : memref<56x128xf32, #tpu.memory_space<vmem>>)
    %dma_wait3A_165 = arith.constant 0 : i32
    %dma_wait3A_166 = arith.constant 1 : i32
    %dma_wait3A_167 = arith.constant 0 : i32
    %dma_wait3A_168 = arith.constant 0 : i32
    %dma_wait3A_169 = arith.constant 0 : i32
    %dma_wait3A_170 = tpu.memref_slice %arg10[%dma_wait3A_167, %dma_wait3A_168, %dma_wait3A_169] : memref<2x56x128xf32, #tpu.memory_space<vmem>> -> memref<1x56x128xf32, #tpu.memory_space<vmem>>
    %dma_wait3A_171 = tpu.memref_squeeze %dma_wait3A_170 : memref<1x56x128xf32, #tpu.memory_space<vmem>> -> memref<56x128xf32, #tpu.memory_space<vmem>>
    %dma_wait3A_172 = arith.constant 0 : i32
    %dma_wait3A_173 = arith.constant 0 : i32
    %dma_wait3A_174 = tpu.memref_slice %arg8[%dma_wait3A_165, %dma_wait3A_172, %dma_wait3A_173] : memref<2x5x56xi32, #tpu.memory_space<vmem>> -> memref<1x5x56xi32, #tpu.memory_space<vmem>>
    %dma_wait3A_175 = tpu.memref_squeeze %dma_wait3A_174 : memref<1x5x56xi32, #tpu.memory_space<vmem>> -> memref<5x56xi32, #tpu.memory_space<vmem>>
    %dma_wait3A_176 = arith.constant 0 : i32
    %dma_wait3A_177 = tpu.memref_slice %dma_wait3A_175[%dma_wait3A_166, %dma_wait3A_176] : memref<5x56xi32, #tpu.memory_space<vmem>> -> memref<1x56xi32, #tpu.memory_space<vmem>>
    %dma_wait3A_178 = tpu.memref_squeeze %dma_wait3A_177 : memref<1x56xi32, #tpu.memory_space<vmem>> -> memref<56xi32, #tpu.memory_space<vmem>>
    %dma_wait3A_179 = arith.constant 0 : i32
    %dma_wait3A_180 = arith.constant 0 : i32
    %dma_wait3A_181 = tpu.memref_slice %arg3[%dma_wait3A_179, %dma_wait3A_180] : memref<300000x128xf32, #tpu.memory_space<hbm>> -> memref<300000x128xf32, #tpu.memory_space<hbm>>
    tpu.wait_indirect_dma semaphore(%arg18 : memref<!tpu.dma_semaphore, #tpu.memory_space<semaphore_mem>>) src(%dma_wait3A_181 : memref<300000x128xf32, #tpu.memory_space<hbm>>) dst(%dma_wait3A_171 : memref<56x128xf32, #tpu.memory_space<vmem>>)
    %dma_wait3A_182 = arith.constant 0 : i32
    %dma_wait3A_183 = arith.constant 2 : i32
    %dma_wait3A_184 = arith.constant 0 : i32
    %dma_wait3A_185 = arith.constant 0 : i32
    %dma_wait3A_186 = arith.constant 0 : i32
    %dma_wait3A_187 = tpu.memref_slice %arg11[%dma_wait3A_184, %dma_wait3A_185, %dma_wait3A_186] : memref<2x56x128xf32, #tpu.memory_space<vmem>> -> memref<1x56x128xf32, #tpu.memory_space<vmem>>
    %dma_wait3A_188 = tpu.memref_squeeze %dma_wait3A_187 : memref<1x56x128xf32, #tpu.memory_space<vmem>> -> memref<56x128xf32, #tpu.memory_space<vmem>>
    %dma_wait3A_189 = arith.constant 0 : i32
    %dma_wait3A_190 = arith.constant 0 : i32
    %dma_wait3A_191 = tpu.memref_slice %arg8[%dma_wait3A_182, %dma_wait3A_189, %dma_wait3A_190] : memref<2x5x56xi32, #tpu.memory_space<vmem>> -> memref<1x5x56xi32, #tpu.memory_space<vmem>>
    %dma_wait3A_192 = tpu.memref_squeeze %dma_wait3A_191 : memref<1x5x56xi32, #tpu.memory_space<vmem>> -> memref<5x56xi32, #tpu.memory_space<vmem>>
    %dma_wait3A_193 = arith.constant 0 : i32
    %dma_wait3A_194 = tpu.memref_slice %dma_wait3A_192[%dma_wait3A_183, %dma_wait3A_193] : memref<5x56xi32, #tpu.memory_space<vmem>> -> memref<1x56xi32, #tpu.memory_space<vmem>>
    %dma_wait3A_195 = tpu.memref_squeeze %dma_wait3A_194 : memref<1x56xi32, #tpu.memory_space<vmem>> -> memref<56xi32, #tpu.memory_space<vmem>>
    %dma_wait3A_196 = arith.constant 0 : i32
    %dma_wait3A_197 = arith.constant 0 : i32
    %dma_wait3A_198 = tpu.memref_slice %arg3[%dma_wait3A_196, %dma_wait3A_197] : memref<300000x128xf32, #tpu.memory_space<hbm>> -> memref<300000x128xf32, #tpu.memory_space<hbm>>
    tpu.wait_indirect_dma semaphore(%arg18 : memref<!tpu.dma_semaphore, #tpu.memory_space<semaphore_mem>>) src(%dma_wait3A_198 : memref<300000x128xf32, #tpu.memory_space<hbm>>) dst(%dma_wait3A_188 : memref<56x128xf32, #tpu.memory_space<vmem>>)
    %dma_wait3A_199 = arith.constant 0 : i32
    %dma_wait3A_200 = arith.constant 3 : i32
    %dma_wait3A_201 = arith.constant 0 : i32
    %dma_wait3A_202 = arith.constant 0 : i32
    %dma_wait3A_203 = arith.constant 0 : i32
    %dma_wait3A_204 = tpu.memref_slice %arg12[%dma_wait3A_201, %dma_wait3A_202, %dma_wait3A_203] : memref<2x56x128xf32, #tpu.memory_space<vmem>> -> memref<1x56x128xf32, #tpu.memory_space<vmem>>
    %dma_wait3A_205 = tpu.memref_squeeze %dma_wait3A_204 : memref<1x56x128xf32, #tpu.memory_space<vmem>> -> memref<56x128xf32, #tpu.memory_space<vmem>>
    %dma_wait3A_206 = arith.constant 0 : i32
    %dma_wait3A_207 = arith.constant 0 : i32
    %dma_wait3A_208 = tpu.memref_slice %arg8[%dma_wait3A_199, %dma_wait3A_206, %dma_wait3A_207] : memref<2x5x56xi32, #tpu.memory_space<vmem>> -> memref<1x5x56xi32, #tpu.memory_space<vmem>>
    %dma_wait3A_209 = tpu.memref_squeeze %dma_wait3A_208 : memref<1x5x56xi32, #tpu.memory_space<vmem>> -> memref<5x56xi32, #tpu.memory_space<vmem>>
    %dma_wait3A_210 = arith.constant 0 : i32
    %dma_wait3A_211 = tpu.memref_slice %dma_wait3A_209[%dma_wait3A_200, %dma_wait3A_210] : memref<5x56xi32, #tpu.memory_space<vmem>> -> memref<1x56xi32, #tpu.memory_space<vmem>>
    %dma_wait3A_212 = tpu.memref_squeeze %dma_wait3A_211 : memref<1x56xi32, #tpu.memory_space<vmem>> -> memref<56xi32, #tpu.memory_space<vmem>>
    %dma_wait3A_213 = arith.constant 0 : i32
    %dma_wait3A_214 = arith.constant 0 : i32
    %dma_wait3A_215 = tpu.memref_slice %arg4[%dma_wait3A_213, %dma_wait3A_214] : memref<1000x128xf32, #tpu.memory_space<hbm>> -> memref<1000x128xf32, #tpu.memory_space<hbm>>
    tpu.wait_indirect_dma semaphore(%arg18 : memref<!tpu.dma_semaphore, #tpu.memory_space<semaphore_mem>>) src(%dma_wait3A_215 : memref<1000x128xf32, #tpu.memory_space<hbm>>) dst(%dma_wait3A_205 : memref<56x128xf32, #tpu.memory_space<vmem>>)
    %dma_wait3A_216 = arith.constant 0 : i32
    %dma_wait3A_217 = arith.constant 4 : i32
    %dma_wait3A_218 = arith.constant 0 : i32
    %dma_wait3A_219 = arith.constant 0 : i32
    %dma_wait3A_220 = arith.constant 0 : i32
    %dma_wait3A_221 = tpu.memref_slice %arg13[%dma_wait3A_218, %dma_wait3A_219, %dma_wait3A_220] : memref<2x56x128xf32, #tpu.memory_space<vmem>> -> memref<1x56x128xf32, #tpu.memory_space<vmem>>
    %dma_wait3A_222 = tpu.memref_squeeze %dma_wait3A_221 : memref<1x56x128xf32, #tpu.memory_space<vmem>> -> memref<56x128xf32, #tpu.memory_space<vmem>>
    %dma_wait3A_223 = arith.constant 0 : i32
    %dma_wait3A_224 = arith.constant 0 : i32
    %dma_wait3A_225 = tpu.memref_slice %arg8[%dma_wait3A_216, %dma_wait3A_223, %dma_wait3A_224] : memref<2x5x56xi32, #tpu.memory_space<vmem>> -> memref<1x5x56xi32, #tpu.memory_space<vmem>>
    %dma_wait3A_226 = tpu.memref_squeeze %dma_wait3A_225 : memref<1x5x56xi32, #tpu.memory_space<vmem>> -> memref<5x56xi32, #tpu.memory_space<vmem>>
    %dma_wait3A_227 = arith.constant 0 : i32
    %dma_wait3A_228 = tpu.memref_slice %dma_wait3A_226[%dma_wait3A_217, %dma_wait3A_227] : memref<5x56xi32, #tpu.memory_space<vmem>> -> memref<1x56xi32, #tpu.memory_space<vmem>>
    %dma_wait3A_229 = tpu.memref_squeeze %dma_wait3A_228 : memref<1x56xi32, #tpu.memory_space<vmem>> -> memref<56xi32, #tpu.memory_space<vmem>>
    %dma_wait3A_230 = arith.constant 0 : i32
    %dma_wait3A_231 = arith.constant 0 : i32
    %dma_wait3A_232 = tpu.memref_slice %arg5[%dma_wait3A_230, %dma_wait3A_231] : memref<1000x128xf32, #tpu.memory_space<hbm>> -> memref<1000x128xf32, #tpu.memory_space<hbm>>
    tpu.wait_indirect_dma semaphore(%arg18 : memref<!tpu.dma_semaphore, #tpu.memory_space<semaphore_mem>>) src(%dma_wait3A_232 : memref<1000x128xf32, #tpu.memory_space<hbm>>) dst(%dma_wait3A_222 : memref<56x128xf32, #tpu.memory_space<vmem>>)
    %dma_wait3A_233 = arith.constant 0 : i32
    %dma_wait3A_234 = arith.constant 1 : i32
    %dma_wait3A_235 = arith.constant 0 : i32
    %dma_wait3A_236 = arith.constant 0 : i32
    %dma_wait3A_237 = tpu.memref_slice %arg8[%dma_wait3A_234, %dma_wait3A_235, %dma_wait3A_236] : memref<2x5x56xi32, #tpu.memory_space<vmem>> -> memref<1x5x56xi32, #tpu.memory_space<vmem>>
    %dma_wait3A_238 = tpu.memref_squeeze %dma_wait3A_237 : memref<1x5x56xi32, #tpu.memory_space<vmem>> -> memref<5x56xi32, #tpu.memory_space<vmem>>
    %dma_wait3A_239 = arith.constant 0 : i32
    %dma_wait3A_240 = arith.constant 0 : i32
    %dma_wait3A_241 = tpu.memref_slice %arg2[%dma_wait3A_233, %dma_wait3A_239, %dma_wait3A_240] : memref<4096x5x56xi32, #tpu.memory_space<hbm>> -> memref<1x5x56xi32, #tpu.memory_space<hbm>>
    %dma_wait3A_242 = tpu.memref_squeeze %dma_wait3A_241 : memref<1x5x56xi32, #tpu.memory_space<hbm>> -> memref<5x56xi32, #tpu.memory_space<hbm>>
    %dma_wait3A_243 = arith.constant 0 : i32
    %dma_wait3A_244 = arith.constant 0 : i32
    %dma_wait3A_245 = tpu.memref_slice %arg8[%dma_wait3A_234, %dma_wait3A_243, %dma_wait3A_244] : memref<2x5x56xi32, #tpu.memory_space<vmem>> -> memref<1x5x56xi32, #tpu.memory_space<vmem>>
    %dma_wait3A_246 = tpu.memref_squeeze %dma_wait3A_245 : memref<1x5x56xi32, #tpu.memory_space<vmem>> -> memref<5x56xi32, #tpu.memory_space<vmem>>
    %dma_wait3A_247 = arith.constant 0 : i32
    %dma_wait3A_248 = arith.constant 0 : i32
    %dma_wait3A_249 = tpu.memref_slice %arg2[%dma_wait3A_233, %dma_wait3A_247, %dma_wait3A_248] : memref<4096x5x56xi32, #tpu.memory_space<hbm>> -> memref<1x5x56xi32, #tpu.memory_space<hbm>>
    %dma_wait3A_250 = tpu.memref_squeeze %dma_wait3A_249 : memref<1x5x56xi32, #tpu.memory_space<hbm>> -> memref<5x56xi32, #tpu.memory_space<hbm>>
    tpu.wait_dma2 semaphore(%arg17 : memref<!tpu.dma_semaphore, #tpu.memory_space<semaphore_mem>>) src(%dma_wait3A_250 : memref<5x56xi32, #tpu.memory_space<hbm>>) dst(%dma_wait3A_246 : memref<5x56xi32, #tpu.memory_space<vmem>>)
    %dma_wait3A_251 = arith.constant 0 : i32
    %dma_wait3A_252 = arith.constant 0 : i32
    %dma_wait3A_253 = arith.constant 0 : i32
    %dma_wait3A_254 = arith.constant 0 : i32
    %dma_wait3A_255 = tpu.memref_slice %arg14[%dma_wait3A_251, %dma_wait3A_253, %dma_wait3A_254] : memref<2x50x192xf32, #tpu.memory_space<vmem>> -> memref<1x50x192xf32, #tpu.memory_space<vmem>>
    %dma_wait3A_256 = tpu.memref_squeeze %dma_wait3A_255 : memref<1x50x192xf32, #tpu.memory_space<vmem>> -> memref<50x192xf32, #tpu.memory_space<vmem>>
    %dma_wait3A_257 = arith.constant 0 : i32
    %dma_wait3A_258 = arith.constant 0 : i32
    %dma_wait3A_259 = tpu.memref_slice %arg6[%dma_wait3A_252, %dma_wait3A_257, %dma_wait3A_258] : memref<4096x50x192xf32, #tpu.memory_space<hbm>> -> memref<1x50x192xf32, #tpu.memory_space<hbm>>
    %dma_wait3A_260 = tpu.memref_squeeze %dma_wait3A_259 : memref<1x50x192xf32, #tpu.memory_space<hbm>> -> memref<50x192xf32, #tpu.memory_space<hbm>>
    %dma_wait3A_261 = arith.constant 0 : i32
    %dma_wait3A_262 = arith.constant 0 : i32
    %dma_wait3A_263 = tpu.memref_slice %arg6[%dma_wait3A_252, %dma_wait3A_261, %dma_wait3A_262] : memref<4096x50x192xf32, #tpu.memory_space<hbm>> -> memref<1x50x192xf32, #tpu.memory_space<hbm>>
    %dma_wait3A_264 = tpu.memref_squeeze %dma_wait3A_263 : memref<1x50x192xf32, #tpu.memory_space<hbm>> -> memref<50x192xf32, #tpu.memory_space<hbm>>
    %dma_wait3A_265 = arith.constant 0 : i32
    %dma_wait3A_266 = arith.constant 0 : i32
    %dma_wait3A_267 = tpu.memref_slice %arg14[%dma_wait3A_251, %dma_wait3A_265, %dma_wait3A_266] : memref<2x50x192xf32, #tpu.memory_space<vmem>> -> memref<1x50x192xf32, #tpu.memory_space<vmem>>
    %dma_wait3A_268 = tpu.memref_squeeze %dma_wait3A_267 : memref<1x50x192xf32, #tpu.memory_space<vmem>> -> memref<50x192xf32, #tpu.memory_space<vmem>>
    tpu.wait_dma2 semaphore(%arg20 : memref<!tpu.dma_semaphore, #tpu.memory_space<semaphore_mem>>) src(%dma_wait3A_268 : memref<50x192xf32, #tpu.memory_space<vmem>>) dst(%dma_wait3A_264 : memref<50x192xf32, #tpu.memory_space<hbm>>)
    %dma_wait3A_269 = arith.constant 1 : i32
    %dma_wait3A_270 = arith.constant 0 : i32
    %dma_wait3A_271 = arith.constant 0 : i32
    %dma_wait3A_272 = arith.constant 0 : i32
    %dma_wait3A_273 = tpu.memref_slice %arg14[%dma_wait3A_269, %dma_wait3A_271, %dma_wait3A_272] : memref<2x50x192xf32, #tpu.memory_space<vmem>> -> memref<1x50x192xf32, #tpu.memory_space<vmem>>
    %dma_wait3A_274 = tpu.memref_squeeze %dma_wait3A_273 : memref<1x50x192xf32, #tpu.memory_space<vmem>> -> memref<50x192xf32, #tpu.memory_space<vmem>>
    %dma_wait3A_275 = arith.constant 0 : i32
    %dma_wait3A_276 = arith.constant 0 : i32
    %dma_wait3A_277 = tpu.memref_slice %arg6[%dma_wait3A_270, %dma_wait3A_275, %dma_wait3A_276] : memref<4096x50x192xf32, #tpu.memory_space<hbm>> -> memref<1x50x192xf32, #tpu.memory_space<hbm>>
    %dma_wait3A_278 = tpu.memref_squeeze %dma_wait3A_277 : memref<1x50x192xf32, #tpu.memory_space<hbm>> -> memref<50x192xf32, #tpu.memory_space<hbm>>
    %dma_wait3A_279 = arith.constant 0 : i32
    %dma_wait3A_280 = arith.constant 0 : i32
    %dma_wait3A_281 = tpu.memref_slice %arg6[%dma_wait3A_270, %dma_wait3A_279, %dma_wait3A_280] : memref<4096x50x192xf32, #tpu.memory_space<hbm>> -> memref<1x50x192xf32, #tpu.memory_space<hbm>>
    %dma_wait3A_282 = tpu.memref_squeeze %dma_wait3A_281 : memref<1x50x192xf32, #tpu.memory_space<hbm>> -> memref<50x192xf32, #tpu.memory_space<hbm>>
    %dma_wait3A_283 = arith.constant 0 : i32
    %dma_wait3A_284 = arith.constant 0 : i32
    %dma_wait3A_285 = tpu.memref_slice %arg14[%dma_wait3A_269, %dma_wait3A_283, %dma_wait3A_284] : memref<2x50x192xf32, #tpu.memory_space<vmem>> -> memref<1x50x192xf32, #tpu.memory_space<vmem>>
    %dma_wait3A_286 = tpu.memref_squeeze %dma_wait3A_285 : memref<1x50x192xf32, #tpu.memory_space<vmem>> -> memref<50x192xf32, #tpu.memory_space<vmem>>
    tpu.wait_dma2 semaphore(%arg21 : memref<!tpu.dma_semaphore, #tpu.memory_space<semaphore_mem>>) src(%dma_wait3A_286 : memref<50x192xf32, #tpu.memory_space<vmem>>) dst(%dma_wait3A_282 : memref<50x192xf32, #tpu.memory_space<hbm>>)
    return
  }
}

module attributes {stable_mosaic.version = 14 : i64} {
  func.func @body(%arg0: memref<2x1000x64xf32, #tpu.memory_space<vmem>>, %arg1: memref<1000x128xf32, #tpu.memory_space<vmem>>, %arg2: memref<1000x128xf32, #tpu.memory_space<vmem>>) attributes {dimension_semantics = [], scalar_prefetch = 0 : i64, scratch_operands = 0 : i64, tpu.core_type = #tpu.core_type<tc>} {
    %iota3A = tpu.iota {dimensions = array<i32: 1>} : vector<1000x64xi32>
    %convert_element_type3A = arith.sitofp %iota3A : vector<1000x64xi32> to vector<1000x64xf32>
    %iota3A_0 = tpu.iota {dimensions = array<i32: 0>} : vector<1000x64xi32>
    %convert_element_type3A_1 = arith.sitofp %iota3A_0 : vector<1000x64xi32> to vector<1000x64xf32>
    %mul3A = arith.constant -0.14391157 : f32
    %mul3A_2 = vector.broadcast %mul3A : f32 to vector<1000x64xf32>
    %mul3A_3 = arith.mulf %convert_element_type3A, %mul3A_2 : vector<1000x64xf32>
    %exp3A = math.exp %mul3A_3 : vector<1000x64xf32>
    %mul3A_4 = arith.mulf %convert_element_type3A_1, %exp3A : vector<1000x64xf32>
    %cos3A = math.cos %mul3A_4 : vector<1000x64xf32>
    %convert_element_type3A_5 = arith.truncf %cos3A : vector<1000x64xf32> to vector<1000x64xbf16>
    %bitcast_convert_type3A = tpu.bitcast %convert_element_type3A_5 : vector<1000x64xbf16> -> vector<1000x64xi16>
    %convert_element_type3A_6 = arith.extui %bitcast_convert_type3A : vector<1000x64xi16> to vector<1000x64xi32>
    %sin3A = math.sin %mul3A_4 : vector<1000x64xf32>
    %convert_element_type3A_7 = arith.truncf %sin3A : vector<1000x64xf32> to vector<1000x64xbf16>
    %bitcast_convert_type3A_8 = tpu.bitcast %convert_element_type3A_7 : vector<1000x64xbf16> -> vector<1000x64xi16>
    %convert_element_type3A_9 = arith.extui %bitcast_convert_type3A_8 : vector<1000x64xi16> to vector<1000x64xi32>
    %shift_left3A = arith.constant 16 : i32
    %shift_left3A_10 = vector.broadcast %shift_left3A : i32 to vector<1000x64xi32>
    %shift_left3A_11 = arith.shli %convert_element_type3A_9, %shift_left3A_10 : vector<1000x64xi32>
    %or3A = arith.ori %convert_element_type3A_6, %shift_left3A_11 : vector<1000x64xi32>
    %bitcast_convert_type3A_12 = tpu.bitcast %or3A : vector<1000x64xi32> -> vector<1000x64xf32>
    %broadcast_in_dim3A = arith.constant 0.000000e+00 : f32
    %broadcast_in_dim3A_13 = vector.broadcast %broadcast_in_dim3A : f32 to vector<1000x64xf32>
    %get3A = arith.constant 1 : index
    %get3A_14 = arith.constant 0 : index
    %get3A_15 = arith.constant 0 : index
    %get3A_16 = vector.load %arg0[%get3A, %get3A_14, %get3A_15] : memref<2x1000x64xf32, #tpu.memory_space<vmem>>, vector<1x1000x64xf32>
    %get3A_17 = vector.shape_cast %get3A_16 : vector<1x1000x64xf32> to vector<1000x64xf32>
    %concatenate3A = tpu.concatenate %get3A_17, %bitcast_convert_type3A_12 in 1 : vector<1000x64xf32>, vector<1000x64xf32> -> vector<1000x128xf32>
    %swap3A = arith.constant 0 : index
    %swap3A_18 = arith.constant 0 : index
    %swap3A_19 = vector.load %arg1[%swap3A, %swap3A_18] : memref<1000x128xf32, #tpu.memory_space<vmem>>, vector<1000x128xf32>
    tpu.vector_store %arg1[%swap3A, %swap3A_18], %concatenate3A {strides = array<i32>} : memref<1000x128xf32, #tpu.memory_space<vmem>>, vector<1000x128xf32>,
    %get3A_20 = arith.constant 0 : index
    %get3A_21 = arith.constant 0 : index
    %get3A_22 = arith.constant 0 : index
    %get3A_23 = vector.load %arg0[%get3A_20, %get3A_21, %get3A_22] : memref<2x1000x64xf32, #tpu.memory_space<vmem>>, vector<1x1000x64xf32>
    %get3A_24 = vector.shape_cast %get3A_23 : vector<1x1000x64xf32> to vector<1000x64xf32>
    %concatenate3A_25 = tpu.concatenate %get3A_24, %broadcast_in_dim3A_13 in 1 : vector<1000x64xf32>, vector<1000x64xf32> -> vector<1000x128xf32>
    %swap3A_26 = arith.constant 0 : index
    %swap3A_27 = arith.constant 0 : index
    %swap3A_28 = vector.load %arg2[%swap3A_26, %swap3A_27] : memref<1000x128xf32, #tpu.memory_space<vmem>>, vector<1000x128xf32>
    tpu.vector_store %arg2[%swap3A_26, %swap3A_27], %concatenate3A_25 {strides = array<i32>} : memref<1000x128xf32, #tpu.memory_space<vmem>>, vector<1000x128xf32>,
    return
  }
}

</mosaic_0001>

<sc_bundles>
// kernel: kernel.4.cloned.1.call-start
scs
__scs_entry_jumppad:
0x0: {  	(pc) =	sbr.rel $0x88, $3  }
0x1: {  	(tag) =	ssettag $0x0;
	lr =	simm.s32 $0x1  }
0x2: {  	[smem:$0x3F9D] =	sst lr;
	_ =	strace $0xD0000000  }
0x3: {  	_ = 	snop  }
0x4: {  	_ = 	snop  }
0x5: {  	_ = 	snop  }
0x6: {  	_ = 	snop  }
0x7: {  	_ = 	snop  }
__scs_overlays_trampoline_lowered:
0x8: {  	[smem:$0x3FAC] =	sst s0  }
0x9: {  	[smem:$0x3FAD] =	sst s1  }
0xa: {  	[smem:$0x3FAE] =	sst s2  }
0xb: {  	[smem:$0x3FAF] =	sst s3  }
0xc: {  	[smem:$0x3FB0] =	sst s4  }
0xd: {  	[smem:$0x3FB1] =	sst s5  }
0xe: {  	[smem:$0x3FB2] =	sst s6  }
0xf: {  	[smem:$0x3FB3] =	sst s7  }
0x10: {  	[smem:$0x3FB4] =	sst s8  }
0x11: {  	[smem:$0x3FB5] =	sst s9;
	s0 =	simm.s32 @!p0 $0x0  }
0x12: {  	s1 =	sld [smem:$0x3F9B];
	s0 =	simm.s32 @p0 $0x1  }
0x13: {  	[smem:$0x3FB6] =	sst s0;
	s0 =	simm.s32 @!p1 $0x0  }
0x14: {  	s2 =	sld [smem:$0x3F9A];
	s0 =	simm.s32 @p1 $0x1  }
0x15: {  	[smem:$0x3FB7] =	sst s0;
	s0 =	simm.s32 @!p2 $0x0  }
0x16: {  	s3 =	sld [smem:$0x3FDB];
	s0 =	simm.s32 @p2 $0x1  }
0x17: {  	s4 =	simm.s32 $0x1BF5;
	[smem:$0x3FB9] =	sst s0  }
0x18: {  	s0 =	sld [smem:$0x3F9C];
	_ =	swait.ge [sflag:s4], $0x0  }
0x19: {  	s7 =	sld [smem:$0x3F9D]  }
0x1a: {  	s8 =	sadd.s32 $0xFFFFE003, lr  }
0x1b: {  	s9 =	sadd.s32 $0xFFFFFEF7, lr;
	s5 =	simm.s32 $0xFFFFFFFF;
	p2 =	slt.u32 s8, $0xFFFFF086  }
0x1c: {  	p1 =	slt.u32 s9, $0xF7A;
	s5 =	simm.s32 @!p2 $0x0  }
0x1d: {  	s5 =	simm.s32 @p1 $0x1;
	p0 =	seq.s32 s7, s2  }
0x1e: {  	s7 =	smul.u32 @!p0 $0xF7A, s2;
	p2 =	seq.s32 @!p0 s5, $0x0  }
0x1f: {  	s9 =	smul.u32 $0xF7A, s1;
	s8 =	simm.s32 @!p0 $0x1BF5;
	p2 =	por !p2, p0  }
0x20: {  	[sflag:s8] =	ssyncset.s32 @!p0 $0xFFFFF086;
	s6 =	sadd.s32 @!p0 s3, s7;
	s7 =	simm.s32 @!p0 $0x108  }
0x21: {  	s3 =	sadd.s32 s3, s9;
	s6 =	sadd.s32 @!p0 $0x88, s6;
	s7 =	simm.s32 @p2 $0x1082  }
0x22: {  	[simem:s7], [sflag:s8] =	dma.local @!p0 [hbm:s6], $0xF7A  }
0x23: {  	s9 =	sor.u32 $0xD0000000, s2;
	s6 =	simm.s32 $0x108;
	_ =	swait.ge @!p0 [sflag:s8], $0x0  }
0x24: {  	s3 =	sadd.s32 $0x88, s3;
	s6 =	simm.s32 @!p1 $0x1082;
	[sflag:s4] =	ssyncset.s32 $0xFFFFF086  }
0x25: {  	[simem:s6], [sflag:s4] =	dma.local [hbm:s3], $0xF7A  }
0x26: {  	[smem:$0x3F9D] =	sst s1;
	(tag) =	ssettag s2;
	_ =	strace s9  }
0x27: {  	s1 =	sld [smem:$0x3FAD]  }
0x28: {  	s2 =	sld [smem:$0x3FAE]  }
0x29: {  	s4 =	sld [smem:$0x3FB0]  }
0x2a: {  	p0 =	seq.s32 s5, $0x0;
	s5 =	sld [smem:$0x3FB1]  }
0x2b: {  	s6 =	sld [smem:$0x3FB2]  }
0x2c: {  	s7 =	sld [smem:$0x3FB3]  }
0x2d: {  	s3 =	simm.s32 $0x108;
	s8 =	sld [smem:$0x3FB4]  }
0x2e: {  	s3 =	simm.s32 @!p0 $0x1082;
	s9 =	sld [smem:$0x3FB5]  }
0x2f: {  	lr =	sadd.s32 s0, s3;
	s0 =	sld [smem:$0x3FAC]  }
0x30: {  	s3 =	sld [smem:$0x3FAF]  }
0x31: {  	[smem:$0x3FB8] =	sst s10  }
0x32: {  	s10 =	sld [smem:$0x3FB6];
	_ =	sdelay $0x3  }
0x33: {  	p0 =	seq.s32 s10, $0x1;
	s10 =	sld [smem:$0x3FB8];
	_ =	sdelay $0x3  }
0x34: {  	[smem:$0x3FB8] =	sst s10  }
0x35: {  	s10 =	sld [smem:$0x3FB7];
	_ =	sdelay $0x3  }
0x36: {  	p1 =	seq.s32 s10, $0x1;
	s10 =	sld [smem:$0x3FB8];
	_ =	sdelay $0x3  }
0x37: {  	[smem:$0x3FB8] =	sst s10  }
0x38: {  	s10 =	sld [smem:$0x3FB9]  }
0x39: {  	_ = 	snop;
	(pc) =	sbr.ind lr, $3  }
0x3a: {  	_ = 	snop  }
0x3b: {  	_ = 	snop  }
0x3c: {  	p2 =	seq.s32 s10, $0x1;
	s10 =	sld [smem:$0x3FB8]  }
0x3d: {  	_ =	shalt  }
0x3e: {  	_ =	shalt  }
0x3f: {  	_ =	shalt  }
0x40: {  	_ =	shalt  }
0x41: {  	_ =	shalt  }
0x42: {  	_ =	shalt  }
0x43: {  	_ =	shalt  }
0x44: {  	_ =	shalt  }
0x45: {  	_ =	shalt  }
0x46: {  	_ =	shalt  }
0x47: {  	_ =	shalt  }
0x48: {  	_ =	shalt  }
0x49: {  	_ =	shalt  }
0x4a: {  	_ =	shalt  }
0x4b: {  	_ =	shalt  }
0x4c: {  	_ =	shalt  }
0x4d: {  	_ =	shalt  }
0x4e: {  	_ =	shalt  }
0x4f: {  	_ =	shalt  }
0x50: {  	_ =	shalt  }
0x51: {  	_ =	shalt  }
0x52: {  	_ =	shalt  }
0x53: {  	_ =	shalt  }
0x54: {  	_ =	shalt  }
0x55: {  	_ =	shalt  }
0x56: {  	_ =	shalt  }
0x57: {  	_ =	shalt  }
0x58: {  	_ =	shalt  }
0x59: {  	_ =	shalt  }
0x5a: {  	_ =	shalt  }
0x5b: {  	_ =	shalt  }
0x5c: {  	_ =	shalt  }
0x5d: {  	_ =	shalt  }
0x5e: {  	_ =	shalt  }
0x5f: {  	_ =	shalt  }
0x60: {  	_ =	shalt  }
0x61: {  	_ =	shalt  }
0x62: {  	_ =	shalt  }
0x63: {  	_ =	shalt  }
0x64: {  	_ =	shalt  }
0x65: {  	_ =	shalt  }
0x66: {  	_ =	shalt  }
0x67: {  	_ =	shalt  }
0x68: {  	_ =	shalt  }
0x69: {  	_ =	shalt  }
0x6a: {  	_ =	shalt  }
0x6b: {  	_ =	shalt  }
0x6c: {  	_ =	shalt  }
0x6d: {  	_ =	shalt  }
0x6e: {  	_ =	shalt  }
0x6f: {  	_ =	shalt  }
0x70: {  	_ =	shalt  }
0x71: {  	_ =	shalt  }
0x72: {  	_ =	shalt  }
0x73: {  	_ =	shalt  }
0x74: {  	_ =	shalt  }
0x75: {  	_ =	shalt  }
0x76: {  	_ =	shalt  }
0x77: {  	_ =	shalt  }
0x78: {  	_ =	shalt  }
0x79: {  	_ =	shalt  }
0x7a: {  	_ =	shalt  }
0x7b: {  	_ =	shalt  }
0x7c: {  	_ =	shalt  }
0x7d: {  	_ =	shalt  }
0x7e: {  	_ =	shalt  }
0x7f: {  	_ =	shalt  }
0x80: {  	_ =	shalt  }
0x81: {  	_ =	shalt  }
0x82: {  	_ =	shalt  }
0x83: {  	_ =	shalt  }
0x84: {  	_ =	shalt  }
0x85: {  	_ =	shalt  }
0x86: {  	_ =	shalt  }
0x87: {  	_ =	shalt  }
.Lfunc_end0:
.L_simem_size_0:
called_computation.1_lowered:
.L_overlay_start_0:
0x88: {  	s2 =	sld [smem:$0x3FD9]  }
0x89: {  	s3 =	sld [smem:$0x3FFE];
	_ =	sdelay $0x1  }
0x8a: {  	s1 =	srdreg.scid  }
0x8b: {  	s0 =	sand.u32 $0x1, s1  }
0x8c: {  	s17 =	sshll.u32 s0, $0xA;
	s2 =	sadd.s32 s3, s2  }
0x8d: {  	s2 =	sadd.s32 s2, s17  }
0x8e: {  	[smem:$0x3FC4] =	sst s2  }
0x8f: {  	_ = 	snop  }
0x90: {  	s2 =	sld [smem:$0x3FC7]  }
0x91: {  	s18 =	sld [smem:$0x3FD0];
	(tm) =	ssettm $0x1  }
0x92: {  	s4 =	sld [smem:$0x3FFB];
	_ =	sdelay $0x3  }
0x93: {  	_ =	strace s4  }
0x94: {  	s4 =	sld [smem:$0x3FFC];
	_ =	sdelay $0x3  }
0x95: {  	_ =	strace s4  }
0x96: {  	s4 =	sld [smem:$0x3FFD];
	_ =	sdelay $0x3  }
0x97: {  	_ =	strace s4  }
0x98: {  	_ =	strace $0x8FFFFFFF  }
0x99: {  	s19 =	sld [smem:$0x3FDB];
	_ =	sdelay $0x1  }
0x9a: {  	s5 =	simm.s32 $_scs_section_size  }
0x9b: {  	s6 =	simm.s32 $_size__tile_overlayer_lowered;
	s7 =	simm.s32 $_tile_overlayer_lowered  }
0x9c: {  	s22 =	simm.s32 $0x1BFF;
	s21 =	sshll.u32 s7, $0x1;
	s4 =	sadd.s32 s5, s19  }
0x9d: {  	s8 =	simm.s32 $0x0;
	s20 =	sshll.u32 s6, $0x1;
	s6 =	sadd.s32 s21, s4  }
0x9e: {  	[timem:s8], [sflag:s22] =	dma.local [hbm:s6], s20  }
0x9f: {  	_ =	swait.ge [sflag:s22], s20  }
0xa0: {  	s5 =	ssub.s32 $0x0, s20;
	[sflag:s22] =	ssyncset.done $0x0  }
0xa1: {  	[sflag:s22] =	ssyncadd.s32 s5;
	_ =	sdelay $0x1  }
0xa2: {  	s23 =	simm.s32 $0x1B8B  }
0xa3: {  	_ =	swait.ge [sflag:s23], $0x1  }
0xa4: {  	[sflag:s23] =	ssyncset.done $0x0  }
0xa5: {  	s25 =	simm.s32 $0x1B8E;
	s24 =	sld [smem:$0x3FFE];
	[sflag:s23] =	ssyncadd.s32 $0xFFFFFFFF  }
0xa6: {  	s26 =	simm.s32 $execute0_lowered;
	[smem:$0x3FD2] =	sst s25  }
0xa7: {  	s6 =	sshll.u32 s26, $0x1;
	_ =	strace $0x80000046;
	[dreg:$0x1] =	wrdreg $0xFFFFFFFF  }
0xa8: {  	s28 =	simm.s32 $_size_execute0_lowered;
	s4 =	sadd.s32 s4, s6;
	[dreg:$0x0] =	wrdreg $0x0  }
0xa9: {  	s6 =	sshll.u32 s28, $0x1;
	[dreg:$0x2] =	wrdreg s4  }
0xaa: {  	[dreg:$0x3] =	wrdreg s6  }
0xab: {  	[dreg:$0x4] =	wrdreg $0xC0  }
0xac: {  	_ =	task [dreg:s8], $0x5FFFF  }
0xad: {  	[dreg:$0x1] =	wrdreg $0xFFFFFFFF  }
0xae: {  	[dreg:$0x0] =	wrdreg $0x60  }
0xaf: {  	[dreg:$0x2] =	wrdreg s18  }
0xb0: {  	[dreg:$0x3] =	wrdreg s2  }
0xb1: {  	[dreg:$0x4] =	wrdreg s24  }
0xb2: {  	[dreg:$0x5] =	wrdreg $0x9  }
0xb3: {  	_ =	task.clear_ibuf [dreg:s8], $0x6FFFF;
	_ =	strace $0x90000046  }
0xb4: {  	s29 =	simm.s32 $0x9;
	_ =	strace $0x80000048  }
0xb5: {  	_ =	swait.ge [sflag:s29], $0x1  }
0xb6: {  	[sflag:s29] =	ssyncadd.s32 $0xFFFFFFFF  }
0xb7: {  	_ =	strace $0x90000048  }
0xb8: {  	_ =	sfence  }
0xb9: {  	s30 =	sld [smem:$0x0];
	_ =	sdelay $0x2  }
0xba: {  	s31 =	sshll.u32 s1, $0xD;
	s1 =	sshrl.u32 s1, $0x2  }
0xbb: {  	s3 =	sand.u32 $0x4000, s31;
	s1 =	sadd.s32 s1, s30  }
0xbc: {  	s0 =	sor.u32 s3, s0;
	s1 =	sshll.u32 s1, $0x11  }
0xbd: {  	s0 =	sor.u32 s1, s0  }
0xbe: {  	s0 =	sadd.s32 $0x8F2B, s0  }
0xbf: {  	[sflag:s0] =	ssyncadd.remote.s32 $0x1  }
0xc0: {  	_ =	sfence.sel $0xFFFF  }
0xc1: {  	[dreg:$0x0] =	wrdreg $0xFFFFFFFF;
	(pc) =	sbr.abs _section_cstart, $3  }
0xc2: {  	[dreg:$0x1] =	wrdreg $0xFFFFFFFF  }
0xc3: {  	_ =	task.clear_ibuf [dreg:s8], $0x2FFFF;
	_ =	strace $0x9FFFFFFF  }
0xc4: {  	(tm) =	ssettm $0x7FFFFFFF  }
0xc5: {  	_ =	shalt  }
tec
execute0_lowered:
.L_overlay_start_1:
0x0: {  	(tag) =	ssettag $0x1  }
0x1: {  	s29 =	rddreg [dreg:$0x0]  }
0x2: {  	s2 =	rddreg [dreg:$0x1]  }
0x3: {  	s0 =	rddreg [dreg:$0x2];
	s4 =	simm.s32 $0x0;
	s1 =	srdreg.scid  }
0x4: {  	s3 =	stileid.u32;
	s17 =	simm.s32 $0x38;
	[smem:$0x7FF] =	sst s4  }
0x5: {  	s5 =	sadd.s32 $0x5400, s0;
	s1 =	sand.u32 $0x1, s1;
	s3 =	sshll.u32 s3, $0x1  }
0x6: {  	s6 =	sadd.s32 $0x1400, s0;
	s7 =	sadd.s32 $0x49400, s0;
	s3 =	sor.u32 s1, s3  }
0x7: {  	_ =	strace $0x80000047;
	[dreg:$0x4] =	wrdreg s7;
	s9 =	sshll.u32 s3, $0xE  }
0x8: {  	s1 =	ssub.s32 $0x2, s1;
	s8 =	sshll.u32 s3, $0xD;
	s24 =	sadd.s32 s29, s9  }
0x9: {  	s9 =	sshll.u32 s3, $0x7;
	[dreg:$0x5] =	wrdreg s24;
	s25 =	sadd.s32 $0x80, s24  }
0xa: {  	s23 =	sshrl.u32 s1, $0x1;
	s26 =	sor.u32 $0x2, s9;
	[dreg:$0x6] =	wrdreg s25  }
0xb: {  	s0 =	sadd.s32 s8, s0;
	s30 =	sor.u32 $0x3, s9;
	[dreg:$0x7] =	wrdreg s26  }
0xc: {  	s1 =	ssub.s32 s1, s23;
	s0 =	sadd.s32 $0x9400, s0;
	[dreg:$0x8] =	wrdreg s30  }
0xd: {  	s28 =	simm.s32 $0x3;
	s31 =	smax.u32 s1, $0x1;
	[dreg:$0x9] =	wrdreg s0  }
0xe: {  	s7 =	simm.s32 $0x0;
	s3 =	simm.s32 $0x4;
	[dreg:$0xa] =	wrdreg s31  }
.LBB2_1:
0xf: {  	[dreg:$0xb] =	wrdreg s7  }
0x10: {  	s0 =	rddreg [dreg:$0x5]  }
0x11: {  	[tilespmem:s4], [sflag:$0x1] =	stream.linear.gather [hbm4b:s0+s4], $0x280, $0x38;
	[tilespmem:$0x1B000] =	vst v63  }
0x12: {  	s18 =	rddreg [dreg:$0x6];
	s1 =	simm.s32 $0x400;
	s19 =	simm.s32 $0x1  }
0x13: {  	[tilespmem:s1], [sflag:$0x2] =	stream.linear.gather [hbm4b:s18+s4], $0x280, $0x38;
	[tilespmem:$0x1B000] =	vst v63  }
0x14: {  	_ =	swait.ge [sflag:s19], $0x280  }
0x15: {  	[sflag:s19] =	ssyncset.done $0x0  }
0x16: {  	s20 =	simm.s32 $0x800;
	[sflag:s19] =	ssyncadd.s32 $0xFFFFFD80  }
0x17: {  	[tilespmem:s20], [sflag:$0x3] =	stream.indirect.gather [hbm4b:s2+s17], $0x80, s4, s17, $0xb8;
	[tilespmem:$0x1B000] =	vst v63  }
0x18: {  	s21 =	simm.s32 $0x80;
	s22 =	simm.s32 $0x4000  }
0x19: {  	[tilespmem:s22], [sflag:$0x3] =	stream.indirect.gather [hbm4b:s2+s17], $0x80, s21, s17, $0xb8;
	[tilespmem:$0x1B000] =	vst v63  }
0x1a: {  	s23 =	simm.s32 $0x100;
	s24 =	simm.s32 $0x7800  }
0x1b: {  	[tilespmem:s24], [sflag:$0x3] =	stream.indirect.gather [hbm4b:s2+s17], $0x80, s23, s17, $0xb8;
	[tilespmem:$0x1B000] =	vst v63  }
0x1c: {  	s25 =	simm.s32 $0x180;
	s26 =	simm.s32 $0xB000  }
0x1d: {  	[tilespmem:s26], [sflag:$0x3] =	stream.indirect.gather [hbm4b:s5+s17], $0x80, s25, s17, $0xb8;
	[tilespmem:$0x1B000] =	vst v63  }
0x1e: {  	s30 =	simm.s32 $0x200;
	s31 =	simm.s32 $0xE800;
	s14 =	simm.s32 $0x0  }
0x1f: {  	[tilespmem:s31], [sflag:$0x3] =	stream.indirect.gather [hbm4b:s6+s17], $0x80, s30, s17, $0xb8;
	[tilespmem:$0x1B000] =	vst v63  }
.LBB2_2:
0x20: {  	_ =	swait.ge [sflag:s28], $0x1C00  }
0x21: {  	[sflag:s28] =	ssyncset.done $0x0  }
0x22: {  	[sflag:s28] =	ssyncadd.s32 $0xFFFFE400  }
0x23: {  	_ =	swait.ge [sflag:s28], $0x1C00  }
0x24: {  	[sflag:s28] =	ssyncset.done $0x0  }
0x25: {  	[sflag:s28] =	ssyncadd.s32 $0xFFFFE400  }
0x26: {  	_ =	swait.ge [sflag:s28], $0x1C00  }
0x27: {  	[sflag:s28] =	ssyncset.done $0x0  }
0x28: {  	[sflag:s28] =	ssyncadd.s32 $0xFFFFE400  }
0x29: {  	_ =	swait.ge [sflag:s28], $0x1C00  }
0x2a: {  	[sflag:s28] =	ssyncset.done $0x0  }
0x2b: {  	[sflag:s28] =	ssyncadd.s32 $0xFFFFE400  }
0x2c: {  	s8 =	sshll.u32 s14, $0x1;
	_ =	swait.ge [sflag:s28], $0x1C00  }
0x2d: {  	s0 =	smin.u32 s8, $0x7D;
	s1 =	rddreg [dreg:$0x7]  }
0x2e: {  	s0 =	sadd.s32 s0, s1  }
0x2f: {  	[sflag:s28] =	ssyncset.done $0x0;
	s0 =	sshll.u32 s0, $0x7  }
0x30: {  	s16 =	simm.s32 $0x2;
	[sflag:s28] =	ssyncadd.s32 $0xFFFFE400;
	s0 =	sadd.s32 s29, s0  }
0x31: {  	[tilespmem:s4], [sflag:$0x1] =	stream.linear.gather [hbm4b:s0+s4], $0x280, $0x38;
	[tilespmem:$0x1B000] =	vst v63  }
0x32: {  	_ =	swait.ge [sflag:s16], $0x280  }
0x33: {  	[sflag:s16] =	ssyncset.done $0x0  }
0x34: {  	s18 =	simm.s32 $0x400;
	s19 =	simm.s32 $0x2400;
	[sflag:s16] =	ssyncadd.s32 $0xFFFFFD80  }
0x35: {  	[tilespmem:s19], [sflag:$0x4] =	stream.indirect.gather [hbm4b:s2+s17], $0x80, s18, s17, $0xb8;
	[tilespmem:$0x1B000] =	vst v63  }
0x36: {  	s20 =	simm.s32 $0x480;
	s21 =	simm.s32 $0x5C00  }
0x37: {  	[tilespmem:s21], [sflag:$0x4] =	stream.indirect.gather [hbm4b:s2+s17], $0x80, s20, s17, $0xb8;
	[tilespmem:$0x1B000] =	vst v63  }
0x38: {  	s22 =	simm.s32 $0x500;
	s23 =	simm.s32 $0x9400  }
0x39: {  	[tilespmem:s23], [sflag:$0x4] =	stream.indirect.gather [hbm4b:s2+s17], $0x80, s22, s17, $0xb8;
	[tilespmem:$0x1B000] =	vst v63  }
0x3a: {  	s24 =	simm.s32 $0x580;
	s25 =	simm.s32 $0xCC00;
	p0 =	seq.s32 s14, $0x0  }
0x3b: {  	[tilespmem:s25], [sflag:$0x4] =	stream.indirect.gather [hbm4b:s5+s17], $0x80, s24, s17, $0xb8;
	[tilespmem:$0x1B000] =	vst v63  }
0x3c: {  	s26 =	simm.s32 $0x600;
	s31 =	simm.s32 $0x10400;
	s0 =	simm.s32 @!p0 $0x5  }
0x3d: {  	[tilespmem:s31], [sflag:$0x4] =	stream.indirect.gather [hbm4b:s6+s17], $0x80, s26, s17, $0xb8;
	[tilespmem:$0x1B000] =	vst v63  }
0x3e: {  	_ =	swait.ge @!p0 [sflag:s0], $0x3800  }
0x3f: {  	[sflag:s0] =	ssyncset.done @!p0 $0x0  }
0x40: {  	s30 =	simm.s32 $0x0;
	[sflag:s0] =	ssyncadd.s32 @!p0 $0xFFFFC800  }
.LBB2_3:
0x41: {  	s11 =	sshll.u32 s30, $0x7  }
0x42: {  	v0 =	vld [tilespmem:s11+$0x800]  }
0x43: {  	v1 =	vld [tilespmem:s11+$0x4000]  }
0x44: {  	v2 =	vld [tilespmem:s11+$0x840]  }
0x45: {  	v3 =	vld [tilespmem:s11+$0x4040]  }
0x46: {  	v4 =	vld [tilespmem:s11+$0x7800]  }
0x47: {  	v5 =	vld [tilespmem:s11+$0x7840]  }
0x48: {  	v6 =	vld [tilespmem:s11+$0xE840];
	_ =	sdelay $0x1  }
0x49: {  	v0 =	vadd.f32 v1, v0;
	v36 =	vadd.f32 v3, v2;
	_ =	sdelay $0x1  }
0x4a: {  	v0 =	vadd.f32 v4, v0;
	v1 =	vadd.f32 v5, v36  }
0x4b: {  	v37 =	vshll.u32 v6, $0x10;
	v38 =	vand.u32 $0xFFFF0000, v6  }
0x4c: {  	s0 =	sshll.u32 s30, $0x8;
	v4 =	vmul.f32 v37, v0;
	v5 =	vmul.f32 v38, v1  }
0x4d: {  	s0 =	sand.u32 $0x3800, s0;
	v1 =	vmul.f32 v37, v1;
	v0 =	vmul.f32 v38, v0  }
0x4e: {  	s22 =	sand.u32 $0x300, s11;
	s0 =	sadd.s32 $0x12000, s0;
	v39 =	vsub.f32 v4, v5  }
0x4f: {  	s31 =	sor.u32 s22, s0;
	v0 =	vadd.f32 v0, v1  }
0x50: {  	[tilespmem:s31+$0x0] =	vst v39  }
0x51: {  	[tilespmem:s31+$0x40] =	vst v0  }
0x52: {  	v0 =	vld [tilespmem:s11+$0xE800]  }
0x53: {  	v40 =	vld [tilespmem:s11+$0xB000];
	_ =	sdelay $0x4  }
0x54: {  	v0 =	vadd.f32 v40, v0;
	_ =	sdelay $0x1  }
0x55: {  	[tilespmem:s31+$0x400] =	vst v0  }
0x56: {  	v0 =	vld [tilespmem:s11+$0x810]  }
0x57: {  	v41 =	vld [tilespmem:s11+$0x4010]  }
0x58: {  	v2 =	vld [tilespmem:s11+$0x850]  }
0x59: {  	v42 =	vld [tilespmem:s11+$0x4050]  }
0x5a: {  	v43 =	vld [tilespmem:s11+$0x7810]  }
0x5b: {  	v44 =	vld [tilespmem:s11+$0x7850]  }
0x5c: {  	v45 =	vld [tilespmem:s11+$0xE850];
	_ =	sdelay $0x1  }
0x5d: {  	v0 =	vadd.f32 v41, v0;
	v46 =	vadd.f32 v42, v2;
	_ =	sdelay $0x1  }
0x5e: {  	v0 =	vadd.f32 v43, v0;
	v1 =	vadd.f32 v44, v46  }
0x5f: {  	v47 =	vshll.u32 v45, $0x10;
	v48 =	vand.u32 $0xFFFF0000, v45  }
0x60: {  	v4 =	vmul.f32 v47, v0;
	v5 =	vmul.f32 v48, v1  }
0x61: {  	v1 =	vmul.f32 v47, v1;
	v0 =	vmul.f32 v48, v0  }
0x62: {  	v49 =	vsub.f32 v4, v5  }
0x63: {  	v51 =	vld [tilespmem:s11+$0x880];
	v0 =	vadd.f32 v0, v1  }
0x64: {  	v52 =	vld [tilespmem:s11+$0x4080];
	[tilespmem:s31+$0x10] =	vst v49  }
0x65: {  	v53 =	vld [tilespmem:s11+$0x8C0];
	[tilespmem:s31+$0x50] =	vst v0  }
0x66: {  	v0 =	vld [tilespmem:s11+$0xE810]  }
0x67: {  	v50 =	vld [tilespmem:s11+$0xB010]  }
0x68: {  	v54 =	vld [tilespmem:s11+$0x40C0]  }
0x69: {  	v55 =	vld [tilespmem:s11+$0x7880]  }
0x6a: {  	v56 =	vld [tilespmem:s11+$0x78C0]  }
0x6b: {  	v57 =	vld [tilespmem:s11+$0xE8C0]  }
0x6c: {  	v0 =	vadd.f32 v50, v0  }
0x6d: {  	v58 =	vadd.f32 v54, v53;
	v2 =	vadd.f32 v52, v51  }
0x6e: {  	[tilespmem:s31+$0x410] =	vst v0  }
0x6f: {  	v61 =	vadd.f32 v56, v58;
	v1 =	vadd.f32 v55, v2;
	v7 =	vld [tilespmem:s11+$0x820]  }
0x70: {  	v63 =	vshll.u32 v57, $0x10;
	v0 =	vand.u32 $0xFFFF0000, v57;
	v8 =	vld [tilespmem:s11+$0x4020]  }
0x71: {  	v10 =	vmul.f32 v63, v1;
	v59 =	vld [tilespmem:s11+$0x860];
	v11 =	vmul.f32 v0, v61  }
0x72: {  	s1 =	sor.u32 $0x80, s11;
	v2 =	vmul.f32 v63, v61;
	v60 =	vld [tilespmem:s11+$0x4060];
	v0 =	vmul.f32 v0, v1  }
0x73: {  	s1 =	sand.u32 $0x380, s1;
	v62 =	vld [tilespmem:s11+$0x7820];
	v16 =	vsub.f32 v10, v11  }
0x74: {  	s0 =	sor.u32 s1, s0;
	v9 =	vld [tilespmem:s11+$0x7860];
	v0 =	vadd.f32 v0, v2  }
0x75: {  	v12 =	vld [tilespmem:s11+$0xE860];
	[tilespmem:s0+$0x0] =	vst v16  }
0x76: {  	[tilespmem:s0+$0x40] =	vst v0  }
0x77: {  	v15 =	vadd.f32 v8, v7;
	v20 =	vld [tilespmem:s11+$0xE880]  }
0x78: {  	v4 =	vadd.f32 v60, v59;
	v23 =	vld [tilespmem:s11+$0xB080]  }
0x79: {  	v1 =	vadd.f32 v62, v15  }
0x7a: {  	s10 =	sadd.s32 $0x2, s30;
	v18 =	vshll.u32 v12, $0x10;
	v17 =	vadd.f32 v9, v4  }
0x7b: {  	s16 =	sshll.u32 s10, $0x7;
	v19 =	vand.u32 $0xFFFF0000, v12;
	v21 =	vmul.f32 v18, v1  }
0x7c: {  	v33 =	vld [tilespmem:s16+$0x800];
	v0 =	vmul.f32 v18, v17;
	v1 =	vmul.f32 v19, v1  }
0x7d: {  	v35 =	vld [tilespmem:s16+$0x4000];
	v25 =	vadd.f32 v23, v20  }
0x7e: {  	v13 =	vld [tilespmem:s16+$0x7840];
	v0 =	vadd.f32 v1, v0  }
0x7f: {  	v36 =	vld [tilespmem:s16+$0x840];
	[tilespmem:s0+$0x400] =	vst v25  }
0x80: {  	[tilespmem:s31+$0x60] =	vst v0;
	v0 =	vld [tilespmem:s11+$0x890]  }
0x81: {  	v27 =	vld [tilespmem:s11+$0x4090]  }
0x82: {  	v22 =	vmul.f32 v19, v17;
	v28 =	vld [tilespmem:s11+$0x8D0]  }
0x83: {  	v29 =	vld [tilespmem:s11+$0x40D0]  }
0x84: {  	v24 =	vsub.f32 v21, v22;
	v30 =	vld [tilespmem:s11+$0x7890]  }
0x85: {  	v31 =	vld [tilespmem:s11+$0x78D0]  }
0x86: {  	[tilespmem:s31+$0x20] =	vst v24;
	v32 =	vld [tilespmem:s11+$0xE8D0]  }
0x87: {  	v26 =	vld [tilespmem:s11+$0xE820]  }
0x88: {  	v2 =	vld [tilespmem:s11+$0xB020];
	v0 =	vadd.f32 v27, v0;
	v34 =	vadd.f32 v29, v28  }
0x89: {  	v37 =	vld [tilespmem:s16+$0x4040]  }
0x8a: {  	s20 =	sadd.s32 $0x3, s30;
	v39 =	vld [tilespmem:s16+$0x7800];
	v0 =	vadd.f32 v30, v0;
	v3 =	vadd.f32 v31, v34  }
0x8b: {  	s18 =	sshll.u32 s20, $0x7;
	v42 =	vld [tilespmem:s16+$0xE840];
	v38 =	vshll.u32 v32, $0x10;
	v8 =	vand.u32 $0xFFFF0000, v32  }
0x8c: {  	v4 =	vadd.f32 v35, v33;
	v33 =	vld [tilespmem:s18+$0x4040];
	v40 =	vmul.f32 v38, v0;
	v41 =	vmul.f32 v8, v3  }
0x8d: {  	v19 =	vld [tilespmem:s18+$0x4000];
	v1 =	vadd.f32 v2, v26;
	v3 =	vmul.f32 v38, v3;
	v0 =	vmul.f32 v8, v0  }
0x8e: {  	v20 =	vld [tilespmem:s18+$0x7800];
	v11 =	vsub.f32 v40, v41  }
0x8f: {  	v5 =	vadd.f32 v37, v36;
	v28 =	vld [tilespmem:s18+$0x800];
	[tilespmem:s31+$0x420] =	vst v1;
	v0 =	vadd.f32 v0, v3  }
0x90: {  	v1 =	vld [tilespmem:s11+$0x830];
	[tilespmem:s0+$0x10] =	vst v11  }
0x91: {  	v44 =	vadd.f32 v13, v5;
	v43 =	vadd.f32 v39, v4;
	v45 =	vld [tilespmem:s11+$0x4030];
	[tilespmem:s0+$0x50] =	vst v0  }
0x92: {  	v46 =	vshll.u32 v42, $0x10;
	v2 =	vand.u32 $0xFFFF0000, v42;
	v47 =	vld [tilespmem:s11+$0xE890]  }
0x93: {  	v48 =	vmul.f32 v46, v43;
	v49 =	vmul.f32 v2, v44;
	v50 =	vld [tilespmem:s11+$0xB090]  }
0x94: {  	s10 =	sshll.u32 s10, $0x8;
	v2 =	vmul.f32 v2, v43;
	v51 =	vld [tilespmem:s11+$0x7830];
	v0 =	vmul.f32 v46, v44  }
0x95: {  	s10 =	sand.u32 $0x7800, s10;
	s12 =	sand.u32 $0x300, s16;
	v52 =	vsub.f32 v48, v49;
	v53 =	vld [tilespmem:s11+$0x870]  }
0x96: {  	s12 =	sor.u32 s12, s10;
	v54 =	vld [tilespmem:s11+$0x4070];
	v0 =	vadd.f32 v2, v0  }
0x97: {  	s10 =	sadd.s32 $0x12000, s12;
	v55 =	vld [tilespmem:s11+$0x7870];
	[tilespmem:s12+$0x12000] =	vst v52  }
0x98: {  	v59 =	vld [tilespmem:s11+$0xE870];
	[tilespmem:s10+$0x40] =	vst v0;
	v56 =	vadd.f32 v50, v47  }
0x99: {  	v57 =	vld [tilespmem:s16+$0xE800]  }
0x9a: {  	v58 =	vld [tilespmem:s16+$0xB000];
	[tilespmem:s0+$0x410] =	vst v56  }
0x9b: {  	v0 =	vld [tilespmem:s11+$0x8A0]  }
0x9c: {  	v60 =	vld [tilespmem:s11+$0x40A0]  }
0x9d: {  	v11 =	vld [tilespmem:s11+$0x78A0]  }
0x9e: {  	v61 =	vld [tilespmem:s11+$0x8E0]  }
0x9f: {  	v62 =	vld [tilespmem:s11+$0x40E0];
	v6 =	vadd.f32 v58, v57  }
0xa0: {  	v63 =	vld [tilespmem:s11+$0x78E0]  }
0xa1: {  	v26 =	vld [tilespmem:s11+$0xE8E0];
	[tilespmem:s10+$0x400] =	vst v6  }
0xa2: {  	v1 =	vadd.f32 v45, v1;
	v6 =	vld [tilespmem:s16+$0x810]  }
0xa3: {  	v2 =	vadd.f32 v54, v53;
	v14 =	vld [tilespmem:s16+$0x4010]  }
0xa4: {  	v1 =	vadd.f32 v51, v1;
	v15 =	vld [tilespmem:s16+$0x850]  }
0xa5: {  	v25 =	vshll.u32 v59, $0x10;
	v9 =	vand.u32 $0xFFFF0000, v59;
	v2 =	vadd.f32 v55, v2;
	v16 =	vld [tilespmem:s16+$0x4050]  }
0xa6: {  	v29 =	vmul.f32 v25, v1;
	v1 =	vmul.f32 v9, v1;
	v24 =	vld [tilespmem:s16+$0xE850]  }
0xa7: {  	v40 =	vadd.f32 v19, v28;
	v18 =	vmul.f32 v9, v2;
	v2 =	vmul.f32 v25, v2;
	v17 =	vld [tilespmem:s16+$0x7810]  }
0xa8: {  	v23 =	vld [tilespmem:s16+$0x7850];
	v0 =	vadd.f32 v60, v0;
	v8 =	vadd.f32 v62, v61  }
0xa9: {  	v31 =	vld [tilespmem:s18+$0x840];
	v43 =	vadd.f32 v20, v40;
	v1 =	vadd.f32 v1, v2;
	v38 =	vshll.u32 v26, $0x10  }
0xaa: {  	v4 =	vand.u32 $0xFFFF0000, v26;
	v0 =	vadd.f32 v11, v0;
	v8 =	vadd.f32 v63, v8  }
0xab: {  	v6 =	vadd.f32 v14, v6;
	v27 =	vadd.f32 v16, v15;
	v32 =	vshll.u32 v24, $0x10  }
0xac: {  	s21 =	sadd.s32 $0x4, s30;
	v36 =	vld [tilespmem:s18+$0x7840];
	v7 =	vand.u32 $0xFFFF0000, v24;
	v16 =	vsub.f32 v29, v18;
	v41 =	vmul.f32 v38, v0  }
0xad: {  	v37 =	vld [tilespmem:s18+$0xE840];
	s12 =	sshll.u32 s20, $0x8;
	s20 =	sshll.u32 s21, $0x7;
	v42 =	vmul.f32 v4, v8;
	v30 =	vadd.f32 v17, v6;
	v5 =	vadd.f32 v23, v27  }
0xae: {  	v28 =	vld [tilespmem:s20+$0x4000];
	v8 =	vmul.f32 v38, v8;
	v0 =	vmul.f32 v4, v0;
	v6 =	vadd.f32 v33, v31  }
0xaf: {  	v26 =	vld [tilespmem:s20+$0x800];
	v2 =	vsub.f32 v41, v42;
	v34 =	vmul.f32 v32, v30;
	v35 =	vmul.f32 v7, v5  }
0xb0: {  	v29 =	vld [tilespmem:s20+$0x840];
	v51 =	vadd.f32 v0, v8;
	v5 =	vmul.f32 v32, v5;
	v3 =	vmul.f32 v7, v30  }
0xb1: {  	v38 =	vld [tilespmem:s20+$0xE840];
	v44 =	vadd.f32 v36, v6;
	[tilespmem:s0+$0x20] =	vst v2;
	v39 =	vsub.f32 v34, v35  }
0xb2: {  	v46 =	vshll.u32 v37, $0x10;
	v47 =	vand.u32 $0xFFFF0000, v37;
	v33 =	vld [tilespmem:s20+$0x7800];
	[tilespmem:s0+$0x60] =	vst v51;
	v3 =	vadd.f32 v3, v5  }
0xb3: {  	v49 =	vmul.f32 v46, v43;
	v54 =	vld [tilespmem:s11+$0xE8A0];
	v50 =	vmul.f32 v47, v44;
	[tilespmem:s10+$0x10] =	vst v39  }
0xb4: {  	v55 =	vld [tilespmem:s11+$0xB0A0];
	v5 =	vmul.f32 v46, v44;
	[tilespmem:s10+$0x50] =	vst v3;
	v3 =	vmul.f32 v47, v43  }
0xb5: {  	s13 =	sand.u32 $0x380, s18;
	s12 =	sand.u32 $0x7800, s12;
	[tilespmem:s31+$0x70] =	vst v1;
	v52 =	vsub.f32 v49, v50;
	v45 =	vld [tilespmem:s16+$0xE810]  }
0xb6: {  	s12 =	sor.u32 s13, s12;
	[tilespmem:s31+$0x30] =	vst v16;
	v48 =	vld [tilespmem:s16+$0xB010];
	v53 =	vadd.f32 v3, v5  }
0xb7: {  	s19 =	sadd.s32 $0x12000, s12;
	v0 =	vld [tilespmem:s11+$0xE830];
	[tilespmem:s12+$0x12000] =	vst v52  }
0xb8: {  	v30 =	vld [tilespmem:s20+$0x4040];
	[tilespmem:s19+$0x40] =	vst v53  }
0xb9: {  	v1 =	vld [tilespmem:s18+$0xE800]  }
0xba: {  	v2 =	vadd.f32 v55, v54;
	v56 =	vld [tilespmem:s18+$0xB000]  }
0xbb: {  	v36 =	vld [tilespmem:s20+$0x7840];
	v4 =	vadd.f32 v48, v45  }
0xbc: {  	v3 =	vld [tilespmem:s11+$0xB030];
	[tilespmem:s0+$0x420] =	vst v2  }
0xbd: {  	v40 =	vld [tilespmem:s11+$0x8B0];
	[tilespmem:s10+$0x410] =	vst v4  }
0xbe: {  	v57 =	vld [tilespmem:s16+$0x820]  }
0xbf: {  	v58 =	vld [tilespmem:s16+$0x4020];
	v1 =	vadd.f32 v56, v1  }
0xc0: {  	v60 =	vld [tilespmem:s16+$0x860]  }
0xc1: {  	v61 =	vld [tilespmem:s16+$0x4060];
	[tilespmem:s19+$0x400] =	vst v1  }
0xc2: {  	v1 =	vld [tilespmem:s18+$0x810]  }
0xc3: {  	v20 =	vld [tilespmem:s18+$0x4010]  }
0xc4: {  	v21 =	vld [tilespmem:s18+$0x850]  }
0xc5: {  	v22 =	vld [tilespmem:s18+$0x4050]  }
0xc6: {  	v23 =	vld [tilespmem:s18+$0x7810]  }
0xc7: {  	v24 =	vld [tilespmem:s18+$0x7850]  }
0xc8: {  	v25 =	vld [tilespmem:s18+$0xE850]  }
0xc9: {  	v12 =	vadd.f32 v28, v26;
	v6 =	vadd.f32 v30, v29;
	v59 =	vld [tilespmem:s16+$0x7820]  }
0xca: {  	v62 =	vld [tilespmem:s16+$0x7860];
	v1 =	vadd.f32 v20, v1;
	v27 =	vadd.f32 v22, v21  }
0xcb: {  	v6 =	vadd.f32 v36, v6;
	v63 =	vld [tilespmem:s16+$0xE860];
	v5 =	vadd.f32 v58, v57  }
0xcc: {  	v41 =	vld [tilespmem:s11+$0x40B0];
	v1 =	vadd.f32 v23, v1;
	v11 =	vadd.f32 v24, v27  }
0xcd: {  	v44 =	vld [tilespmem:s11+$0x78B0];
	v8 =	vadd.f32 v61, v60;
	v31 =	vshll.u32 v25, $0x10;
	v32 =	vand.u32 $0xFFFF0000, v25  }
0xce: {  	s12 =	sshll.u32 s21, $0x8;
	v46 =	vld [tilespmem:s11+$0x8F0];
	v5 =	vadd.f32 v59, v5;
	v34 =	vmul.f32 v31, v1;
	v35 =	vmul.f32 v32, v11  }
0xcf: {  	s24 =	sadd.s32 $0x5, s30;
	s23 =	sand.u32 $0x300, s20;
	s12 =	sand.u32 $0x7800, s12;
	v53 =	vld [tilespmem:s11+$0x40F0];
	v4 =	vadd.f32 v62, v8;
	v9 =	vmul.f32 v31, v11;
	v1 =	vmul.f32 v32, v1  }
0xd0: {  	s12 =	sor.u32 s23, s12;
	s23 =	sshll.u32 s24, $0x7;
	v55 =	vld [tilespmem:s11+$0x78F0];
	v37 =	vshll.u32 v63, $0x10;
	v10 =	vand.u32 $0xFFFF0000, v63;
	v39 =	vsub.f32 v34, v35  }
0xd1: {  	v36 =	vld [tilespmem:s23+$0x840];
	v42 =	vmul.f32 v37, v5;
	v43 =	vmul.f32 v10, v4;
	v1 =	vadd.f32 v1, v9  }
0xd2: {  	v45 =	vadd.f32 v33, v12;
	v33 =	vld [tilespmem:s23+$0x800];
	v4 =	vmul.f32 v37, v4;
	v5 =	vmul.f32 v10, v5;
	[tilespmem:s19+$0x10] =	vst v39  }
0xd3: {  	v56 =	vld [tilespmem:s11+$0xE8F0];
	v48 =	vsub.f32 v42, v43;
	[tilespmem:s19+$0x50] =	vst v1  }
0xd4: {  	v47 =	vshll.u32 v38, $0x10;
	v8 =	vand.u32 $0xFFFF0000, v38;
	v4 =	vadd.f32 v5, v4;
	v49 =	vld [tilespmem:s18+$0xE810]  }
0xd5: {  	v50 =	vmul.f32 v47, v45;
	v51 =	vmul.f32 v8, v6;
	[tilespmem:s10+$0x20] =	vst v48;
	v52 =	vld [tilespmem:s18+$0xB010]  }
0xd6: {  	v2 =	vmul.f32 v8, v45;
	v42 =	vld [tilespmem:s23+$0x7800];
	[tilespmem:s10+$0x60] =	vst v4;
	v1 =	vmul.f32 v47, v6  }
0xd7: {  	v54 =	vsub.f32 v50, v51;
	v4 =	vld [tilespmem:s16+$0xE820]  }
0xd8: {  	v59 =	vld [tilespmem:s16+$0xB020];
	v1 =	vadd.f32 v2, v1  }
0xd9: {  	s21 =	sadd.s32 $0x12000, s12;
	[tilespmem:s12+$0x12000] =	vst v54;
	v35 =	vld [tilespmem:s23+$0x4000]  }
0xda: {  	v39 =	vld [tilespmem:s23+$0x4040];
	[tilespmem:s21+$0x40] =	vst v1;
	v57 =	vadd.f32 v52, v49  }
0xdb: {  	v58 =	vld [tilespmem:s20+$0xE800]  }
0xdc: {  	v8 =	vld [tilespmem:s20+$0xB000];
	[tilespmem:s19+$0x410] =	vst v57  }
0xdd: {  	v1 =	vld [tilespmem:s18+$0x820]  }
0xde: {  	v60 =	vld [tilespmem:s18+$0x4020]  }
0xdf: {  	v61 =	vld [tilespmem:s18+$0x7820]  }
0xe0: {  	v62 =	vld [tilespmem:s18+$0x860]  }
0xe1: {  	v63 =	vld [tilespmem:s18+$0x4060];
	v5 =	vadd.f32 v8, v58  }
0xe2: {  	v11 =	vadd.f32 v41, v40;
	v6 =	vadd.f32 v53, v46;
	v24 =	vld [tilespmem:s18+$0x7860]  }
0xe3: {  	v32 =	vld [tilespmem:s18+$0xE860];
	[tilespmem:s21+$0x400] =	vst v5  }
0xe4: {  	v9 =	vadd.f32 v44, v11;
	v6 =	vadd.f32 v55, v6;
	v5 =	vld [tilespmem:s20+$0x810]  }
0xe5: {  	v29 =	vshll.u32 v56, $0x10;
	v2 =	vand.u32 $0xFFFF0000, v56;
	v25 =	vld [tilespmem:s20+$0x4010]  }
0xe6: {  	v31 =	vmul.f32 v29, v9;
	v4 =	vadd.f32 v59, v4;
	v21 =	vmul.f32 v2, v6;
	v26 =	vld [tilespmem:s20+$0x850]  }
0xe7: {  	v6 =	vmul.f32 v29, v6;
	v2 =	vmul.f32 v2, v9;
	v48 =	vadd.f32 v39, v36;
	v27 =	vld [tilespmem:s20+$0x4050]  }
0xe8: {  	v34 =	vsub.f32 v31, v21;
	v28 =	vld [tilespmem:s20+$0x7810];
	v1 =	vadd.f32 v60, v1  }
0xe9: {  	v2 =	vadd.f32 v2, v6;
	v30 =	vld [tilespmem:s20+$0x7850];
	v8 =	vadd.f32 v63, v62  }
0xea: {  	v6 =	vadd.f32 v35, v33;
	v22 =	vld [tilespmem:s20+$0xE850];
	v44 =	vadd.f32 v61, v1  }
0xeb: {  	v45 =	vld [tilespmem:s23+$0xE840];
	v46 =	vshll.u32 v32, $0x10;
	v47 =	vand.u32 $0xFFFF0000, v32;
	v8 =	vadd.f32 v24, v8  }
0xec: {  	v43 =	vld [tilespmem:s23+$0x7840];
	[tilespmem:s10+$0x420] =	vst v4;
	v5 =	vadd.f32 v25, v5;
	v7 =	vadd.f32 v27, v26;
	v49 =	vmul.f32 v46, v44  }
0xed: {  	v9 =	vld [tilespmem:s16+$0x830];
	v51 =	vadd.f32 v42, v6;
	v50 =	vmul.f32 v47, v8;
	v8 =	vmul.f32 v46, v8  }
0xee: {  	v17 =	vld [tilespmem:s16+$0x7830];
	v4 =	vmul.f32 v47, v44;
	v5 =	vadd.f32 v28, v5;
	v7 =	vadd.f32 v30, v7  }
0xef: {  	v59 =	vld [tilespmem:s16+$0x870];
	[tilespmem:s0+$0x30] =	vst v34;
	v37 =	vshll.u32 v22, $0x10;
	v38 =	vand.u32 $0xFFFF0000, v22;
	v10 =	vsub.f32 v49, v50  }
0xf0: {  	[tilespmem:s0+$0x70] =	vst v2;
	v42 =	vld [tilespmem:s16+$0xE870];
	v4 =	vadd.f32 v4, v8;
	v40 =	vmul.f32 v37, v5;
	v41 =	vmul.f32 v38, v7  }
0xf1: {  	v2 =	vld [tilespmem:s11+$0xB0B0];
	v7 =	vmul.f32 v37, v7;
	v5 =	vmul.f32 v38, v5;
	[tilespmem:s19+$0x20] =	vst v10  }
0xf2: {  	v52 =	vadd.f32 v43, v48;
	v1 =	vld [tilespmem:s11+$0xE8B0];
	[tilespmem:s19+$0x60] =	vst v4  }
0xf3: {  	v54 =	vshll.u32 v45, $0x10;
	v55 =	vand.u32 $0xFFFF0000, v45;
	v63 =	vld [tilespmem:s18+$0xE820];
	v5 =	vadd.f32 v5, v7  }
0xf4: {  	v57 =	vmul.f32 v54, v51;
	v58 =	vmul.f32 v55, v52;
	v24 =	vld [tilespmem:s18+$0xB020]  }
0xf5: {  	s25 =	sshll.u32 s24, $0x8;
	v6 =	vmul.f32 v54, v52;
	v61 =	vld [tilespmem:s16+$0x4070];
	v16 =	vsub.f32 v40, v41;
	[tilespmem:s21+$0x50] =	vst v5;
	v5 =	vmul.f32 v55, v51  }
0xf6: {  	s26 =	sand.u32 $0x380, s23;
	v60 =	vsub.f32 v57, v58;
	s11 =	sand.u32 $0x7800, s25;
	v40 =	vld [tilespmem:s16+$0x7870]  }
0xf7: {  	s11 =	sor.u32 s26, s11;
	[tilespmem:s21+$0x10] =	vst v16;
	v16 =	vld [tilespmem:s16+$0x4030];
	v62 =	vadd.f32 v5, v6  }
0xf8: {  	s24 =	sadd.s32 $0x12000, s11;
	[tilespmem:s11+$0x12000] =	vst v60;
	v53 =	vld [tilespmem:s20+$0xE810]  }
0xf9: {  	v56 =	vld [tilespmem:s20+$0xB010];
	v5 =	vadd.f32 v24, v63;
	[tilespmem:s24+$0x40] =	vst v62  }
0xfa: {  	v4 =	vld [tilespmem:s23+$0xE800]  }
0xfb: {  	[tilespmem:s19+$0x420] =	vst v5;
	v25 =	vld [tilespmem:s23+$0xB000]  }
0xfc: {  	v45 =	vld [tilespmem:s18+$0x830]  }
0xfd: {  	v23 =	vld [tilespmem:s18+$0x4030]  }
0xfe: {  	v49 =	vld [tilespmem:s18+$0x7830]  }
0xff: {  	v51 =	vld [tilespmem:s18+$0x870];
	v7 =	vadd.f32 v56, v53  }
0x100: {  	v24 =	vld [tilespmem:s18+$0x4070]  }
0x101: {  	v57 =	vld [tilespmem:s18+$0xE870];
	[tilespmem:s21+$0x410] =	vst v7  }
0x102: {  	v26 =	vld [tilespmem:s20+$0x820]  }
0x103: {  	v27 =	vld [tilespmem:s20+$0x4020]  }
0x104: {  	v28 =	vld [tilespmem:s20+$0x7820]  }
0x105: {  	v29 =	vld [tilespmem:s20+$0x860]  }
0x106: {  	v30 =	vld [tilespmem:s20+$0x4060];
	v4 =	vadd.f32 v25, v4  }
0x107: {  	v31 =	vld [tilespmem:s20+$0x7860]  }
0x108: {  	v32 =	vld [tilespmem:s20+$0xE860];
	[tilespmem:s24+$0x400] =	vst v4  }
0x109: {  	v4 =	vld [tilespmem:s23+$0x810]  }
0x10a: {  	v59 =	vadd.f32 v61, v59;
	v58 =	vadd.f32 v16, v9;
	v33 =	vld [tilespmem:s23+$0x4010]  }
0x10b: {  	v34 =	vld [tilespmem:s23+$0x850]  }
0x10c: {  	v21 =	vshll.u32 v42, $0x10;
	v63 =	vadd.f32 v40, v59;
	v62 =	vadd.f32 v17, v58;
	v35 =	vld [tilespmem:s23+$0x4050]  }
0x10d: {  	v22 =	vand.u32 $0xFFFF0000, v42;
	v23 =	vadd.f32 v23, v45;
	v25 =	vadd.f32 v24, v51;
	v36 =	vld [tilespmem:s23+$0x7810]  }
0x10e: {  	v17 =	vmul.f32 v21, v62;
	v38 =	vld [tilespmem:s23+$0x7850];
	v10 =	vadd.f32 v27, v26;
	v37 =	vadd.f32 v30, v29  }
0x10f: {  	s7 =	sadd.s32 $0x6, s30;
	v11 =	vand.u32 $0xFFFF0000, v57;
	v39 =	vld [tilespmem:s23+$0xE850];
	v41 =	vshll.u32 v32, $0x10;
	v43 =	vand.u32 $0xFFFF0000, v32  }
0x110: {  	s25 =	sshll.u32 s7, $0x7;
	v55 =	vld [tilespmem:s18+$0x7870];
	v27 =	vmul.f32 v22, v63;
	v10 =	vadd.f32 v28, v10;
	v7 =	vadd.f32 v31, v37  }
0x111: {  	v29 =	vadd.f32 v49, v23;
	v30 =	vld [tilespmem:s25+$0x4000];
	v31 =	vshll.u32 v57, $0x10;
	v4 =	vadd.f32 v33, v4  }
0x112: {  	v32 =	vld [tilespmem:s25+$0x840];
	v44 =	vadd.f32 v35, v34;
	v46 =	vmul.f32 v41, v10;
	v47 =	vmul.f32 v43, v7  }
0x113: {  	v28 =	vld [tilespmem:s25+$0x800];
	v7 =	vmul.f32 v41, v7;
	v5 =	vmul.f32 v43, v10;
	v4 =	vadd.f32 v36, v4  }
0x114: {  	v50 =	vshll.u32 v39, $0x10;
	v48 =	vadd.f32 v38, v44;
	v20 =	vsub.f32 v46, v47;
	v36 =	vld [tilespmem:s25+$0x4040]  }
0x115: {  	v6 =	vand.u32 $0xFFFF0000, v39;
	v34 =	vmul.f32 v31, v29;
	v39 =	vld [tilespmem:s25+$0x7800];
	v5 =	vadd.f32 v5, v7  }
0x116: {  	v33 =	vsub.f32 v17, v27;
	v41 =	vld [tilespmem:s25+$0x7840];
	v52 =	vmul.f32 v50, v4;
	v53 =	vmul.f32 v6, v48;
	[tilespmem:s21+$0x20] =	vst v20  }
0x117: {  	v42 =	vld [tilespmem:s25+$0xE840];
	v54 =	vmul.f32 v50, v48;
	v4 =	vmul.f32 v6, v4;
	[tilespmem:s21+$0x60] =	vst v5;
	v6 =	vadd.f32 v55, v25  }
0x118: {  	v38 =	vmul.f32 v11, v29;
	v45 =	vadd.f32 v30, v28;
	v5 =	vmul.f32 v21, v63;
	v60 =	vld [tilespmem:s20+$0xE820]  }
0x119: {  	v61 =	vld [tilespmem:s20+$0xB020];
	v4 =	vadd.f32 v4, v54;
	v35 =	vmul.f32 v11, v6;
	v46 =	vadd.f32 v36, v32  }
0x11a: {  	[tilespmem:s10+$0x30] =	vst v33;
	v47 =	vadd.f32 v39, v45;
	v56 =	vsub.f32 v52, v53;
	v37 =	vmul.f32 v31, v6  }
0x11b: {  	[tilespmem:s24+$0x50] =	vst v4;
	v4 =	vmul.f32 v22, v62;
	v40 =	vsub.f32 v34, v35;
	v48 =	vadd.f32 v41, v46  }
0x11c: {  	v51 =	vand.u32 $0xFFFF0000, v42;
	v50 =	vshll.u32 v42, $0x10;
	[tilespmem:s24+$0x10] =	vst v56;
	v6 =	vadd.f32 v38, v37  }
0x11d: {  	v53 =	vmul.f32 v50, v47;
	v10 =	vld [tilespmem:s23+$0xE810];
	v4 =	vadd.f32 v4, v5;
	[tilespmem:s19+$0x30] =	vst v40;
	v15 =	vmul.f32 v51, v48  }
0x11e: {  	s11 =	sshll.u32 s7, $0x8;
	v8 =	vmul.f32 v51, v47;
	v26 =	vld [tilespmem:s23+$0xB010];
	v43 =	vadd.f32 v61, v60;
	[tilespmem:s19+$0x70] =	vst v6;
	v9 =	vmul.f32 v50, v48  }
0x11f: {  	s12 =	sand.u32 $0x300, s25;
	s1 =	sand.u32 $0x7800, s11;
	v6 =	vld [tilespmem:s18+$0xE830];
	[tilespmem:s10+$0x70] =	vst v4;
	v56 =	vsub.f32 v53, v15  }
0x120: {  	s1 =	sor.u32 s12, s1;
	[tilespmem:s21+$0x420] =	vst v43;
	v4 =	vld [tilespmem:s16+$0xE830];
	v8 =	vadd.f32 v8, v9  }
0x121: {  	s26 =	sadd.s32 $0x12000, s1;
	v5 =	vld [tilespmem:s16+$0xB030];
	[tilespmem:s1+$0x12000] =	vst v56  }
0x122: {  	v7 =	vld [tilespmem:s20+$0x830];
	[tilespmem:s26+$0x40] =	vst v8  }
0x123: {  	s13 =	sadd.s32 $0x7, s30;
	v8 =	vld [tilespmem:s25+$0xE800]  }
0x124: {  	s1 =	sshll.u32 s13, $0x7;
	v60 =	vld [tilespmem:s25+$0xB000]  }
0x125: {  	v61 =	vld [tilespmem:s1+$0x800]  }
0x126: {  	v62 =	vld [tilespmem:s1+$0x4000]  }
0x127: {  	v63 =	vld [tilespmem:s1+$0x840]  }
0x128: {  	v44 =	vadd.f32 v26, v10;
	v24 =	vld [tilespmem:s1+$0x4040]  }
0x129: {  	v25 =	vld [tilespmem:s1+$0x7800]  }
0x12a: {  	[tilespmem:s24+$0x410] =	vst v44;
	v28 =	vld [tilespmem:s1+$0xE840]  }
0x12b: {  	v49 =	vld [tilespmem:s23+$0x820]  }
0x12c: {  	v52 =	vld [tilespmem:s23+$0x4020]  }
0x12d: {  	v54 =	vld [tilespmem:s23+$0x7820]  }
0x12e: {  	v55 =	vld [tilespmem:s23+$0x860]  }
0x12f: {  	v57 =	vld [tilespmem:s23+$0x4060]  }
0x130: {  	v58 =	vld [tilespmem:s23+$0x7860];
	v8 =	vadd.f32 v60, v8  }
0x131: {  	v59 =	vld [tilespmem:s23+$0xE860]  }
0x132: {  	v26 =	vld [tilespmem:s1+$0x7840];
	[tilespmem:s26+$0x400] =	vst v8  }
0x133: {  	v17 =	vadd.f32 v62, v61;
	v10 =	vadd.f32 v52, v49;
	v30 =	vld [tilespmem:s25+$0x810]  }
0x134: {  	v13 =	vadd.f32 v24, v63;
	v11 =	vadd.f32 v57, v55;
	v31 =	vld [tilespmem:s25+$0x4010]  }
0x135: {  	v35 =	vshll.u32 v28, $0x10;
	v14 =	vadd.f32 v25, v17;
	v10 =	vadd.f32 v54, v10;
	v32 =	vld [tilespmem:s25+$0x850]  }
0x136: {  	v27 =	vshll.u32 v59, $0x10;
	v12 =	vand.u32 $0xFFFF0000, v59;
	v9 =	vadd.f32 v58, v11;
	v33 =	vld [tilespmem:s25+$0x4050]  }
0x137: {  	v11 =	vadd.f32 v26, v13;
	v34 =	vld [tilespmem:s25+$0x7810];
	v17 =	vmul.f32 v35, v14;
	v16 =	vmul.f32 v27, v10  }
0x138: {  	v8 =	vand.u32 $0xFFFF0000, v28;
	v36 =	vld [tilespmem:s25+$0x7850];
	v29 =	vmul.f32 v12, v9;
	v9 =	vmul.f32 v27, v9  }
0x139: {  	v38 =	vld [tilespmem:s25+$0xE850];
	v10 =	vmul.f32 v12, v10;
	v37 =	vmul.f32 v8, v11  }
0x13a: {  	v13 =	vld [tilespmem:s20+$0x870];
	v39 =	vmul.f32 v35, v11;
	v8 =	vmul.f32 v8, v14;
	v16 =	vsub.f32 v16, v29  }
0x13b: {  	s11 =	sshll.u32 s13, $0x8;
	v14 =	vld [tilespmem:s20+$0x4070];
	v9 =	vadd.f32 v10, v9  }
0x13c: {  	s11 =	sand.u32 $0x7800, s11;
	s15 =	sand.u32 $0x380, s1;
	v42 =	vsub.f32 v17, v37;
	v44 =	vadd.f32 v8, v39;
	v8 =	vld [tilespmem:s20+$0x7830];
	[tilespmem:s24+$0x20] =	vst v16  }
0x13d: {  	s12 =	sor.u32 s15, s11;
	[tilespmem:s24+$0x60] =	vst v9;
	v9 =	vld [tilespmem:s20+$0x4030]  }
0x13e: {  	s11 =	sadd.s32 $0x12000, s12;
	[tilespmem:s12+$0x12000] =	vst v42;
	v40 =	vld [tilespmem:s23+$0xE820]  }
0x13f: {  	[tilespmem:s11+$0x40] =	vst v44;
	v43 =	vld [tilespmem:s23+$0xB020]  }
0x140: {  	s16 =	sadd.s32 $0x8, s30;
	v41 =	vadd.f32 v31, v30;
	v12 =	vadd.f32 v33, v32;
	v47 =	vld [tilespmem:s1+$0xE800]  }
0x141: {  	s12 =	sshll.u32 s16, $0x7;
	v49 =	vld [tilespmem:s1+$0xB000]  }
0x142: {  	v10 =	vadd.f32 v34, v41;
	v12 =	vadd.f32 v36, v12;
	v60 =	vld [tilespmem:s12+$0x800]  }
0x143: {  	v45 =	vshll.u32 v38, $0x10;
	v46 =	vand.u32 $0xFFFF0000, v38;
	v25 =	vld [tilespmem:s12+$0x4000]  }
0x144: {  	v26 =	vld [tilespmem:s12+$0x840];
	v48 =	vmul.f32 v45, v10;
	v19 =	vmul.f32 v46, v12  }
0x145: {  	v27 =	vld [tilespmem:s12+$0x4040];
	v50 =	vmul.f32 v45, v12;
	v10 =	vmul.f32 v46, v10  }
0x146: {  	v28 =	vld [tilespmem:s12+$0x7800];
	v51 =	vsub.f32 v48, v19  }
0x147: {  	v62 =	vld [tilespmem:s12+$0x7840];
	v17 =	vadd.f32 v10, v50  }
0x148: {  	v63 =	vld [tilespmem:s12+$0xE840];
	v11 =	vadd.f32 v43, v40;
	[tilespmem:s26+$0x10] =	vst v51  }
0x149: {  	s13 =	sshll.u32 s16, $0x8;
	v12 =	vld [tilespmem:s20+$0x7870];
	[tilespmem:s26+$0x50] =	vst v17  }
0x14a: {  	s13 =	sand.u32 $0x7800, s13;
	[tilespmem:s24+$0x420] =	vst v11;
	v11 =	vld [tilespmem:s20+$0xE870]  }
0x14b: {  	s15 =	sor.u32 s22, s13;
	s22 =	sadd.s32 $0x9, s30;
	v35 =	vadd.f32 v27, v26;
	v53 =	vld [tilespmem:s25+$0xE810]  }
0x14c: {  	s7 =	sshll.u32 s22, $0x7;
	v52 =	vadd.f32 v49, v47;
	v17 =	vld [tilespmem:s25+$0xB010]  }
0x14d: {  	v20 =	vadd.f32 v62, v35;
	v62 =	vld [tilespmem:s7+$0x7800]  }
0x14e: {  	v34 =	vadd.f32 v25, v60;
	[tilespmem:s11+$0x400] =	vst v52;
	v10 =	vld [tilespmem:s23+$0x830]  }
0x14f: {  	v15 =	vld [tilespmem:s1+$0x810]  }
0x150: {  	v39 =	vadd.f32 v28, v34;
	v54 =	vld [tilespmem:s1+$0x4010]  }
0x151: {  	v41 =	vshll.u32 v63, $0x10;
	v21 =	vand.u32 $0xFFFF0000, v63;
	v56 =	vld [tilespmem:s1+$0x850]  }
0x152: {  	v57 =	vld [tilespmem:s1+$0x4050];
	v43 =	vmul.f32 v41, v39;
	v44 =	vmul.f32 v21, v20  }
0x153: {  	v55 =	vld [tilespmem:s1+$0x7810];
	v45 =	vmul.f32 v41, v20;
	v46 =	vmul.f32 v21, v39  }
0x154: {  	v58 =	vld [tilespmem:s1+$0x7850];
	v48 =	vsub.f32 v43, v44  }
0x155: {  	v59 =	vld [tilespmem:s1+$0xE850];
	v50 =	vadd.f32 v46, v45  }
0x156: {  	s13 =	sadd.s32 $0x12000, s15;
	v16 =	vld [tilespmem:s23+$0x4030];
	[tilespmem:s15+$0x12000] =	vst v48  }
0x157: {  	v61 =	vadd.f32 v57, v56;
	[tilespmem:s13+$0x40] =	vst v50;
	v56 =	vld [tilespmem:s7+$0x4000]  }
0x158: {  	v17 =	vadd.f32 v17, v53;
	v15 =	vadd.f32 v54, v15;
	v21 =	vld [tilespmem:s12+$0xE800]  }
0x159: {  	v54 =	vld [tilespmem:s12+$0xB000]  }
0x15a: {  	[tilespmem:s26+$0x410] =	vst v17;
	v19 =	vadd.f32 v55, v15;
	v15 =	vld [tilespmem:s23+$0x7830]  }
0x15b: {  	v36 =	vld [tilespmem:s25+$0x820]  }
0x15c: {  	v29 =	vld [tilespmem:s25+$0x4020]  }
0x15d: {  	v40 =	vld [tilespmem:s25+$0x7820]  }
0x15e: {  	v42 =	vld [tilespmem:s25+$0x860]  }
0x15f: {  	v18 =	vadd.f32 v58, v61;
	v30 =	vld [tilespmem:s25+$0x4060]  }
0x160: {  	v32 =	vshll.u32 v59, $0x10;
	v33 =	vand.u32 $0xFFFF0000, v59;
	v47 =	vld [tilespmem:s25+$0x7860]  }
0x161: {  	v49 =	vld [tilespmem:s25+$0xE860];
	v37 =	vmul.f32 v32, v19;
	v38 =	vmul.f32 v33, v18  }
0x162: {  	v55 =	vld [tilespmem:s7+$0x800];
	v18 =	vmul.f32 v32, v18;
	v17 =	vmul.f32 v33, v19  }
0x163: {  	v58 =	vld [tilespmem:s7+$0x840];
	v26 =	vsub.f32 v37, v38  }
0x164: {  	v61 =	vld [tilespmem:s7+$0x4040];
	v17 =	vadd.f32 v17, v18  }
0x165: {  	v32 =	vld [tilespmem:s7+$0x7840];
	v53 =	vadd.f32 v29, v36;
	v24 =	vadd.f32 v30, v42;
	[tilespmem:s11+$0x10] =	vst v26  }
0x166: {  	v33 =	vld [tilespmem:s7+$0xE840];
	v21 =	vadd.f32 v54, v21;
	[tilespmem:s11+$0x50] =	vst v17  }
0x167: {  	v51 =	vld [tilespmem:s1+$0xE810];
	v17 =	vadd.f32 v40, v53;
	v20 =	vadd.f32 v47, v24  }
0x168: {  	v57 =	vshll.u32 v49, $0x10;
	v22 =	vand.u32 $0xFFFF0000, v49;
	v52 =	vld [tilespmem:s1+$0xB010]  }
0x169: {  	v18 =	vld [tilespmem:s23+$0x4070];
	v34 =	vadd.f32 v56, v55;
	[tilespmem:s13+$0x400] =	vst v21;
	v59 =	vmul.f32 v57, v17;
	v60 =	vmul.f32 v22, v20  }
0x16a: {  	v35 =	vadd.f32 v61, v58;
	v21 =	vld [tilespmem:s12+$0x810];
	v20 =	vmul.f32 v57, v20;
	v17 =	vmul.f32 v22, v17  }
0x16b: {  	v37 =	vadd.f32 v62, v34;
	v46 =	vld [tilespmem:s12+$0x4010]  }
0x16c: {  	v38 =	vadd.f32 v32, v35;
	v47 =	vld [tilespmem:s12+$0x850];
	v20 =	vadd.f32 v17, v20  }
0x16d: {  	v40 =	vshll.u32 v33, $0x10;
	v41 =	vand.u32 $0xFFFF0000, v33;
	v48 =	vld [tilespmem:s12+$0x4050];
	v19 =	vadd.f32 v52, v51  }
0x16e: {  	v50 =	vld [tilespmem:s12+$0x7810];
	v43 =	vmul.f32 v40, v37;
	v29 =	vmul.f32 v41, v38;
	[tilespmem:s26+$0x60] =	vst v20  }
0x16f: {  	s15 =	sshll.u32 s22, $0x8;
	v31 =	vld [tilespmem:s12+$0x7850];
	v63 =	vsub.f32 v59, v60;
	v20 =	vmul.f32 v40, v38;
	[tilespmem:s11+$0x410] =	vst v19;
	v19 =	vmul.f32 v41, v37  }
0x170: {  	s16 =	sand.u32 $0x380, s7;
	s15 =	sand.u32 $0x7800, s15;
	v32 =	vld [tilespmem:s12+$0xE850];
	v45 =	vsub.f32 v43, v29  }
0x171: {  	s15 =	sor.u32 s16, s15;
	v17 =	vld [tilespmem:s23+$0x870];
	[tilespmem:s26+$0x20] =	vst v63;
	v19 =	vadd.f32 v19, v20  }
0x172: {  	[tilespmem:s15+$0x12000] =	vst v45;
	s15 =	sadd.s32 $0x12000, s15;
	v24 =	vld [tilespmem:s25+$0xE820]  }
0x173: {  	v36 =	vld [tilespmem:s25+$0xB020];
	[tilespmem:s15+$0x40] =	vst v19  }
0x174: {  	v19 =	vld [tilespmem:s7+$0xE800]  }
0x175: {  	v49 =	vld [tilespmem:s7+$0xB000]  }
0x176: {  	v39 =	vld [tilespmem:s1+$0x820]  }
0x177: {  	v42 =	vld [tilespmem:s1+$0x4020]  }
0x178: {  	v44 =	vld [tilespmem:s1+$0x7820]  }
0x179: {  	v21 =	vadd.f32 v46, v21;
	v33 =	vld [tilespmem:s1+$0x860]  }
0x17a: {  	v51 =	vld [tilespmem:s1+$0x4060];
	v20 =	vadd.f32 v48, v47;
	v19 =	vadd.f32 v49, v19  }
0x17b: {  	v52 =	vld [tilespmem:s1+$0x7860]  }
0x17c: {  	v21 =	vadd.f32 v50, v21;
	v53 =	vld [tilespmem:s1+$0xE860];
	v20 =	vadd.f32 v31, v20;
	[tilespmem:s15+$0x400] =	vst v19  }
0x17d: {  	v54 =	vshll.u32 v32, $0x10;
	v55 =	vand.u32 $0xFFFF0000, v32;
	v56 =	vld [tilespmem:s7+$0x810]  }
0x17e: {  	v57 =	vmul.f32 v54, v21;
	v34 =	vmul.f32 v55, v20;
	v35 =	vld [tilespmem:s7+$0x4010]  }
0x17f: {  	v58 =	vmul.f32 v55, v21;
	v19 =	vmul.f32 v54, v20;
	v59 =	vld [tilespmem:s7+$0x850]  }
0x180: {  	v60 =	vsub.f32 v57, v34;
	v61 =	vld [tilespmem:s7+$0x4050]  }
0x181: {  	v22 =	vadd.f32 v42, v39;
	v62 =	vld [tilespmem:s7+$0x7810];
	v19 =	vadd.f32 v58, v19  }
0x182: {  	v25 =	vadd.f32 v51, v33;
	[tilespmem:s13+$0x10] =	vst v60;
	v63 =	vld [tilespmem:s7+$0x7850]  }
0x183: {  	v24 =	vadd.f32 v36, v24;
	v22 =	vadd.f32 v44, v22;
	v36 =	vld [tilespmem:s7+$0xE850];
	[tilespmem:s13+$0x50] =	vst v19  }
0x184: {  	v37 =	vshll.u32 v53, $0x10;
	v38 =	vand.u32 $0xFFFF0000, v53;
	v23 =	vadd.f32 v52, v25;
	v39 =	vld [tilespmem:s12+$0xE810]  }
0x185: {  	v40 =	vmul.f32 v37, v22;
	v41 =	vld [tilespmem:s12+$0xB010];
	v31 =	vadd.f32 v35, v56;
	v21 =	vadd.f32 v61, v59  }
0x186: {  	v32 =	vld [tilespmem:s23+$0x7870];
	v42 =	vmul.f32 v38, v23;
	v23 =	vmul.f32 v37, v23  }
0x187: {  	[tilespmem:s26+$0x420] =	vst v24;
	v25 =	vld [tilespmem:s23+$0xE870];
	v22 =	vmul.f32 v38, v22;
	v20 =	vadd.f32 v62, v31;
	v21 =	vadd.f32 v63, v21  }
0x188: {  	v24 =	vld [tilespmem:s25+$0x830];
	v43 =	vsub.f32 v40, v42;
	v44 =	vshll.u32 v36, $0x10;
	v19 =	vand.u32 $0xFFFF0000, v36  }
0x189: {  	v29 =	vld [tilespmem:s25+$0x4030];
	v22 =	vadd.f32 v22, v23;
	v45 =	vmul.f32 v44, v20;
	v46 =	vmul.f32 v19, v21  }
0x18a: {  	v33 =	vld [tilespmem:s25+$0x7830];
	[tilespmem:s11+$0x20] =	vst v43;
	v47 =	vadd.f32 v41, v39;
	v21 =	vmul.f32 v44, v21;
	v19 =	vmul.f32 v19, v20  }
0x18b: {  	v27 =	vld [tilespmem:s25+$0xE870];
	[tilespmem:s11+$0x60] =	vst v22;
	v48 =	vsub.f32 v45, v46  }
0x18c: {  	v23 =	vld [tilespmem:s25+$0x4070];
	[tilespmem:s13+$0x410] =	vst v47;
	v19 =	vadd.f32 v19, v21  }
0x18d: {  	v49 =	vld [tilespmem:s1+$0xE820];
	[tilespmem:s15+$0x10] =	vst v48  }
0x18e: {  	v50 =	vld [tilespmem:s12+$0x820];
	[tilespmem:s15+$0x50] =	vst v19  }
0x18f: {  	v19 =	vld [tilespmem:s7+$0xE810]  }
0x190: {  	v51 =	vld [tilespmem:s7+$0xB010]  }
0x191: {  	v52 =	vld [tilespmem:s12+$0x4020]  }
0x192: {  	v53 =	vld [tilespmem:s12+$0x860]  }
0x193: {  	v54 =	vld [tilespmem:s12+$0x4060]  }
0x194: {  	v55 =	vld [tilespmem:s12+$0x7820]  }
0x195: {  	v56 =	vld [tilespmem:s12+$0x7860];
	v19 =	vadd.f32 v51, v19  }
0x196: {  	v57 =	vld [tilespmem:s12+$0xE860]  }
0x197: {  	v58 =	vld [tilespmem:s1+$0xB020];
	[tilespmem:s15+$0x410] =	vst v19  }
0x198: {  	v60 =	vadd.f32 v54, v53;
	v61 =	vld [tilespmem:s7+$0x820]  }
0x199: {  	v59 =	vadd.f32 v52, v50;
	v62 =	vld [tilespmem:s7+$0x4020]  }
0x19a: {  	v22 =	vadd.f32 v56, v60;
	v63 =	vld [tilespmem:s7+$0x860]  }
0x19b: {  	v40 =	vshll.u32 v57, $0x10;
	v26 =	vand.u32 $0xFFFF0000, v57;
	v19 =	vadd.f32 v55, v59;
	v41 =	vld [tilespmem:s7+$0x4060]  }
0x19c: {  	v31 =	vmul.f32 v40, v22;
	v22 =	vmul.f32 v26, v22;
	v37 =	vld [tilespmem:s7+$0x7820]  }
0x19d: {  	v21 =	vadd.f32 v58, v49;
	v42 =	vld [tilespmem:s7+$0x7860];
	v36 =	vmul.f32 v40, v19;
	v19 =	vmul.f32 v26, v19  }
0x19e: {  	v43 =	vld [tilespmem:s7+$0xE860]  }
0x19f: {  	v20 =	vld [tilespmem:s25+$0x870];
	[tilespmem:s11+$0x420] =	vst v21;
	v22 =	vsub.f32 v36, v22;
	v19 =	vadd.f32 v19, v31  }
0x1a0: {  	v30 =	vld [tilespmem:s1+$0x830];
	v44 =	vadd.f32 v62, v61;
	v45 =	vadd.f32 v41, v63  }
0x1a1: {  	v21 =	vld [tilespmem:s1+$0x7830];
	[tilespmem:s13+$0x20] =	vst v22  }
0x1a2: {  	v54 =	vld [tilespmem:s1+$0x870];
	[tilespmem:s13+$0x60] =	vst v19;
	v46 =	vadd.f32 v37, v44;
	v47 =	vadd.f32 v42, v45  }
0x1a3: {  	v49 =	vshll.u32 v43, $0x10;
	v50 =	vand.u32 $0xFFFF0000, v43;
	v48 =	vld [tilespmem:s12+$0xE820]  }
0x1a4: {  	v51 =	vld [tilespmem:s12+$0xB020];
	v52 =	vmul.f32 v49, v46;
	v35 =	vmul.f32 v50, v47  }
0x1a5: {  	v7 =	vadd.f32 v9, v7;
	v57 =	vld [tilespmem:s1+$0x4070];
	v53 =	vmul.f32 v49, v47;
	v19 =	vmul.f32 v50, v46  }
0x1a6: {  	v13 =	vadd.f32 v14, v13;
	v60 =	vld [tilespmem:s1+$0x7870];
	v55 =	vsub.f32 v52, v35  }
0x1a7: {  	v7 =	vadd.f32 v8, v7;
	v31 =	vld [tilespmem:s25+$0x7870];
	v8 =	vadd.f32 v19, v53  }
0x1a8: {  	v12 =	vadd.f32 v12, v13;
	v10 =	vadd.f32 v16, v10;
	v22 =	vld [tilespmem:s1+$0x4030];
	[tilespmem:s15+$0x20] =	vst v55  }
0x1a9: {  	v56 =	vshll.u32 v11, $0x10;
	v11 =	vand.u32 $0xFFFF0000, v11;
	v61 =	vld [tilespmem:s1+$0xE870];
	v9 =	vadd.f32 v51, v48;
	[tilespmem:s15+$0x60] =	vst v8  }
0x1aa: {  	v0 =	vadd.f32 v3, v0;
	v58 =	vmul.f32 v56, v7;
	v59 =	vmul.f32 v11, v12;
	v63 =	vld [tilespmem:s7+$0xE820]  }
0x1ab: {  	v10 =	vadd.f32 v15, v10;
	v20 =	vadd.f32 v23, v20;
	v7 =	vmul.f32 v11, v7;
	[tilespmem:s13+$0x420] =	vst v9;
	v35 =	vld [tilespmem:s7+$0xB020]  }
0x1ac: {  	v12 =	vmul.f32 v56, v12;
	v13 =	vadd.f32 v57, v54;
	v3 =	vsub.f32 v58, v59;
	v39 =	vld [tilespmem:s12+$0x830]  }
0x1ad: {  	v62 =	vadd.f32 v18, v17;
	v41 =	vadd.f32 v29, v24;
	v42 =	vld [tilespmem:s12+$0x4030]  }
0x1ae: {  	v38 =	vand.u32 $0xFFFF0000, v25;
	v7 =	vadd.f32 v7, v12;
	v13 =	vadd.f32 v60, v13;
	v44 =	vld [tilespmem:s12+$0x7830]  }
0x1af: {  	v36 =	vadd.f32 v32, v62;
	v37 =	vshll.u32 v25, $0x10;
	v45 =	vadd.f32 v33, v41;
	v47 =	vld [tilespmem:s12+$0x870]  }
0x1b0: {  	v40 =	vmul.f32 v37, v10;
	v10 =	vmul.f32 v38, v10;
	v50 =	vld [tilespmem:s12+$0x4070];
	v9 =	vadd.f32 v35, v63  }
0x1b1: {  	v43 =	vmul.f32 v38, v36;
	v11 =	vmul.f32 v37, v36;
	v49 =	vand.u32 $0xFFFF0000, v27;
	v53 =	vld [tilespmem:s12+$0x7870]  }
0x1b2: {  	v46 =	vadd.f32 v31, v20;
	v22 =	vadd.f32 v22, v30;
	v15 =	vmul.f32 v49, v45;
	v54 =	vld [tilespmem:s12+$0xE870];
	[tilespmem:s15+$0x420] =	vst v9  }
0x1b3: {  	v59 =	vshll.u32 v61, $0x10;
	v48 =	vshll.u32 v27, $0x10;
	v12 =	vsub.f32 v40, v43;
	v56 =	vld [tilespmem:s7+$0x830]  }
0x1b4: {  	v52 =	vmul.f32 v49, v46;
	v51 =	vmul.f32 v48, v45;
	v57 =	vadd.f32 v21, v22;
	v58 =	vld [tilespmem:s7+$0x4030]  }
0x1b5: {  	v10 =	vadd.f32 v10, v11;
	v19 =	vmul.f32 v48, v46;
	v22 =	vmul.f32 v59, v13;
	v60 =	vld [tilespmem:s7+$0x870]  }
0x1b6: {  	v8 =	vand.u32 $0xFFFF0000, v61;
	v55 =	vsub.f32 v51, v52;
	v61 =	vmul.f32 v59, v57;
	v62 =	vld [tilespmem:s7+$0x4070]  }
0x1b7: {  	[tilespmem:s31+$0x430] =	vst v0;
	v15 =	vadd.f32 v15, v19;
	v13 =	vmul.f32 v8, v13;
	v8 =	vmul.f32 v8, v57;
	v63 =	vld [tilespmem:s7+$0x7830]  }
0x1b8: {  	[tilespmem:s21+$0x30] =	vst v3;
	v29 =	vadd.f32 v42, v39;
	v30 =	vadd.f32 v50, v47;
	v31 =	vld [tilespmem:s7+$0x7870]  }
0x1b9: {  	[tilespmem:s21+$0x70] =	vst v7;
	v32 =	vsub.f32 v61, v13;
	v8 =	vadd.f32 v8, v22;
	v33 =	vld [tilespmem:s7+$0xE870]  }
0x1ba: {  	v34 =	vld [tilespmem:s18+$0xB030];
	[tilespmem:s24+$0x30] =	vst v12;
	v0 =	vadd.f32 v44, v29;
	v35 =	vadd.f32 v53, v30  }
0x1bb: {  	v36 =	vld [tilespmem:s20+$0xE830];
	[tilespmem:s24+$0x70] =	vst v10;
	v38 =	vshll.u32 v54, $0x10;
	v37 =	vadd.f32 v58, v56;
	v39 =	vadd.f32 v62, v60  }
0x1bc: {  	v40 =	vld [tilespmem:s20+$0xB030];
	[tilespmem:s26+$0x30] =	vst v55;
	v9 =	vand.u32 $0xFFFF0000, v54;
	v41 =	vmul.f32 v38, v0;
	v16 =	vmul.f32 v38, v35  }
0x1bd: {  	v43 =	vld [tilespmem:s23+$0xB030];
	[tilespmem:s26+$0x70] =	vst v15;
	v7 =	vmul.f32 v9, v35;
	v14 =	vadd.f32 v63, v37;
	v17 =	vadd.f32 v31, v39  }
0x1be: {  	v15 =	vld [tilespmem:s25+$0xE830];
	v0 =	vmul.f32 v9, v0;
	v44 =	vshll.u32 v33, $0x10;
	v13 =	vand.u32 $0xFFFF0000, v33  }
0x1bf: {  	v48 =	vld [tilespmem:s25+$0xB030];
	[tilespmem:s11+$0x30] =	vst v32;
	v45 =	vsub.f32 v41, v7;
	v46 =	vmul.f32 v44, v14;
	v47 =	vmul.f32 v13, v17  }
0x1c0: {  	[tilespmem:s11+$0x70] =	vst v8;
	v42 =	vld [tilespmem:s23+$0xE830];
	v0 =	vadd.f32 v0, v16;
	v49 =	vmul.f32 v44, v17;
	v50 =	vmul.f32 v13, v14  }
0x1c1: {  	v51 =	vld [tilespmem:s1+$0xE830];
	[tilespmem:s13+$0x30] =	vst v45;
	v7 =	vsub.f32 v46, v47  }
0x1c2: {  	v52 =	vld [tilespmem:s1+$0xB030];
	[tilespmem:s13+$0x70] =	vst v0;
	v53 =	vadd.f32 v50, v49  }
0x1c3: {  	v1 =	vadd.f32 v2, v1;
	v54 =	vld [tilespmem:s12+$0xE830];
	[tilespmem:s15+$0x30] =	vst v7  }
0x1c4: {  	v4 =	vadd.f32 v5, v4;
	v55 =	vld [tilespmem:s12+$0xB030];
	[tilespmem:s15+$0x70] =	vst v53  }
0x1c5: {  	[tilespmem:s0+$0x430] =	vst v1;
	v59 =	vadd.f32 v40, v36;
	v57 =	vld [tilespmem:s7+$0xE830]  }
0x1c6: {  	[tilespmem:s10+$0x430] =	vst v4;
	v61 =	vadd.f32 v48, v15;
	v58 =	vld [tilespmem:s7+$0xB030]  }
0x1c7: {  	[tilespmem:s21+$0x430] =	vst v59;
	v56 =	vadd.f32 v34, v6  }
0x1c8: {  	p1 =	slt.u32 s30, $0x28;
	[tilespmem:s26+$0x430] =	vst v61;
	v60 =	vadd.f32 v43, v42  }
.Ltmp0:
0x1c9: {  	v62 =	vadd.f32 v52, v51;
	[tilespmem:s19+$0x430] =	vst v56;
	(pc) =	sbr.rel @p1 .LBB2_3-.Ltmp0, $4  }
0x1ca: {  	[tilespmem:s24+$0x430] =	vst v60;
	v2 =	vadd.f32 v55, v54  }
0x1cb: {  	[tilespmem:s11+$0x430] =	vst v62;
	v63 =	vadd.f32 v58, v57  }
0x1cc: {  	s31 =	sadd.s32 $0xA, s30;
	[tilespmem:s13+$0x430] =	vst v2  }
0x1cd: {  	s30 =	smov.u32 s31;
	[tilespmem:s15+$0x430] =	vst v63  }
0x1ce: {  	s0 =	sadd.s32 s9, s8  }
0x1cf: {  	s0 =	smul.u32 $0x700, s0  }
0x1d0: {  	s1 =	rddreg [dreg:$0x4]  }
0x1d1: {  	s21 =	simm.s32 $0x12000;
	s0 =	sadd.s32 s1, s0  }
0x1d2: {  	[hbm4b:s0+s4] =	stream.linear.scatter [tilespmem:s21], [sflag:$0x5], $0x3800, $0x38;
	[tilespmem:$0x1B000] =	vst v63  }
0x1d3: {  	v0 =	vld [tilespmem:$0x15000]  }
0x1d4: {  	s22 =	sshll.u32 s14, $0xA  }
0x1d5: {  	s23 =	sshll.u32 s14, $0x9;
	s10 =	sand.u32 $0x1800, s22  }
0x1d6: {  	s30 =	sadd.s32 $0x19000, s10;
	s1 =	sand.u32 $0x200, s23  }
0x1d7: {  	s10 =	sor.u32 s1, s30  }
0x1d8: {  	[tilespmem:s10+$0x0] =	vst v0  }
0x1d9: {  	v0 =	vld [tilespmem:$0x15010];
	_ =	sdelay $0x4  }
0x1da: {  	[tilespmem:s10+$0x10] =	vst v0  }
0x1db: {  	v0 =	vld [tilespmem:$0x15020];
	_ =	sdelay $0x4  }
0x1dc: {  	[tilespmem:s10+$0x20] =	vst v0  }
0x1dd: {  	v0 =	vld [tilespmem:$0x15030];
	_ =	sdelay $0x4  }
0x1de: {  	[tilespmem:s10+$0x30] =	vst v0  }
0x1df: {  	v0 =	vld [tilespmem:$0x15040];
	_ =	sdelay $0x4  }
0x1e0: {  	[tilespmem:s10+$0x40] =	vst v0  }
0x1e1: {  	v0 =	vld [tilespmem:$0x15050];
	_ =	sdelay $0x4  }
0x1e2: {  	[tilespmem:s10+$0x50] =	vst v0  }
0x1e3: {  	v0 =	vld [tilespmem:$0x15060];
	_ =	sdelay $0x4  }
0x1e4: {  	[tilespmem:s10+$0x60] =	vst v0  }
0x1e5: {  	v0 =	vld [tilespmem:$0x15070];
	_ =	sdelay $0x4  }
0x1e6: {  	[tilespmem:s10+$0x70] =	vst v0  }
0x1e7: {  	v0 =	vld [tilespmem:$0x15400];
	_ =	sdelay $0x1  }
0x1e8: {  	s0 =	sand.u32 $0x1C00, s22  }
0x1e9: {  	s24 =	sor.u32 s1, s0  }
0x1ea: {  	s11 =	sor.u32 $0x400, s24  }
0x1eb: {  	[tilespmem:s11+$0x19000] =	vst v0  }
0x1ec: {  	v0 =	vld [tilespmem:$0x15410];
	_ =	sdelay $0x3  }
0x1ed: {  	s25 =	sor.u32 $0x410, s24  }
0x1ee: {  	[tilespmem:s25+$0x19000] =	vst v0  }
0x1ef: {  	v0 =	vld [tilespmem:$0x15420];
	_ =	sdelay $0x3  }
0x1f0: {  	s26 =	sor.u32 $0x420, s24  }
0x1f1: {  	[tilespmem:s26+$0x19000] =	vst v0  }
0x1f2: {  	v0 =	vld [tilespmem:$0x15430];
	_ =	sdelay $0x3  }
0x1f3: {  	s10 =	sor.u32 $0x430, s24  }
0x1f4: {  	[tilespmem:s10+$0x19000] =	vst v0  }
0x1f5: {  	v0 =	vld [tilespmem:$0x15080];
	_ =	sdelay $0x2  }
0x1f6: {  	s1 =	sor.u32 $0x80, s1  }
0x1f7: {  	s7 =	sor.u32 s1, s30  }
0x1f8: {  	[tilespmem:s7+$0x0] =	vst v0  }
0x1f9: {  	v0 =	vld [tilespmem:$0x15090];
	_ =	sdelay $0x4  }
0x1fa: {  	[tilespmem:s7+$0x10] =	vst v0  }
0x1fb: {  	v0 =	vld [tilespmem:$0x150A0];
	_ =	sdelay $0x4  }
0x1fc: {  	[tilespmem:s7+$0x20] =	vst v0  }
0x1fd: {  	v0 =	vld [tilespmem:$0x150B0];
	_ =	sdelay $0x4  }
0x1fe: {  	[tilespmem:s7+$0x30] =	vst v0  }
0x1ff: {  	v0 =	vld [tilespmem:$0x150C0];
	_ =	sdelay $0x4  }
0x200: {  	[tilespmem:s7+$0x40] =	vst v0  }
0x201: {  	v0 =	vld [tilespmem:$0x150D0];
	_ =	sdelay $0x4  }
0x202: {  	[tilespmem:s7+$0x50] =	vst v0  }
0x203: {  	v0 =	vld [tilespmem:$0x150E0];
	_ =	sdelay $0x4  }
0x204: {  	[tilespmem:s7+$0x60] =	vst v0  }
0x205: {  	v0 =	vld [tilespmem:$0x150F0];
	_ =	sdelay $0x4  }
0x206: {  	[tilespmem:s7+$0x70] =	vst v0  }
0x207: {  	v0 =	vld [tilespmem:$0x15480];
	_ =	sdelay $0x2  }
0x208: {  	s0 =	sor.u32 s0, s1  }
0x209: {  	s1 =	sor.u32 $0x400, s0  }
0x20a: {  	[tilespmem:s1+$0x19000] =	vst v0  }
0x20b: {  	v0 =	vld [tilespmem:$0x15490];
	_ =	sdelay $0x3  }
0x20c: {  	s11 =	sor.u32 $0x410, s0  }
0x20d: {  	[tilespmem:s11+$0x19000] =	vst v0  }
0x20e: {  	v0 =	vld [tilespmem:$0x154A0];
	_ =	sdelay $0x3  }
0x20f: {  	s12 =	sor.u32 $0x420, s0  }
0x210: {  	[tilespmem:s12+$0x19000] =	vst v0  }
0x211: {  	v0 =	vld [tilespmem:$0x154B0];
	_ =	sdelay $0x3  }
0x212: {  	s0 =	sor.u32 $0x430, s0  }
0x213: {  	[tilespmem:s0+$0x19000] =	vst v0  }
0x214: {  	_ =	swait.ge [sflag:s3], $0x1C00  }
0x215: {  	[sflag:s3] =	ssyncset.done $0x0  }
0x216: {  	[sflag:s3] =	ssyncadd.s32 $0xFFFFE400  }
0x217: {  	_ =	swait.ge [sflag:s3], $0x1C00  }
0x218: {  	[sflag:s3] =	ssyncset.done $0x0  }
0x219: {  	[sflag:s3] =	ssyncadd.s32 $0xFFFFE400  }
0x21a: {  	_ =	swait.ge [sflag:s3], $0x1C00  }
0x21b: {  	[sflag:s3] =	ssyncset.done $0x0  }
0x21c: {  	[sflag:s3] =	ssyncadd.s32 $0xFFFFE400  }
0x21d: {  	_ =	swait.ge [sflag:s3], $0x1C00  }
0x21e: {  	[sflag:s3] =	ssyncset.done $0x0  }
0x21f: {  	[sflag:s3] =	ssyncadd.s32 $0xFFFFE400  }
0x220: {  	_ =	swait.ge [sflag:s3], $0x1C00  }
0x221: {  	s13 =	smin.u32 s8, $0x7C;
	s15 =	rddreg [dreg:$0x8]  }
0x222: {  	s0 =	sadd.s32 s13, s15  }
0x223: {  	s16 =	simm.s32 $0x400;
	[sflag:s3] =	ssyncset.done $0x0;
	s0 =	sshll.u32 s0, $0x7  }
0x224: {  	s18 =	simm.s32 $0x1;
	[sflag:s3] =	ssyncadd.s32 $0xFFFFE400;
	s0 =	sadd.s32 s29, s0  }
0x225: {  	[tilespmem:s16], [sflag:$0x2] =	stream.linear.gather [hbm4b:s0+s4], $0x280, $0x38;
	[tilespmem:$0x1B000] =	vst v63  }
0x226: {  	_ =	swait.ge [sflag:s18], $0x280  }
0x227: {  	[sflag:s18] =	ssyncset.done $0x0  }
0x228: {  	s19 =	simm.s32 $0x800;
	[sflag:s18] =	ssyncadd.s32 $0xFFFFFD80  }
0x229: {  	[tilespmem:s19], [sflag:$0x3] =	stream.indirect.gather [hbm4b:s2+s17], $0x80, s4, s17, $0xb8;
	[tilespmem:$0x1B000] =	vst v63  }
0x22a: {  	s20 =	simm.s32 $0x80;
	s21 =	simm.s32 $0x4000  }
0x22b: {  	[tilespmem:s21], [sflag:$0x3] =	stream.indirect.gather [hbm4b:s2+s17], $0x80, s20, s17, $0xb8;
	[tilespmem:$0x1B000] =	vst v63  }
0x22c: {  	s23 =	simm.s32 $0x7800;
	s22 =	simm.s32 $0x100  }
0x22d: {  	[tilespmem:s23], [sflag:$0x3] =	stream.indirect.gather [hbm4b:s2+s17], $0x80, s22, s17, $0xb8;
	[tilespmem:$0x1B000] =	vst v63  }
0x22e: {  	s24 =	simm.s32 $0x180;
	s25 =	simm.s32 $0xB000;
	s26 =	simm.s32 $0x200  }
0x22f: {  	[tilespmem:s25], [sflag:$0x3] =	stream.indirect.gather [hbm4b:s5+s17], $0x80, s24, s17, $0xb8;
	[tilespmem:$0x1B000] =	vst v63  }
0x230: {  	s7 =	smov.u32 s29;
	s29 =	simm.s32 $0xE800;
	s0 =	simm.s32 @!p0 $0x6  }
0x231: {  	[tilespmem:s29], [sflag:$0x3] =	stream.indirect.gather [hbm4b:s6+s17], $0x80, s26, s17, $0xb8;
	[tilespmem:$0x1B000] =	vst v63  }
0x232: {  	_ =	swait.ge @!p0 [sflag:s0], $0x3800  }
0x233: {  	[sflag:s0] =	ssyncset.done @!p0 $0x0  }
0x234: {  	s8 =	sor.u32 $0x1, s8;
	s31 =	simm.s32 $0x0;
	[sflag:s0] =	ssyncadd.s32 @!p0 $0xFFFFC800  }
.LBB2_5:
0x235: {  	s11 =	sshll.u32 s31, $0x7  }
0x236: {  	v0 =	vld [tilespmem:s11+$0x2400]  }
0x237: {  	v1 =	vld [tilespmem:s11+$0x5C00]  }
0x238: {  	v2 =	vld [tilespmem:s11+$0x2440]  }
0x239: {  	v3 =	vld [tilespmem:s11+$0x5C40]  }
0x23a: {  	v4 =	vld [tilespmem:s11+$0x9400]  }
0x23b: {  	v5 =	vld [tilespmem:s11+$0x9440]  }
0x23c: {  	v6 =	vld [tilespmem:s11+$0x10440];
	_ =	sdelay $0x1  }
0x23d: {  	v0 =	vadd.f32 v1, v0;
	v36 =	vadd.f32 v3, v2;
	_ =	sdelay $0x1  }
0x23e: {  	v0 =	vadd.f32 v4, v0;
	v1 =	vadd.f32 v5, v36  }
0x23f: {  	v37 =	vshll.u32 v6, $0x10;
	v38 =	vand.u32 $0xFFFF0000, v6  }
0x240: {  	s0 =	sshll.u32 s31, $0x8;
	v4 =	vmul.f32 v37, v0;
	v5 =	vmul.f32 v38, v1  }
0x241: {  	s0 =	sand.u32 $0x3800, s0;
	v1 =	vmul.f32 v37, v1;
	v0 =	vmul.f32 v38, v0  }
0x242: {  	s23 =	sand.u32 $0x300, s11;
	s1 =	sadd.s32 $0x15800, s0;
	v39 =	vsub.f32 v4, v5  }
0x243: {  	s0 =	sor.u32 s23, s1;
	v0 =	vadd.f32 v0, v1  }
0x244: {  	[tilespmem:s0+$0x0] =	vst v39  }
0x245: {  	[tilespmem:s0+$0x40] =	vst v0  }
0x246: {  	v0 =	vld [tilespmem:s11+$0x10400]  }
0x247: {  	v40 =	vld [tilespmem:s11+$0xCC00];
	_ =	sdelay $0x4  }
0x248: {  	v0 =	vadd.f32 v40, v0;
	_ =	sdelay $0x1  }
0x249: {  	[tilespmem:s0+$0x400] =	vst v0  }
0x24a: {  	v0 =	vld [tilespmem:s11+$0x2410]  }
0x24b: {  	v41 =	vld [tilespmem:s11+$0x5C10]  }
0x24c: {  	v2 =	vld [tilespmem:s11+$0x2450]  }
0x24d: {  	v42 =	vld [tilespmem:s11+$0x5C50]  }
0x24e: {  	v43 =	vld [tilespmem:s11+$0x9410]  }
0x24f: {  	v44 =	vld [tilespmem:s11+$0x9450]  }
0x250: {  	v45 =	vld [tilespmem:s11+$0x10450];
	_ =	sdelay $0x1  }
0x251: {  	v0 =	vadd.f32 v41, v0;
	v46 =	vadd.f32 v42, v2;
	_ =	sdelay $0x1  }
0x252: {  	v0 =	vadd.f32 v43, v0;
	v1 =	vadd.f32 v44, v46  }
0x253: {  	v47 =	vshll.u32 v45, $0x10;
	v48 =	vand.u32 $0xFFFF0000, v45  }
0x254: {  	v4 =	vmul.f32 v47, v0;
	v5 =	vmul.f32 v48, v1  }
0x255: {  	v1 =	vmul.f32 v47, v1;
	v0 =	vmul.f32 v48, v0  }
0x256: {  	v49 =	vsub.f32 v4, v5  }
0x257: {  	v51 =	vld [tilespmem:s11+$0x2480];
	v0 =	vadd.f32 v0, v1  }
0x258: {  	v52 =	vld [tilespmem:s11+$0x5C80];
	[tilespmem:s0+$0x10] =	vst v49  }
0x259: {  	v53 =	vld [tilespmem:s11+$0x24C0];
	[tilespmem:s0+$0x50] =	vst v0  }
0x25a: {  	v0 =	vld [tilespmem:s11+$0x10410]  }
0x25b: {  	v50 =	vld [tilespmem:s11+$0xCC10]  }
0x25c: {  	v54 =	vld [tilespmem:s11+$0x5CC0]  }
0x25d: {  	v55 =	vld [tilespmem:s11+$0x9480]  }
0x25e: {  	v56 =	vld [tilespmem:s11+$0x94C0]  }
0x25f: {  	v57 =	vld [tilespmem:s11+$0x104C0]  }
0x260: {  	v0 =	vadd.f32 v50, v0  }
0x261: {  	v58 =	vadd.f32 v54, v53;
	v2 =	vadd.f32 v52, v51  }
0x262: {  	[tilespmem:s0+$0x410] =	vst v0  }
0x263: {  	v61 =	vadd.f32 v56, v58;
	v1 =	vadd.f32 v55, v2;
	v7 =	vld [tilespmem:s11+$0x2420]  }
0x264: {  	v63 =	vshll.u32 v57, $0x10;
	v0 =	vand.u32 $0xFFFF0000, v57;
	v8 =	vld [tilespmem:s11+$0x5C20]  }
0x265: {  	v10 =	vmul.f32 v63, v1;
	v59 =	vld [tilespmem:s11+$0x2460];
	v11 =	vmul.f32 v0, v61  }
0x266: {  	s10 =	sor.u32 $0x80, s11;
	v2 =	vmul.f32 v63, v61;
	v60 =	vld [tilespmem:s11+$0x5C60];
	v0 =	vmul.f32 v0, v1  }
0x267: {  	s10 =	sand.u32 $0x380, s10;
	v62 =	vld [tilespmem:s11+$0x9420];
	v16 =	vsub.f32 v10, v11  }
0x268: {  	s10 =	sor.u32 s10, s1;
	v9 =	vld [tilespmem:s11+$0x9460];
	v0 =	vadd.f32 v0, v2  }
0x269: {  	v12 =	vld [tilespmem:s11+$0x10460];
	[tilespmem:s10+$0x0] =	vst v16  }
0x26a: {  	[tilespmem:s10+$0x40] =	vst v0  }
0x26b: {  	v15 =	vadd.f32 v8, v7;
	v20 =	vld [tilespmem:s11+$0x10480]  }
0x26c: {  	v4 =	vadd.f32 v60, v59;
	v23 =	vld [tilespmem:s11+$0xCC80]  }
0x26d: {  	v1 =	vadd.f32 v62, v15  }
0x26e: {  	s12 =	sadd.s32 $0x2, s31;
	v18 =	vshll.u32 v12, $0x10;
	v17 =	vadd.f32 v9, v4  }
0x26f: {  	s1 =	sshll.u32 s12, $0x7;
	v19 =	vand.u32 $0xFFFF0000, v12;
	v21 =	vmul.f32 v18, v1  }
0x270: {  	v33 =	vld [tilespmem:s1+$0x2400];
	v0 =	vmul.f32 v18, v17;
	v1 =	vmul.f32 v19, v1  }
0x271: {  	v35 =	vld [tilespmem:s1+$0x5C00];
	v25 =	vadd.f32 v23, v20  }
0x272: {  	v13 =	vld [tilespmem:s1+$0x9440];
	v0 =	vadd.f32 v1, v0  }
0x273: {  	v36 =	vld [tilespmem:s1+$0x2440];
	[tilespmem:s10+$0x400] =	vst v25  }
0x274: {  	[tilespmem:s0+$0x60] =	vst v0;
	v0 =	vld [tilespmem:s11+$0x2490]  }
0x275: {  	v27 =	vld [tilespmem:s11+$0x5C90]  }
0x276: {  	v22 =	vmul.f32 v19, v17;
	v28 =	vld [tilespmem:s11+$0x24D0]  }
0x277: {  	v29 =	vld [tilespmem:s11+$0x5CD0]  }
0x278: {  	v24 =	vsub.f32 v21, v22;
	v30 =	vld [tilespmem:s11+$0x9490]  }
0x279: {  	v31 =	vld [tilespmem:s11+$0x94D0]  }
0x27a: {  	[tilespmem:s0+$0x20] =	vst v24;
	v32 =	vld [tilespmem:s11+$0x104D0]  }
0x27b: {  	v26 =	vld [tilespmem:s11+$0x10420]  }
0x27c: {  	v2 =	vld [tilespmem:s11+$0xCC20];
	v0 =	vadd.f32 v27, v0;
	v34 =	vadd.f32 v29, v28  }
0x27d: {  	v37 =	vld [tilespmem:s1+$0x5C40]  }
0x27e: {  	s26 =	sadd.s32 $0x3, s31;
	v39 =	vld [tilespmem:s1+$0x9400];
	v0 =	vadd.f32 v30, v0;
	v3 =	vadd.f32 v31, v34  }
0x27f: {  	s19 =	sshll.u32 s26, $0x7;
	v42 =	vld [tilespmem:s1+$0x10440];
	v38 =	vshll.u32 v32, $0x10;
	v8 =	vand.u32 $0xFFFF0000, v32  }
0x280: {  	v4 =	vadd.f32 v35, v33;
	v33 =	vld [tilespmem:s19+$0x5C40];
	v40 =	vmul.f32 v38, v0;
	v41 =	vmul.f32 v8, v3  }
0x281: {  	v19 =	vld [tilespmem:s19+$0x5C00];
	v1 =	vadd.f32 v2, v26;
	v3 =	vmul.f32 v38, v3;
	v0 =	vmul.f32 v8, v0  }
0x282: {  	v20 =	vld [tilespmem:s19+$0x9400];
	v11 =	vsub.f32 v40, v41  }
0x283: {  	v5 =	vadd.f32 v37, v36;
	v28 =	vld [tilespmem:s19+$0x2400];
	[tilespmem:s0+$0x420] =	vst v1;
	v0 =	vadd.f32 v0, v3  }
0x284: {  	v1 =	vld [tilespmem:s11+$0x2430];
	[tilespmem:s10+$0x10] =	vst v11  }
0x285: {  	v44 =	vadd.f32 v13, v5;
	v43 =	vadd.f32 v39, v4;
	v45 =	vld [tilespmem:s11+$0x5C30];
	[tilespmem:s10+$0x50] =	vst v0  }
0x286: {  	v46 =	vshll.u32 v42, $0x10;
	v2 =	vand.u32 $0xFFFF0000, v42;
	v47 =	vld [tilespmem:s11+$0x10490]  }
0x287: {  	v48 =	vmul.f32 v46, v43;
	v49 =	vmul.f32 v2, v44;
	v50 =	vld [tilespmem:s11+$0xCC90]  }
0x288: {  	s12 =	sshll.u32 s12, $0x8;
	v2 =	vmul.f32 v2, v43;
	v51 =	vld [tilespmem:s11+$0x9430];
	v0 =	vmul.f32 v46, v44  }
0x289: {  	s12 =	sand.u32 $0x7800, s12;
	s13 =	sand.u32 $0x300, s1;
	v52 =	vsub.f32 v48, v49;
	v53 =	vld [tilespmem:s11+$0x2470]  }
0x28a: {  	s12 =	sor.u32 s13, s12;
	v54 =	vld [tilespmem:s11+$0x5C70];
	v0 =	vadd.f32 v2, v0  }
0x28b: {  	s18 =	sadd.s32 $0x15800, s12;
	v55 =	vld [tilespmem:s11+$0x9470];
	[tilespmem:s12+$0x15800] =	vst v52  }
0x28c: {  	v59 =	vld [tilespmem:s11+$0x10470];
	[tilespmem:s18+$0x40] =	vst v0;
	v56 =	vadd.f32 v50, v47  }
0x28d: {  	v57 =	vld [tilespmem:s1+$0x10400]  }
0x28e: {  	v58 =	vld [tilespmem:s1+$0xCC00];
	[tilespmem:s10+$0x410] =	vst v56  }
0x28f: {  	v0 =	vld [tilespmem:s11+$0x24A0]  }
0x290: {  	v60 =	vld [tilespmem:s11+$0x5CA0]  }
0x291: {  	v11 =	vld [tilespmem:s11+$0x94A0]  }
0x292: {  	v61 =	vld [tilespmem:s11+$0x24E0]  }
0x293: {  	v62 =	vld [tilespmem:s11+$0x5CE0];
	v6 =	vadd.f32 v58, v57  }
0x294: {  	v63 =	vld [tilespmem:s11+$0x94E0]  }
0x295: {  	v26 =	vld [tilespmem:s11+$0x104E0];
	[tilespmem:s18+$0x400] =	vst v6  }
0x296: {  	v1 =	vadd.f32 v45, v1;
	v6 =	vld [tilespmem:s1+$0x2410]  }
0x297: {  	v2 =	vadd.f32 v54, v53;
	v14 =	vld [tilespmem:s1+$0x5C10]  }
0x298: {  	v1 =	vadd.f32 v51, v1;
	v15 =	vld [tilespmem:s1+$0x2450]  }
0x299: {  	v25 =	vshll.u32 v59, $0x10;
	v9 =	vand.u32 $0xFFFF0000, v59;
	v2 =	vadd.f32 v55, v2;
	v16 =	vld [tilespmem:s1+$0x5C50]  }
0x29a: {  	v29 =	vmul.f32 v25, v1;
	v1 =	vmul.f32 v9, v1;
	v24 =	vld [tilespmem:s1+$0x10450]  }
0x29b: {  	v40 =	vadd.f32 v19, v28;
	v18 =	vmul.f32 v9, v2;
	v2 =	vmul.f32 v25, v2;
	v17 =	vld [tilespmem:s1+$0x9410]  }
0x29c: {  	v23 =	vld [tilespmem:s1+$0x9450];
	v0 =	vadd.f32 v60, v0;
	v8 =	vadd.f32 v62, v61  }
0x29d: {  	v31 =	vld [tilespmem:s19+$0x2440];
	v43 =	vadd.f32 v20, v40;
	v1 =	vadd.f32 v1, v2;
	v38 =	vshll.u32 v26, $0x10  }
0x29e: {  	v4 =	vand.u32 $0xFFFF0000, v26;
	v0 =	vadd.f32 v11, v0;
	v8 =	vadd.f32 v63, v8  }
0x29f: {  	s13 =	sadd.s32 $0x4, s31;
	v36 =	vld [tilespmem:s19+$0x9440];
	v6 =	vadd.f32 v14, v6;
	v27 =	vadd.f32 v16, v15;
	v32 =	vshll.u32 v24, $0x10  }
0x2a0: {  	s21 =	sshll.u32 s13, $0x7;
	v37 =	vld [tilespmem:s19+$0x10440];
	v7 =	vand.u32 $0xFFFF0000, v24;
	v16 =	vsub.f32 v29, v18;
	v41 =	vmul.f32 v38, v0  }
0x2a1: {  	v28 =	vld [tilespmem:s21+$0x5C00];
	v42 =	vmul.f32 v4, v8;
	v30 =	vadd.f32 v17, v6;
	v5 =	vadd.f32 v23, v27  }
0x2a2: {  	v26 =	vld [tilespmem:s21+$0x2400];
	v8 =	vmul.f32 v38, v8;
	v0 =	vmul.f32 v4, v0;
	v6 =	vadd.f32 v33, v31  }
0x2a3: {  	v29 =	vld [tilespmem:s21+$0x2440];
	v2 =	vsub.f32 v41, v42;
	v34 =	vmul.f32 v32, v30;
	v35 =	vmul.f32 v7, v5  }
0x2a4: {  	v38 =	vld [tilespmem:s21+$0x10440];
	v51 =	vadd.f32 v0, v8;
	v5 =	vmul.f32 v32, v5;
	v3 =	vmul.f32 v7, v30  }
0x2a5: {  	v33 =	vld [tilespmem:s21+$0x9400];
	v44 =	vadd.f32 v36, v6;
	[tilespmem:s10+$0x20] =	vst v2;
	v39 =	vsub.f32 v34, v35  }
0x2a6: {  	v46 =	vshll.u32 v37, $0x10;
	v47 =	vand.u32 $0xFFFF0000, v37;
	[tilespmem:s10+$0x60] =	vst v51;
	v30 =	vld [tilespmem:s21+$0x5C40];
	v3 =	vadd.f32 v3, v5  }
0x2a7: {  	v49 =	vmul.f32 v46, v43;
	v54 =	vld [tilespmem:s11+$0x104A0];
	v50 =	vmul.f32 v47, v44;
	[tilespmem:s18+$0x10] =	vst v39  }
0x2a8: {  	s12 =	sshll.u32 s26, $0x8;
	v55 =	vld [tilespmem:s11+$0xCCA0];
	v5 =	vmul.f32 v46, v44;
	[tilespmem:s18+$0x50] =	vst v3;
	v3 =	vmul.f32 v47, v43  }
0x2a9: {  	s29 =	sand.u32 $0x380, s19;
	s12 =	sand.u32 $0x7800, s12;
	[tilespmem:s0+$0x70] =	vst v1;
	v52 =	vsub.f32 v49, v50;
	v45 =	vld [tilespmem:s1+$0x10410]  }
0x2aa: {  	s12 =	sor.u32 s29, s12;
	[tilespmem:s0+$0x30] =	vst v16;
	v48 =	vld [tilespmem:s1+$0xCC10];
	v53 =	vadd.f32 v3, v5  }
0x2ab: {  	s20 =	sadd.s32 $0x15800, s12;
	v36 =	vld [tilespmem:s21+$0x9440];
	[tilespmem:s12+$0x15800] =	vst v52  }
0x2ac: {  	v0 =	vld [tilespmem:s11+$0x10430];
	[tilespmem:s20+$0x40] =	vst v53  }
0x2ad: {  	v1 =	vld [tilespmem:s19+$0x10400]  }
0x2ae: {  	s16 =	sadd.s32 $0x5, s31;
	v6 =	vadd.f32 v30, v29;
	v2 =	vadd.f32 v55, v54;
	v56 =	vld [tilespmem:s19+$0xCC00]  }
0x2af: {  	s24 =	sshll.u32 s16, $0x7;
	v3 =	vld [tilespmem:s11+$0xCC30];
	v4 =	vadd.f32 v48, v45  }
0x2b0: {  	v6 =	vadd.f32 v36, v6;
	v36 =	vld [tilespmem:s24+$0x2440];
	[tilespmem:s10+$0x420] =	vst v2  }
0x2b1: {  	v40 =	vld [tilespmem:s11+$0x24B0];
	[tilespmem:s18+$0x410] =	vst v4  }
0x2b2: {  	v57 =	vld [tilespmem:s1+$0x2420]  }
0x2b3: {  	v58 =	vld [tilespmem:s1+$0x5C20];
	v1 =	vadd.f32 v56, v1  }
0x2b4: {  	v60 =	vld [tilespmem:s1+$0x2460]  }
0x2b5: {  	v61 =	vld [tilespmem:s1+$0x5C60];
	[tilespmem:s20+$0x400] =	vst v1  }
0x2b6: {  	v1 =	vld [tilespmem:s19+$0x2410]  }
0x2b7: {  	v20 =	vld [tilespmem:s19+$0x5C10]  }
0x2b8: {  	v21 =	vld [tilespmem:s19+$0x2450]  }
0x2b9: {  	v22 =	vld [tilespmem:s19+$0x5C50]  }
0x2ba: {  	v23 =	vld [tilespmem:s19+$0x9410]  }
0x2bb: {  	v24 =	vld [tilespmem:s19+$0x9450]  }
0x2bc: {  	v25 =	vld [tilespmem:s19+$0x10450]  }
0x2bd: {  	v12 =	vadd.f32 v28, v26;
	v59 =	vld [tilespmem:s1+$0x9420]  }
0x2be: {  	v62 =	vld [tilespmem:s1+$0x9460];
	v1 =	vadd.f32 v20, v1;
	v27 =	vadd.f32 v22, v21  }
0x2bf: {  	v45 =	vadd.f32 v33, v12;
	v63 =	vld [tilespmem:s1+$0x10460];
	v5 =	vadd.f32 v58, v57  }
0x2c0: {  	v47 =	vshll.u32 v38, $0x10;
	v41 =	vld [tilespmem:s11+$0x5CB0];
	v1 =	vadd.f32 v23, v1;
	v11 =	vadd.f32 v24, v27  }
0x2c1: {  	v44 =	vld [tilespmem:s11+$0x94B0];
	v8 =	vadd.f32 v61, v60;
	v31 =	vshll.u32 v25, $0x10;
	v32 =	vand.u32 $0xFFFF0000, v25  }
0x2c2: {  	v46 =	vld [tilespmem:s11+$0x24F0];
	v5 =	vadd.f32 v59, v5;
	v34 =	vmul.f32 v31, v1;
	v35 =	vmul.f32 v32, v11  }
0x2c3: {  	v53 =	vld [tilespmem:s11+$0x5CF0];
	v4 =	vadd.f32 v62, v8;
	v9 =	vmul.f32 v31, v11;
	v1 =	vmul.f32 v32, v1  }
0x2c4: {  	v55 =	vld [tilespmem:s11+$0x94F0];
	v37 =	vshll.u32 v63, $0x10;
	v10 =	vand.u32 $0xFFFF0000, v63;
	v39 =	vsub.f32 v34, v35  }
0x2c5: {  	v33 =	vld [tilespmem:s24+$0x2400];
	v42 =	vmul.f32 v37, v5;
	v43 =	vmul.f32 v10, v4;
	v1 =	vadd.f32 v1, v9  }
0x2c6: {  	v56 =	vld [tilespmem:s11+$0x104F0];
	v8 =	vand.u32 $0xFFFF0000, v38;
	v4 =	vmul.f32 v37, v4;
	v5 =	vmul.f32 v10, v5;
	[tilespmem:s20+$0x10] =	vst v39  }
0x2c7: {  	v50 =	vmul.f32 v47, v45;
	v2 =	vmul.f32 v8, v45;
	v45 =	vld [tilespmem:s24+$0x10440];
	v48 =	vsub.f32 v42, v43;
	[tilespmem:s20+$0x50] =	vst v1  }
0x2c8: {  	v4 =	vadd.f32 v5, v4;
	v49 =	vld [tilespmem:s19+$0x10410]  }
0x2c9: {  	v51 =	vmul.f32 v8, v6;
	[tilespmem:s18+$0x20] =	vst v48;
	v52 =	vld [tilespmem:s19+$0xCC10]  }
0x2ca: {  	s12 =	sshll.u32 s13, $0x8;
	v42 =	vld [tilespmem:s24+$0x9400];
	[tilespmem:s18+$0x60] =	vst v4;
	v1 =	vmul.f32 v47, v6  }
0x2cb: {  	s15 =	sand.u32 $0x300, s21;
	s12 =	sand.u32 $0x7800, s12;
	v54 =	vsub.f32 v50, v51;
	v4 =	vld [tilespmem:s1+$0x10420]  }
0x2cc: {  	s12 =	sor.u32 s15, s12;
	v59 =	vld [tilespmem:s1+$0xCC20];
	v1 =	vadd.f32 v2, v1  }
0x2cd: {  	s22 =	sadd.s32 $0x15800, s12;
	[tilespmem:s12+$0x15800] =	vst v54;
	v35 =	vld [tilespmem:s24+$0x5C00]  }
0x2ce: {  	v39 =	vld [tilespmem:s24+$0x5C40];
	[tilespmem:s22+$0x40] =	vst v1;
	v57 =	vadd.f32 v52, v49  }
0x2cf: {  	v58 =	vld [tilespmem:s21+$0x10400]  }
0x2d0: {  	v8 =	vld [tilespmem:s21+$0xCC00];
	[tilespmem:s20+$0x410] =	vst v57  }
0x2d1: {  	v1 =	vld [tilespmem:s19+$0x2420]  }
0x2d2: {  	v60 =	vld [tilespmem:s19+$0x5C20]  }
0x2d3: {  	v61 =	vld [tilespmem:s19+$0x9420]  }
0x2d4: {  	v62 =	vld [tilespmem:s19+$0x2460]  }
0x2d5: {  	v63 =	vld [tilespmem:s19+$0x5C60];
	v5 =	vadd.f32 v8, v58  }
0x2d6: {  	v11 =	vadd.f32 v41, v40;
	v6 =	vadd.f32 v53, v46;
	v24 =	vld [tilespmem:s19+$0x9460]  }
0x2d7: {  	v32 =	vld [tilespmem:s19+$0x10460];
	[tilespmem:s22+$0x400] =	vst v5  }
0x2d8: {  	v9 =	vadd.f32 v44, v11;
	v6 =	vadd.f32 v55, v6;
	v5 =	vld [tilespmem:s21+$0x2410]  }
0x2d9: {  	v29 =	vshll.u32 v56, $0x10;
	v2 =	vand.u32 $0xFFFF0000, v56;
	v25 =	vld [tilespmem:s21+$0x5C10]  }
0x2da: {  	v31 =	vmul.f32 v29, v9;
	v4 =	vadd.f32 v59, v4;
	v21 =	vmul.f32 v2, v6;
	v26 =	vld [tilespmem:s21+$0x2450]  }
0x2db: {  	v6 =	vmul.f32 v29, v6;
	v2 =	vmul.f32 v2, v9;
	v48 =	vadd.f32 v39, v36;
	v27 =	vld [tilespmem:s21+$0x5C50]  }
0x2dc: {  	v34 =	vsub.f32 v31, v21;
	v28 =	vld [tilespmem:s21+$0x9410];
	v1 =	vadd.f32 v60, v1  }
0x2dd: {  	v2 =	vadd.f32 v2, v6;
	v30 =	vld [tilespmem:s21+$0x9450];
	v8 =	vadd.f32 v63, v62  }
0x2de: {  	v6 =	vadd.f32 v35, v33;
	v22 =	vld [tilespmem:s21+$0x10450];
	v44 =	vadd.f32 v61, v1  }
0x2df: {  	v43 =	vld [tilespmem:s24+$0x9440];
	[tilespmem:s18+$0x420] =	vst v4;
	v46 =	vshll.u32 v32, $0x10;
	v47 =	vand.u32 $0xFFFF0000, v32;
	v8 =	vadd.f32 v24, v8  }
0x2e0: {  	v9 =	vld [tilespmem:s1+$0x2430];
	v5 =	vadd.f32 v25, v5;
	v7 =	vadd.f32 v27, v26;
	v49 =	vmul.f32 v46, v44  }
0x2e1: {  	v17 =	vld [tilespmem:s1+$0x9430];
	v51 =	vadd.f32 v42, v6;
	v50 =	vmul.f32 v47, v8;
	v8 =	vmul.f32 v46, v8  }
0x2e2: {  	v59 =	vld [tilespmem:s1+$0x2470];
	[tilespmem:s10+$0x30] =	vst v34;
	v4 =	vmul.f32 v47, v44;
	v5 =	vadd.f32 v28, v5;
	v7 =	vadd.f32 v30, v7  }
0x2e3: {  	[tilespmem:s10+$0x70] =	vst v2;
	v42 =	vld [tilespmem:s1+$0x10470];
	v37 =	vshll.u32 v22, $0x10;
	v38 =	vand.u32 $0xFFFF0000, v22;
	v10 =	vsub.f32 v49, v50  }
0x2e4: {  	v2 =	vld [tilespmem:s11+$0xCCB0];
	v4 =	vadd.f32 v4, v8;
	v40 =	vmul.f32 v37, v5;
	v41 =	vmul.f32 v38, v7  }
0x2e5: {  	v52 =	vadd.f32 v43, v48;
	v1 =	vld [tilespmem:s11+$0x104B0];
	v7 =	vmul.f32 v37, v7;
	v5 =	vmul.f32 v38, v5;
	[tilespmem:s20+$0x20] =	vst v10  }
0x2e6: {  	s25 =	sshll.u32 s16, $0x8;
	v54 =	vshll.u32 v45, $0x10;
	v61 =	vld [tilespmem:s1+$0x5C70];
	[tilespmem:s20+$0x60] =	vst v4  }
0x2e7: {  	s26 =	sand.u32 $0x380, s24;
	s29 =	sadd.s32 $0x6, s31;
	v55 =	vand.u32 $0xFFFF0000, v45;
	v6 =	vmul.f32 v54, v52;
	s11 =	sand.u32 $0x7800, s25;
	v63 =	vld [tilespmem:s19+$0x10420];
	v5 =	vadd.f32 v5, v7  }
0x2e8: {  	v57 =	vmul.f32 v54, v51;
	v58 =	vmul.f32 v55, v52;
	v21 =	vshll.u32 v42, $0x10;
	s11 =	sor.u32 s26, s11;
	s26 =	sshll.u32 s29, $0x7;
	v24 =	vld [tilespmem:s19+$0xCC20]  }
0x2e9: {  	v22 =	vand.u32 $0xFFFF0000, v42;
	v42 =	vld [tilespmem:s26+$0x10440];
	v16 =	vsub.f32 v40, v41;
	[tilespmem:s22+$0x50] =	vst v5;
	v5 =	vmul.f32 v55, v51  }
0x2ea: {  	v60 =	vsub.f32 v57, v58;
	v40 =	vld [tilespmem:s1+$0x9470]  }
0x2eb: {  	[tilespmem:s22+$0x10] =	vst v16;
	v16 =	vld [tilespmem:s1+$0x5C30];
	v62 =	vadd.f32 v5, v6  }
0x2ec: {  	s25 =	sadd.s32 $0x15800, s11;
	[tilespmem:s11+$0x15800] =	vst v60;
	v53 =	vld [tilespmem:s21+$0x10410]  }
0x2ed: {  	v56 =	vld [tilespmem:s21+$0xCC10];
	v5 =	vadd.f32 v24, v63;
	[tilespmem:s25+$0x40] =	vst v62  }
0x2ee: {  	v4 =	vld [tilespmem:s24+$0x10400]  }
0x2ef: {  	[tilespmem:s20+$0x420] =	vst v5;
	v25 =	vld [tilespmem:s24+$0xCC00]  }
0x2f0: {  	v45 =	vld [tilespmem:s19+$0x2430]  }
0x2f1: {  	v23 =	vld [tilespmem:s19+$0x5C30]  }
0x2f2: {  	v51 =	vld [tilespmem:s19+$0x2470];
	v7 =	vadd.f32 v56, v53  }
0x2f3: {  	v24 =	vld [tilespmem:s19+$0x5C70]  }
0x2f4: {  	v57 =	vld [tilespmem:s19+$0x10470];
	[tilespmem:s22+$0x410] =	vst v7  }
0x2f5: {  	v26 =	vld [tilespmem:s21+$0x2420]  }
0x2f6: {  	v27 =	vld [tilespmem:s21+$0x5C20]  }
0x2f7: {  	v28 =	vld [tilespmem:s21+$0x9420]  }
0x2f8: {  	v29 =	vld [tilespmem:s21+$0x2460]  }
0x2f9: {  	v30 =	vld [tilespmem:s21+$0x5C60];
	v4 =	vadd.f32 v25, v4  }
0x2fa: {  	v31 =	vld [tilespmem:s21+$0x9460]  }
0x2fb: {  	v32 =	vld [tilespmem:s21+$0x10460];
	[tilespmem:s25+$0x400] =	vst v4  }
0x2fc: {  	v4 =	vld [tilespmem:s24+$0x2410]  }
0x2fd: {  	v33 =	vld [tilespmem:s24+$0x5C10]  }
0x2fe: {  	v58 =	vadd.f32 v16, v9;
	v34 =	vld [tilespmem:s24+$0x2450]  }
0x2ff: {  	v59 =	vadd.f32 v61, v59;
	v35 =	vld [tilespmem:s24+$0x5C50]  }
0x300: {  	v62 =	vadd.f32 v17, v58;
	v36 =	vld [tilespmem:s24+$0x9410]  }
0x301: {  	v63 =	vadd.f32 v40, v59;
	v38 =	vld [tilespmem:s24+$0x9450];
	v10 =	vadd.f32 v27, v26  }
0x302: {  	v17 =	vmul.f32 v21, v62;
	v23 =	vadd.f32 v23, v45;
	v39 =	vld [tilespmem:s24+$0x10450];
	v37 =	vadd.f32 v30, v29  }
0x303: {  	v49 =	vld [tilespmem:s19+$0x9430];
	v25 =	vadd.f32 v24, v51;
	v11 =	vand.u32 $0xFFFF0000, v57;
	v10 =	vadd.f32 v28, v10  }
0x304: {  	v55 =	vld [tilespmem:s19+$0x9470];
	v41 =	vshll.u32 v32, $0x10;
	v7 =	vadd.f32 v31, v37;
	v4 =	vadd.f32 v33, v4  }
0x305: {  	v43 =	vand.u32 $0xFFFF0000, v32;
	v27 =	vmul.f32 v22, v63;
	v30 =	vld [tilespmem:s26+$0x5C00];
	v44 =	vadd.f32 v35, v34  }
0x306: {  	v32 =	vld [tilespmem:s26+$0x2440];
	v46 =	vmul.f32 v41, v10;
	v47 =	vmul.f32 v43, v7;
	v4 =	vadd.f32 v36, v4  }
0x307: {  	v28 =	vld [tilespmem:s26+$0x2400];
	v7 =	vmul.f32 v41, v7;
	v50 =	vshll.u32 v39, $0x10;
	v48 =	vadd.f32 v38, v44  }
0x308: {  	v5 =	vmul.f32 v43, v10;
	v6 =	vand.u32 $0xFFFF0000, v39;
	v36 =	vld [tilespmem:s26+$0x5C40];
	v52 =	vmul.f32 v50, v4  }
0x309: {  	v29 =	vadd.f32 v49, v23;
	v39 =	vld [tilespmem:s26+$0x9400];
	v54 =	vmul.f32 v50, v48;
	v4 =	vmul.f32 v6, v4  }
0x30a: {  	v51 =	vand.u32 $0xFFFF0000, v42;
	v33 =	vsub.f32 v17, v27;
	v41 =	vld [tilespmem:s26+$0x9440];
	v5 =	vadd.f32 v5, v7  }
0x30b: {  	v31 =	vshll.u32 v57, $0x10;
	v20 =	vsub.f32 v46, v47;
	v4 =	vadd.f32 v4, v54  }
0x30c: {  	v45 =	vadd.f32 v30, v28;
	v53 =	vmul.f32 v6, v48;
	[tilespmem:s22+$0x60] =	vst v5;
	v5 =	vmul.f32 v21, v63  }
0x30d: {  	v6 =	vadd.f32 v55, v25;
	v46 =	vadd.f32 v36, v32;
	[tilespmem:s25+$0x50] =	vst v4;
	v4 =	vmul.f32 v22, v62  }
0x30e: {  	v34 =	vmul.f32 v31, v29;
	[tilespmem:s22+$0x20] =	vst v20;
	v47 =	vadd.f32 v39, v45;
	v56 =	vsub.f32 v52, v53  }
0x30f: {  	[tilespmem:s18+$0x30] =	vst v33;
	v60 =	vld [tilespmem:s21+$0x10420];
	v35 =	vmul.f32 v11, v6;
	v48 =	vadd.f32 v41, v46;
	v4 =	vadd.f32 v4, v5  }
0x310: {  	v38 =	vmul.f32 v11, v29;
	v50 =	vshll.u32 v42, $0x10;
	v61 =	vld [tilespmem:s21+$0xCC20];
	v37 =	vmul.f32 v31, v6;
	[tilespmem:s25+$0x10] =	vst v56  }
0x311: {  	v53 =	vmul.f32 v50, v47;
	v40 =	vsub.f32 v34, v35;
	v10 =	vld [tilespmem:s24+$0x10410];
	v15 =	vmul.f32 v51, v48;
	[tilespmem:s18+$0x70] =	vst v4  }
0x312: {  	s12 =	sshll.u32 s29, $0x8;
	v6 =	vadd.f32 v38, v37;
	v4 =	vld [tilespmem:s1+$0x10430]  }
0x313: {  	s13 =	sand.u32 $0x300, s26;
	[tilespmem:s20+$0x30] =	vst v40;
	v5 =	vld [tilespmem:s1+$0xCC30];
	v56 =	vsub.f32 v53, v15;
	s1 =	sand.u32 $0x7800, s12  }
0x314: {  	s15 =	sadd.s32 $0x7, s31;
	v26 =	vld [tilespmem:s24+$0xCC10];
	[tilespmem:s20+$0x70] =	vst v6;
	s11 =	sor.u32 s13, s1  }
0x315: {  	v6 =	vld [tilespmem:s19+$0x10430];
	s1 =	sadd.s32 $0x15800, s11;
	[tilespmem:s11+$0x15800] =	vst v56;
	s11 =	sshll.u32 s15, $0x7  }
0x316: {  	v43 =	vadd.f32 v61, v60;
	v61 =	vld [tilespmem:s11+$0x2400]  }
0x317: {  	v62 =	vld [tilespmem:s11+$0x5C00]  }
0x318: {  	v63 =	vld [tilespmem:s11+$0x2440]  }
0x319: {  	v44 =	vadd.f32 v26, v10;
	v24 =	vld [tilespmem:s11+$0x5C40]  }
0x31a: {  	v8 =	vmul.f32 v51, v47;
	v9 =	vmul.f32 v50, v48;
	v25 =	vld [tilespmem:s11+$0x9400]  }
0x31b: {  	[tilespmem:s25+$0x410] =	vst v44;
	v26 =	vld [tilespmem:s11+$0x9440]  }
0x31c: {  	v8 =	vadd.f32 v8, v9;
	v49 =	vld [tilespmem:s24+$0x2420]  }
0x31d: {  	v55 =	vld [tilespmem:s24+$0x2460]  }
0x31e: {  	[tilespmem:s1+$0x40] =	vst v8;
	v57 =	vld [tilespmem:s24+$0x5C60]  }
0x31f: {  	v8 =	vld [tilespmem:s26+$0x10400]  }
0x320: {  	v60 =	vld [tilespmem:s26+$0xCC00]  }
0x321: {  	v52 =	vld [tilespmem:s24+$0x5C20]  }
0x322: {  	v58 =	vld [tilespmem:s24+$0x9460]  }
0x323: {  	v28 =	vld [tilespmem:s11+$0x10440]  }
0x324: {  	v54 =	vld [tilespmem:s24+$0x9420];
	v13 =	vadd.f32 v24, v63  }
0x325: {  	[tilespmem:s22+$0x420] =	vst v43;
	v59 =	vld [tilespmem:s24+$0x10460];
	v11 =	vadd.f32 v57, v55;
	v8 =	vadd.f32 v60, v8  }
0x326: {  	v7 =	vld [tilespmem:s21+$0x2430];
	v17 =	vadd.f32 v62, v61;
	v10 =	vadd.f32 v52, v49  }
0x327: {  	v9 =	vadd.f32 v58, v11;
	[tilespmem:s1+$0x400] =	vst v8;
	v11 =	vadd.f32 v26, v13;
	v13 =	vld [tilespmem:s21+$0x2470]  }
0x328: {  	v30 =	vld [tilespmem:s26+$0x2410]  }
0x329: {  	v14 =	vadd.f32 v25, v17;
	v10 =	vadd.f32 v54, v10;
	v31 =	vld [tilespmem:s26+$0x5C10]  }
0x32a: {  	v35 =	vshll.u32 v28, $0x10;
	v27 =	vshll.u32 v59, $0x10;
	v32 =	vld [tilespmem:s26+$0x2450]  }
0x32b: {  	v12 =	vand.u32 $0xFFFF0000, v59;
	v33 =	vld [tilespmem:s26+$0x5C50];
	v17 =	vmul.f32 v35, v14;
	v16 =	vmul.f32 v27, v10  }
0x32c: {  	v8 =	vand.u32 $0xFFFF0000, v28;
	v34 =	vld [tilespmem:s26+$0x9410];
	v29 =	vmul.f32 v12, v9;
	v9 =	vmul.f32 v27, v9  }
0x32d: {  	v36 =	vld [tilespmem:s26+$0x9450];
	v10 =	vmul.f32 v12, v10;
	v37 =	vmul.f32 v8, v11  }
0x32e: {  	v38 =	vld [tilespmem:s26+$0x10450];
	v39 =	vmul.f32 v35, v11;
	v8 =	vmul.f32 v8, v14;
	v16 =	vsub.f32 v16, v29  }
0x32f: {  	s12 =	sshll.u32 s15, $0x8;
	v14 =	vld [tilespmem:s21+$0x5C70];
	v9 =	vadd.f32 v10, v9  }
0x330: {  	s12 =	sand.u32 $0x7800, s12;
	s16 =	sand.u32 $0x380, s11;
	v42 =	vsub.f32 v17, v37;
	v44 =	vadd.f32 v8, v39;
	v8 =	vld [tilespmem:s21+$0x9430];
	[tilespmem:s25+$0x20] =	vst v16  }
0x331: {  	s13 =	sor.u32 s16, s12;
	[tilespmem:s25+$0x60] =	vst v9;
	v9 =	vld [tilespmem:s21+$0x5C30]  }
0x332: {  	s12 =	sadd.s32 $0x15800, s13;
	[tilespmem:s13+$0x15800] =	vst v42;
	v40 =	vld [tilespmem:s24+$0x10420]  }
0x333: {  	[tilespmem:s12+$0x40] =	vst v44;
	v43 =	vld [tilespmem:s24+$0xCC20]  }
0x334: {  	s15 =	sadd.s32 $0x8, s31;
	v47 =	vld [tilespmem:s11+$0x10400]  }
0x335: {  	s13 =	sshll.u32 s15, $0x7;
	v49 =	vld [tilespmem:s11+$0xCC00]  }
0x336: {  	v41 =	vadd.f32 v31, v30;
	v12 =	vadd.f32 v33, v32;
	v60 =	vld [tilespmem:s13+$0x2400]  }
0x337: {  	v25 =	vld [tilespmem:s13+$0x5C00]  }
0x338: {  	v26 =	vld [tilespmem:s13+$0x2440];
	v10 =	vadd.f32 v34, v41;
	v12 =	vadd.f32 v36, v12  }
0x339: {  	v45 =	vshll.u32 v38, $0x10;
	v46 =	vand.u32 $0xFFFF0000, v38;
	v27 =	vld [tilespmem:s13+$0x5C40]  }
0x33a: {  	v28 =	vld [tilespmem:s13+$0x9400];
	v48 =	vmul.f32 v45, v10;
	v19 =	vmul.f32 v46, v12  }
0x33b: {  	v62 =	vld [tilespmem:s13+$0x9440];
	v50 =	vmul.f32 v45, v12;
	v10 =	vmul.f32 v46, v10;
	v11 =	vadd.f32 v43, v40  }
0x33c: {  	v63 =	vld [tilespmem:s13+$0x10440];
	v51 =	vsub.f32 v48, v19  }
0x33d: {  	v12 =	vld [tilespmem:s21+$0x9470];
	v17 =	vadd.f32 v10, v50;
	[tilespmem:s25+$0x420] =	vst v11  }
0x33e: {  	v11 =	vld [tilespmem:s21+$0x10470];
	[tilespmem:s1+$0x10] =	vst v51  }
0x33f: {  	v52 =	vadd.f32 v49, v47;
	[tilespmem:s1+$0x50] =	vst v17;
	v10 =	vld [tilespmem:s24+$0x2430]  }
0x340: {  	v34 =	vadd.f32 v25, v60;
	v35 =	vadd.f32 v27, v26;
	v53 =	vld [tilespmem:s26+$0x10410]  }
0x341: {  	[tilespmem:s12+$0x400] =	vst v52;
	v17 =	vld [tilespmem:s26+$0xCC10]  }
0x342: {  	v39 =	vadd.f32 v28, v34;
	v20 =	vadd.f32 v62, v35;
	v15 =	vld [tilespmem:s11+$0x2410]  }
0x343: {  	v41 =	vshll.u32 v63, $0x10;
	v21 =	vand.u32 $0xFFFF0000, v63;
	v54 =	vld [tilespmem:s11+$0x5C10]  }
0x344: {  	v55 =	vld [tilespmem:s11+$0x9410];
	v43 =	vmul.f32 v41, v39;
	v44 =	vmul.f32 v21, v20  }
0x345: {  	s15 =	sshll.u32 s15, $0x8;
	v56 =	vld [tilespmem:s11+$0x2450];
	v45 =	vmul.f32 v41, v20;
	v46 =	vmul.f32 v21, v39  }
0x346: {  	s15 =	sand.u32 $0x7800, s15;
	v57 =	vld [tilespmem:s11+$0x5C50];
	v48 =	vsub.f32 v43, v44  }
0x347: {  	s15 =	sor.u32 s23, s15;
	v58 =	vld [tilespmem:s11+$0x9450];
	v50 =	vadd.f32 v46, v45  }
0x348: {  	s23 =	sadd.s32 $0x15800, s15;
	v59 =	vld [tilespmem:s11+$0x10450];
	[tilespmem:s15+$0x15800] =	vst v48  }
0x349: {  	v16 =	vld [tilespmem:s24+$0x5C30];
	[tilespmem:s23+$0x40] =	vst v50  }
0x34a: {  	s16 =	sadd.s32 $0x9, s31;
	v21 =	vld [tilespmem:s13+$0x10400]  }
0x34b: {  	v15 =	vadd.f32 v54, v15;
	s15 =	sshll.u32 s16, $0x7;
	v54 =	vld [tilespmem:s13+$0xCC00]  }
0x34c: {  	v61 =	vadd.f32 v57, v56;
	v56 =	vld [tilespmem:s15+$0x5C00]  }
0x34d: {  	v62 =	vld [tilespmem:s15+$0x9400]  }
0x34e: {  	v17 =	vadd.f32 v17, v53;
	v19 =	vadd.f32 v55, v15;
	v15 =	vld [tilespmem:s24+$0x9430]  }
0x34f: {  	v55 =	vld [tilespmem:s15+$0x2400]  }
0x350: {  	v18 =	vadd.f32 v58, v61;
	[tilespmem:s1+$0x410] =	vst v17;
	v58 =	vld [tilespmem:s15+$0x2440]  }
0x351: {  	v36 =	vld [tilespmem:s26+$0x2420]  }
0x352: {  	v29 =	vld [tilespmem:s26+$0x5C20]  }
0x353: {  	v42 =	vld [tilespmem:s26+$0x2460]  }
0x354: {  	v32 =	vshll.u32 v59, $0x10;
	v33 =	vand.u32 $0xFFFF0000, v59;
	v30 =	vld [tilespmem:s26+$0x5C60]  }
0x355: {  	v40 =	vld [tilespmem:s26+$0x9420];
	v37 =	vmul.f32 v32, v19;
	v38 =	vmul.f32 v33, v18  }
0x356: {  	v47 =	vld [tilespmem:s26+$0x9460];
	v18 =	vmul.f32 v32, v18;
	v17 =	vmul.f32 v33, v19  }
0x357: {  	v49 =	vld [tilespmem:s26+$0x10460];
	v26 =	vsub.f32 v37, v38  }
0x358: {  	v61 =	vld [tilespmem:s15+$0x5C40];
	v17 =	vadd.f32 v17, v18  }
0x359: {  	v32 =	vld [tilespmem:s15+$0x9440];
	[tilespmem:s12+$0x10] =	vst v26;
	v53 =	vadd.f32 v29, v36;
	v24 =	vadd.f32 v30, v42  }
0x35a: {  	v33 =	vld [tilespmem:s15+$0x10440];
	v21 =	vadd.f32 v54, v21;
	[tilespmem:s12+$0x50] =	vst v17  }
0x35b: {  	v51 =	vld [tilespmem:s11+$0x10410];
	v17 =	vadd.f32 v40, v53;
	v20 =	vadd.f32 v47, v24  }
0x35c: {  	v57 =	vshll.u32 v49, $0x10;
	v22 =	vand.u32 $0xFFFF0000, v49;
	v52 =	vld [tilespmem:s11+$0xCC10]  }
0x35d: {  	v18 =	vld [tilespmem:s24+$0x5C70];
	v34 =	vadd.f32 v56, v55;
	[tilespmem:s23+$0x400] =	vst v21;
	v59 =	vmul.f32 v57, v17;
	v60 =	vmul.f32 v22, v20  }
0x35e: {  	v35 =	vadd.f32 v61, v58;
	v21 =	vld [tilespmem:s13+$0x2410];
	v20 =	vmul.f32 v57, v20;
	v17 =	vmul.f32 v22, v17  }
0x35f: {  	v37 =	vadd.f32 v62, v34;
	v46 =	vld [tilespmem:s13+$0x5C10]  }
0x360: {  	v38 =	vadd.f32 v32, v35;
	v48 =	vld [tilespmem:s13+$0x5C50];
	v20 =	vadd.f32 v17, v20  }
0x361: {  	v41 =	vand.u32 $0xFFFF0000, v33;
	v50 =	vld [tilespmem:s13+$0x9410];
	v40 =	vshll.u32 v33, $0x10;
	v19 =	vadd.f32 v52, v51  }
0x362: {  	v31 =	vld [tilespmem:s13+$0x9450];
	v43 =	vmul.f32 v40, v37;
	v29 =	vmul.f32 v41, v38;
	[tilespmem:s1+$0x60] =	vst v20  }
0x363: {  	s16 =	sshll.u32 s16, $0x8;
	v32 =	vld [tilespmem:s13+$0x10450];
	v63 =	vsub.f32 v59, v60;
	[tilespmem:s12+$0x410] =	vst v19;
	v20 =	vmul.f32 v40, v38;
	v19 =	vmul.f32 v41, v37  }
0x364: {  	s16 =	sand.u32 $0x7800, s16;
	s29 =	sand.u32 $0x380, s15;
	v47 =	vld [tilespmem:s13+$0x2450];
	v45 =	vsub.f32 v43, v29  }
0x365: {  	s16 =	sor.u32 s29, s16;
	v17 =	vld [tilespmem:s24+$0x2470];
	[tilespmem:s1+$0x20] =	vst v63;
	v19 =	vadd.f32 v19, v20  }
0x366: {  	[tilespmem:s16+$0x15800] =	vst v45;
	s16 =	sadd.s32 $0x15800, s16;
	v24 =	vld [tilespmem:s26+$0x10420]  }
0x367: {  	v36 =	vld [tilespmem:s26+$0xCC20];
	[tilespmem:s16+$0x40] =	vst v19  }
0x368: {  	v19 =	vld [tilespmem:s15+$0x10400]  }
0x369: {  	v49 =	vld [tilespmem:s15+$0xCC00]  }
0x36a: {  	v39 =	vld [tilespmem:s11+$0x2420]  }
0x36b: {  	v42 =	vld [tilespmem:s11+$0x5C20]  }
0x36c: {  	v44 =	vld [tilespmem:s11+$0x9420]  }
0x36d: {  	v21 =	vadd.f32 v46, v21;
	v33 =	vld [tilespmem:s11+$0x2460]  }
0x36e: {  	v51 =	vld [tilespmem:s11+$0x5C60];
	v20 =	vadd.f32 v48, v47;
	v19 =	vadd.f32 v49, v19  }
0x36f: {  	v52 =	vld [tilespmem:s11+$0x9460]  }
0x370: {  	v21 =	vadd.f32 v50, v21;
	v53 =	vld [tilespmem:s11+$0x10460];
	v20 =	vadd.f32 v31, v20;
	[tilespmem:s16+$0x400] =	vst v19  }
0x371: {  	v54 =	vshll.u32 v32, $0x10;
	v55 =	vand.u32 $0xFFFF0000, v32;
	v56 =	vld [tilespmem:s15+$0x2410]  }
0x372: {  	v57 =	vmul.f32 v54, v21;
	v34 =	vmul.f32 v55, v20;
	v35 =	vld [tilespmem:s15+$0x5C10]  }
0x373: {  	v58 =	vmul.f32 v55, v21;
	v19 =	vmul.f32 v54, v20;
	v59 =	vld [tilespmem:s15+$0x2450]  }
0x374: {  	v60 =	vsub.f32 v57, v34;
	v61 =	vld [tilespmem:s15+$0x5C50]  }
0x375: {  	v22 =	vadd.f32 v42, v39;
	v62 =	vld [tilespmem:s15+$0x9410];
	v19 =	vadd.f32 v58, v19  }
0x376: {  	v25 =	vadd.f32 v51, v33;
	[tilespmem:s23+$0x10] =	vst v60;
	v63 =	vld [tilespmem:s15+$0x9450]  }
0x377: {  	v24 =	vadd.f32 v36, v24;
	v22 =	vadd.f32 v44, v22;
	v36 =	vld [tilespmem:s15+$0x10450];
	[tilespmem:s23+$0x50] =	vst v19  }
0x378: {  	v37 =	vshll.u32 v53, $0x10;
	v38 =	vand.u32 $0xFFFF0000, v53;
	v23 =	vadd.f32 v52, v25;
	v39 =	vld [tilespmem:s13+$0x10410]  }
0x379: {  	v40 =	vmul.f32 v37, v22;
	v41 =	vld [tilespmem:s13+$0xCC10];
	v31 =	vadd.f32 v35, v56;
	v21 =	vadd.f32 v61, v59  }
0x37a: {  	v32 =	vld [tilespmem:s24+$0x9470];
	v42 =	vmul.f32 v38, v23;
	v23 =	vmul.f32 v37, v23  }
0x37b: {  	v25 =	vld [tilespmem:s24+$0x10470];
	[tilespmem:s1+$0x420] =	vst v24;
	v22 =	vmul.f32 v38, v22;
	v20 =	vadd.f32 v62, v31;
	v21 =	vadd.f32 v63, v21  }
0x37c: {  	v24 =	vld [tilespmem:s26+$0x2430];
	v43 =	vsub.f32 v40, v42;
	v44 =	vshll.u32 v36, $0x10;
	v19 =	vand.u32 $0xFFFF0000, v36  }
0x37d: {  	v29 =	vld [tilespmem:s26+$0x5C30];
	v22 =	vadd.f32 v22, v23;
	v45 =	vmul.f32 v44, v20;
	v46 =	vmul.f32 v19, v21  }
0x37e: {  	v33 =	vld [tilespmem:s26+$0x9430];
	[tilespmem:s12+$0x20] =	vst v43;
	v47 =	vadd.f32 v41, v39;
	v21 =	vmul.f32 v44, v21;
	v19 =	vmul.f32 v19, v20  }
0x37f: {  	v27 =	vld [tilespmem:s26+$0x10470];
	[tilespmem:s12+$0x60] =	vst v22;
	v48 =	vsub.f32 v45, v46  }
0x380: {  	v23 =	vld [tilespmem:s26+$0x5C70];
	[tilespmem:s23+$0x410] =	vst v47;
	v19 =	vadd.f32 v19, v21  }
0x381: {  	v49 =	vld [tilespmem:s11+$0x10420];
	[tilespmem:s16+$0x10] =	vst v48  }
0x382: {  	v50 =	vld [tilespmem:s13+$0x2420];
	[tilespmem:s16+$0x50] =	vst v19  }
0x383: {  	v19 =	vld [tilespmem:s15+$0x10410]  }
0x384: {  	v51 =	vld [tilespmem:s15+$0xCC10]  }
0x385: {  	v52 =	vld [tilespmem:s13+$0x5C20]  }
0x386: {  	v53 =	vld [tilespmem:s13+$0x2460]  }
0x387: {  	v54 =	vld [tilespmem:s13+$0x5C60]  }
0x388: {  	v55 =	vld [tilespmem:s13+$0x9420]  }
0x389: {  	v56 =	vld [tilespmem:s13+$0x9460];
	v19 =	vadd.f32 v51, v19  }
0x38a: {  	v57 =	vld [tilespmem:s13+$0x10460]  }
0x38b: {  	v58 =	vld [tilespmem:s11+$0xCC20];
	[tilespmem:s16+$0x410] =	vst v19  }
0x38c: {  	v60 =	vadd.f32 v54, v53;
	v61 =	vld [tilespmem:s15+$0x2420]  }
0x38d: {  	v59 =	vadd.f32 v52, v50;
	v62 =	vld [tilespmem:s15+$0x5C20]  }
0x38e: {  	v22 =	vadd.f32 v56, v60;
	v63 =	vld [tilespmem:s15+$0x2460]  }
0x38f: {  	v40 =	vshll.u32 v57, $0x10;
	v26 =	vand.u32 $0xFFFF0000, v57;
	v19 =	vadd.f32 v55, v59;
	v41 =	vld [tilespmem:s15+$0x5C60]  }
0x390: {  	v31 =	vmul.f32 v40, v22;
	v22 =	vmul.f32 v26, v22;
	v37 =	vld [tilespmem:s15+$0x9420]  }
0x391: {  	v21 =	vadd.f32 v58, v49;
	v42 =	vld [tilespmem:s15+$0x9460];
	v36 =	vmul.f32 v40, v19;
	v19 =	vmul.f32 v26, v19  }
0x392: {  	v43 =	vld [tilespmem:s15+$0x10460]  }
0x393: {  	v20 =	vld [tilespmem:s26+$0x2470];
	[tilespmem:s12+$0x420] =	vst v21;
	v22 =	vsub.f32 v36, v22;
	v19 =	vadd.f32 v19, v31  }
0x394: {  	v30 =	vld [tilespmem:s11+$0x2430];
	v44 =	vadd.f32 v62, v61;
	v45 =	vadd.f32 v41, v63  }
0x395: {  	v21 =	vld [tilespmem:s11+$0x9430];
	[tilespmem:s23+$0x20] =	vst v22  }
0x396: {  	v54 =	vld [tilespmem:s11+$0x2470];
	[tilespmem:s23+$0x60] =	vst v19;
	v46 =	vadd.f32 v37, v44;
	v47 =	vadd.f32 v42, v45  }
0x397: {  	v49 =	vshll.u32 v43, $0x10;
	v50 =	vand.u32 $0xFFFF0000, v43;
	v48 =	vld [tilespmem:s13+$0x10420]  }
0x398: {  	v51 =	vld [tilespmem:s13+$0xCC20];
	v52 =	vmul.f32 v49, v46;
	v35 =	vmul.f32 v50, v47  }
0x399: {  	v7 =	vadd.f32 v9, v7;
	v57 =	vld [tilespmem:s11+$0x5C70];
	v53 =	vmul.f32 v49, v47;
	v19 =	vmul.f32 v50, v46  }
0x39a: {  	v13 =	vadd.f32 v14, v13;
	v60 =	vld [tilespmem:s11+$0x9470];
	v55 =	vsub.f32 v52, v35  }
0x39b: {  	v7 =	vadd.f32 v8, v7;
	v31 =	vld [tilespmem:s26+$0x9470];
	v8 =	vadd.f32 v19, v53  }
0x39c: {  	v12 =	vadd.f32 v12, v13;
	v10 =	vadd.f32 v16, v10;
	v22 =	vld [tilespmem:s11+$0x5C30];
	[tilespmem:s16+$0x20] =	vst v55  }
0x39d: {  	v56 =	vshll.u32 v11, $0x10;
	v11 =	vand.u32 $0xFFFF0000, v11;
	v61 =	vld [tilespmem:s11+$0x10470];
	v9 =	vadd.f32 v51, v48;
	[tilespmem:s16+$0x60] =	vst v8  }
0x39e: {  	v0 =	vadd.f32 v3, v0;
	v58 =	vmul.f32 v56, v7;
	v59 =	vmul.f32 v11, v12;
	v63 =	vld [tilespmem:s15+$0x10420]  }
0x39f: {  	v10 =	vadd.f32 v15, v10;
	v20 =	vadd.f32 v23, v20;
	v7 =	vmul.f32 v11, v7;
	[tilespmem:s23+$0x420] =	vst v9;
	v35 =	vld [tilespmem:s15+$0xCC20]  }
0x3a0: {  	v12 =	vmul.f32 v56, v12;
	v13 =	vadd.f32 v57, v54;
	v3 =	vsub.f32 v58, v59;
	v39 =	vld [tilespmem:s13+$0x2430]  }
0x3a1: {  	v62 =	vadd.f32 v18, v17;
	v41 =	vadd.f32 v29, v24;
	v42 =	vld [tilespmem:s13+$0x5C30]  }
0x3a2: {  	v38 =	vand.u32 $0xFFFF0000, v25;
	v7 =	vadd.f32 v7, v12;
	v13 =	vadd.f32 v60, v13;
	v44 =	vld [tilespmem:s13+$0x9430]  }
0x3a3: {  	v36 =	vadd.f32 v32, v62;
	v37 =	vshll.u32 v25, $0x10;
	v45 =	vadd.f32 v33, v41;
	v47 =	vld [tilespmem:s13+$0x2470]  }
0x3a4: {  	v40 =	vmul.f32 v37, v10;
	v10 =	vmul.f32 v38, v10;
	v50 =	vld [tilespmem:s13+$0x5C70];
	v9 =	vadd.f32 v35, v63  }
0x3a5: {  	v43 =	vmul.f32 v38, v36;
	v11 =	vmul.f32 v37, v36;
	v49 =	vand.u32 $0xFFFF0000, v27;
	v53 =	vld [tilespmem:s13+$0x9470]  }
0x3a6: {  	v46 =	vadd.f32 v31, v20;
	v22 =	vadd.f32 v22, v30;
	v15 =	vmul.f32 v49, v45;
	v54 =	vld [tilespmem:s13+$0x10470];
	[tilespmem:s16+$0x420] =	vst v9  }
0x3a7: {  	v59 =	vshll.u32 v61, $0x10;
	v48 =	vshll.u32 v27, $0x10;
	v12 =	vsub.f32 v40, v43;
	v56 =	vld [tilespmem:s15+$0x2430]  }
0x3a8: {  	v52 =	vmul.f32 v49, v46;
	v51 =	vmul.f32 v48, v45;
	v57 =	vadd.f32 v21, v22;
	v58 =	vld [tilespmem:s15+$0x5C30]  }
0x3a9: {  	v10 =	vadd.f32 v10, v11;
	v19 =	vmul.f32 v48, v46;
	v22 =	vmul.f32 v59, v13;
	v60 =	vld [tilespmem:s15+$0x2470]  }
0x3aa: {  	v8 =	vand.u32 $0xFFFF0000, v61;
	v55 =	vsub.f32 v51, v52;
	v61 =	vmul.f32 v59, v57;
	v62 =	vld [tilespmem:s15+$0x5C70]  }
0x3ab: {  	[tilespmem:s0+$0x430] =	vst v0;
	v15 =	vadd.f32 v15, v19;
	v13 =	vmul.f32 v8, v13;
	v8 =	vmul.f32 v8, v57;
	v63 =	vld [tilespmem:s15+$0x9430]  }
0x3ac: {  	[tilespmem:s22+$0x30] =	vst v3;
	v29 =	vadd.f32 v42, v39;
	v30 =	vadd.f32 v50, v47;
	v31 =	vld [tilespmem:s15+$0x9470]  }
0x3ad: {  	[tilespmem:s22+$0x70] =	vst v7;
	v32 =	vsub.f32 v61, v13;
	v8 =	vadd.f32 v8, v22;
	v33 =	vld [tilespmem:s15+$0x10470]  }
0x3ae: {  	v34 =	vld [tilespmem:s19+$0xCC30];
	[tilespmem:s25+$0x30] =	vst v12;
	v0 =	vadd.f32 v44, v29;
	v35 =	vadd.f32 v53, v30  }
0x3af: {  	v36 =	vld [tilespmem:s21+$0x10430];
	[tilespmem:s25+$0x70] =	vst v10;
	v38 =	vshll.u32 v54, $0x10;
	v37 =	vadd.f32 v58, v56;
	v39 =	vadd.f32 v62, v60  }
0x3b0: {  	v40 =	vld [tilespmem:s21+$0xCC30];
	[tilespmem:s1+$0x30] =	vst v55;
	v9 =	vand.u32 $0xFFFF0000, v54;
	v41 =	vmul.f32 v38, v0;
	v16 =	vmul.f32 v38, v35  }
0x3b1: {  	v43 =	vld [tilespmem:s24+$0xCC30];
	[tilespmem:s1+$0x70] =	vst v15;
	v7 =	vmul.f32 v9, v35;
	v14 =	vadd.f32 v63, v37;
	v17 =	vadd.f32 v31, v39  }
0x3b2: {  	v15 =	vld [tilespmem:s26+$0x10430];
	v0 =	vmul.f32 v9, v0;
	v44 =	vshll.u32 v33, $0x10;
	v13 =	vand.u32 $0xFFFF0000, v33  }
0x3b3: {  	v48 =	vld [tilespmem:s26+$0xCC30];
	[tilespmem:s12+$0x30] =	vst v32;
	v45 =	vsub.f32 v41, v7;
	v46 =	vmul.f32 v44, v14;
	v47 =	vmul.f32 v13, v17  }
0x3b4: {  	[tilespmem:s12+$0x70] =	vst v8;
	v42 =	vld [tilespmem:s24+$0x10430];
	v0 =	vadd.f32 v0, v16;
	v49 =	vmul.f32 v44, v17;
	v50 =	vmul.f32 v13, v14  }
0x3b5: {  	v51 =	vld [tilespmem:s11+$0x10430];
	[tilespmem:s23+$0x30] =	vst v45;
	v7 =	vsub.f32 v46, v47  }
0x3b6: {  	v52 =	vld [tilespmem:s11+$0xCC30];
	[tilespmem:s23+$0x70] =	vst v0;
	v53 =	vadd.f32 v50, v49  }
0x3b7: {  	v1 =	vadd.f32 v2, v1;
	v54 =	vld [tilespmem:s13+$0x10430];
	[tilespmem:s16+$0x30] =	vst v7  }
0x3b8: {  	v4 =	vadd.f32 v5, v4;
	v55 =	vld [tilespmem:s13+$0xCC30];
	[tilespmem:s16+$0x70] =	vst v53  }
0x3b9: {  	[tilespmem:s10+$0x430] =	vst v1;
	v59 =	vadd.f32 v40, v36;
	v57 =	vld [tilespmem:s15+$0x10430]  }
0x3ba: {  	[tilespmem:s18+$0x430] =	vst v4;
	v61 =	vadd.f32 v48, v15;
	v58 =	vld [tilespmem:s15+$0xCC30]  }
0x3bb: {  	[tilespmem:s22+$0x430] =	vst v59;
	v56 =	vadd.f32 v34, v6  }
0x3bc: {  	p0 =	slt.u32 s31, $0x28;
	[tilespmem:s1+$0x430] =	vst v61;
	v60 =	vadd.f32 v43, v42  }
.Ltmp1:
0x3bd: {  	v62 =	vadd.f32 v52, v51;
	[tilespmem:s20+$0x430] =	vst v56;
	(pc) =	sbr.rel @p0 .LBB2_5-.Ltmp1, $4  }
0x3be: {  	[tilespmem:s25+$0x430] =	vst v60;
	v2 =	vadd.f32 v55, v54  }
0x3bf: {  	[tilespmem:s12+$0x430] =	vst v62;
	v63 =	vadd.f32 v58, v57  }
0x3c0: {  	s29 =	sadd.s32 $0xA, s31;
	[tilespmem:s23+$0x430] =	vst v2  }
0x3c1: {  	s31 =	smov.u32 s29;
	[tilespmem:s16+$0x430] =	vst v63  }
0x3c2: {  	s0 =	sadd.s32 s9, s8  }
0x3c3: {  	s0 =	smul.u32 $0x700, s0  }
0x3c4: {  	s1 =	rddreg [dreg:$0x4]  }
0x3c5: {  	s25 =	simm.s32 $0x15800;
	s0 =	sadd.s32 s1, s0  }
0x3c6: {  	[hbm4b:s0+s4] =	stream.linear.scatter [tilespmem:s25], [sflag:$0x6], $0x3800, $0x38;
	[tilespmem:$0x1B000] =	vst v63  }
0x3c7: {  	v0 =	vld [tilespmem:$0x18800];
	_ =	sdelay $0x1  }
0x3c8: {  	s26 =	sshll.u32 s8, $0x8  }
0x3c9: {  	s0 =	sand.u32 $0x300, s26  }
0x3ca: {  	s0 =	sadd.s32 s0, s30  }
0x3cb: {  	[tilespmem:s0+$0x0] =	vst v0  }
0x3cc: {  	v0 =	vld [tilespmem:$0x18810];
	_ =	sdelay $0x4  }
0x3cd: {  	[tilespmem:s0+$0x10] =	vst v0  }
0x3ce: {  	v0 =	vld [tilespmem:$0x18820];
	_ =	sdelay $0x4  }
0x3cf: {  	[tilespmem:s0+$0x20] =	vst v0  }
0x3d0: {  	v0 =	vld [tilespmem:$0x18830];
	_ =	sdelay $0x4  }
0x3d1: {  	[tilespmem:s0+$0x30] =	vst v0  }
0x3d2: {  	v0 =	vld [tilespmem:$0x18840];
	_ =	sdelay $0x4  }
0x3d3: {  	[tilespmem:s0+$0x40] =	vst v0  }
0x3d4: {  	v0 =	vld [tilespmem:$0x18850];
	_ =	sdelay $0x4  }
0x3d5: {  	[tilespmem:s0+$0x50] =	vst v0  }
0x3d6: {  	v0 =	vld [tilespmem:$0x18860];
	_ =	sdelay $0x4  }
0x3d7: {  	[tilespmem:s0+$0x60] =	vst v0  }
0x3d8: {  	v0 =	vld [tilespmem:$0x18870];
	_ =	sdelay $0x4  }
0x3d9: {  	[tilespmem:s0+$0x70] =	vst v0  }
0x3da: {  	v0 =	vld [tilespmem:$0x18C00];
	_ =	sdelay $0x4  }
0x3db: {  	[tilespmem:s0+$0x400] =	vst v0  }
0x3dc: {  	v0 =	vld [tilespmem:$0x18C10];
	_ =	sdelay $0x4  }
0x3dd: {  	[tilespmem:s0+$0x410] =	vst v0  }
0x3de: {  	v0 =	vld [tilespmem:$0x18C20];
	_ =	sdelay $0x4  }
0x3df: {  	[tilespmem:s0+$0x420] =	vst v0  }
0x3e0: {  	v0 =	vld [tilespmem:$0x18C30];
	_ =	sdelay $0x4  }
0x3e1: {  	[tilespmem:s0+$0x430] =	vst v0  }
0x3e2: {  	v0 =	vld [tilespmem:$0x18880];
	_ =	sdelay $0x4  }
0x3e3: {  	[tilespmem:s0+$0x80] =	vst v0  }
0x3e4: {  	v0 =	vld [tilespmem:$0x18890];
	_ =	sdelay $0x4  }
0x3e5: {  	[tilespmem:s0+$0x90] =	vst v0  }
0x3e6: {  	v0 =	vld [tilespmem:$0x188A0];
	_ =	sdelay $0x4  }
0x3e7: {  	[tilespmem:s0+$0xA0] =	vst v0  }
0x3e8: {  	v0 =	vld [tilespmem:$0x188B0];
	_ =	sdelay $0x4  }
0x3e9: {  	[tilespmem:s0+$0xB0] =	vst v0  }
0x3ea: {  	v0 =	vld [tilespmem:$0x188C0];
	_ =	sdelay $0x4  }
0x3eb: {  	[tilespmem:s0+$0xC0] =	vst v0  }
0x3ec: {  	v0 =	vld [tilespmem:$0x188D0];
	_ =	sdelay $0x4  }
0x3ed: {  	[tilespmem:s0+$0xD0] =	vst v0  }
0x3ee: {  	v0 =	vld [tilespmem:$0x188E0];
	_ =	sdelay $0x4  }
0x3ef: {  	[tilespmem:s0+$0xE0] =	vst v0  }
0x3f0: {  	v0 =	vld [tilespmem:$0x188F0];
	_ =	sdelay $0x4  }
0x3f1: {  	[tilespmem:s0+$0xF0] =	vst v0  }
0x3f2: {  	v0 =	vld [tilespmem:$0x18C80];
	_ =	sdelay $0x4  }
0x3f3: {  	[tilespmem:s0+$0x480] =	vst v0  }
0x3f4: {  	v0 =	vld [tilespmem:$0x18C90];
	_ =	sdelay $0x4  }
0x3f5: {  	[tilespmem:s0+$0x490] =	vst v0  }
0x3f6: {  	v0 =	vld [tilespmem:$0x18CA0];
	_ =	sdelay $0x4  }
0x3f7: {  	[tilespmem:s0+$0x4A0] =	vst v0  }
0x3f8: {  	v0 =	vld [tilespmem:$0x18CB0];
	_ =	sdelay $0x1  }
0x3f9: {  	s31 =	sand.u32 $0xF, s8  }
0x3fa: {  	p0 =	sne.s32 s31, $0xF  }
0x3fb: {  	s8 =	simm.s32 @!p0 $0x19000;
	s1 =	sshll.u32 @!p0 s14, $0x7  }
0x3fc: {  	s14 =	sadd.s32 $0x1, s14;
	s1 =	sand.u32 @!p0 $0x1C00, s1;
	[tilespmem:s0+$0x4B0] =	vst v0;
	s0 =	rddreg [dreg:$0x9]  }
0x3fd: {  	p1 =	sne.s32 s14, $0x40;
	s0 =	sadd.s32 @!p0 s1, s0;
	s1 =	simm.s32 @!p0 $0x0  }
0x3fe: {  	[hbm4b:s0+s1] =	stream.linear.scatter @!p0 [tilespmem:s8], [sflag:$0x7], $0x2000, $0x38;
	[tilespmem:$0x1B000] =	vst v63  }
.Ltmp2:
0x3ff: {  	_ = 	snop;
	(pc) =	sbr.rel @p1 .LBB2_2-.Ltmp2, $4  }
0x400: {  	s0 =	simm.s32 @!p0 $0x7  }
0x401: {  	_ =	swait.ge @!p0 [sflag:s0], $0x2000  }
0x402: {  	[sflag:s0] =	ssyncset.done @!p0 $0x0  }
0x403: {  	s29 =	smov.u32 s7;
	[sflag:s0] =	ssyncadd.s32 @!p0 $0xFFFFE000  }
0x404: {  	_ =	swait.ge [sflag:s28], $0x1C00  }
0x405: {  	[sflag:s28] =	ssyncset.done $0x0  }
0x406: {  	[sflag:s28] =	ssyncadd.s32 $0xFFFFE400  }
0x407: {  	_ =	swait.ge [sflag:s28], $0x1C00  }
0x408: {  	[sflag:s28] =	ssyncset.done $0x0  }
0x409: {  	[sflag:s28] =	ssyncadd.s32 $0xFFFFE400  }
0x40a: {  	_ =	swait.ge [sflag:s28], $0x1C00  }
0x40b: {  	[sflag:s28] =	ssyncset.done $0x0  }
0x40c: {  	[sflag:s28] =	ssyncadd.s32 $0xFFFFE400  }
0x40d: {  	_ =	swait.ge [sflag:s28], $0x1C00  }
0x40e: {  	[sflag:s28] =	ssyncset.done $0x0  }
0x40f: {  	[sflag:s28] =	ssyncadd.s32 $0xFFFFE400  }
0x410: {  	_ =	swait.ge [sflag:s28], $0x1C00  }
0x411: {  	[sflag:s28] =	ssyncset.done $0x0  }
0x412: {  	s0 =	simm.s32 $0x2;
	[sflag:s28] =	ssyncadd.s32 $0xFFFFE400  }
0x413: {  	_ =	swait.ge [sflag:s0], $0x280  }
0x414: {  	[sflag:s0] =	ssyncset.done $0x0  }
0x415: {  	s30 =	simm.s32 $0x5;
	[sflag:s0] =	ssyncadd.s32 $0xFFFFFD80  }
0x416: {  	_ =	swait.ge [sflag:s30], $0x3800  }
0x417: {  	[sflag:s30] =	ssyncset.done $0x0  }
0x418: {  	s1 =	simm.s32 $0x6;
	[sflag:s30] =	ssyncadd.s32 $0xFFFFC800  }
0x419: {  	_ =	swait.ge [sflag:s1], $0x3800  }
0x41a: {  	s7 =	rddreg [dreg:$0xb]  }
0x41b: {  	s31 =	rddreg [dreg:$0xa];
	s7 =	sadd.s32 $0x1, s7  }
0x41c: {  	p0 =	sne.s32 s7, s31  }
.Ltmp3:
0x41d: {  	_ = 	snop;
	(pc) =	sbr.rel @p0 .LBB2_1-.Ltmp3, $3  }
0x41e: {  	_ =	sdelay $0x1  }
0x41f: {  	[sflag:s1] =	ssyncset.done $0x0  }
0x420: {  	[sflag:s1] =	ssyncadd.s32 $0xFFFFC800  }
0x421: {  	_ =	sfence.sel $0x180000  }
0x422: {  	[bflag:$0x0] =	sbarrier.arrive $0xFFFF  }
0x423: {  	_ =	strace $0x90000047  }
0x424: {  	s0 =	stileid.u32;
	[bflag:$0x2] =	sbarrier.arrive $0xFFFF  }
0x425: {  	p0 =	sne.s32 s0, $0x0;
	s0 =	rddreg [dreg:$0x3]  }
0x426: {  	s0 =	sadd.s32 @!p0 $0x100000, s0  }
0x427: {  	[sflag:s0] =	ssyncadd.tile.s32 @!p0 $0x1;
	_ =	shalt  }
.Lfunc_end2:
_tile_overlayer_lowered:
.L_overlay_start_2:
0x428: {  	(tag) =	ssettag $0x2  }
0x429: {  	s0 =	rddreg [dreg:$0x0];
	s2 =	stileid.u32  }
0x42a: {  	s1 =	rddreg [dreg:$0x1];
	p0 =	sne.s32 s2, $0x0  }
0x42b: {  	s3 =	rddreg [dreg:$0x2];
	[bflag:$0x3] =	sbarrier.arrive $0xFFFF;
	s2 =	simm.s32 @!p0 $0x1C07  }
0x42c: {  	[timem:s3], [sflag:s2] =	dma.local @!p0 [hbm:s0], s1  }
0x42d: {  	s0 =	simm.s32 @!p0 $0x7  }
0x42e: {  	_ =	swait.ge @!p0 [sflag:s0], s1  }
0x42f: {  	s1 =	ssub.s32 @!p0 $0x0, s1;
	[sflag:s0] =	ssyncset.done @!p0 $0x0  }
0x430: {  	[sflag:s0] =	ssyncadd.s32 @!p0 s1  }
0x431: {  	[bflag:$0x3] =	sbarrier.arrive $0xFFFF  }
0x432: {  	_ =	shalt  }

// kernel: sparse-core-data-format-call.cloned.1.call-start
scs
called_computation_lowered:
.L_overlay_start_0:
0x0: {  	s2 =	sld [smem:$0x3FD9]  }
0x1: {  	s3 =	sld [smem:$0x3FFE];
	_ =	sdelay $0x1  }
0x2: {  	s1 =	srdreg.scid  }
0x3: {  	s0 =	sand.u32 $0x1, s1  }
0x4: {  	s18 =	sshll.u32 s0, $0xA;
	s2 =	sadd.s32 s3, s2  }
0x5: {  	s2 =	sadd.s32 s2, s18  }
0x6: {  	[smem:$0x3FC4] =	sst s2  }
0x7: {  	_ = 	snop  }
0x8: {  	s2 =	sld [smem:$0x3FD0];
	(tm) =	ssettm $0x1  }
0x9: {  	s19 =	sld [smem:$0x3FFB];
	_ =	sdelay $0x3  }
0xa: {  	_ =	strace s19  }
0xb: {  	s3 =	sld [smem:$0x3FFC];
	_ =	sdelay $0x3  }
0xc: {  	_ =	strace s3  }
0xd: {  	s3 =	sld [smem:$0x3FFD];
	_ =	sdelay $0x3  }
0xe: {  	_ =	strace s3  }
0xf: {  	_ =	strace $0x8FFFFFFF  }
0x10: {  	s20 =	sld [smem:$0x3FDB];
	_ =	sdelay $0x1  }
0x11: {  	s4 =	simm.s32 $_scs_section_size  }
0x12: {  	s5 =	simm.s32 $_size__tile_overlayer_lowered;
	s6 =	simm.s32 $_tile_overlayer_lowered  }
0x13: {  	s23 =	simm.s32 $0x1BFF;
	s22 =	sshll.u32 s6, $0x1;
	s3 =	sadd.s32 s4, s20  }
0x14: {  	s7 =	simm.s32 $0x0;
	s21 =	sshll.u32 s5, $0x1;
	s5 =	sadd.s32 s22, s3  }
0x15: {  	[timem:s7], [sflag:s23] =	dma.local [hbm:s5], s21  }
0x16: {  	_ =	swait.ge [sflag:s23], s21  }
0x17: {  	s4 =	ssub.s32 $0x0, s21;
	[sflag:s23] =	ssyncset.done $0x0  }
0x18: {  	[sflag:s23] =	ssyncadd.s32 s4;
	_ =	sdelay $0x1  }
0x19: {  	s24 =	simm.s32 $0x1B8B  }
0x1a: {  	_ =	swait.ge [sflag:s24], $0x1  }
0x1b: {  	[sflag:s24] =	ssyncset.done $0x0  }
0x1c: {  	s26 =	simm.s32 $0x1B8E;
	s25 =	sld [smem:$0x3FFE];
	[sflag:s24] =	ssyncadd.s32 $0xFFFFFFFF  }
0x1d: {  	s27 =	simm.s32 $execute0_lowered;
	[smem:$0x3FD2] =	sst s26  }
0x1e: {  	s5 =	sshll.u32 s27, $0x1;
	_ =	strace $0x80000049;
	[dreg:$0x1] =	wrdreg $0xFFFFFFFF  }
0x1f: {  	s28 =	simm.s32 $_size_execute0_lowered;
	s3 =	sadd.s32 s3, s5;
	[dreg:$0x0] =	wrdreg $0x0  }
0x20: {  	s5 =	sshll.u32 s28, $0x1;
	[dreg:$0x2] =	wrdreg s3  }
0x21: {  	[dreg:$0x3] =	wrdreg s5  }
0x22: {  	[dreg:$0x4] =	wrdreg $0xC0  }
0x23: {  	_ =	task [dreg:s7], $0x5FFFF  }
0x24: {  	[dreg:$0x1] =	wrdreg $0xFFFFFFFF  }
0x25: {  	[dreg:$0x0] =	wrdreg $0x60  }
0x26: {  	[dreg:$0x2] =	wrdreg s25  }
0x27: {  	[dreg:$0x3] =	wrdreg s2  }
0x28: {  	[dreg:$0x4] =	wrdreg $0x9  }
0x29: {  	_ =	task.clear_ibuf [dreg:s7], $0x5FFFF;
	_ =	strace $0x90000049  }
0x2a: {  	s29 =	simm.s32 $0x9;
	_ =	strace $0x8000004B  }
0x2b: {  	_ =	swait.ge [sflag:s29], $0x1  }
0x2c: {  	[sflag:s29] =	ssyncadd.s32 $0xFFFFFFFF  }
0x2d: {  	_ =	strace $0x9000004B  }
0x2e: {  	_ =	sfence  }
0x2f: {  	s30 =	sld [smem:$0x0];
	_ =	sdelay $0x2  }
0x30: {  	s31 =	sshll.u32 s1, $0xD;
	s1 =	sshrl.u32 s1, $0x2  }
0x31: {  	s3 =	sand.u32 $0x4000, s31;
	s1 =	sadd.s32 s1, s30  }
0x32: {  	s0 =	sor.u32 s3, s0;
	s1 =	sshll.u32 s1, $0x11  }
0x33: {  	s0 =	sor.u32 s1, s0  }
0x34: {  	s0 =	sadd.s32 $0x8F2B, s0  }
0x35: {  	[sflag:s0] =	ssyncadd.remote.s32 $0x1  }
0x36: {  	_ =	sfence.sel $0xFFFF  }
0x37: {  	[dreg:$0x0] =	wrdreg $0xFFFFFFFF;
	(pc) =	sbr.abs _section_cstart, $3  }
0x38: {  	[dreg:$0x1] =	wrdreg $0xFFFFFFFF  }
0x39: {  	_ =	task.clear_ibuf [dreg:s7], $0x2FFFF;
	_ =	strace $0x9FFFFFFF  }
0x3a: {  	(tm) =	ssettm $0x7FFFFFFF  }
0x3b: {  	_ =	shalt  }
tec
execute0_lowered:
.L_overlay_start_1:
0x0: {  	(tag) =	ssettag $0x1  }
0x1: {  	s0 =	srdreg.scid;
	s6 =	rddreg [dreg:$0x0]  }
0x2: {  	s3 =	rddreg [dreg:$0x1];
	s1 =	sshll.u32 s0, $0x4  }
0x3: {  	s5 =	simm.s32 $0x1;
	s0 =	stileid.u32;
	s1 =	sand.u32 $0x10, s1  }
0x4: {  	s31 =	simm.s32 $0x2;
	s16 =	simm.s32 $0x0;
	s1 =	sor.u32 s0, s1  }
0x5: {  	s8 =	simm.s32 $0x8000;
	s18 =	simm.s32 $0x0;
	s2 =	sshll.u32 s1, $0x7  }
0x6: {  	s17 =	simm.s32 $0x0;
	s9 =	simm.s32 $0x0;
	s4 =	ssub.s32 $0x1000, s2  }
0x7: {  	s10 =	simm.s32 $0x0;
	s11 =	simm.s32 $0x0;
	s30 =	sand.u32 $0xF80, s4  }
0x8: {  	s12 =	simm.s32 $0x0;
	s13 =	simm.s32 $0x0;
	p0 =	sne.s32 s30, $0x0  }
.Ltmp0:
0x9: {  	s7 =	sshrl.u32 s4, $0xC;
	s5 =	simm.s32 @!p0 $0x0;
	(pc) =	sbr.rel .LBB1_1-.Ltmp0, $4  }
0xa: {  	s15 =	simm.s32 $0x0;
	s1 =	rddreg [dreg:$0x2];
	s5 =	sadd.s32 s5, s7  }
0xb: {  	_ =	strace $0x8000004A;
	s4 =	simm.s32 $0x1;
	s5 =	smul.u32 $0x64, s5  }
0xc: {  	s6 =	sadd.s32 $0x49400, s6;
	s14 =	smov.u32 s2;
	[sflag:s4] =	ssyncpa.u1 $0x0  }
0xd: {  	[sflag:s31] =	ssyncpa.u1 $0x0;
	p0 =	por $0x0, $0x0;
	s7 =	sor.u32 $0x1, s5  }
.LBB1_4:
0xe: {  	s23 =	sshra.s32 s23, $0x2;
	s30 =	sshll.u32 s9, $0xC  }
0xf: {  	p1 =	sgt.s32 s10, $0x31;
	s24 =	smov.u32 s10;
	s25 =	sshra.s32 s10, $0x1F  }
0x10: {  	s26 =	sshll.u32 s11, $0x3;
	s28 =	smov.u32 s11;
	s29 =	sshra.s32 s11, $0x1F  }
0x11: {  	s22 =	sadd.s32 s23, s22;
	s24 =	simm.s32 @!p1 $0x31;
	s25 =	sand.u32 s25, s10  }
0x12: {  	s23 =	sand.u32 $0xFFFF8000, s30;
	s27 =	sand.u32 $0xFFFFFC00, s26;
	p1 =	sgt.s32 s9, $0x40  }
0x13: {  	s31 =	sand.u32 s29, s11;
	s29 =	sshll.u32 s9, $0x7;
	s30 =	sshra.s32 s9, $0x1F  }
0x14: {  	[tilespmem:s21+$0x2040 ss:$0x81] =	vst.msk $0xffff, v4;
	s24 =	ssub.s32 s24, s25;
	s23 =	sadd.s32 s27, s23;
	s27 =	smov.u32 s9  }
0x15: {  	[tilespmem:s21+$0x2850 ss:$0x81] =	vst.msk $0xffff, v3;
	s29 =	sand.u32 $0x380, s29;
	s25 =	sadd.s32 $0xFFFFFFCF, s24;
	s27 =	simm.s32 @!p1 $0x40  }
0x16: {  	v5 =	vld [tilespmem:s20+$0xFFFFFFD0];
	[tilespmem:s21+$0x3060 ss:$0x81] =	vst.msk $0xffff, v2;
	p1 =	sgt.s32 s11, $0xF80;
	s23 =	sshrl.u32 s23, $0xC;
	s24 =	ssub.s32 $0x32, s24  }
0x17: {  	v58 =	vld [tilespmem:s20+$0xFFFFFFE0];
	[tilespmem:s21+$0x0 ss:$0x81] =	vst.msk $0xffff, v1;
	s28 =	simm.s32 @!p1 $0xF80;
	p1 =	sgt.s32 s25, $0x0;
	s21 =	smulhi.u32 $0x1555556, s23  }
0x18: {  	v59 =	vld [tilespmem:s20+$0xFFFFFFF0];
	s25 =	ssub.s32 s28, s31;
	s28 =	sand.u32 s30, s9;
	s24 =	simm.s32 @p1 $0x0  }
0x19: {  	v60 =	vld [tilespmem:s20+$0x0];
	s27 =	ssub.s32 s27, s28;
	s31 =	sadd.s32 $0xFFFFF080, s25;
	s25 =	ssub.s32 $0x1000, s25  }
0x1a: {  	v61 =	vld [tilespmem:s20+$0x10];
	[tilespmem:s22+$0x3870 ss:$0x81] =	vst.msk $0xffff, v0;
	s21 =	smul.u32 $0xC0, s21;
	s28 =	sand.u32 $0x7, s11;
	p1 =	sgt.s32 s31, $0x7F  }
0x1b: {  	v62 =	vld [tilespmem:s20+$0x20];
	[tilespmem:s22+$0x810 ss:$0x81] =	vst.msk $0xffff, v5;
	s30 =	sadd.s32 $0xFFFFFFC0, s27;
	s31 =	sand.u32 $0x78, s11;
	s25 =	simm.s32 @p1 $0x0  }
0x1c: {  	v63 =	vld [tilespmem:s20+$0xFFFFFFC0];
	[tilespmem:s22+$0x1020 ss:$0x81] =	vst.msk $0xffff, v58;
	p1 =	sgt.s32 s30, $0x7F;
	s30 =	sand.u32 $0xC00, s26;
	s24 =	smul.u32 s25, s24  }
0x1d: {  	[tilespmem:s22+$0x1830 ss:$0x81] =	vst.msk $0xffff, v59;
	s26 =	ssub.s32 $0xC0, s27;
	s20 =	sor.u32 s31, s30;
	s31 =	smul.u32 $0x18000, s10  }
0x1e: {  	[tilespmem:s22+$0x2040 ss:$0x81] =	vst.msk $0xffff, v60;
	s21 =	ssub.s32 s23, s21;
	s26 =	simm.s32 @p1 $0x0;
	s20 =	sor.u32 s29, s20  }
0x1f: {  	[tilespmem:s22+$0x2850 ss:$0x81] =	vst.msk $0xffff, v61;
	s26 =	smul.u32 s26, s24;
	s20 =	sshrl.u32 s20, $0x3;
	s27 =	sadd.s32 s3, s31  }
0x20: {  	[tilespmem:s22+$0x3060 ss:$0x81] =	vst.msk $0xffff, v62;
	s21 =	sshll.u32 s21, $0x9;
	s29 =	sshll.u32 s28, $0x12;
	s20 =	sadd.s32 s20, s27  }
0x21: {  	[tilespmem:s22+$0x0 ss:$0x81] =	vst.msk $0xffff, v63;
	s31 =	sor.u32 $0x400, s29;
	s30 =	sand.u32 $0x3FFFFFFF, s26;
	s20 =	sadd.s32 s21, s20  }
0x22: {  	[hbm4b:s20+s31] =	stream.strided.scatter [tilespmem:s19], [sflag:$0x2], s30, s8, s31, $0x20;
	[tilespmem:$0x10100] =	vst v63  }
.LBB1_5:
0x23: {  	p1 =	slt.u32 s15, $0x2  }
0x24: {  	p2 =	sgt.s32 @!p1 s18, $0x31  }
0x25: {  	s19 =	smov.u32 s18;
	s20 =	sshra.s32 @!p1 s18, $0x1F;
	p2 =	por !p2, p1  }
0x26: {  	s18 =	sand.u32 @!p1 s20, s18;
	s19 =	simm.s32 @p2 $0x31  }
0x27: {  	p3 =	sgt.s32 @!p1 s16, $0x40;
	s18 =	ssub.s32 @!p1 s19, s18  }
0x28: {  	p4 =	sgt.s32 @!p1 s17, $0xF80;
	s21 =	sshra.s32 @!p1 s17, $0x1F;
	s19 =	sadd.s32 @!p1 $0xFFFFFFCF, s18  }
0x29: {  	s20 =	smov.u32 s16;
	p2 =	sgt.s32 @!p1 s19, $0x0;
	s19 =	sshra.s32 @!p1 s16, $0x1F  }
0x2a: {  	p4 =	por !p4, p1;
	s16 =	sand.u32 @!p1 s19, s16;
	s19 =	smov.u32 s17  }
0x2b: {  	p3 =	por !p3, p1;
	s17 =	sand.u32 @!p1 s21, s17;
	s19 =	simm.s32 @p4 $0xF80  }
0x2c: {  	s20 =	simm.s32 @p3 $0x40;
	s18 =	ssub.s32 @!p1 $0x32, s18;
	s17 =	ssub.s32 @!p1 s19, s17  }
0x2d: {  	p2 =	por !p2, p1;
	s16 =	ssub.s32 @!p1 s20, s16;
	s20 =	sadd.s32 @!p1 $0xFFFFF080, s17  }
0x2e: {  	s18 =	simm.s32 @!p2 $0x0;
	p3 =	sgt.s32 @!p1 s20, $0x7F  }
0x2f: {  	s19 =	sadd.s32 @!p1 $0xFFFFFFC0, s16;
	s17 =	ssub.s32 @!p1 $0x1000, s17;
	p3 =	por !p3, p1  }
0x30: {  	p2 =	sgt.s32 @!p1 s19, $0x7F;
	s19 =	sadd.s32 $0x80, s12;
	s17 =	simm.s32 @!p3 $0x0  }
0x31: {  	p3 =	sgt.s32 s19, $0xBF;
	s17 =	smul.u32 @!p1 s17, s18;
	s18 =	simm.s32 $0x1  }
0x32: {  	s16 =	ssub.s32 @!p1 $0xC0, s16;
	p2 =	por !p2, p1;
	s18 =	simm.s32 @!p3 $0x0  }
0x33: {  	s21 =	smov.u32 s14;
	s16 =	simm.s32 @!p2 $0x0;
	s20 =	sadd.s32 s18, s13  }
0x34: {  	s16 =	smul.u32 @!p1 s16, s17;
	s17 =	sadd.s32 $0x1000, s14;
	p2 =	sgt.s32 s20, $0x31  }
0x35: {  	p0 =	por !p0, !p0;
	s22 =	simm.s32 @!p1 $0x2;
	s21 =	smov.u32 @p2 s17  }
0x36: {  	s19 =	simm.s32 @p3 $0x0;
	s20 =	simm.s32 @p2 $0x0;
	p2 =	sgt.s32 s21, $0xFFF  }
0x37: {  	s18 =	smov.u32 s10;
	s21 =	smov.u32 @p2 s2;
	p2 =	sne.s32 s15, s7  }
.Ltmp1:
0x38: {  	s10 =	smov.u32 s13;
	s16 =	sand.u32 @!p1 $0x3FFFFFFF, s16;
	(pc) =	sbr.rel @!p2 .LBB1_6-.Ltmp1, $4  }
0x39: {  	s17 =	smov.u32 s11;
	s11 =	smov.u32 s14;
	_ =	swait.ge @!p1 [sflag:s22], s16  }
0x3a: {  	s23 =	ssub.s32 @!p1 $0x0, s16;
	s16 =	smov.u32 s9;
	s9 =	smov.u32 s12  }
0x3b: {  	s12 =	smov.u32 s19;
	s13 =	smov.u32 s20;
	[sflag:s22] =	ssyncset.done @!p1 $0x0  }
0x3c: {  	s15 =	sadd.s32 $0x1, s15;
	[sflag:s22] =	ssyncadd.s32 @!p1 s23;
	s14 =	smov.u32 s21  }
.LBB1_1:
0x3d: {  	p1 =	sge.u32 s15, s5  }
0x3e: {  	s19 =	sshll.u32 @!p1 s13, $0x8;
	s20 =	sshll.u32 @!p1 s12, $0x3  }
0x3f: {  	s21 =	sshll.u32 @!p1 s13, $0x7;
	s19 =	sand.u32 @!p1 $0xFFFFF800, s19;
	s20 =	sand.u32 @!p1 $0xFFFFFC00, s20  }
0x40: {  	s19 =	sadd.s32 @!p1 s19, s20;
	s20 =	sand.u32 @!p1 $0x300, s21  }
0x41: {  	s19 =	sor.u32 @!p1 s20, s19  }
0x42: {  	s19 =	sshrl.u32 @!p1 s19, $0x8  }
0x43: {  	s31 =	sadd.s32 $0xFFFFFFFF, s15;
	s20 =	smulhi.u32 @!p1 $0x4924925, s19  }
0x44: {  	s22 =	sxor.u32 @!p1 $0xFFFFFFFF, s15;
	s23 =	sand.u32 @!p1 $0x78, s12;
	s24 =	smul.u32 @!p1 $0x700, s14  }
0x45: {  	s22 =	sshll.u32 @!p1 s22, $0xE;
	s21 =	sand.u32 @!p1 $0x80, s21;
	s20 =	smul.u32 @!p1 $0x38, s20  }
0x46: {  	s22 =	sand.u32 @!p1 $0x4000, s22;
	s21 =	sor.u32 @!p1 s23, s21;
	s23 =	sand.u32 @!p1 $0x7, s12  }
0x47: {  	s19 =	ssub.s32 @!p1 s19, s20;
	s20 =	sshrl.u32 @!p1 s21, $0x3;
	s21 =	sadd.s32 @!p1 s6, s24  }
0x48: {  	s19 =	sshll.u32 @!p1 s19, $0x5;
	s20 =	sadd.s32 @!p1 s20, s21;
	s21 =	sshll.u32 @!p1 s23, $0x12  }
0x49: {  	s19 =	sadd.s32 @!p1 s19, s20;
	s20 =	sor.u32 @!p1 $0x80, s21;
	s21 =	simm.s32 @!p1 $0x3800  }
0x4a: {  	[tilespmem:s22], [sflag:$0x1] =	stream.strided.gather @!p1 [hbm4b:s19+s20], $0x4000, s21, s20, $0x38;
	[tilespmem:$0x10100] =	vst v63  }
0x4b: {  	p1 =	sge.u32 s31, s5  }
.Ltmp2:
0x4c: {  	_ = 	snop;
	(pc) =	sbr.rel @p1 .LBB1_5-.Ltmp2, $1  }
0x4d: {  	_ =	sdelay $0x3  }
0x4e: {  	s19 =	simm.s32 $0x1  }
0x4f: {  	_ =	swait.ge [sflag:s4], $0x4000;
	s19 =	simm.s32 @!p0 $0x0  }
0x50: {  	[sflag:s4] =	ssyncset.done $0x0;
	s20 =	sshll.u32 s19, $0xE  }
0x51: {  	[sflag:s4] =	ssyncadd.s32 $0xFFFFC000;
	s20 =	sor.u32 $0x40, s20  }
0x52: {  	s19 =	smul.u32 $0x10200, s19;
	v0 =	vld [tilespmem:s20+$0x30]  }
0x53: {  	v1 =	vld [tilespmem:s20+$0xFFFFFFD0]  }
0x54: {  	s19 =	sshrl.u32 s19, $0x2;
	v5 =	vld [tilespmem:s20+$0xFFFFFFE0]  }
0x55: {  	v6 =	vld [tilespmem:s20+$0xFFFFFFF0];
	s22 =	sor.u32 $0x8000, s19  }
0x56: {  	s31 =	sand.u32 $0x1, s15;
	v4 =	vld [tilespmem:s20+$0x0];
	s21 =	sadd.s32 $0x0, s22  }
0x57: {  	v3 =	vld [tilespmem:s20+$0x10];
	s19 =	smul.u32 $0x10200, s31;
	[tilespmem:s21+$0x3870 ss:$0x81] =	vst.msk $0xffff, v0  }
0x58: {  	v2 =	vld [tilespmem:s20+$0x20];
	[tilespmem:s21+$0x810 ss:$0x81] =	vst.msk $0xffff, v1  }
0x59: {  	s19 =	sshrl.u32 s19, $0x2;
	v1 =	vld [tilespmem:s20+$0xFFFFFFC0];
	[tilespmem:s21+$0x1020 ss:$0x81] =	vst.msk $0xffff, v5;
	s20 =	sadd.s32 $0x80, s20  }
0x5a: {  	s23 =	simm.s32 $0x4;
	s24 =	simm.s32 $0x8;
	s19 =	sor.u32 $0x8000, s19;
	[tilespmem:s21+$0x1830 ss:$0x81] =	vst.msk $0xffff, v6;
	v0 =	vld [tilespmem:s20+$0x30]  }
.LBB1_3:
0x5b: {  	p1 =	sne.s32 s24, $0x1FC;
	v5 =	vld [tilespmem:s20+$0xFFFFFFD0];
	[tilespmem:s21+$0x2040 ss:$0x81] =	vst.msk $0xffff, v4  }
0x5c: {  	v6 =	vld [tilespmem:s20+$0xFFFFFFE0];
	[tilespmem:s21+$0x2850 ss:$0x81] =	vst.msk $0xffff, v3  }
0x5d: {  	s25 =	sshra.s32 s23, $0x2;
	s23 =	smov.u32 s24;
	v7 =	vld [tilespmem:s20+$0xFFFFFFF0];
	[tilespmem:s21+$0x3060 ss:$0x81] =	vst.msk $0xffff, v2  }
.Ltmp3:
0x5e: {  	v4 =	vld [tilespmem:s20+$0x0];
	[tilespmem:s21+$0x0 ss:$0x81] =	vst.msk $0xffff, v1;
	s21 =	sadd.s32 s25, s22;
	(pc) =	sbr.rel @p1 .LBB1_3-.Ltmp3, $4  }
0x5f: {  	v3 =	vld [tilespmem:s20+$0x10];
	[tilespmem:s21+$0x3870 ss:$0x81] =	vst.msk $0xffff, v0  }
0x60: {  	[tilespmem:s21+$0x810 ss:$0x81] =	vst.msk $0xffff, v5;
	v2 =	vld [tilespmem:s20+$0x20]  }
0x61: {  	v1 =	vld [tilespmem:s20+$0xFFFFFFC0];
	[tilespmem:s21+$0x1020 ss:$0x81] =	vst.msk $0xffff, v6;
	s20 =	sadd.s32 $0x80, s20  }
0x62: {  	s24 =	sadd.s32 $0x4, s24;
	v0 =	vld [tilespmem:s20+$0x30];
	[tilespmem:s21+$0x1830 ss:$0x81] =	vst.msk $0xffff, v7  }
.Ltmp4:
0x63: {  	_ = 	snop;
	(pc) =	sbr.rel .LBB1_4-.Ltmp4, $1  }
0x64: {  	_ =	sdelay $0x3  }
.LBB1_6:
0x65: {  	_ =	sfence.sel $0x180000  }
0x66: {  	s2 =	simm.s32 $0x1;
	[bflag:$0x0] =	sbarrier.arrive $0xFFFF  }
0x67: {  	s31 =	simm.s32 $0x2;
	[sflag:s2] =	ssyncpa.u1 $0x1  }
0x68: {  	[sflag:s31] =	ssyncpa.u1 $0x1  }
0x69: {  	p0 =	sne.s32 s0, $0x0;
	_ =	strace $0x9000004A  }
0x6a: {  	s0 =	sadd.s32 @!p0 $0x100000, s1;
	[bflag:$0x2] =	sbarrier.arrive $0xFFFF  }
0x6b: {  	[sflag:s0] =	ssyncadd.tile.s32 @!p0 $0x1;
	_ =	shalt  }
.Lfunc_end1:
_tile_overlayer_lowered:
.L_overlay_start_2:
0x6c: {  	(tag) =	ssettag $0x2  }
0x6d: {  	s0 =	rddreg [dreg:$0x0];
	s2 =	stileid.u32  }
0x6e: {  	s1 =	rddreg [dreg:$0x1];
	p0 =	sne.s32 s2, $0x0  }
0x6f: {  	s3 =	rddreg [dreg:$0x2];
	[bflag:$0x3] =	sbarrier.arrive $0xFFFF;
	s2 =	simm.s32 @!p0 $0x1C01  }
0x70: {  	[timem:s3], [sflag:s2] =	dma.local @!p0 [hbm:s0], s1  }
0x71: {  	s0 =	simm.s32 @!p0 $0x1  }
0x72: {  	_ =	swait.ge @!p0 [sflag:s0], s1  }
0x73: {  	s1 =	ssub.s32 @!p0 $0x0, s1;
	[sflag:s0] =	ssyncset.done @!p0 $0x0  }
0x74: {  	[sflag:s0] =	ssyncadd.s32 @!p0 s1  }
0x75: {  	[bflag:$0x3] =	sbarrier.arrive $0xFFFF  }
0x76: {  	_ =	shalt  }

</sc_bundles>
